<compile_context>
chip_gen: v7x
topology: tpu7x:2x2x1
jax: 0.10.2.dev20260603
libtpu: 0.0.44.dev20260713+nightly
codegen_flags: <defaults>
</compile_context>

<pallas_src>
import functools

import jax
import jax.numpy as jnp
from jax import lax
from jax.experimental import pallas as pl
from jax.experimental.pallas import tpu as pltpu
from jax.experimental.pallas import tpu_sc as plsc

N = 10000
E = 320000
D_IN = 128
D_HID = 256
R_PAD = 10112
JUNK = N
NS = 16
ROWS_PER_SUB = R_PAD // NS

DEG_CHUNKS = 80
E_DEG = 32 * DEG_CHUNKS * 128

G1_SC0 = 5
G1_SC1 = 5

_mesh = lambda: plsc.VectorSubcoreMesh(core_axis_name="c", subcore_axis_name="s")


def _sc_degree(cold, zeros128, ones128):

    @functools.partial(
        pl.kernel,
        out_type=jax.ShapeDtypeStruct((2, R_PAD, 128), jnp.float32),
        mesh=_mesh(),
        scratch_types=[
            pltpu.VMEM((DEG_CHUNKS, 128), jnp.int32),
            pltpu.VMEM((128, 128), jnp.float32),
            pltpu.VMEM_SHARED((R_PAD, 128), jnp.float32),
            pltpu.SemaphoreType.DMA,
        ],
    )
    def deg_kernel(col_hbm, z_hbm, ones_hbm, out, cidx, ones_v, acc, dsem):
        cid = lax.axis_index("c")
        sid = lax.axis_index("s")
        w = cid * NS + sid
        pltpu.sync_copy(col_hbm.at[w], cidx)
        pltpu.sync_copy(ones_hbm, ones_v)
        sl = pl.ds(sid * ROWS_PER_SUB, ROWS_PER_SUB)
        pltpu.sync_copy(z_hbm, acc.at[sl])
        plsc.subcore_barrier()

        def wave(t, carry):
            for k in range(8):
                pltpu.async_copy(ones_v, acc.at[cidx.at[t * 8 + k]], dsem,
                                 add=True)
            for k in range(8):
                pltpu.make_async_copy(
                    ones_v, acc.at[cidx.at[t * 8 + k]], dsem).wait()
            return carry

        lax.fori_loop(0, DEG_CHUNKS // 8, wave, 0)
        plsc.subcore_barrier()
        pltpu.sync_copy(acc.at[sl], out.at[cid].at[sl])

    return deg_kernel(cold, zeros128, ones128)


_SPLIT = 4


def _issue_gather(t_hbm, ridx, j, gbuf, sem):
    step = 128 // _SPLIT
    for p in range(_SPLIT):
        pltpu.async_copy(
            t_hbm.at[ridx.at[j].at[pl.ds(p * step, step)]],
            gbuf.at[pl.ds(p * step, step)], sem)


def _wait_gather(t_hbm, ridx, j, gbuf, sem):
    step = 128 // _SPLIT
    for p in range(_SPLIT):
        pltpu.make_async_copy(
            t_hbm.at[ridx.at[j].at[pl.ds(p * step, step)]],
            gbuf.at[pl.ds(p * step, step)], sem).wait()


def _sc_aggregate(row2d, col2d, table, zeros128, g0, g1):

    @functools.partial(
        pl.kernel,
        out_type=jax.ShapeDtypeStruct((2, R_PAD, 128), jnp.float32),
        mesh=_mesh(),
        scratch_types=[
            pltpu.VMEM((16, 128), jnp.int32),
            pltpu.VMEM((16, 128), jnp.int32),
            pltpu.VMEM((128, 128), jnp.float32),
            pltpu.VMEM((128, 128), jnp.float32),
            pltpu.VMEM_SHARED((R_PAD, 128), jnp.float32),
            pltpu.SemaphoreType.DMA,
            pltpu.SemaphoreType.DMA,
            pltpu.SemaphoreType.DMA,
            pltpu.SemaphoreType.DMA,
        ],
    )
    def agg_kernel(row_hbm, col_hbm, t_hbm, z_hbm, out,
                   ridx, cidx, gbuf0, gbuf1, acc, gsem0, gsem1, ssem0, ssem1):
        cid = lax.axis_index("c")
        sid = lax.axis_index("s")
        base = (1 - cid) * (sid * g0 * 16) + cid * (NS * g0 * 16 +
                                                    sid * g1 * 16)
        ngroups = g0 + cid * (g1 - g0)
        sl = pl.ds(sid * ROWS_PER_SUB, ROWS_PER_SUB)
        pltpu.sync_copy(z_hbm, acc.at[sl])
        plsc.subcore_barrier()

        def group(g, carry):
            pltpu.sync_copy(row_hbm.at[pl.ds(base + g * 16, 16)], ridx)
            pltpu.sync_copy(col_hbm.at[pl.ds(base + g * 16, 16)], cidx)
            _issue_gather(t_hbm, ridx, 0, gbuf0, gsem0)
            _issue_gather(t_hbm, ridx, 1, gbuf1, gsem1)

            def steady(t, c2):
                j = 2 * t
                _wait_gather(t_hbm, ridx, j, gbuf0, gsem0)
                pltpu.async_copy(gbuf0, acc.at[cidx.at[j]], ssem0, add=True)
                pltpu.make_async_copy(gbuf0, acc.at[cidx.at[j]], ssem0).wait()
                _issue_gather(t_hbm, ridx, j + 2, gbuf0, gsem0)
                _wait_gather(t_hbm, ridx, j + 1, gbuf1, gsem1)
                pltpu.async_copy(gbuf1, acc.at[cidx.at[j + 1]], ssem1, add=True)
                pltpu.make_async_copy(
                    gbuf1, acc.at[cidx.at[j + 1]], ssem1).wait()
                _issue_gather(t_hbm, ridx, j + 3, gbuf1, gsem1)
                return c2

            lax.fori_loop(0, 7, steady, carry)
            _wait_gather(t_hbm, ridx, 14, gbuf0, gsem0)
            pltpu.sync_copy(gbuf0, acc.at[cidx.at[14]], add=True)
            _wait_gather(t_hbm, ridx, 15, gbuf1, gsem1)
            pltpu.sync_copy(gbuf1, acc.at[cidx.at[15]], add=True)
            return carry

        lax.fori_loop(0, ngroups, group, 0)
        plsc.subcore_barrier()
        pltpu.sync_copy(acc.at[sl], out.at[cid].at[sl])

    return agg_kernel(row2d, col2d, table, zeros128)


def _tc_prescale(d, x):
    def body(d_ref, x_ref, v_ref, dinv_ref):
        deg = d_ref[0, 0:N, 0:1] + d_ref[1, 0:N, 0:1] + 1.0
        dinv = lax.rsqrt(deg)
        dinv_ref[...] = dinv
        v_ref[...] = x_ref[...] * dinv

    return pl.pallas_call(
        body,
        grid=(8,),
        in_specs=[pl.BlockSpec((2, R_PAD, 128), lambda k: (0, 0, 0)),
                  pl.BlockSpec((N, 128), lambda k: (0, 0))],
        out_specs=(pl.BlockSpec((N, 128), lambda k: (k, 0)),
                   pl.BlockSpec((N, 1), lambda k: (0, 0))),
        out_shape=(jax.ShapeDtypeStruct((8 * N, 128), jnp.float32),
                   jax.ShapeDtypeStruct((N, 1), jnp.float32)),
    )(d, x)


def _tc_layer1(s1, v1, dinv2d, w1, b1):

    def body(s_ref, v1_ref, dinv_ref, w1_ref, b1_ref, v2_ref):
        k = pl.program_id(0)
        dinv = dinv_ref[...]
        ax = (s_ref[0, 0:N, :] + s_ref[1, 0:N, :] + v1_ref[...]) * dinv
        h = jnp.dot(ax, w1_ref[...], preferred_element_type=jnp.float32)
        h = jnp.maximum(h + b1_ref[...], 0.0) * dinv
        v2_ref[...] = jnp.where((k % 2) == 0, h[:, 0:128], h[:, 128:256])

    return pl.pallas_call(
        body,
        grid=(8,),
        in_specs=[pl.BlockSpec((2, R_PAD, 128), lambda k: (0, 0, 0)),
                  pl.BlockSpec((N, 128), lambda k: (0, 0)),
                  pl.BlockSpec((N, 1), lambda k: (0, 0)),
                  pl.BlockSpec((D_IN, D_HID), lambda k: (0, 0)),
                  pl.BlockSpec((1, D_HID), lambda k: (0, 0))],
        out_specs=pl.BlockSpec((N, 128), lambda k: (k, 0)),
        out_shape=jax.ShapeDtypeStruct((8 * N, 128), jnp.float32),
    )(s1, v1, dinv2d, w1, b1)


def _tc_layer2(s2, v2, dinv2d, w2, b2, wr, br):
    def body(s2_ref, v2_ref, dinv_ref, w2_ref, b2_ref, wr_ref, br_ref, o_ref):
        dinv = dinv_ref[...]
        ah = jnp.concatenate(
            [s2_ref[0, 0:N, :] + v2_ref[0:N, :],
             s2_ref[1, 0:N, :] + v2_ref[N:2 * N, :]], axis=1) * dinv
        z = jnp.dot(ah, w2_ref[...], preferred_element_type=jnp.float32)
        h2 = jnp.maximum(z + b2_ref[...], 0.0)
        logit = jnp.dot(h2, wr_ref[...], preferred_element_type=jnp.float32)
        logit = logit + br_ref[...]
        o_ref[...] = 4.0 / (1.0 + jnp.exp(-logit))

    return pl.pallas_call(
        body,
        grid=(1,),
        in_specs=[pl.BlockSpec((2, R_PAD, 128), lambda k: (0, 0, 0)),
                  pl.BlockSpec((2 * N, 128), lambda k: (0, 0)),
                  pl.BlockSpec((N, 1), lambda k: (0, 0)),
                  pl.BlockSpec((D_HID, D_HID), lambda k: (0, 0)),
                  pl.BlockSpec((1, D_HID), lambda k: (0, 0)),
                  pl.BlockSpec((D_HID, 1), lambda k: (0, 0)),
                  pl.BlockSpec((1, 1), lambda k: (0, 0))],
        out_specs=pl.BlockSpec((N, 1), lambda k: (0, 0)),
        out_shape=jax.ShapeDtypeStruct((N, 1), jnp.float32),
    )(s2, v2, dinv2d, w2, b2, wr, br)


def kernel(x, edge_index, W1, b1, W2, b2, Wr, br):
    ei = edge_index.astype(jnp.int32)
    row, col = ei[0], ei[1]

    e1 = 32 * 5 * 16 * 128
    e1_sc0 = 16 * G1_SC0 * 16 * 128
    rowp = jnp.concatenate([row, jnp.zeros((e1 - E,), jnp.int32)])
    colp = jnp.concatenate([col, jnp.full((e1 - E,), JUNK, jnp.int32)])
    par1 = (jnp.arange(e1, dtype=jnp.int32) // 128) % 4
    off1 = jnp.where(jnp.arange(e1) < e1_sc0, par1 * (2 * N),
                     N + par1 * (2 * N)).astype(jnp.int32)
    row1 = (rowp + off1).reshape(-1, 128)
    col1 = colp.reshape(-1, 128)

    off2 = (par1 * (2 * N)).astype(jnp.int32)
    row2 = jnp.concatenate([rowp + off2, rowp + N + off2]).reshape(-1, 128)
    col2 = jnp.concatenate([colp, colp]).reshape(-1, 128)

    cold = colp.reshape(32, DEG_CHUNKS, 128)

    zeros128 = jnp.zeros((ROWS_PER_SUB, 128), jnp.float32)
    ones128 = jnp.ones((128, 128), jnp.float32)

    d = _sc_degree(cold, zeros128, ones128)

    v1, dinv2d = _tc_prescale(d, x)
    s1 = _sc_aggregate(row1, col1, v1, zeros128, G1_SC0, G1_SC1)

    v2 = _tc_layer1(s1, v1, dinv2d, W1, b1.reshape(1, D_HID))
    s2 = _sc_aggregate(row2, col2, v2, zeros128, 10, 10)

    return _tc_layer2(s2, v2, dinv2d, W2, b2.reshape(1, D_HID),
                      Wr, br.reshape(1, 1))

# --- scband reference (transcript-rebuilt; emitter-appended) ---
"""Pipeline reference for scband-regression-classifier-15522011808335 (READ-ONLY COPY).

The authoritative reference and input builder live on the scoring server;
editing this copy changes nothing except your own understanding.
"""

import jax, jax.numpy as jnp
import numpy as np

N_NODES = 10000
N_EDGES = 320000
D_IN = 128
D_HID = 256
MAX_VALUE = 4.0


def setup_inputs(seed: int = 0) -> dict:
    key = jax.random.key(seed)
    k_x, k_e, k_w1, k_w2, k_wr = jax.random.split(key, 5)
    x = jax.random.normal(k_x, (N_NODES, D_IN), dtype=jnp.float32)
    edge_index = jax.random.randint(k_e, (2, N_EDGES), 0, N_NODES, dtype=jnp.int64)
    # GCNConv weights (glorot-style scaling), separate additive bias as in PyG GCNConv
    W1 = jax.random.normal(k_w1, (D_IN, D_HID), dtype=jnp.float32) * (1.0 / np.sqrt(D_IN))
    b1 = jnp.zeros((D_HID,), dtype=jnp.float32)
    W2 = jax.random.normal(k_w2, (D_HID, D_HID), dtype=jnp.float32) * (1.0 / np.sqrt(D_HID))
    b2 = jnp.zeros((D_HID,), dtype=jnp.float32)
    Wr = jax.random.normal(k_wr, (D_HID, 1), dtype=jnp.float32) * (1.0 / np.sqrt(D_HID))
    br = jnp.zeros((1,), dtype=jnp.float32)
    return {"x": x, "edge_index": edge_index, "W1": W1, "b1": b1,
            "W2": W2, "b2": b2, "Wr": Wr, "br": br}


def _gcn_conv(x, edge_index, W, b, num_nodes):
    # GCNConv: D^-1/2 (A + I) D^-1/2 (X W) + b
    loop = jnp.arange(num_nodes, dtype=edge_index.dtype)
    row = jnp.concatenate([edge_index[0], loop])
    col = jnp.concatenate([edge_index[1], loop])
    ones = jnp.ones(row.shape[0], dtype=x.dtype)
    deg = jax.ops.segment_sum(ones, col, num_segments=num_nodes)
    deg_inv_sqrt = jnp.where(deg > 0, jax.lax.rsqrt(jnp.maximum(deg, 1e-12)), 0.0)
    norm = deg_inv_sqrt[row] * deg_inv_sqrt[col]
    h = x @ W
    msg = h[row] * norm[:, None]
    out = jax.ops.segment_sum(msg, col, num_segments=num_nodes)
    return out + b


def reference(x, edge_index, W1, b1, W2, b2, Wr, br):
    n = x.shape[0]
    h = _gcn_conv(x, edge_index, W1, b1, n)
    h = jax.nn.relu(h)
    # dropout is identity at inference (training=False)
    h = _gcn_conv(h, edge_index, W2, b2, n)
    h = jax.nn.relu(h)
    out = jax.nn.sigmoid(h @ Wr + br) * MAX_VALUE
    return out

if __name__ == "__main__":
    import jax
    _d = setup_inputs()
    print(jax.jit(kernel)(*tuple(_d.values())))

</pallas_src>

<mosaic_0001>
#map = affine_map<(d0, d1) -> (0, 0)>
#map1 = affine_map<(d0, d1) -> (0, 0, 0)>
module attributes {stable_mosaic.version = 14 : i64} {
  func.func @agg_kernel(%arg0: i32, %arg1: i32, %arg2: memref<5120x128xi32, #tpu.memory_space<hbm>>, %arg3: memref<5120x128xi32, #tpu.memory_space<hbm>>, %arg4: memref<80000x128xf32, #tpu.memory_space<hbm>>, %arg5: memref<632x128xf32, #tpu.memory_space<hbm>>, %arg6: memref<2x10112x128xf32, #tpu.memory_space<hbm>>, %arg7: memref<16x128xi32, #tpu.memory_space<vmem>>, %arg8: memref<16x128xi32, #tpu.memory_space<vmem>>, %arg9: memref<128x128xf32, #tpu.memory_space<vmem>>, %arg10: memref<128x128xf32, #tpu.memory_space<vmem>>, %arg11: memref<10112x128xf32, #tpu.memory_space<vmem_shared>>, %arg12: memref<!tpu.dma_semaphore, #tpu.memory_space<semaphore_mem>>, %arg13: memref<!tpu.dma_semaphore, #tpu.memory_space<semaphore_mem>>, %arg14: memref<!tpu.dma_semaphore, #tpu.memory_space<semaphore_mem>>, %arg15: memref<!tpu.dma_semaphore, #tpu.memory_space<semaphore_mem>>) attributes {dimension_semantics = [#tpu.dimension_semantics<core_parallel>, #tpu.dimension_semantics<subcore_parallel>], iteration_bounds = array<i64: 2, 16>, scalar_prefetch = 0 : i64, scratch_operands = 9 : i64, tpu.core_type = #tpu.core_type<sc_vector_subcore>, window_params = [{transform_indices = #map}, {transform_indices = #map}, {transform_indices = #map}, {transform_indices = #map}, {transform_indices = #map1}]} {
    %sub3A = arith.constant 1 : i32
    %sub3A_0 = arith.subi %sub3A, %arg0 : i32
    %mul3A = arith.constant 10 : i32
    %mul3A_1 = arith.muli %arg1, %mul3A : i32
    %mul3A_2 = arith.constant 16 : i32
    %mul3A_3 = arith.muli %mul3A_1, %mul3A_2 : i32
    %mul3A_4 = arith.muli %sub3A_0, %mul3A_3 : i32
    %mul3A_5 = arith.constant 10 : i32
    %mul3A_6 = arith.muli %arg1, %mul3A_5 : i32
    %mul3A_7 = arith.constant 16 : i32
    %mul3A_8 = arith.muli %mul3A_6, %mul3A_7 : i32
    %add3A = arith.constant 2560 : i32
    %add3A_9 = arith.addi %add3A, %mul3A_8 : i32
    %mul3A_10 = arith.muli %arg0, %add3A_9 : i32
    %add3A_11 = arith.addi %mul3A_4, %mul3A_10 : i32
    %mul3A_12 = arith.constant 0 : i32
    %mul3A_13 = arith.muli %arg0, %mul3A_12 : i32
    %add3A_14 = arith.constant 10 : i32
    %add3A_15 = arith.addi %add3A_14, %mul3A_13 : i32
    %mul3A_16 = arith.constant 632 : i32
    %mul3A_17 = arith.muli %arg1, %mul3A_16 : i32
    "tpu.region"() ({
      %run_scoped3A = tpu.sem_alloc : memref<!tpu.dma_semaphore, #tpu.memory_space<semaphore_mem>>
      %dma_start3A = arith.constant 0 : i32
      %dma_start3A_28 = tpu.memref_slice %arg11[%mul3A_17, %dma_start3A] : memref<10112x128xf32, #tpu.memory_space<vmem_shared>> -> memref<632x128xf32, #tpu.memory_space<vmem_shared>>
      tpu.enqueue_dma source(%arg5 : memref<632x128xf32, #tpu.memory_space<hbm>>) target(%dma_start3A_28 : memref<632x128xf32, #tpu.memory_space<vmem_shared>>) target_semaphore(%run_scoped3A : memref<!tpu.dma_semaphore, #tpu.memory_space<semaphore_mem>>)
      %dma_wait3A = arith.constant 0 : i32
      %dma_wait3A_29 = tpu.memref_slice %arg11[%mul3A_17, %dma_wait3A] : memref<10112x128xf32, #tpu.memory_space<vmem_shared>> -> memref<632x128xf32, #tpu.memory_space<vmem_shared>>
      tpu.wait_dma2 semaphore(%run_scoped3A : memref<!tpu.dma_semaphore, #tpu.memory_space<semaphore_mem>>) src(%arg5 : memref<632x128xf32, #tpu.memory_space<hbm>>) dst(%dma_wait3A_29 : memref<632x128xf32, #tpu.memory_space<vmem_shared>>)
      tpu.yield
    }) : () -> ()
    %barrier3A = arith.constant 0 : index
    tpu.barrier barrier_id(%barrier3A)
    %while3A = arith.constant 0 : i32
    %while3A_18 = arith.constant 0 : i32
    %while3A_19 = arith.subi %add3A_15, %while3A_18 : i32
    %while3A_20 = arith.addi %while3A_18, %while3A_19 : i32
    %while3A_21 = arith.constant 1 : i32
    %while3A_22 = arith.divsi %while3A_19, %while3A_21 : i32
    %while3A_23 = arith.muli %while3A_22, %while3A_21 : i32
    %while3A_24 = arith.addi %while3A_18, %while3A_23 : i32
    %while3A_25 = arith.constant 1 : i32
    scf.for %while3A_28 = %while3A_18 to %while3A_24 step %while3A_25  : i32 {
      %mul3A_29 = arith.constant 16 : i32
      %mul3A_30 = arith.muli %while3A_28, %mul3A_29 : i32
      %add3A_31 = arith.addi %add3A_11, %mul3A_30 : i32
      "tpu.region"() ({
        %run_scoped3A_230 = tpu.sem_alloc : memref<!tpu.dma_semaphore, #tpu.memory_space<semaphore_mem>>
        %dma_start3A_231 = arith.constant 0 : i32
        %dma_start3A_232 = tpu.memref_slice %arg2[%add3A_31, %dma_start3A_231] : memref<5120x128xi32, #tpu.memory_space<hbm>> -> memref<16x128xi32, #tpu.memory_space<hbm>>
        %dma_start3A_233 = arith.constant 0 : i32
        %dma_start3A_234 = tpu.memref_slice %arg2[%add3A_31, %dma_start3A_233] : memref<5120x128xi32, #tpu.memory_space<hbm>> -> memref<16x128xi32, #tpu.memory_space<hbm>>
        tpu.enqueue_dma source(%dma_start3A_234 : memref<16x128xi32, #tpu.memory_space<hbm>>) target(%arg7 : memref<16x128xi32, #tpu.memory_space<vmem>>) target_semaphore(%run_scoped3A_230 : memref<!tpu.dma_semaphore, #tpu.memory_space<semaphore_mem>>)
        %dma_wait3A_235 = arith.constant 0 : i32
        %dma_wait3A_236 = tpu.memref_slice %arg2[%add3A_31, %dma_wait3A_235] : memref<5120x128xi32, #tpu.memory_space<hbm>> -> memref<16x128xi32, #tpu.memory_space<hbm>>
        %dma_wait3A_237 = arith.constant 0 : i32
        %dma_wait3A_238 = tpu.memref_slice %arg2[%add3A_31, %dma_wait3A_237] : memref<5120x128xi32, #tpu.memory_space<hbm>> -> memref<16x128xi32, #tpu.memory_space<hbm>>
        tpu.wait_dma2 semaphore(%run_scoped3A_230 : memref<!tpu.dma_semaphore, #tpu.memory_space<semaphore_mem>>) src(%dma_wait3A_238 : memref<16x128xi32, #tpu.memory_space<hbm>>) dst(%arg7 : memref<16x128xi32, #tpu.memory_space<vmem>>)
        tpu.yield
      }) : () -> ()
      %mul3A_32 = arith.constant 16 : i32
      %mul3A_33 = arith.muli %while3A_28, %mul3A_32 : i32
      %add3A_34 = arith.addi %add3A_11, %mul3A_33 : i32
      "tpu.region"() ({
        %run_scoped3A_230 = tpu.sem_alloc : memref<!tpu.dma_semaphore, #tpu.memory_space<semaphore_mem>>
        %dma_start3A_231 = arith.constant 0 : i32
        %dma_start3A_232 = tpu.memref_slice %arg3[%add3A_34, %dma_start3A_231] : memref<5120x128xi32, #tpu.memory_space<hbm>> -> memref<16x128xi32, #tpu.memory_space<hbm>>
        %dma_start3A_233 = arith.constant 0 : i32
        %dma_start3A_234 = tpu.memref_slice %arg3[%add3A_34, %dma_start3A_233] : memref<5120x128xi32, #tpu.memory_space<hbm>> -> memref<16x128xi32, #tpu.memory_space<hbm>>
        tpu.enqueue_dma source(%dma_start3A_234 : memref<16x128xi32, #tpu.memory_space<hbm>>) target(%arg8 : memref<16x128xi32, #tpu.memory_space<vmem>>) target_semaphore(%run_scoped3A_230 : memref<!tpu.dma_semaphore, #tpu.memory_space<semaphore_mem>>)
        %dma_wait3A_235 = arith.constant 0 : i32
        %dma_wait3A_236 = tpu.memref_slice %arg3[%add3A_34, %dma_wait3A_235] : memref<5120x128xi32, #tpu.memory_space<hbm>> -> memref<16x128xi32, #tpu.memory_space<hbm>>
        %dma_wait3A_237 = arith.constant 0 : i32
        %dma_wait3A_238 = tpu.memref_slice %arg3[%add3A_34, %dma_wait3A_237] : memref<5120x128xi32, #tpu.memory_space<hbm>> -> memref<16x128xi32, #tpu.memory_space<hbm>>
        tpu.wait_dma2 semaphore(%run_scoped3A_230 : memref<!tpu.dma_semaphore, #tpu.memory_space<semaphore_mem>>) src(%dma_wait3A_238 : memref<16x128xi32, #tpu.memory_space<hbm>>) dst(%arg8 : memref<16x128xi32, #tpu.memory_space<vmem>>)
        tpu.yield
      }) : () -> ()
      %dma_start3A = arith.constant 0 : i32
      %dma_start3A_35 = arith.constant 0 : i32
      %dma_start3A_36 = arith.constant 0 : i32
      %dma_start3A_37 = tpu.memref_slice %arg9[%dma_start3A_35, %dma_start3A_36] : memref<128x128xf32, #tpu.memory_space<vmem>> -> memref<32x128xf32, #tpu.memory_space<vmem>>
      %dma_start3A_38 = arith.constant 0 : i32
      %dma_start3A_39 = tpu.memref_slice %arg7[%dma_start3A, %dma_start3A_38] : memref<16x128xi32, #tpu.memory_space<vmem>> -> memref<1x128xi32, #tpu.memory_space<vmem>>
      %dma_start3A_40 = tpu.memref_squeeze %dma_start3A_39 : memref<1x128xi32, #tpu.memory_space<vmem>> -> memref<128xi32, #tpu.memory_space<vmem>>
      %dma_start3A_41 = arith.constant 0 : i32
      %dma_start3A_42 = tpu.memref_slice %dma_start3A_40[%dma_start3A_41] : memref<128xi32, #tpu.memory_space<vmem>> -> memref<32xi32, #tpu.memory_space<vmem>>
      %dma_start3A_43 = arith.constant 0 : i32
      %dma_start3A_44 = arith.constant 0 : i32
      %dma_start3A_45 = tpu.memref_slice %arg4[%dma_start3A_43, %dma_start3A_44] : memref<80000x128xf32, #tpu.memory_space<hbm>> -> memref<80000x128xf32, #tpu.memory_space<hbm>>
      tpu.enqueue_indirect_dma source(%dma_start3A_45 : memref<80000x128xf32, #tpu.memory_space<hbm>>) target(%dma_start3A_37 : memref<32x128xf32, #tpu.memory_space<vmem>>) offsets(%dma_start3A_42 : memref<32xi32, #tpu.memory_space<vmem>>) semaphore(%arg12 : memref<!tpu.dma_semaphore, #tpu.memory_space<semaphore_mem>>)
      %dma_start3A_46 = arith.constant 0 : i32
      %dma_start3A_47 = arith.constant 32 : i32
      %dma_start3A_48 = arith.constant 0 : i32
      %dma_start3A_49 = tpu.memref_slice %arg9[%dma_start3A_47, %dma_start3A_48] : memref<128x128xf32, #tpu.memory_space<vmem>> -> memref<32x128xf32, #tpu.memory_space<vmem>>
      %dma_start3A_50 = arith.constant 0 : i32
      %dma_start3A_51 = tpu.memref_slice %arg7[%dma_start3A_46, %dma_start3A_50] : memref<16x128xi32, #tpu.memory_space<vmem>> -> memref<1x128xi32, #tpu.memory_space<vmem>>
      %dma_start3A_52 = tpu.memref_squeeze %dma_start3A_51 : memref<1x128xi32, #tpu.memory_space<vmem>> -> memref<128xi32, #tpu.memory_space<vmem>>
      %dma_start3A_53 = arith.constant 32 : i32
      %dma_start3A_54 = tpu.memref_slice %dma_start3A_52[%dma_start3A_53] : memref<128xi32, #tpu.memory_space<vmem>> -> memref<32xi32, #tpu.memory_space<vmem>>
      %dma_start3A_55 = arith.constant 0 : i32
      %dma_start3A_56 = arith.constant 0 : i32
      %dma_start3A_57 = tpu.memref_slice %arg4[%dma_start3A_55, %dma_start3A_56] : memref<80000x128xf32, #tpu.memory_space<hbm>> -> memref<80000x128xf32, #tpu.memory_space<hbm>>
      tpu.enqueue_indirect_dma source(%dma_start3A_57 : memref<80000x128xf32, #tpu.memory_space<hbm>>) target(%dma_start3A_49 : memref<32x128xf32, #tpu.memory_space<vmem>>) offsets(%dma_start3A_54 : memref<32xi32, #tpu.memory_space<vmem>>) semaphore(%arg12 : memref<!tpu.dma_semaphore, #tpu.memory_space<semaphore_mem>>)
      %dma_start3A_58 = arith.constant 0 : i32
      %dma_start3A_59 = arith.constant 64 : i32
      %dma_start3A_60 = arith.constant 0 : i32
      %dma_start3A_61 = tpu.memref_slice %arg9[%dma_start3A_59, %dma_start3A_60] : memref<128x128xf32, #tpu.memory_space<vmem>> -> memref<32x128xf32, #tpu.memory_space<vmem>>
      %dma_start3A_62 = arith.constant 0 : i32
      %dma_start3A_63 = tpu.memref_slice %arg7[%dma_start3A_58, %dma_start3A_62] : memref<16x128xi32, #tpu.memory_space<vmem>> -> memref<1x128xi32, #tpu.memory_space<vmem>>
      %dma_start3A_64 = tpu.memref_squeeze %dma_start3A_63 : memref<1x128xi32, #tpu.memory_space<vmem>> -> memref<128xi32, #tpu.memory_space<vmem>>
      %dma_start3A_65 = arith.constant 64 : i32
      %dma_start3A_66 = tpu.memref_slice %dma_start3A_64[%dma_start3A_65] : memref<128xi32, #tpu.memory_space<vmem>> -> memref<32xi32, #tpu.memory_space<vmem>>
      %dma_start3A_67 = arith.constant 0 : i32
      %dma_start3A_68 = arith.constant 0 : i32
      %dma_start3A_69 = tpu.memref_slice %arg4[%dma_start3A_67, %dma_start3A_68] : memref<80000x128xf32, #tpu.memory_space<hbm>> -> memref<80000x128xf32, #tpu.memory_space<hbm>>
      tpu.enqueue_indirect_dma source(%dma_start3A_69 : memref<80000x128xf32, #tpu.memory_space<hbm>>) target(%dma_start3A_61 : memref<32x128xf32, #tpu.memory_space<vmem>>) offsets(%dma_start3A_66 : memref<32xi32, #tpu.memory_space<vmem>>) semaphore(%arg12 : memref<!tpu.dma_semaphore, #tpu.memory_space<semaphore_mem>>)
      %dma_start3A_70 = arith.constant 0 : i32
      %dma_start3A_71 = arith.constant 96 : i32
      %dma_start3A_72 = arith.constant 0 : i32
      %dma_start3A_73 = tpu.memref_slice %arg9[%dma_start3A_71, %dma_start3A_72] : memref<128x128xf32, #tpu.memory_space<vmem>> -> memref<32x128xf32, #tpu.memory_space<vmem>>
      %dma_start3A_74 = arith.constant 0 : i32
      %dma_start3A_75 = tpu.memref_slice %arg7[%dma_start3A_70, %dma_start3A_74] : memref<16x128xi32, #tpu.memory_space<vmem>> -> memref<1x128xi32, #tpu.memory_space<vmem>>
      %dma_start3A_76 = tpu.memref_squeeze %dma_start3A_75 : memref<1x128xi32, #tpu.memory_space<vmem>> -> memref<128xi32, #tpu.memory_space<vmem>>
      %dma_start3A_77 = arith.constant 96 : i32
      %dma_start3A_78 = tpu.memref_slice %dma_start3A_76[%dma_start3A_77] : memref<128xi32, #tpu.memory_space<vmem>> -> memref<32xi32, #tpu.memory_space<vmem>>
      %dma_start3A_79 = arith.constant 0 : i32
      %dma_start3A_80 = arith.constant 0 : i32
      %dma_start3A_81 = tpu.memref_slice %arg4[%dma_start3A_79, %dma_start3A_80] : memref<80000x128xf32, #tpu.memory_space<hbm>> -> memref<80000x128xf32, #tpu.memory_space<hbm>>
      tpu.enqueue_indirect_dma source(%dma_start3A_81 : memref<80000x128xf32, #tpu.memory_space<hbm>>) target(%dma_start3A_73 : memref<32x128xf32, #tpu.memory_space<vmem>>) offsets(%dma_start3A_78 : memref<32xi32, #tpu.memory_space<vmem>>) semaphore(%arg12 : memref<!tpu.dma_semaphore, #tpu.memory_space<semaphore_mem>>)
      %dma_start3A_82 = arith.constant 1 : i32
      %dma_start3A_83 = arith.constant 0 : i32
      %dma_start3A_84 = arith.constant 0 : i32
      %dma_start3A_85 = tpu.memref_slice %arg10[%dma_start3A_83, %dma_start3A_84] : memref<128x128xf32, #tpu.memory_space<vmem>> -> memref<32x128xf32, #tpu.memory_space<vmem>>
      %dma_start3A_86 = arith.constant 0 : i32
      %dma_start3A_87 = tpu.memref_slice %arg7[%dma_start3A_82, %dma_start3A_86] : memref<16x128xi32, #tpu.memory_space<vmem>> -> memref<1x128xi32, #tpu.memory_space<vmem>>
      %dma_start3A_88 = tpu.memref_squeeze %dma_start3A_87 : memref<1x128xi32, #tpu.memory_space<vmem>> -> memref<128xi32, #tpu.memory_space<vmem>>
      %dma_start3A_89 = arith.constant 0 : i32
      %dma_start3A_90 = tpu.memref_slice %dma_start3A_88[%dma_start3A_89] : memref<128xi32, #tpu.memory_space<vmem>> -> memref<32xi32, #tpu.memory_space<vmem>>
      %dma_start3A_91 = arith.constant 0 : i32
      %dma_start3A_92 = arith.constant 0 : i32
      %dma_start3A_93 = tpu.memref_slice %arg4[%dma_start3A_91, %dma_start3A_92] : memref<80000x128xf32, #tpu.memory_space<hbm>> -> memref<80000x128xf32, #tpu.memory_space<hbm>>
      tpu.enqueue_indirect_dma source(%dma_start3A_93 : memref<80000x128xf32, #tpu.memory_space<hbm>>) target(%dma_start3A_85 : memref<32x128xf32, #tpu.memory_space<vmem>>) offsets(%dma_start3A_90 : memref<32xi32, #tpu.memory_space<vmem>>) semaphore(%arg13 : memref<!tpu.dma_semaphore, #tpu.memory_space<semaphore_mem>>)
      %dma_start3A_94 = arith.constant 1 : i32
      %dma_start3A_95 = arith.constant 32 : i32
      %dma_start3A_96 = arith.constant 0 : i32
      %dma_start3A_97 = tpu.memref_slice %arg10[%dma_start3A_95, %dma_start3A_96] : memref<128x128xf32, #tpu.memory_space<vmem>> -> memref<32x128xf32, #tpu.memory_space<vmem>>
      %dma_start3A_98 = arith.constant 0 : i32
      %dma_start3A_99 = tpu.memref_slice %arg7[%dma_start3A_94, %dma_start3A_98] : memref<16x128xi32, #tpu.memory_space<vmem>> -> memref<1x128xi32, #tpu.memory_space<vmem>>
      %dma_start3A_100 = tpu.memref_squeeze %dma_start3A_99 : memref<1x128xi32, #tpu.memory_space<vmem>> -> memref<128xi32, #tpu.memory_space<vmem>>
      %dma_start3A_101 = arith.constant 32 : i32
      %dma_start3A_102 = tpu.memref_slice %dma_start3A_100[%dma_start3A_101] : memref<128xi32, #tpu.memory_space<vmem>> -> memref<32xi32, #tpu.memory_space<vmem>>
      %dma_start3A_103 = arith.constant 0 : i32
      %dma_start3A_104 = arith.constant 0 : i32
      %dma_start3A_105 = tpu.memref_slice %arg4[%dma_start3A_103, %dma_start3A_104] : memref<80000x128xf32, #tpu.memory_space<hbm>> -> memref<80000x128xf32, #tpu.memory_space<hbm>>
      tpu.enqueue_indirect_dma source(%dma_start3A_105 : memref<80000x128xf32, #tpu.memory_space<hbm>>) target(%dma_start3A_97 : memref<32x128xf32, #tpu.memory_space<vmem>>) offsets(%dma_start3A_102 : memref<32xi32, #tpu.memory_space<vmem>>) semaphore(%arg13 : memref<!tpu.dma_semaphore, #tpu.memory_space<semaphore_mem>>)
      %dma_start3A_106 = arith.constant 1 : i32
      %dma_start3A_107 = arith.constant 64 : i32
      %dma_start3A_108 = arith.constant 0 : i32
      %dma_start3A_109 = tpu.memref_slice %arg10[%dma_start3A_107, %dma_start3A_108] : memref<128x128xf32, #tpu.memory_space<vmem>> -> memref<32x128xf32, #tpu.memory_space<vmem>>
      %dma_start3A_110 = arith.constant 0 : i32
      %dma_start3A_111 = tpu.memref_slice %arg7[%dma_start3A_106, %dma_start3A_110] : memref<16x128xi32, #tpu.memory_space<vmem>> -> memref<1x128xi32, #tpu.memory_space<vmem>>
      %dma_start3A_112 = tpu.memref_squeeze %dma_start3A_111 : memref<1x128xi32, #tpu.memory_space<vmem>> -> memref<128xi32, #tpu.memory_space<vmem>>
      %dma_start3A_113 = arith.constant 64 : i32
      %dma_start3A_114 = tpu.memref_slice %dma_start3A_112[%dma_start3A_113] : memref<128xi32, #tpu.memory_space<vmem>> -> memref<32xi32, #tpu.memory_space<vmem>>
      %dma_start3A_115 = arith.constant 0 : i32
      %dma_start3A_116 = arith.constant 0 : i32
      %dma_start3A_117 = tpu.memref_slice %arg4[%dma_start3A_115, %dma_start3A_116] : memref<80000x128xf32, #tpu.memory_space<hbm>> -> memref<80000x128xf32, #tpu.memory_space<hbm>>
      tpu.enqueue_indirect_dma source(%dma_start3A_117 : memref<80000x128xf32, #tpu.memory_space<hbm>>) target(%dma_start3A_109 : memref<32x128xf32, #tpu.memory_space<vmem>>) offsets(%dma_start3A_114 : memref<32xi32, #tpu.memory_space<vmem>>) semaphore(%arg13 : memref<!tpu.dma_semaphore, #tpu.memory_space<semaphore_mem>>)
      %dma_start3A_118 = arith.constant 1 : i32
      %dma_start3A_119 = arith.constant 96 : i32
      %dma_start3A_120 = arith.constant 0 : i32
      %dma_start3A_121 = tpu.memref_slice %arg10[%dma_start3A_119, %dma_start3A_120] : memref<128x128xf32, #tpu.memory_space<vmem>> -> memref<32x128xf32, #tpu.memory_space<vmem>>
      %dma_start3A_122 = arith.constant 0 : i32
      %dma_start3A_123 = tpu.memref_slice %arg7[%dma_start3A_118, %dma_start3A_122] : memref<16x128xi32, #tpu.memory_space<vmem>> -> memref<1x128xi32, #tpu.memory_space<vmem>>
      %dma_start3A_124 = tpu.memref_squeeze %dma_start3A_123 : memref<1x128xi32, #tpu.memory_space<vmem>> -> memref<128xi32, #tpu.memory_space<vmem>>
      %dma_start3A_125 = arith.constant 96 : i32
      %dma_start3A_126 = tpu.memref_slice %dma_start3A_124[%dma_start3A_125] : memref<128xi32, #tpu.memory_space<vmem>> -> memref<32xi32, #tpu.memory_space<vmem>>
      %dma_start3A_127 = arith.constant 0 : i32
      %dma_start3A_128 = arith.constant 0 : i32
      %dma_start3A_129 = tpu.memref_slice %arg4[%dma_start3A_127, %dma_start3A_128] : memref<80000x128xf32, #tpu.memory_space<hbm>> -> memref<80000x128xf32, #tpu.memory_space<hbm>>
      tpu.enqueue_indirect_dma source(%dma_start3A_129 : memref<80000x128xf32, #tpu.memory_space<hbm>>) target(%dma_start3A_121 : memref<32x128xf32, #tpu.memory_space<vmem>>) offsets(%dma_start3A_126 : memref<32xi32, #tpu.memory_space<vmem>>) semaphore(%arg13 : memref<!tpu.dma_semaphore, #tpu.memory_space<semaphore_mem>>)
      %scan3A = arith.constant 0 : i32
      %scan3A_130 = arith.constant 7 : i32
      %scan3A_131 = arith.addi %scan3A, %scan3A_130 : i32
      %scan3A_132 = arith.constant 1 : i32
      scf.for %scan3A_230 = %scan3A to %scan3A_131 step %scan3A_132  : i32 {
        %mul3A_231 = arith.constant 2 : i32
        %mul3A_232 = arith.muli %mul3A_231, %scan3A_230 : i32
        %dma_wait3A_233 = arith.constant 0 : i32
        %dma_wait3A_234 = arith.constant 0 : i32
        %dma_wait3A_235 = tpu.memref_slice %arg9[%dma_wait3A_233, %dma_wait3A_234] : memref<128x128xf32, #tpu.memory_space<vmem>> -> memref<32x128xf32, #tpu.memory_space<vmem>>
        %dma_wait3A_236 = arith.constant 0 : i32
        %dma_wait3A_237 = tpu.memref_slice %arg7[%mul3A_232, %dma_wait3A_236] : memref<16x128xi32, #tpu.memory_space<vmem>> -> memref<1x128xi32, #tpu.memory_space<vmem>>
        %dma_wait3A_238 = tpu.memref_squeeze %dma_wait3A_237 : memref<1x128xi32, #tpu.memory_space<vmem>> -> memref<128xi32, #tpu.memory_space<vmem>>
        %dma_wait3A_239 = arith.constant 0 : i32
        %dma_wait3A_240 = tpu.memref_slice %dma_wait3A_238[%dma_wait3A_239] : memref<128xi32, #tpu.memory_space<vmem>> -> memref<32xi32, #tpu.memory_space<vmem>>
        %dma_wait3A_241 = arith.constant 0 : i32
        %dma_wait3A_242 = arith.constant 0 : i32
        %dma_wait3A_243 = tpu.memref_slice %arg4[%dma_wait3A_241, %dma_wait3A_242] : memref<80000x128xf32, #tpu.memory_space<hbm>> -> memref<80000x128xf32, #tpu.memory_space<hbm>>
        tpu.wait_indirect_dma semaphore(%arg12 : memref<!tpu.dma_semaphore, #tpu.memory_space<semaphore_mem>>) src(%dma_wait3A_243 : memref<80000x128xf32, #tpu.memory_space<hbm>>) dst(%dma_wait3A_235 : memref<32x128xf32, #tpu.memory_space<vmem>>)
        %dma_wait3A_244 = arith.constant 32 : i32
        %dma_wait3A_245 = arith.constant 0 : i32
        %dma_wait3A_246 = tpu.memref_slice %arg9[%dma_wait3A_244, %dma_wait3A_245] : memref<128x128xf32, #tpu.memory_space<vmem>> -> memref<32x128xf32, #tpu.memory_space<vmem>>
        %dma_wait3A_247 = arith.constant 0 : i32
        %dma_wait3A_248 = tpu.memref_slice %arg7[%mul3A_232, %dma_wait3A_247] : memref<16x128xi32, #tpu.memory_space<vmem>> -> memref<1x128xi32, #tpu.memory_space<vmem>>
        %dma_wait3A_249 = tpu.memref_squeeze %dma_wait3A_248 : memref<1x128xi32, #tpu.memory_space<vmem>> -> memref<128xi32, #tpu.memory_space<vmem>>
        %dma_wait3A_250 = arith.constant 32 : i32
        %dma_wait3A_251 = tpu.memref_slice %dma_wait3A_249[%dma_wait3A_250] : memref<128xi32, #tpu.memory_space<vmem>> -> memref<32xi32, #tpu.memory_space<vmem>>
        %dma_wait3A_252 = arith.constant 0 : i32
        %dma_wait3A_253 = arith.constant 0 : i32
        %dma_wait3A_254 = tpu.memref_slice %arg4[%dma_wait3A_252, %dma_wait3A_253] : memref<80000x128xf32, #tpu.memory_space<hbm>> -> memref<80000x128xf32, #tpu.memory_space<hbm>>
        tpu.wait_indirect_dma semaphore(%arg12 : memref<!tpu.dma_semaphore, #tpu.memory_space<semaphore_mem>>) src(%dma_wait3A_254 : memref<80000x128xf32, #tpu.memory_space<hbm>>) dst(%dma_wait3A_246 : memref<32x128xf32, #tpu.memory_space<vmem>>)
        %dma_wait3A_255 = arith.constant 64 : i32
        %dma_wait3A_256 = arith.constant 0 : i32
        %dma_wait3A_257 = tpu.memref_slice %arg9[%dma_wait3A_255, %dma_wait3A_256] : memref<128x128xf32, #tpu.memory_space<vmem>> -> memref<32x128xf32, #tpu.memory_space<vmem>>
        %dma_wait3A_258 = arith.constant 0 : i32
        %dma_wait3A_259 = tpu.memref_slice %arg7[%mul3A_232, %dma_wait3A_258] : memref<16x128xi32, #tpu.memory_space<vmem>> -> memref<1x128xi32, #tpu.memory_space<vmem>>
        %dma_wait3A_260 = tpu.memref_squeeze %dma_wait3A_259 : memref<1x128xi32, #tpu.memory_space<vmem>> -> memref<128xi32, #tpu.memory_space<vmem>>
        %dma_wait3A_261 = arith.constant 64 : i32
        %dma_wait3A_262 = tpu.memref_slice %dma_wait3A_260[%dma_wait3A_261] : memref<128xi32, #tpu.memory_space<vmem>> -> memref<32xi32, #tpu.memory_space<vmem>>
        %dma_wait3A_263 = arith.constant 0 : i32
        %dma_wait3A_264 = arith.constant 0 : i32
        %dma_wait3A_265 = tpu.memref_slice %arg4[%dma_wait3A_263, %dma_wait3A_264] : memref<80000x128xf32, #tpu.memory_space<hbm>> -> memref<80000x128xf32, #tpu.memory_space<hbm>>
        tpu.wait_indirect_dma semaphore(%arg12 : memref<!tpu.dma_semaphore, #tpu.memory_space<semaphore_mem>>) src(%dma_wait3A_265 : memref<80000x128xf32, #tpu.memory_space<hbm>>) dst(%dma_wait3A_257 : memref<32x128xf32, #tpu.memory_space<vmem>>)
        %dma_wait3A_266 = arith.constant 96 : i32
        %dma_wait3A_267 = arith.constant 0 : i32
        %dma_wait3A_268 = tpu.memref_slice %arg9[%dma_wait3A_266, %dma_wait3A_267] : memref<128x128xf32, #tpu.memory_space<vmem>> -> memref<32x128xf32, #tpu.memory_space<vmem>>
        %dma_wait3A_269 = arith.constant 0 : i32
        %dma_wait3A_270 = tpu.memref_slice %arg7[%mul3A_232, %dma_wait3A_269] : memref<16x128xi32, #tpu.memory_space<vmem>> -> memref<1x128xi32, #tpu.memory_space<vmem>>
        %dma_wait3A_271 = tpu.memref_squeeze %dma_wait3A_270 : memref<1x128xi32, #tpu.memory_space<vmem>> -> memref<128xi32, #tpu.memory_space<vmem>>
        %dma_wait3A_272 = arith.constant 96 : i32
        %dma_wait3A_273 = tpu.memref_slice %dma_wait3A_271[%dma_wait3A_272] : memref<128xi32, #tpu.memory_space<vmem>> -> memref<32xi32, #tpu.memory_space<vmem>>
        %dma_wait3A_274 = arith.constant 0 : i32
        %dma_wait3A_275 = arith.constant 0 : i32
        %dma_wait3A_276 = tpu.memref_slice %arg4[%dma_wait3A_274, %dma_wait3A_275] : memref<80000x128xf32, #tpu.memory_space<hbm>> -> memref<80000x128xf32, #tpu.memory_space<hbm>>
        tpu.wait_indirect_dma semaphore(%arg12 : memref<!tpu.dma_semaphore, #tpu.memory_space<semaphore_mem>>) src(%dma_wait3A_276 : memref<80000x128xf32, #tpu.memory_space<hbm>>) dst(%dma_wait3A_268 : memref<32x128xf32, #tpu.memory_space<vmem>>)
        %dma_start3A_277 = arith.constant 0 : i32
        %dma_start3A_278 = tpu.memref_slice %arg8[%mul3A_232, %dma_start3A_277] : memref<16x128xi32, #tpu.memory_space<vmem>> -> memref<1x128xi32, #tpu.memory_space<vmem>>
        %dma_start3A_279 = tpu.memref_squeeze %dma_start3A_278 : memref<1x128xi32, #tpu.memory_space<vmem>> -> memref<128xi32, #tpu.memory_space<vmem>>
        %dma_start3A_280 = arith.constant 0 : i32
        %dma_start3A_281 = arith.constant 0 : i32
        %dma_start3A_282 = tpu.memref_slice %arg11[%dma_start3A_280, %dma_start3A_281] : memref<10112x128xf32, #tpu.memory_space<vmem_shared>> -> memref<10112x128xf32, #tpu.memory_space<vmem_shared>>
        tpu.enqueue_indirect_dma source(%arg9 : memref<128x128xf32, #tpu.memory_space<vmem>>) target(%dma_start3A_282 : memref<10112x128xf32, #tpu.memory_space<vmem_shared>>) offsets(%dma_start3A_279 : memref<128xi32, #tpu.memory_space<vmem>>) semaphore(%arg14 : memref<!tpu.dma_semaphore, #tpu.memory_space<semaphore_mem>>) {add = true}
        %dma_wait3A_283 = arith.constant 0 : i32
        %dma_wait3A_284 = tpu.memref_slice %arg8[%mul3A_232, %dma_wait3A_283] : memref<16x128xi32, #tpu.memory_space<vmem>> -> memref<1x128xi32, #tpu.memory_space<vmem>>
        %dma_wait3A_285 = tpu.memref_squeeze %dma_wait3A_284 : memref<1x128xi32, #tpu.memory_space<vmem>> -> memref<128xi32, #tpu.memory_space<vmem>>
        %dma_wait3A_286 = arith.constant 0 : i32
        %dma_wait3A_287 = arith.constant 0 : i32
        %dma_wait3A_288 = tpu.memref_slice %arg11[%dma_wait3A_286, %dma_wait3A_287] : memref<10112x128xf32, #tpu.memory_space<vmem_shared>> -> memref<10112x128xf32, #tpu.memory_space<vmem_shared>>
        tpu.wait_indirect_dma semaphore(%arg14 : memref<!tpu.dma_semaphore, #tpu.memory_space<semaphore_mem>>) src(%arg9 : memref<128x128xf32, #tpu.memory_space<vmem>>) dst(%dma_wait3A_288 : memref<10112x128xf32, #tpu.memory_space<vmem_shared>>)
        %add3A_289 = arith.constant 2 : i32
        %add3A_290 = arith.addi %mul3A_232, %add3A_289 : i32
        %dma_start3A_291 = arith.constant 0 : i32
        %dma_start3A_292 = arith.constant 0 : i32
        %dma_start3A_293 = tpu.memref_slice %arg9[%dma_start3A_291, %dma_start3A_292] : memref<128x128xf32, #tpu.memory_space<vmem>> -> memref<32x128xf32, #tpu.memory_space<vmem>>
        %dma_start3A_294 = arith.constant 0 : i32
        %dma_start3A_295 = tpu.memref_slice %arg7[%add3A_290, %dma_start3A_294] : memref<16x128xi32, #tpu.memory_space<vmem>> -> memref<1x128xi32, #tpu.memory_space<vmem>>
        %dma_start3A_296 = tpu.memref_squeeze %dma_start3A_295 : memref<1x128xi32, #tpu.memory_space<vmem>> -> memref<128xi32, #tpu.memory_space<vmem>>
        %dma_start3A_297 = arith.constant 0 : i32
        %dma_start3A_298 = tpu.memref_slice %dma_start3A_296[%dma_start3A_297] : memref<128xi32, #tpu.memory_space<vmem>> -> memref<32xi32, #tpu.memory_space<vmem>>
        %dma_start3A_299 = arith.constant 0 : i32
        %dma_start3A_300 = arith.constant 0 : i32
        %dma_start3A_301 = tpu.memref_slice %arg4[%dma_start3A_299, %dma_start3A_300] : memref<80000x128xf32, #tpu.memory_space<hbm>> -> memref<80000x128xf32, #tpu.memory_space<hbm>>
        tpu.enqueue_indirect_dma source(%dma_start3A_301 : memref<80000x128xf32, #tpu.memory_space<hbm>>) target(%dma_start3A_293 : memref<32x128xf32, #tpu.memory_space<vmem>>) offsets(%dma_start3A_298 : memref<32xi32, #tpu.memory_space<vmem>>) semaphore(%arg12 : memref<!tpu.dma_semaphore, #tpu.memory_space<semaphore_mem>>)
        %dma_start3A_302 = arith.constant 32 : i32
        %dma_start3A_303 = arith.constant 0 : i32
        %dma_start3A_304 = tpu.memref_slice %arg9[%dma_start3A_302, %dma_start3A_303] : memref<128x128xf32, #tpu.memory_space<vmem>> -> memref<32x128xf32, #tpu.memory_space<vmem>>
        %dma_start3A_305 = arith.constant 0 : i32
        %dma_start3A_306 = tpu.memref_slice %arg7[%add3A_290, %dma_start3A_305] : memref<16x128xi32, #tpu.memory_space<vmem>> -> memref<1x128xi32, #tpu.memory_space<vmem>>
        %dma_start3A_307 = tpu.memref_squeeze %dma_start3A_306 : memref<1x128xi32, #tpu.memory_space<vmem>> -> memref<128xi32, #tpu.memory_space<vmem>>
        %dma_start3A_308 = arith.constant 32 : i32
        %dma_start3A_309 = tpu.memref_slice %dma_start3A_307[%dma_start3A_308] : memref<128xi32, #tpu.memory_space<vmem>> -> memref<32xi32, #tpu.memory_space<vmem>>
        %dma_start3A_310 = arith.constant 0 : i32
        %dma_start3A_311 = arith.constant 0 : i32
        %dma_start3A_312 = tpu.memref_slice %arg4[%dma_start3A_310, %dma_start3A_311] : memref<80000x128xf32, #tpu.memory_space<hbm>> -> memref<80000x128xf32, #tpu.memory_space<hbm>>
        tpu.enqueue_indirect_dma source(%dma_start3A_312 : memref<80000x128xf32, #tpu.memory_space<hbm>>) target(%dma_start3A_304 : memref<32x128xf32, #tpu.memory_space<vmem>>) offsets(%dma_start3A_309 : memref<32xi32, #tpu.memory_space<vmem>>) semaphore(%arg12 : memref<!tpu.dma_semaphore, #tpu.memory_space<semaphore_mem>>)
        %dma_start3A_313 = arith.constant 64 : i32
        %dma_start3A_314 = arith.constant 0 : i32
        %dma_start3A_315 = tpu.memref_slice %arg9[%dma_start3A_313, %dma_start3A_314] : memref<128x128xf32, #tpu.memory_space<vmem>> -> memref<32x128xf32, #tpu.memory_space<vmem>>
        %dma_start3A_316 = arith.constant 0 : i32
        %dma_start3A_317 = tpu.memref_slice %arg7[%add3A_290, %dma_start3A_316] : memref<16x128xi32, #tpu.memory_space<vmem>> -> memref<1x128xi32, #tpu.memory_space<vmem>>
        %dma_start3A_318 = tpu.memref_squeeze %dma_start3A_317 : memref<1x128xi32, #tpu.memory_space<vmem>> -> memref<128xi32, #tpu.memory_space<vmem>>
        %dma_start3A_319 = arith.constant 64 : i32
        %dma_start3A_320 = tpu.memref_slice %dma_start3A_318[%dma_start3A_319] : memref<128xi32, #tpu.memory_space<vmem>> -> memref<32xi32, #tpu.memory_space<vmem>>
        %dma_start3A_321 = arith.constant 0 : i32
        %dma_start3A_322 = arith.constant 0 : i32
        %dma_start3A_323 = tpu.memref_slice %arg4[%dma_start3A_321, %dma_start3A_322] : memref<80000x128xf32, #tpu.memory_space<hbm>> -> memref<80000x128xf32, #tpu.memory_space<hbm>>
        tpu.enqueue_indirect_dma source(%dma_start3A_323 : memref<80000x128xf32, #tpu.memory_space<hbm>>) target(%dma_start3A_315 : memref<32x128xf32, #tpu.memory_space<vmem>>) offsets(%dma_start3A_320 : memref<32xi32, #tpu.memory_space<vmem>>) semaphore(%arg12 : memref<!tpu.dma_semaphore, #tpu.memory_space<semaphore_mem>>)
        %dma_start3A_324 = arith.constant 96 : i32
        %dma_start3A_325 = arith.constant 0 : i32
        %dma_start3A_326 = tpu.memref_slice %arg9[%dma_start3A_324, %dma_start3A_325] : memref<128x128xf32, #tpu.memory_space<vmem>> -> memref<32x128xf32, #tpu.memory_space<vmem>>
        %dma_start3A_327 = arith.constant 0 : i32
        %dma_start3A_328 = tpu.memref_slice %arg7[%add3A_290, %dma_start3A_327] : memref<16x128xi32, #tpu.memory_space<vmem>> -> memref<1x128xi32, #tpu.memory_space<vmem>>
        %dma_start3A_329 = tpu.memref_squeeze %dma_start3A_328 : memref<1x128xi32, #tpu.memory_space<vmem>> -> memref<128xi32, #tpu.memory_space<vmem>>
        %dma_start3A_330 = arith.constant 96 : i32
        %dma_start3A_331 = tpu.memref_slice %dma_start3A_329[%dma_start3A_330] : memref<128xi32, #tpu.memory_space<vmem>> -> memref<32xi32, #tpu.memory_space<vmem>>
        %dma_start3A_332 = arith.constant 0 : i32
        %dma_start3A_333 = arith.constant 0 : i32
        %dma_start3A_334 = tpu.memref_slice %arg4[%dma_start3A_332, %dma_start3A_333] : memref<80000x128xf32, #tpu.memory_space<hbm>> -> memref<80000x128xf32, #tpu.memory_space<hbm>>
        tpu.enqueue_indirect_dma source(%dma_start3A_334 : memref<80000x128xf32, #tpu.memory_space<hbm>>) target(%dma_start3A_326 : memref<32x128xf32, #tpu.memory_space<vmem>>) offsets(%dma_start3A_331 : memref<32xi32, #tpu.memory_space<vmem>>) semaphore(%arg12 : memref<!tpu.dma_semaphore, #tpu.memory_space<semaphore_mem>>)
        %add3A_335 = arith.constant 1 : i32
        %add3A_336 = arith.addi %mul3A_232, %add3A_335 : i32
        %dma_wait3A_337 = arith.constant 0 : i32
        %dma_wait3A_338 = arith.constant 0 : i32
        %dma_wait3A_339 = tpu.memref_slice %arg10[%dma_wait3A_337, %dma_wait3A_338] : memref<128x128xf32, #tpu.memory_space<vmem>> -> memref<32x128xf32, #tpu.memory_space<vmem>>
        %dma_wait3A_340 = arith.constant 0 : i32
        %dma_wait3A_341 = tpu.memref_slice %arg7[%add3A_336, %dma_wait3A_340] : memref<16x128xi32, #tpu.memory_space<vmem>> -> memref<1x128xi32, #tpu.memory_space<vmem>>
        %dma_wait3A_342 = tpu.memref_squeeze %dma_wait3A_341 : memref<1x128xi32, #tpu.memory_space<vmem>> -> memref<128xi32, #tpu.memory_space<vmem>>
        %dma_wait3A_343 = arith.constant 0 : i32
        %dma_wait3A_344 = tpu.memref_slice %dma_wait3A_342[%dma_wait3A_343] : memref<128xi32, #tpu.memory_space<vmem>> -> memref<32xi32, #tpu.memory_space<vmem>>
        %dma_wait3A_345 = arith.constant 0 : i32
        %dma_wait3A_346 = arith.constant 0 : i32
        %dma_wait3A_347 = tpu.memref_slice %arg4[%dma_wait3A_345, %dma_wait3A_346] : memref<80000x128xf32, #tpu.memory_space<hbm>> -> memref<80000x128xf32, #tpu.memory_space<hbm>>
        tpu.wait_indirect_dma semaphore(%arg13 : memref<!tpu.dma_semaphore, #tpu.memory_space<semaphore_mem>>) src(%dma_wait3A_347 : memref<80000x128xf32, #tpu.memory_space<hbm>>) dst(%dma_wait3A_339 : memref<32x128xf32, #tpu.memory_space<vmem>>)
        %dma_wait3A_348 = arith.constant 32 : i32
        %dma_wait3A_349 = arith.constant 0 : i32
        %dma_wait3A_350 = tpu.memref_slice %arg10[%dma_wait3A_348, %dma_wait3A_349] : memref<128x128xf32, #tpu.memory_space<vmem>> -> memref<32x128xf32, #tpu.memory_space<vmem>>
        %dma_wait3A_351 = arith.constant 0 : i32
        %dma_wait3A_352 = tpu.memref_slice %arg7[%add3A_336, %dma_wait3A_351] : memref<16x128xi32, #tpu.memory_space<vmem>> -> memref<1x128xi32, #tpu.memory_space<vmem>>
        %dma_wait3A_353 = tpu.memref_squeeze %dma_wait3A_352 : memref<1x128xi32, #tpu.memory_space<vmem>> -> memref<128xi32, #tpu.memory_space<vmem>>
        %dma_wait3A_354 = arith.constant 32 : i32
        %dma_wait3A_355 = tpu.memref_slice %dma_wait3A_353[%dma_wait3A_354] : memref<128xi32, #tpu.memory_space<vmem>> -> memref<32xi32, #tpu.memory_space<vmem>>
        %dma_wait3A_356 = arith.constant 0 : i32
        %dma_wait3A_357 = arith.constant 0 : i32
        %dma_wait3A_358 = tpu.memref_slice %arg4[%dma_wait3A_356, %dma_wait3A_357] : memref<80000x128xf32, #tpu.memory_space<hbm>> -> memref<80000x128xf32, #tpu.memory_space<hbm>>
        tpu.wait_indirect_dma semaphore(%arg13 : memref<!tpu.dma_semaphore, #tpu.memory_space<semaphore_mem>>) src(%dma_wait3A_358 : memref<80000x128xf32, #tpu.memory_space<hbm>>) dst(%dma_wait3A_350 : memref<32x128xf32, #tpu.memory_space<vmem>>)
        %dma_wait3A_359 = arith.constant 64 : i32
        %dma_wait3A_360 = arith.constant 0 : i32
        %dma_wait3A_361 = tpu.memref_slice %arg10[%dma_wait3A_359, %dma_wait3A_360] : memref<128x128xf32, #tpu.memory_space<vmem>> -> memref<32x128xf32, #tpu.memory_space<vmem>>
        %dma_wait3A_362 = arith.constant 0 : i32
        %dma_wait3A_363 = tpu.memref_slice %arg7[%add3A_336, %dma_wait3A_362] : memref<16x128xi32, #tpu.memory_space<vmem>> -> memref<1x128xi32, #tpu.memory_space<vmem>>
        %dma_wait3A_364 = tpu.memref_squeeze %dma_wait3A_363 : memref<1x128xi32, #tpu.memory_space<vmem>> -> memref<128xi32, #tpu.memory_space<vmem>>
        %dma_wait3A_365 = arith.constant 64 : i32
        %dma_wait3A_366 = tpu.memref_slice %dma_wait3A_364[%dma_wait3A_365] : memref<128xi32, #tpu.memory_space<vmem>> -> memref<32xi32, #tpu.memory_space<vmem>>
        %dma_wait3A_367 = arith.constant 0 : i32
        %dma_wait3A_368 = arith.constant 0 : i32
        %dma_wait3A_369 = tpu.memref_slice %arg4[%dma_wait3A_367, %dma_wait3A_368] : memref<80000x128xf32, #tpu.memory_space<hbm>> -> memref<80000x128xf32, #tpu.memory_space<hbm>>
        tpu.wait_indirect_dma semaphore(%arg13 : memref<!tpu.dma_semaphore, #tpu.memory_space<semaphore_mem>>) src(%dma_wait3A_369 : memref<80000x128xf32, #tpu.memory_space<hbm>>) dst(%dma_wait3A_361 : memref<32x128xf32, #tpu.memory_space<vmem>>)
        %dma_wait3A_370 = arith.constant 96 : i32
        %dma_wait3A_371 = arith.constant 0 : i32
        %dma_wait3A_372 = tpu.memref_slice %arg10[%dma_wait3A_370, %dma_wait3A_371] : memref<128x128xf32, #tpu.memory_space<vmem>> -> memref<32x128xf32, #tpu.memory_space<vmem>>
        %dma_wait3A_373 = arith.constant 0 : i32
        %dma_wait3A_374 = tpu.memref_slice %arg7[%add3A_336, %dma_wait3A_373] : memref<16x128xi32, #tpu.memory_space<vmem>> -> memref<1x128xi32, #tpu.memory_space<vmem>>
        %dma_wait3A_375 = tpu.memref_squeeze %dma_wait3A_374 : memref<1x128xi32, #tpu.memory_space<vmem>> -> memref<128xi32, #tpu.memory_space<vmem>>
        %dma_wait3A_376 = arith.constant 96 : i32
        %dma_wait3A_377 = tpu.memref_slice %dma_wait3A_375[%dma_wait3A_376] : memref<128xi32, #tpu.memory_space<vmem>> -> memref<32xi32, #tpu.memory_space<vmem>>
        %dma_wait3A_378 = arith.constant 0 : i32
        %dma_wait3A_379 = arith.constant 0 : i32
        %dma_wait3A_380 = tpu.memref_slice %arg4[%dma_wait3A_378, %dma_wait3A_379] : memref<80000x128xf32, #tpu.memory_space<hbm>> -> memref<80000x128xf32, #tpu.memory_space<hbm>>
        tpu.wait_indirect_dma semaphore(%arg13 : memref<!tpu.dma_semaphore, #tpu.memory_space<semaphore_mem>>) src(%dma_wait3A_380 : memref<80000x128xf32, #tpu.memory_space<hbm>>) dst(%dma_wait3A_372 : memref<32x128xf32, #tpu.memory_space<vmem>>)
        %add3A_381 = arith.constant 1 : i32
        %add3A_382 = arith.addi %mul3A_232, %add3A_381 : i32
        %dma_start3A_383 = arith.constant 0 : i32
        %dma_start3A_384 = tpu.memref_slice %arg8[%add3A_382, %dma_start3A_383] : memref<16x128xi32, #tpu.memory_space<vmem>> -> memref<1x128xi32, #tpu.memory_space<vmem>>
        %dma_start3A_385 = tpu.memref_squeeze %dma_start3A_384 : memref<1x128xi32, #tpu.memory_space<vmem>> -> memref<128xi32, #tpu.memory_space<vmem>>
        %dma_start3A_386 = arith.constant 0 : i32
        %dma_start3A_387 = arith.constant 0 : i32
        %dma_start3A_388 = tpu.memref_slice %arg11[%dma_start3A_386, %dma_start3A_387] : memref<10112x128xf32, #tpu.memory_space<vmem_shared>> -> memref<10112x128xf32, #tpu.memory_space<vmem_shared>>
        tpu.enqueue_indirect_dma source(%arg10 : memref<128x128xf32, #tpu.memory_space<vmem>>) target(%dma_start3A_388 : memref<10112x128xf32, #tpu.memory_space<vmem_shared>>) offsets(%dma_start3A_385 : memref<128xi32, #tpu.memory_space<vmem>>) semaphore(%arg15 : memref<!tpu.dma_semaphore, #tpu.memory_space<semaphore_mem>>) {add = true}
        %add3A_389 = arith.constant 1 : i32
        %add3A_390 = arith.addi %mul3A_232, %add3A_389 : i32
        %dma_wait3A_391 = arith.constant 0 : i32
        %dma_wait3A_392 = tpu.memref_slice %arg8[%add3A_390, %dma_wait3A_391] : memref<16x128xi32, #tpu.memory_space<vmem>> -> memref<1x128xi32, #tpu.memory_space<vmem>>
        %dma_wait3A_393 = tpu.memref_squeeze %dma_wait3A_392 : memref<1x128xi32, #tpu.memory_space<vmem>> -> memref<128xi32, #tpu.memory_space<vmem>>
        %dma_wait3A_394 = arith.constant 0 : i32
        %dma_wait3A_395 = arith.constant 0 : i32
        %dma_wait3A_396 = tpu.memref_slice %arg11[%dma_wait3A_394, %dma_wait3A_395] : memref<10112x128xf32, #tpu.memory_space<vmem_shared>> -> memref<10112x128xf32, #tpu.memory_space<vmem_shared>>
        tpu.wait_indirect_dma semaphore(%arg15 : memref<!tpu.dma_semaphore, #tpu.memory_space<semaphore_mem>>) src(%arg10 : memref<128x128xf32, #tpu.memory_space<vmem>>) dst(%dma_wait3A_396 : memref<10112x128xf32, #tpu.memory_space<vmem_shared>>)
        %add3A_397 = arith.constant 3 : i32
        %add3A_398 = arith.addi %mul3A_232, %add3A_397 : i32
        %dma_start3A_399 = arith.constant 0 : i32
        %dma_start3A_400 = arith.constant 0 : i32
        %dma_start3A_401 = tpu.memref_slice %arg10[%dma_start3A_399, %dma_start3A_400] : memref<128x128xf32, #tpu.memory_space<vmem>> -> memref<32x128xf32, #tpu.memory_space<vmem>>
        %dma_start3A_402 = arith.constant 0 : i32
        %dma_start3A_403 = tpu.memref_slice %arg7[%add3A_398, %dma_start3A_402] : memref<16x128xi32, #tpu.memory_space<vmem>> -> memref<1x128xi32, #tpu.memory_space<vmem>>
        %dma_start3A_404 = tpu.memref_squeeze %dma_start3A_403 : memref<1x128xi32, #tpu.memory_space<vmem>> -> memref<128xi32, #tpu.memory_space<vmem>>
        %dma_start3A_405 = arith.constant 0 : i32
        %dma_start3A_406 = tpu.memref_slice %dma_start3A_404[%dma_start3A_405] : memref<128xi32, #tpu.memory_space<vmem>> -> memref<32xi32, #tpu.memory_space<vmem>>
        %dma_start3A_407 = arith.constant 0 : i32
        %dma_start3A_408 = arith.constant 0 : i32
        %dma_start3A_409 = tpu.memref_slice %arg4[%dma_start3A_407, %dma_start3A_408] : memref<80000x128xf32, #tpu.memory_space<hbm>> -> memref<80000x128xf32, #tpu.memory_space<hbm>>
        tpu.enqueue_indirect_dma source(%dma_start3A_409 : memref<80000x128xf32, #tpu.memory_space<hbm>>) target(%dma_start3A_401 : memref<32x128xf32, #tpu.memory_space<vmem>>) offsets(%dma_start3A_406 : memref<32xi32, #tpu.memory_space<vmem>>) semaphore(%arg13 : memref<!tpu.dma_semaphore, #tpu.memory_space<semaphore_mem>>)
        %dma_start3A_410 = arith.constant 32 : i32
        %dma_start3A_411 = arith.constant 0 : i32
        %dma_start3A_412 = tpu.memref_slice %arg10[%dma_start3A_410, %dma_start3A_411] : memref<128x128xf32, #tpu.memory_space<vmem>> -> memref<32x128xf32, #tpu.memory_space<vmem>>
        %dma_start3A_413 = arith.constant 0 : i32
        %dma_start3A_414 = tpu.memref_slice %arg7[%add3A_398, %dma_start3A_413] : memref<16x128xi32, #tpu.memory_space<vmem>> -> memref<1x128xi32, #tpu.memory_space<vmem>>
        %dma_start3A_415 = tpu.memref_squeeze %dma_start3A_414 : memref<1x128xi32, #tpu.memory_space<vmem>> -> memref<128xi32, #tpu.memory_space<vmem>>
        %dma_start3A_416 = arith.constant 32 : i32
        %dma_start3A_417 = tpu.memref_slice %dma_start3A_415[%dma_start3A_416] : memref<128xi32, #tpu.memory_space<vmem>> -> memref<32xi32, #tpu.memory_space<vmem>>
        %dma_start3A_418 = arith.constant 0 : i32
        %dma_start3A_419 = arith.constant 0 : i32
        %dma_start3A_420 = tpu.memref_slice %arg4[%dma_start3A_418, %dma_start3A_419] : memref<80000x128xf32, #tpu.memory_space<hbm>> -> memref<80000x128xf32, #tpu.memory_space<hbm>>
        tpu.enqueue_indirect_dma source(%dma_start3A_420 : memref<80000x128xf32, #tpu.memory_space<hbm>>) target(%dma_start3A_412 : memref<32x128xf32, #tpu.memory_space<vmem>>) offsets(%dma_start3A_417 : memref<32xi32, #tpu.memory_space<vmem>>) semaphore(%arg13 : memref<!tpu.dma_semaphore, #tpu.memory_space<semaphore_mem>>)
        %dma_start3A_421 = arith.constant 64 : i32
        %dma_start3A_422 = arith.constant 0 : i32
        %dma_start3A_423 = tpu.memref_slice %arg10[%dma_start3A_421, %dma_start3A_422] : memref<128x128xf32, #tpu.memory_space<vmem>> -> memref<32x128xf32, #tpu.memory_space<vmem>>
        %dma_start3A_424 = arith.constant 0 : i32
        %dma_start3A_425 = tpu.memref_slice %arg7[%add3A_398, %dma_start3A_424] : memref<16x128xi32, #tpu.memory_space<vmem>> -> memref<1x128xi32, #tpu.memory_space<vmem>>
        %dma_start3A_426 = tpu.memref_squeeze %dma_start3A_425 : memref<1x128xi32, #tpu.memory_space<vmem>> -> memref<128xi32, #tpu.memory_space<vmem>>
        %dma_start3A_427 = arith.constant 64 : i32
        %dma_start3A_428 = tpu.memref_slice %dma_start3A_426[%dma_start3A_427] : memref<128xi32, #tpu.memory_space<vmem>> -> memref<32xi32, #tpu.memory_space<vmem>>
        %dma_start3A_429 = arith.constant 0 : i32
        %dma_start3A_430 = arith.constant 0 : i32
        %dma_start3A_431 = tpu.memref_slice %arg4[%dma_start3A_429, %dma_start3A_430] : memref<80000x128xf32, #tpu.memory_space<hbm>> -> memref<80000x128xf32, #tpu.memory_space<hbm>>
        tpu.enqueue_indirect_dma source(%dma_start3A_431 : memref<80000x128xf32, #tpu.memory_space<hbm>>) target(%dma_start3A_423 : memref<32x128xf32, #tpu.memory_space<vmem>>) offsets(%dma_start3A_428 : memref<32xi32, #tpu.memory_space<vmem>>) semaphore(%arg13 : memref<!tpu.dma_semaphore, #tpu.memory_space<semaphore_mem>>)
        %dma_start3A_432 = arith.constant 96 : i32
        %dma_start3A_433 = arith.constant 0 : i32
        %dma_start3A_434 = tpu.memref_slice %arg10[%dma_start3A_432, %dma_start3A_433] : memref<128x128xf32, #tpu.memory_space<vmem>> -> memref<32x128xf32, #tpu.memory_space<vmem>>
        %dma_start3A_435 = arith.constant 0 : i32
        %dma_start3A_436 = tpu.memref_slice %arg7[%add3A_398, %dma_start3A_435] : memref<16x128xi32, #tpu.memory_space<vmem>> -> memref<1x128xi32, #tpu.memory_space<vmem>>
        %dma_start3A_437 = tpu.memref_squeeze %dma_start3A_436 : memref<1x128xi32, #tpu.memory_space<vmem>> -> memref<128xi32, #tpu.memory_space<vmem>>
        %dma_start3A_438 = arith.constant 96 : i32
        %dma_start3A_439 = tpu.memref_slice %dma_start3A_437[%dma_start3A_438] : memref<128xi32, #tpu.memory_space<vmem>> -> memref<32xi32, #tpu.memory_space<vmem>>
        %dma_start3A_440 = arith.constant 0 : i32
        %dma_start3A_441 = arith.constant 0 : i32
        %dma_start3A_442 = tpu.memref_slice %arg4[%dma_start3A_440, %dma_start3A_441] : memref<80000x128xf32, #tpu.memory_space<hbm>> -> memref<80000x128xf32, #tpu.memory_space<hbm>>
        tpu.enqueue_indirect_dma source(%dma_start3A_442 : memref<80000x128xf32, #tpu.memory_space<hbm>>) target(%dma_start3A_434 : memref<32x128xf32, #tpu.memory_space<vmem>>) offsets(%dma_start3A_439 : memref<32xi32, #tpu.memory_space<vmem>>) semaphore(%arg13 : memref<!tpu.dma_semaphore, #tpu.memory_space<semaphore_mem>>)
      }
      %scan3A_133 = arith.constant 7 : i32
      %dma_wait3A = arith.constant 14 : i32
      %dma_wait3A_134 = arith.constant 0 : i32
      %dma_wait3A_135 = arith.constant 0 : i32
      %dma_wait3A_136 = tpu.memref_slice %arg9[%dma_wait3A_134, %dma_wait3A_135] : memref<128x128xf32, #tpu.memory_space<vmem>> -> memref<32x128xf32, #tpu.memory_space<vmem>>
      %dma_wait3A_137 = arith.constant 0 : i32
      %dma_wait3A_138 = tpu.memref_slice %arg7[%dma_wait3A, %dma_wait3A_137] : memref<16x128xi32, #tpu.memory_space<vmem>> -> memref<1x128xi32, #tpu.memory_space<vmem>>
      %dma_wait3A_139 = tpu.memref_squeeze %dma_wait3A_138 : memref<1x128xi32, #tpu.memory_space<vmem>> -> memref<128xi32, #tpu.memory_space<vmem>>
      %dma_wait3A_140 = arith.constant 0 : i32
      %dma_wait3A_141 = tpu.memref_slice %dma_wait3A_139[%dma_wait3A_140] : memref<128xi32, #tpu.memory_space<vmem>> -> memref<32xi32, #tpu.memory_space<vmem>>
      %dma_wait3A_142 = arith.constant 0 : i32
      %dma_wait3A_143 = arith.constant 0 : i32
      %dma_wait3A_144 = tpu.memref_slice %arg4[%dma_wait3A_142, %dma_wait3A_143] : memref<80000x128xf32, #tpu.memory_space<hbm>> -> memref<80000x128xf32, #tpu.memory_space<hbm>>
      tpu.wait_indirect_dma semaphore(%arg12 : memref<!tpu.dma_semaphore, #tpu.memory_space<semaphore_mem>>) src(%dma_wait3A_144 : memref<80000x128xf32, #tpu.memory_space<hbm>>) dst(%dma_wait3A_136 : memref<32x128xf32, #tpu.memory_space<vmem>>)
      %dma_wait3A_145 = arith.constant 14 : i32
      %dma_wait3A_146 = arith.constant 32 : i32
      %dma_wait3A_147 = arith.constant 0 : i32
      %dma_wait3A_148 = tpu.memref_slice %arg9[%dma_wait3A_146, %dma_wait3A_147] : memref<128x128xf32, #tpu.memory_space<vmem>> -> memref<32x128xf32, #tpu.memory_space<vmem>>
      %dma_wait3A_149 = arith.constant 0 : i32
      %dma_wait3A_150 = tpu.memref_slice %arg7[%dma_wait3A_145, %dma_wait3A_149] : memref<16x128xi32, #tpu.memory_space<vmem>> -> memref<1x128xi32, #tpu.memory_space<vmem>>
      %dma_wait3A_151 = tpu.memref_squeeze %dma_wait3A_150 : memref<1x128xi32, #tpu.memory_space<vmem>> -> memref<128xi32, #tpu.memory_space<vmem>>
      %dma_wait3A_152 = arith.constant 32 : i32
      %dma_wait3A_153 = tpu.memref_slice %dma_wait3A_151[%dma_wait3A_152] : memref<128xi32, #tpu.memory_space<vmem>> -> memref<32xi32, #tpu.memory_space<vmem>>
      %dma_wait3A_154 = arith.constant 0 : i32
      %dma_wait3A_155 = arith.constant 0 : i32
      %dma_wait3A_156 = tpu.memref_slice %arg4[%dma_wait3A_154, %dma_wait3A_155] : memref<80000x128xf32, #tpu.memory_space<hbm>> -> memref<80000x128xf32, #tpu.memory_space<hbm>>
      tpu.wait_indirect_dma semaphore(%arg12 : memref<!tpu.dma_semaphore, #tpu.memory_space<semaphore_mem>>) src(%dma_wait3A_156 : memref<80000x128xf32, #tpu.memory_space<hbm>>) dst(%dma_wait3A_148 : memref<32x128xf32, #tpu.memory_space<vmem>>)
      %dma_wait3A_157 = arith.constant 14 : i32
      %dma_wait3A_158 = arith.constant 64 : i32
      %dma_wait3A_159 = arith.constant 0 : i32
      %dma_wait3A_160 = tpu.memref_slice %arg9[%dma_wait3A_158, %dma_wait3A_159] : memref<128x128xf32, #tpu.memory_space<vmem>> -> memref<32x128xf32, #tpu.memory_space<vmem>>
      %dma_wait3A_161 = arith.constant 0 : i32
      %dma_wait3A_162 = tpu.memref_slice %arg7[%dma_wait3A_157, %dma_wait3A_161] : memref<16x128xi32, #tpu.memory_space<vmem>> -> memref<1x128xi32, #tpu.memory_space<vmem>>
      %dma_wait3A_163 = tpu.memref_squeeze %dma_wait3A_162 : memref<1x128xi32, #tpu.memory_space<vmem>> -> memref<128xi32, #tpu.memory_space<vmem>>
      %dma_wait3A_164 = arith.constant 64 : i32
      %dma_wait3A_165 = tpu.memref_slice %dma_wait3A_163[%dma_wait3A_164] : memref<128xi32, #tpu.memory_space<vmem>> -> memref<32xi32, #tpu.memory_space<vmem>>
      %dma_wait3A_166 = arith.constant 0 : i32
      %dma_wait3A_167 = arith.constant 0 : i32
      %dma_wait3A_168 = tpu.memref_slice %arg4[%dma_wait3A_166, %dma_wait3A_167] : memref<80000x128xf32, #tpu.memory_space<hbm>> -> memref<80000x128xf32, #tpu.memory_space<hbm>>
      tpu.wait_indirect_dma semaphore(%arg12 : memref<!tpu.dma_semaphore, #tpu.memory_space<semaphore_mem>>) src(%dma_wait3A_168 : memref<80000x128xf32, #tpu.memory_space<hbm>>) dst(%dma_wait3A_160 : memref<32x128xf32, #tpu.memory_space<vmem>>)
      %dma_wait3A_169 = arith.constant 14 : i32
      %dma_wait3A_170 = arith.constant 96 : i32
      %dma_wait3A_171 = arith.constant 0 : i32
      %dma_wait3A_172 = tpu.memref_slice %arg9[%dma_wait3A_170, %dma_wait3A_171] : memref<128x128xf32, #tpu.memory_space<vmem>> -> memref<32x128xf32, #tpu.memory_space<vmem>>
      %dma_wait3A_173 = arith.constant 0 : i32
      %dma_wait3A_174 = tpu.memref_slice %arg7[%dma_wait3A_169, %dma_wait3A_173] : memref<16x128xi32, #tpu.memory_space<vmem>> -> memref<1x128xi32, #tpu.memory_space<vmem>>
      %dma_wait3A_175 = tpu.memref_squeeze %dma_wait3A_174 : memref<1x128xi32, #tpu.memory_space<vmem>> -> memref<128xi32, #tpu.memory_space<vmem>>
      %dma_wait3A_176 = arith.constant 96 : i32
      %dma_wait3A_177 = tpu.memref_slice %dma_wait3A_175[%dma_wait3A_176] : memref<128xi32, #tpu.memory_space<vmem>> -> memref<32xi32, #tpu.memory_space<vmem>>
      %dma_wait3A_178 = arith.constant 0 : i32
      %dma_wait3A_179 = arith.constant 0 : i32
      %dma_wait3A_180 = tpu.memref_slice %arg4[%dma_wait3A_178, %dma_wait3A_179] : memref<80000x128xf32, #tpu.memory_space<hbm>> -> memref<80000x128xf32, #tpu.memory_space<hbm>>
      tpu.wait_indirect_dma semaphore(%arg12 : memref<!tpu.dma_semaphore, #tpu.memory_space<semaphore_mem>>) src(%dma_wait3A_180 : memref<80000x128xf32, #tpu.memory_space<hbm>>) dst(%dma_wait3A_172 : memref<32x128xf32, #tpu.memory_space<vmem>>)
      %run_scoped3A = arith.constant 14 : i32
      "tpu.region"() ({
        %run_scoped3A_230 = tpu.sem_alloc : memref<!tpu.dma_semaphore, #tpu.memory_space<semaphore_mem>>
        %dma_start3A_231 = arith.constant 0 : i32
        %dma_start3A_232 = tpu.memref_slice %arg8[%run_scoped3A, %dma_start3A_231] : memref<16x128xi32, #tpu.memory_space<vmem>> -> memref<1x128xi32, #tpu.memory_space<vmem>>
        %dma_start3A_233 = tpu.memref_squeeze %dma_start3A_232 : memref<1x128xi32, #tpu.memory_space<vmem>> -> memref<128xi32, #tpu.memory_space<vmem>>
        %dma_start3A_234 = arith.constant 0 : i32
        %dma_start3A_235 = arith.constant 0 : i32
        %dma_start3A_236 = tpu.memref_slice %arg11[%dma_start3A_234, %dma_start3A_235] : memref<10112x128xf32, #tpu.memory_space<vmem_shared>> -> memref<10112x128xf32, #tpu.memory_space<vmem_shared>>
        tpu.enqueue_indirect_dma source(%arg9 : memref<128x128xf32, #tpu.memory_space<vmem>>) target(%dma_start3A_236 : memref<10112x128xf32, #tpu.memory_space<vmem_shared>>) offsets(%dma_start3A_233 : memref<128xi32, #tpu.memory_space<vmem>>) semaphore(%run_scoped3A_230 : memref<!tpu.dma_semaphore, #tpu.memory_space<semaphore_mem>>) {add = true}
        %dma_wait3A_237 = arith.constant 0 : i32
        %dma_wait3A_238 = tpu.memref_slice %arg8[%run_scoped3A, %dma_wait3A_237] : memref<16x128xi32, #tpu.memory_space<vmem>> -> memref<1x128xi32, #tpu.memory_space<vmem>>
        %dma_wait3A_239 = tpu.memref_squeeze %dma_wait3A_238 : memref<1x128xi32, #tpu.memory_space<vmem>> -> memref<128xi32, #tpu.memory_space<vmem>>
        %dma_wait3A_240 = arith.constant 0 : i32
        %dma_wait3A_241 = arith.constant 0 : i32
        %dma_wait3A_242 = tpu.memref_slice %arg11[%dma_wait3A_240, %dma_wait3A_241] : memref<10112x128xf32, #tpu.memory_space<vmem_shared>> -> memref<10112x128xf32, #tpu.memory_space<vmem_shared>>
        tpu.wait_indirect_dma semaphore(%run_scoped3A_230 : memref<!tpu.dma_semaphore, #tpu.memory_space<semaphore_mem>>) src(%arg9 : memref<128x128xf32, #tpu.memory_space<vmem>>) dst(%dma_wait3A_242 : memref<10112x128xf32, #tpu.memory_space<vmem_shared>>)
        tpu.yield
      }) : () -> ()
      %dma_wait3A_181 = arith.constant 15 : i32
      %dma_wait3A_182 = arith.constant 0 : i32
      %dma_wait3A_183 = arith.constant 0 : i32
      %dma_wait3A_184 = tpu.memref_slice %arg10[%dma_wait3A_182, %dma_wait3A_183] : memref<128x128xf32, #tpu.memory_space<vmem>> -> memref<32x128xf32, #tpu.memory_space<vmem>>
      %dma_wait3A_185 = arith.constant 0 : i32
      %dma_wait3A_186 = tpu.memref_slice %arg7[%dma_wait3A_181, %dma_wait3A_185] : memref<16x128xi32, #tpu.memory_space<vmem>> -> memref<1x128xi32, #tpu.memory_space<vmem>>
      %dma_wait3A_187 = tpu.memref_squeeze %dma_wait3A_186 : memref<1x128xi32, #tpu.memory_space<vmem>> -> memref<128xi32, #tpu.memory_space<vmem>>
      %dma_wait3A_188 = arith.constant 0 : i32
      %dma_wait3A_189 = tpu.memref_slice %dma_wait3A_187[%dma_wait3A_188] : memref<128xi32, #tpu.memory_space<vmem>> -> memref<32xi32, #tpu.memory_space<vmem>>
      %dma_wait3A_190 = arith.constant 0 : i32
      %dma_wait3A_191 = arith.constant 0 : i32
      %dma_wait3A_192 = tpu.memref_slice %arg4[%dma_wait3A_190, %dma_wait3A_191] : memref<80000x128xf32, #tpu.memory_space<hbm>> -> memref<80000x128xf32, #tpu.memory_space<hbm>>
      tpu.wait_indirect_dma semaphore(%arg13 : memref<!tpu.dma_semaphore, #tpu.memory_space<semaphore_mem>>) src(%dma_wait3A_192 : memref<80000x128xf32, #tpu.memory_space<hbm>>) dst(%dma_wait3A_184 : memref<32x128xf32, #tpu.memory_space<vmem>>)
      %dma_wait3A_193 = arith.constant 15 : i32
      %dma_wait3A_194 = arith.constant 32 : i32
      %dma_wait3A_195 = arith.constant 0 : i32
      %dma_wait3A_196 = tpu.memref_slice %arg10[%dma_wait3A_194, %dma_wait3A_195] : memref<128x128xf32, #tpu.memory_space<vmem>> -> memref<32x128xf32, #tpu.memory_space<vmem>>
      %dma_wait3A_197 = arith.constant 0 : i32
      %dma_wait3A_198 = tpu.memref_slice %arg7[%dma_wait3A_193, %dma_wait3A_197] : memref<16x128xi32, #tpu.memory_space<vmem>> -> memref<1x128xi32, #tpu.memory_space<vmem>>
      %dma_wait3A_199 = tpu.memref_squeeze %dma_wait3A_198 : memref<1x128xi32, #tpu.memory_space<vmem>> -> memref<128xi32, #tpu.memory_space<vmem>>
      %dma_wait3A_200 = arith.constant 32 : i32
      %dma_wait3A_201 = tpu.memref_slice %dma_wait3A_199[%dma_wait3A_200] : memref<128xi32, #tpu.memory_space<vmem>> -> memref<32xi32, #tpu.memory_space<vmem>>
      %dma_wait3A_202 = arith.constant 0 : i32
      %dma_wait3A_203 = arith.constant 0 : i32
      %dma_wait3A_204 = tpu.memref_slice %arg4[%dma_wait3A_202, %dma_wait3A_203] : memref<80000x128xf32, #tpu.memory_space<hbm>> -> memref<80000x128xf32, #tpu.memory_space<hbm>>
      tpu.wait_indirect_dma semaphore(%arg13 : memref<!tpu.dma_semaphore, #tpu.memory_space<semaphore_mem>>) src(%dma_wait3A_204 : memref<80000x128xf32, #tpu.memory_space<hbm>>) dst(%dma_wait3A_196 : memref<32x128xf32, #tpu.memory_space<vmem>>)
      %dma_wait3A_205 = arith.constant 15 : i32
      %dma_wait3A_206 = arith.constant 64 : i32
      %dma_wait3A_207 = arith.constant 0 : i32
      %dma_wait3A_208 = tpu.memref_slice %arg10[%dma_wait3A_206, %dma_wait3A_207] : memref<128x128xf32, #tpu.memory_space<vmem>> -> memref<32x128xf32, #tpu.memory_space<vmem>>
      %dma_wait3A_209 = arith.constant 0 : i32
      %dma_wait3A_210 = tpu.memref_slice %arg7[%dma_wait3A_205, %dma_wait3A_209] : memref<16x128xi32, #tpu.memory_space<vmem>> -> memref<1x128xi32, #tpu.memory_space<vmem>>
      %dma_wait3A_211 = tpu.memref_squeeze %dma_wait3A_210 : memref<1x128xi32, #tpu.memory_space<vmem>> -> memref<128xi32, #tpu.memory_space<vmem>>
      %dma_wait3A_212 = arith.constant 64 : i32
      %dma_wait3A_213 = tpu.memref_slice %dma_wait3A_211[%dma_wait3A_212] : memref<128xi32, #tpu.memory_space<vmem>> -> memref<32xi32, #tpu.memory_space<vmem>>
      %dma_wait3A_214 = arith.constant 0 : i32
      %dma_wait3A_215 = arith.constant 0 : i32
      %dma_wait3A_216 = tpu.memref_slice %arg4[%dma_wait3A_214, %dma_wait3A_215] : memref<80000x128xf32, #tpu.memory_space<hbm>> -> memref<80000x128xf32, #tpu.memory_space<hbm>>
      tpu.wait_indirect_dma semaphore(%arg13 : memref<!tpu.dma_semaphore, #tpu.memory_space<semaphore_mem>>) src(%dma_wait3A_216 : memref<80000x128xf32, #tpu.memory_space<hbm>>) dst(%dma_wait3A_208 : memref<32x128xf32, #tpu.memory_space<vmem>>)
      %dma_wait3A_217 = arith.constant 15 : i32
      %dma_wait3A_218 = arith.constant 96 : i32
      %dma_wait3A_219 = arith.constant 0 : i32
      %dma_wait3A_220 = tpu.memref_slice %arg10[%dma_wait3A_218, %dma_wait3A_219] : memref<128x128xf32, #tpu.memory_space<vmem>> -> memref<32x128xf32, #tpu.memory_space<vmem>>
      %dma_wait3A_221 = arith.constant 0 : i32
      %dma_wait3A_222 = tpu.memref_slice %arg7[%dma_wait3A_217, %dma_wait3A_221] : memref<16x128xi32, #tpu.memory_space<vmem>> -> memref<1x128xi32, #tpu.memory_space<vmem>>
      %dma_wait3A_223 = tpu.memref_squeeze %dma_wait3A_222 : memref<1x128xi32, #tpu.memory_space<vmem>> -> memref<128xi32, #tpu.memory_space<vmem>>
      %dma_wait3A_224 = arith.constant 96 : i32
      %dma_wait3A_225 = tpu.memref_slice %dma_wait3A_223[%dma_wait3A_224] : memref<128xi32, #tpu.memory_space<vmem>> -> memref<32xi32, #tpu.memory_space<vmem>>
      %dma_wait3A_226 = arith.constant 0 : i32
      %dma_wait3A_227 = arith.constant 0 : i32
      %dma_wait3A_228 = tpu.memref_slice %arg4[%dma_wait3A_226, %dma_wait3A_227] : memref<80000x128xf32, #tpu.memory_space<hbm>> -> memref<80000x128xf32, #tpu.memory_space<hbm>>
      tpu.wait_indirect_dma semaphore(%arg13 : memref<!tpu.dma_semaphore, #tpu.memory_space<semaphore_mem>>) src(%dma_wait3A_228 : memref<80000x128xf32, #tpu.memory_space<hbm>>) dst(%dma_wait3A_220 : memref<32x128xf32, #tpu.memory_space<vmem>>)
      %run_scoped3A_229 = arith.constant 15 : i32
      "tpu.region"() ({
        %run_scoped3A_230 = tpu.sem_alloc : memref<!tpu.dma_semaphore, #tpu.memory_space<semaphore_mem>>
        %dma_start3A_231 = arith.constant 0 : i32
        %dma_start3A_232 = tpu.memref_slice %arg8[%run_scoped3A_229, %dma_start3A_231] : memref<16x128xi32, #tpu.memory_space<vmem>> -> memref<1x128xi32, #tpu.memory_space<vmem>>
        %dma_start3A_233 = tpu.memref_squeeze %dma_start3A_232 : memref<1x128xi32, #tpu.memory_space<vmem>> -> memref<128xi32, #tpu.memory_space<vmem>>
        %dma_start3A_234 = arith.constant 0 : i32
        %dma_start3A_235 = arith.constant 0 : i32
        %dma_start3A_236 = tpu.memref_slice %arg11[%dma_start3A_234, %dma_start3A_235] : memref<10112x128xf32, #tpu.memory_space<vmem_shared>> -> memref<10112x128xf32, #tpu.memory_space<vmem_shared>>
        tpu.enqueue_indirect_dma source(%arg10 : memref<128x128xf32, #tpu.memory_space<vmem>>) target(%dma_start3A_236 : memref<10112x128xf32, #tpu.memory_space<vmem_shared>>) offsets(%dma_start3A_233 : memref<128xi32, #tpu.memory_space<vmem>>) semaphore(%run_scoped3A_230 : memref<!tpu.dma_semaphore, #tpu.memory_space<semaphore_mem>>) {add = true}
        %dma_wait3A_237 = arith.constant 0 : i32
        %dma_wait3A_238 = tpu.memref_slice %arg8[%run_scoped3A_229, %dma_wait3A_237] : memref<16x128xi32, #tpu.memory_space<vmem>> -> memref<1x128xi32, #tpu.memory_space<vmem>>
        %dma_wait3A_239 = tpu.memref_squeeze %dma_wait3A_238 : memref<1x128xi32, #tpu.memory_space<vmem>> -> memref<128xi32, #tpu.memory_space<vmem>>
        %dma_wait3A_240 = arith.constant 0 : i32
        %dma_wait3A_241 = arith.constant 0 : i32
        %dma_wait3A_242 = tpu.memref_slice %arg11[%dma_wait3A_240, %dma_wait3A_241] : memref<10112x128xf32, #tpu.memory_space<vmem_shared>> -> memref<10112x128xf32, #tpu.memory_space<vmem_shared>>
        tpu.wait_indirect_dma semaphore(%run_scoped3A_230 : memref<!tpu.dma_semaphore, #tpu.memory_space<semaphore_mem>>) src(%arg10 : memref<128x128xf32, #tpu.memory_space<vmem>>) dst(%dma_wait3A_242 : memref<10112x128xf32, #tpu.memory_space<vmem_shared>>)
        tpu.yield
      }) : () -> ()
    }
    %while3A_26 = arith.constant 1 : i32
    scf.for %while3A_28 = %while3A_24 to %while3A_20 step %while3A_26  : i32 {
      %mul3A_29 = arith.constant 16 : i32
      %mul3A_30 = arith.muli %while3A_28, %mul3A_29 : i32
      %add3A_31 = arith.addi %add3A_11, %mul3A_30 : i32
      "tpu.region"() ({
        %run_scoped3A_230 = tpu.sem_alloc : memref<!tpu.dma_semaphore, #tpu.memory_space<semaphore_mem>>
        %dma_start3A_231 = arith.constant 0 : i32
        %dma_start3A_232 = tpu.memref_slice %arg2[%add3A_31, %dma_start3A_231] : memref<5120x128xi32, #tpu.memory_space<hbm>> -> memref<16x128xi32, #tpu.memory_space<hbm>>
        %dma_start3A_233 = arith.constant 0 : i32
        %dma_start3A_234 = tpu.memref_slice %arg2[%add3A_31, %dma_start3A_233] : memref<5120x128xi32, #tpu.memory_space<hbm>> -> memref<16x128xi32, #tpu.memory_space<hbm>>
        tpu.enqueue_dma source(%dma_start3A_234 : memref<16x128xi32, #tpu.memory_space<hbm>>) target(%arg7 : memref<16x128xi32, #tpu.memory_space<vmem>>) target_semaphore(%run_scoped3A_230 : memref<!tpu.dma_semaphore, #tpu.memory_space<semaphore_mem>>)
        %dma_wait3A_235 = arith.constant 0 : i32
        %dma_wait3A_236 = tpu.memref_slice %arg2[%add3A_31, %dma_wait3A_235] : memref<5120x128xi32, #tpu.memory_space<hbm>> -> memref<16x128xi32, #tpu.memory_space<hbm>>
        %dma_wait3A_237 = arith.constant 0 : i32
        %dma_wait3A_238 = tpu.memref_slice %arg2[%add3A_31, %dma_wait3A_237] : memref<5120x128xi32, #tpu.memory_space<hbm>> -> memref<16x128xi32, #tpu.memory_space<hbm>>
        tpu.wait_dma2 semaphore(%run_scoped3A_230 : memref<!tpu.dma_semaphore, #tpu.memory_space<semaphore_mem>>) src(%dma_wait3A_238 : memref<16x128xi32, #tpu.memory_space<hbm>>) dst(%arg7 : memref<16x128xi32, #tpu.memory_space<vmem>>)
        tpu.yield
      }) : () -> ()
      %mul3A_32 = arith.constant 16 : i32
      %mul3A_33 = arith.muli %while3A_28, %mul3A_32 : i32
      %add3A_34 = arith.addi %add3A_11, %mul3A_33 : i32
      "tpu.region"() ({
        %run_scoped3A_230 = tpu.sem_alloc : memref<!tpu.dma_semaphore, #tpu.memory_space<semaphore_mem>>
        %dma_start3A_231 = arith.constant 0 : i32
        %dma_start3A_232 = tpu.memref_slice %arg3[%add3A_34, %dma_start3A_231] : memref<5120x128xi32, #tpu.memory_space<hbm>> -> memref<16x128xi32, #tpu.memory_space<hbm>>
        %dma_start3A_233 = arith.constant 0 : i32
        %dma_start3A_234 = tpu.memref_slice %arg3[%add3A_34, %dma_start3A_233] : memref<5120x128xi32, #tpu.memory_space<hbm>> -> memref<16x128xi32, #tpu.memory_space<hbm>>
        tpu.enqueue_dma source(%dma_start3A_234 : memref<16x128xi32, #tpu.memory_space<hbm>>) target(%arg8 : memref<16x128xi32, #tpu.memory_space<vmem>>) target_semaphore(%run_scoped3A_230 : memref<!tpu.dma_semaphore, #tpu.memory_space<semaphore_mem>>)
        %dma_wait3A_235 = arith.constant 0 : i32
        %dma_wait3A_236 = tpu.memref_slice %arg3[%add3A_34, %dma_wait3A_235] : memref<5120x128xi32, #tpu.memory_space<hbm>> -> memref<16x128xi32, #tpu.memory_space<hbm>>
        %dma_wait3A_237 = arith.constant 0 : i32
        %dma_wait3A_238 = tpu.memref_slice %arg3[%add3A_34, %dma_wait3A_237] : memref<5120x128xi32, #tpu.memory_space<hbm>> -> memref<16x128xi32, #tpu.memory_space<hbm>>
        tpu.wait_dma2 semaphore(%run_scoped3A_230 : memref<!tpu.dma_semaphore, #tpu.memory_space<semaphore_mem>>) src(%dma_wait3A_238 : memref<16x128xi32, #tpu.memory_space<hbm>>) dst(%arg8 : memref<16x128xi32, #tpu.memory_space<vmem>>)
        tpu.yield
      }) : () -> ()
      %dma_start3A = arith.constant 0 : i32
      %dma_start3A_35 = arith.constant 0 : i32
      %dma_start3A_36 = arith.constant 0 : i32
      %dma_start3A_37 = tpu.memref_slice %arg9[%dma_start3A_35, %dma_start3A_36] : memref<128x128xf32, #tpu.memory_space<vmem>> -> memref<32x128xf32, #tpu.memory_space<vmem>>
      %dma_start3A_38 = arith.constant 0 : i32
      %dma_start3A_39 = tpu.memref_slice %arg7[%dma_start3A, %dma_start3A_38] : memref<16x128xi32, #tpu.memory_space<vmem>> -> memref<1x128xi32, #tpu.memory_space<vmem>>
      %dma_start3A_40 = tpu.memref_squeeze %dma_start3A_39 : memref<1x128xi32, #tpu.memory_space<vmem>> -> memref<128xi32, #tpu.memory_space<vmem>>
      %dma_start3A_41 = arith.constant 0 : i32
      %dma_start3A_42 = tpu.memref_slice %dma_start3A_40[%dma_start3A_41] : memref<128xi32, #tpu.memory_space<vmem>> -> memref<32xi32, #tpu.memory_space<vmem>>
      %dma_start3A_43 = arith.constant 0 : i32
      %dma_start3A_44 = arith.constant 0 : i32
      %dma_start3A_45 = tpu.memref_slice %arg4[%dma_start3A_43, %dma_start3A_44] : memref<80000x128xf32, #tpu.memory_space<hbm>> -> memref<80000x128xf32, #tpu.memory_space<hbm>>
      tpu.enqueue_indirect_dma source(%dma_start3A_45 : memref<80000x128xf32, #tpu.memory_space<hbm>>) target(%dma_start3A_37 : memref<32x128xf32, #tpu.memory_space<vmem>>) offsets(%dma_start3A_42 : memref<32xi32, #tpu.memory_space<vmem>>) semaphore(%arg12 : memref<!tpu.dma_semaphore, #tpu.memory_space<semaphore_mem>>)
      %dma_start3A_46 = arith.constant 0 : i32
      %dma_start3A_47 = arith.constant 32 : i32
      %dma_start3A_48 = arith.constant 0 : i32
      %dma_start3A_49 = tpu.memref_slice %arg9[%dma_start3A_47, %dma_start3A_48] : memref<128x128xf32, #tpu.memory_space<vmem>> -> memref<32x128xf32, #tpu.memory_space<vmem>>
      %dma_start3A_50 = arith.constant 0 : i32
      %dma_start3A_51 = tpu.memref_slice %arg7[%dma_start3A_46, %dma_start3A_50] : memref<16x128xi32, #tpu.memory_space<vmem>> -> memref<1x128xi32, #tpu.memory_space<vmem>>
      %dma_start3A_52 = tpu.memref_squeeze %dma_start3A_51 : memref<1x128xi32, #tpu.memory_space<vmem>> -> memref<128xi32, #tpu.memory_space<vmem>>
      %dma_start3A_53 = arith.constant 32 : i32
      %dma_start3A_54 = tpu.memref_slice %dma_start3A_52[%dma_start3A_53] : memref<128xi32, #tpu.memory_space<vmem>> -> memref<32xi32, #tpu.memory_space<vmem>>
      %dma_start3A_55 = arith.constant 0 : i32
      %dma_start3A_56 = arith.constant 0 : i32
      %dma_start3A_57 = tpu.memref_slice %arg4[%dma_start3A_55, %dma_start3A_56] : memref<80000x128xf32, #tpu.memory_space<hbm>> -> memref<80000x128xf32, #tpu.memory_space<hbm>>
      tpu.enqueue_indirect_dma source(%dma_start3A_57 : memref<80000x128xf32, #tpu.memory_space<hbm>>) target(%dma_start3A_49 : memref<32x128xf32, #tpu.memory_space<vmem>>) offsets(%dma_start3A_54 : memref<32xi32, #tpu.memory_space<vmem>>) semaphore(%arg12 : memref<!tpu.dma_semaphore, #tpu.memory_space<semaphore_mem>>)
      %dma_start3A_58 = arith.constant 0 : i32
      %dma_start3A_59 = arith.constant 64 : i32
      %dma_start3A_60 = arith.constant 0 : i32
      %dma_start3A_61 = tpu.memref_slice %arg9[%dma_start3A_59, %dma_start3A_60] : memref<128x128xf32, #tpu.memory_space<vmem>> -> memref<32x128xf32, #tpu.memory_space<vmem>>
      %dma_start3A_62 = arith.constant 0 : i32
      %dma_start3A_63 = tpu.memref_slice %arg7[%dma_start3A_58, %dma_start3A_62] : memref<16x128xi32, #tpu.memory_space<vmem>> -> memref<1x128xi32, #tpu.memory_space<vmem>>
      %dma_start3A_64 = tpu.memref_squeeze %dma_start3A_63 : memref<1x128xi32, #tpu.memory_space<vmem>> -> memref<128xi32, #tpu.memory_space<vmem>>
      %dma_start3A_65 = arith.constant 64 : i32
      %dma_start3A_66 = tpu.memref_slice %dma_start3A_64[%dma_start3A_65] : memref<128xi32, #tpu.memory_space<vmem>> -> memref<32xi32, #tpu.memory_space<vmem>>
      %dma_start3A_67 = arith.constant 0 : i32
      %dma_start3A_68 = arith.constant 0 : i32
      %dma_start3A_69 = tpu.memref_slice %arg4[%dma_start3A_67, %dma_start3A_68] : memref<80000x128xf32, #tpu.memory_space<hbm>> -> memref<80000x128xf32, #tpu.memory_space<hbm>>
      tpu.enqueue_indirect_dma source(%dma_start3A_69 : memref<80000x128xf32, #tpu.memory_space<hbm>>) target(%dma_start3A_61 : memref<32x128xf32, #tpu.memory_space<vmem>>) offsets(%dma_start3A_66 : memref<32xi32, #tpu.memory_space<vmem>>) semaphore(%arg12 : memref<!tpu.dma_semaphore, #tpu.memory_space<semaphore_mem>>)
      %dma_start3A_70 = arith.constant 0 : i32
      %dma_start3A_71 = arith.constant 96 : i32
      %dma_start3A_72 = arith.constant 0 : i32
      %dma_start3A_73 = tpu.memref_slice %arg9[%dma_start3A_71, %dma_start3A_72] : memref<128x128xf32, #tpu.memory_space<vmem>> -> memref<32x128xf32, #tpu.memory_space<vmem>>
      %dma_start3A_74 = arith.constant 0 : i32
      %dma_start3A_75 = tpu.memref_slice %arg7[%dma_start3A_70, %dma_start3A_74] : memref<16x128xi32, #tpu.memory_space<vmem>> -> memref<1x128xi32, #tpu.memory_space<vmem>>
      %dma_start3A_76 = tpu.memref_squeeze %dma_start3A_75 : memref<1x128xi32, #tpu.memory_space<vmem>> -> memref<128xi32, #tpu.memory_space<vmem>>
      %dma_start3A_77 = arith.constant 96 : i32
      %dma_start3A_78 = tpu.memref_slice %dma_start3A_76[%dma_start3A_77] : memref<128xi32, #tpu.memory_space<vmem>> -> memref<32xi32, #tpu.memory_space<vmem>>
      %dma_start3A_79 = arith.constant 0 : i32
      %dma_start3A_80 = arith.constant 0 : i32
      %dma_start3A_81 = tpu.memref_slice %arg4[%dma_start3A_79, %dma_start3A_80] : memref<80000x128xf32, #tpu.memory_space<hbm>> -> memref<80000x128xf32, #tpu.memory_space<hbm>>
      tpu.enqueue_indirect_dma source(%dma_start3A_81 : memref<80000x128xf32, #tpu.memory_space<hbm>>) target(%dma_start3A_73 : memref<32x128xf32, #tpu.memory_space<vmem>>) offsets(%dma_start3A_78 : memref<32xi32, #tpu.memory_space<vmem>>) semaphore(%arg12 : memref<!tpu.dma_semaphore, #tpu.memory_space<semaphore_mem>>)
      %dma_start3A_82 = arith.constant 1 : i32
      %dma_start3A_83 = arith.constant 0 : i32
      %dma_start3A_84 = arith.constant 0 : i32
      %dma_start3A_85 = tpu.memref_slice %arg10[%dma_start3A_83, %dma_start3A_84] : memref<128x128xf32, #tpu.memory_space<vmem>> -> memref<32x128xf32, #tpu.memory_space<vmem>>
      %dma_start3A_86 = arith.constant 0 : i32
      %dma_start3A_87 = tpu.memref_slice %arg7[%dma_start3A_82, %dma_start3A_86] : memref<16x128xi32, #tpu.memory_space<vmem>> -> memref<1x128xi32, #tpu.memory_space<vmem>>
      %dma_start3A_88 = tpu.memref_squeeze %dma_start3A_87 : memref<1x128xi32, #tpu.memory_space<vmem>> -> memref<128xi32, #tpu.memory_space<vmem>>
      %dma_start3A_89 = arith.constant 0 : i32
      %dma_start3A_90 = tpu.memref_slice %dma_start3A_88[%dma_start3A_89] : memref<128xi32, #tpu.memory_space<vmem>> -> memref<32xi32, #tpu.memory_space<vmem>>
      %dma_start3A_91 = arith.constant 0 : i32
      %dma_start3A_92 = arith.constant 0 : i32
      %dma_start3A_93 = tpu.memref_slice %arg4[%dma_start3A_91, %dma_start3A_92] : memref<80000x128xf32, #tpu.memory_space<hbm>> -> memref<80000x128xf32, #tpu.memory_space<hbm>>
      tpu.enqueue_indirect_dma source(%dma_start3A_93 : memref<80000x128xf32, #tpu.memory_space<hbm>>) target(%dma_start3A_85 : memref<32x128xf32, #tpu.memory_space<vmem>>) offsets(%dma_start3A_90 : memref<32xi32, #tpu.memory_space<vmem>>) semaphore(%arg13 : memref<!tpu.dma_semaphore, #tpu.memory_space<semaphore_mem>>)
      %dma_start3A_94 = arith.constant 1 : i32
      %dma_start3A_95 = arith.constant 32 : i32
      %dma_start3A_96 = arith.constant 0 : i32
      %dma_start3A_97 = tpu.memref_slice %arg10[%dma_start3A_95, %dma_start3A_96] : memref<128x128xf32, #tpu.memory_space<vmem>> -> memref<32x128xf32, #tpu.memory_space<vmem>>
      %dma_start3A_98 = arith.constant 0 : i32
      %dma_start3A_99 = tpu.memref_slice %arg7[%dma_start3A_94, %dma_start3A_98] : memref<16x128xi32, #tpu.memory_space<vmem>> -> memref<1x128xi32, #tpu.memory_space<vmem>>
      %dma_start3A_100 = tpu.memref_squeeze %dma_start3A_99 : memref<1x128xi32, #tpu.memory_space<vmem>> -> memref<128xi32, #tpu.memory_space<vmem>>
      %dma_start3A_101 = arith.constant 32 : i32
      %dma_start3A_102 = tpu.memref_slice %dma_start3A_100[%dma_start3A_101] : memref<128xi32, #tpu.memory_space<vmem>> -> memref<32xi32, #tpu.memory_space<vmem>>
      %dma_start3A_103 = arith.constant 0 : i32
      %dma_start3A_104 = arith.constant 0 : i32
      %dma_start3A_105 = tpu.memref_slice %arg4[%dma_start3A_103, %dma_start3A_104] : memref<80000x128xf32, #tpu.memory_space<hbm>> -> memref<80000x128xf32, #tpu.memory_space<hbm>>
      tpu.enqueue_indirect_dma source(%dma_start3A_105 : memref<80000x128xf32, #tpu.memory_space<hbm>>) target(%dma_start3A_97 : memref<32x128xf32, #tpu.memory_space<vmem>>) offsets(%dma_start3A_102 : memref<32xi32, #tpu.memory_space<vmem>>) semaphore(%arg13 : memref<!tpu.dma_semaphore, #tpu.memory_space<semaphore_mem>>)
      %dma_start3A_106 = arith.constant 1 : i32
      %dma_start3A_107 = arith.constant 64 : i32
      %dma_start3A_108 = arith.constant 0 : i32
      %dma_start3A_109 = tpu.memref_slice %arg10[%dma_start3A_107, %dma_start3A_108] : memref<128x128xf32, #tpu.memory_space<vmem>> -> memref<32x128xf32, #tpu.memory_space<vmem>>
      %dma_start3A_110 = arith.constant 0 : i32
      %dma_start3A_111 = tpu.memref_slice %arg7[%dma_start3A_106, %dma_start3A_110] : memref<16x128xi32, #tpu.memory_space<vmem>> -> memref<1x128xi32, #tpu.memory_space<vmem>>
      %dma_start3A_112 = tpu.memref_squeeze %dma_start3A_111 : memref<1x128xi32, #tpu.memory_space<vmem>> -> memref<128xi32, #tpu.memory_space<vmem>>
      %dma_start3A_113 = arith.constant 64 : i32
      %dma_start3A_114 = tpu.memref_slice %dma_start3A_112[%dma_start3A_113] : memref<128xi32, #tpu.memory_space<vmem>> -> memref<32xi32, #tpu.memory_space<vmem>>
      %dma_start3A_115 = arith.constant 0 : i32
      %dma_start3A_116 = arith.constant 0 : i32
      %dma_start3A_117 = tpu.memref_slice %arg4[%dma_start3A_115, %dma_start3A_116] : memref<80000x128xf32, #tpu.memory_space<hbm>> -> memref<80000x128xf32, #tpu.memory_space<hbm>>
      tpu.enqueue_indirect_dma source(%dma_start3A_117 : memref<80000x128xf32, #tpu.memory_space<hbm>>) target(%dma_start3A_109 : memref<32x128xf32, #tpu.memory_space<vmem>>) offsets(%dma_start3A_114 : memref<32xi32, #tpu.memory_space<vmem>>) semaphore(%arg13 : memref<!tpu.dma_semaphore, #tpu.memory_space<semaphore_mem>>)
      %dma_start3A_118 = arith.constant 1 : i32
      %dma_start3A_119 = arith.constant 96 : i32
      %dma_start3A_120 = arith.constant 0 : i32
      %dma_start3A_121 = tpu.memref_slice %arg10[%dma_start3A_119, %dma_start3A_120] : memref<128x128xf32, #tpu.memory_space<vmem>> -> memref<32x128xf32, #tpu.memory_space<vmem>>
      %dma_start3A_122 = arith.constant 0 : i32
      %dma_start3A_123 = tpu.memref_slice %arg7[%dma_start3A_118, %dma_start3A_122] : memref<16x128xi32, #tpu.memory_space<vmem>> -> memref<1x128xi32, #tpu.memory_space<vmem>>
      %dma_start3A_124 = tpu.memref_squeeze %dma_start3A_123 : memref<1x128xi32, #tpu.memory_space<vmem>> -> memref<128xi32, #tpu.memory_space<vmem>>
      %dma_start3A_125 = arith.constant 96 : i32
      %dma_start3A_126 = tpu.memref_slice %dma_start3A_124[%dma_start3A_125] : memref<128xi32, #tpu.memory_space<vmem>> -> memref<32xi32, #tpu.memory_space<vmem>>
      %dma_start3A_127 = arith.constant 0 : i32
      %dma_start3A_128 = arith.constant 0 : i32
      %dma_start3A_129 = tpu.memref_slice %arg4[%dma_start3A_127, %dma_start3A_128] : memref<80000x128xf32, #tpu.memory_space<hbm>> -> memref<80000x128xf32, #tpu.memory_space<hbm>>
      tpu.enqueue_indirect_dma source(%dma_start3A_129 : memref<80000x128xf32, #tpu.memory_space<hbm>>) target(%dma_start3A_121 : memref<32x128xf32, #tpu.memory_space<vmem>>) offsets(%dma_start3A_126 : memref<32xi32, #tpu.memory_space<vmem>>) semaphore(%arg13 : memref<!tpu.dma_semaphore, #tpu.memory_space<semaphore_mem>>)
      %scan3A = arith.constant 0 : i32
      %scan3A_130 = arith.constant 7 : i32
      %scan3A_131 = arith.addi %scan3A, %scan3A_130 : i32
      %scan3A_132 = arith.constant 1 : i32
      scf.for %scan3A_230 = %scan3A to %scan3A_131 step %scan3A_132  : i32 {
        %mul3A_231 = arith.constant 2 : i32
        %mul3A_232 = arith.muli %mul3A_231, %scan3A_230 : i32
        %dma_wait3A_233 = arith.constant 0 : i32
        %dma_wait3A_234 = arith.constant 0 : i32
        %dma_wait3A_235 = tpu.memref_slice %arg9[%dma_wait3A_233, %dma_wait3A_234] : memref<128x128xf32, #tpu.memory_space<vmem>> -> memref<32x128xf32, #tpu.memory_space<vmem>>
        %dma_wait3A_236 = arith.constant 0 : i32
        %dma_wait3A_237 = tpu.memref_slice %arg7[%mul3A_232, %dma_wait3A_236] : memref<16x128xi32, #tpu.memory_space<vmem>> -> memref<1x128xi32, #tpu.memory_space<vmem>>
        %dma_wait3A_238 = tpu.memref_squeeze %dma_wait3A_237 : memref<1x128xi32, #tpu.memory_space<vmem>> -> memref<128xi32, #tpu.memory_space<vmem>>
        %dma_wait3A_239 = arith.constant 0 : i32
        %dma_wait3A_240 = tpu.memref_slice %dma_wait3A_238[%dma_wait3A_239] : memref<128xi32, #tpu.memory_space<vmem>> -> memref<32xi32, #tpu.memory_space<vmem>>
        %dma_wait3A_241 = arith.constant 0 : i32
        %dma_wait3A_242 = arith.constant 0 : i32
        %dma_wait3A_243 = tpu.memref_slice %arg4[%dma_wait3A_241, %dma_wait3A_242] : memref<80000x128xf32, #tpu.memory_space<hbm>> -> memref<80000x128xf32, #tpu.memory_space<hbm>>
        tpu.wait_indirect_dma semaphore(%arg12 : memref<!tpu.dma_semaphore, #tpu.memory_space<semaphore_mem>>) src(%dma_wait3A_243 : memref<80000x128xf32, #tpu.memory_space<hbm>>) dst(%dma_wait3A_235 : memref<32x128xf32, #tpu.memory_space<vmem>>)
        %dma_wait3A_244 = arith.constant 32 : i32
        %dma_wait3A_245 = arith.constant 0 : i32
        %dma_wait3A_246 = tpu.memref_slice %arg9[%dma_wait3A_244, %dma_wait3A_245] : memref<128x128xf32, #tpu.memory_space<vmem>> -> memref<32x128xf32, #tpu.memory_space<vmem>>
        %dma_wait3A_247 = arith.constant 0 : i32
        %dma_wait3A_248 = tpu.memref_slice %arg7[%mul3A_232, %dma_wait3A_247] : memref<16x128xi32, #tpu.memory_space<vmem>> -> memref<1x128xi32, #tpu.memory_space<vmem>>
        %dma_wait3A_249 = tpu.memref_squeeze %dma_wait3A_248 : memref<1x128xi32, #tpu.memory_space<vmem>> -> memref<128xi32, #tpu.memory_space<vmem>>
        %dma_wait3A_250 = arith.constant 32 : i32
        %dma_wait3A_251 = tpu.memref_slice %dma_wait3A_249[%dma_wait3A_250] : memref<128xi32, #tpu.memory_space<vmem>> -> memref<32xi32, #tpu.memory_space<vmem>>
        %dma_wait3A_252 = arith.constant 0 : i32
        %dma_wait3A_253 = arith.constant 0 : i32
        %dma_wait3A_254 = tpu.memref_slice %arg4[%dma_wait3A_252, %dma_wait3A_253] : memref<80000x128xf32, #tpu.memory_space<hbm>> -> memref<80000x128xf32, #tpu.memory_space<hbm>>
        tpu.wait_indirect_dma semaphore(%arg12 : memref<!tpu.dma_semaphore, #tpu.memory_space<semaphore_mem>>) src(%dma_wait3A_254 : memref<80000x128xf32, #tpu.memory_space<hbm>>) dst(%dma_wait3A_246 : memref<32x128xf32, #tpu.memory_space<vmem>>)
        %dma_wait3A_255 = arith.constant 64 : i32
        %dma_wait3A_256 = arith.constant 0 : i32
        %dma_wait3A_257 = tpu.memref_slice %arg9[%dma_wait3A_255, %dma_wait3A_256] : memref<128x128xf32, #tpu.memory_space<vmem>> -> memref<32x128xf32, #tpu.memory_space<vmem>>
        %dma_wait3A_258 = arith.constant 0 : i32
        %dma_wait3A_259 = tpu.memref_slice %arg7[%mul3A_232, %dma_wait3A_258] : memref<16x128xi32, #tpu.memory_space<vmem>> -> memref<1x128xi32, #tpu.memory_space<vmem>>
        %dma_wait3A_260 = tpu.memref_squeeze %dma_wait3A_259 : memref<1x128xi32, #tpu.memory_space<vmem>> -> memref<128xi32, #tpu.memory_space<vmem>>
        %dma_wait3A_261 = arith.constant 64 : i32
        %dma_wait3A_262 = tpu.memref_slice %dma_wait3A_260[%dma_wait3A_261] : memref<128xi32, #tpu.memory_space<vmem>> -> memref<32xi32, #tpu.memory_space<vmem>>
        %dma_wait3A_263 = arith.constant 0 : i32
        %dma_wait3A_264 = arith.constant 0 : i32
        %dma_wait3A_265 = tpu.memref_slice %arg4[%dma_wait3A_263, %dma_wait3A_264] : memref<80000x128xf32, #tpu.memory_space<hbm>> -> memref<80000x128xf32, #tpu.memory_space<hbm>>
        tpu.wait_indirect_dma semaphore(%arg12 : memref<!tpu.dma_semaphore, #tpu.memory_space<semaphore_mem>>) src(%dma_wait3A_265 : memref<80000x128xf32, #tpu.memory_space<hbm>>) dst(%dma_wait3A_257 : memref<32x128xf32, #tpu.memory_space<vmem>>)
        %dma_wait3A_266 = arith.constant 96 : i32
        %dma_wait3A_267 = arith.constant 0 : i32
        %dma_wait3A_268 = tpu.memref_slice %arg9[%dma_wait3A_266, %dma_wait3A_267] : memref<128x128xf32, #tpu.memory_space<vmem>> -> memref<32x128xf32, #tpu.memory_space<vmem>>
        %dma_wait3A_269 = arith.constant 0 : i32
        %dma_wait3A_270 = tpu.memref_slice %arg7[%mul3A_232, %dma_wait3A_269] : memref<16x128xi32, #tpu.memory_space<vmem>> -> memref<1x128xi32, #tpu.memory_space<vmem>>
        %dma_wait3A_271 = tpu.memref_squeeze %dma_wait3A_270 : memref<1x128xi32, #tpu.memory_space<vmem>> -> memref<128xi32, #tpu.memory_space<vmem>>
        %dma_wait3A_272 = arith.constant 96 : i32
        %dma_wait3A_273 = tpu.memref_slice %dma_wait3A_271[%dma_wait3A_272] : memref<128xi32, #tpu.memory_space<vmem>> -> memref<32xi32, #tpu.memory_space<vmem>>
        %dma_wait3A_274 = arith.constant 0 : i32
        %dma_wait3A_275 = arith.constant 0 : i32
        %dma_wait3A_276 = tpu.memref_slice %arg4[%dma_wait3A_274, %dma_wait3A_275] : memref<80000x128xf32, #tpu.memory_space<hbm>> -> memref<80000x128xf32, #tpu.memory_space<hbm>>
        tpu.wait_indirect_dma semaphore(%arg12 : memref<!tpu.dma_semaphore, #tpu.memory_space<semaphore_mem>>) src(%dma_wait3A_276 : memref<80000x128xf32, #tpu.memory_space<hbm>>) dst(%dma_wait3A_268 : memref<32x128xf32, #tpu.memory_space<vmem>>)
        %dma_start3A_277 = arith.constant 0 : i32
        %dma_start3A_278 = tpu.memref_slice %arg8[%mul3A_232, %dma_start3A_277] : memref<16x128xi32, #tpu.memory_space<vmem>> -> memref<1x128xi32, #tpu.memory_space<vmem>>
        %dma_start3A_279 = tpu.memref_squeeze %dma_start3A_278 : memref<1x128xi32, #tpu.memory_space<vmem>> -> memref<128xi32, #tpu.memory_space<vmem>>
        %dma_start3A_280 = arith.constant 0 : i32
        %dma_start3A_281 = arith.constant 0 : i32
        %dma_start3A_282 = tpu.memref_slice %arg11[%dma_start3A_280, %dma_start3A_281] : memref<10112x128xf32, #tpu.memory_space<vmem_shared>> -> memref<10112x128xf32, #tpu.memory_space<vmem_shared>>
        tpu.enqueue_indirect_dma source(%arg9 : memref<128x128xf32, #tpu.memory_space<vmem>>) target(%dma_start3A_282 : memref<10112x128xf32, #tpu.memory_space<vmem_shared>>) offsets(%dma_start3A_279 : memref<128xi32, #tpu.memory_space<vmem>>) semaphore(%arg14 : memref<!tpu.dma_semaphore, #tpu.memory_space<semaphore_mem>>) {add = true}
        %dma_wait3A_283 = arith.constant 0 : i32
        %dma_wait3A_284 = tpu.memref_slice %arg8[%mul3A_232, %dma_wait3A_283] : memref<16x128xi32, #tpu.memory_space<vmem>> -> memref<1x128xi32, #tpu.memory_space<vmem>>
        %dma_wait3A_285 = tpu.memref_squeeze %dma_wait3A_284 : memref<1x128xi32, #tpu.memory_space<vmem>> -> memref<128xi32, #tpu.memory_space<vmem>>
        %dma_wait3A_286 = arith.constant 0 : i32
        %dma_wait3A_287 = arith.constant 0 : i32
        %dma_wait3A_288 = tpu.memref_slice %arg11[%dma_wait3A_286, %dma_wait3A_287] : memref<10112x128xf32, #tpu.memory_space<vmem_shared>> -> memref<10112x128xf32, #tpu.memory_space<vmem_shared>>
        tpu.wait_indirect_dma semaphore(%arg14 : memref<!tpu.dma_semaphore, #tpu.memory_space<semaphore_mem>>) src(%arg9 : memref<128x128xf32, #tpu.memory_space<vmem>>) dst(%dma_wait3A_288 : memref<10112x128xf32, #tpu.memory_space<vmem_shared>>)
        %add3A_289 = arith.constant 2 : i32
        %add3A_290 = arith.addi %mul3A_232, %add3A_289 : i32
        %dma_start3A_291 = arith.constant 0 : i32
        %dma_start3A_292 = arith.constant 0 : i32
        %dma_start3A_293 = tpu.memref_slice %arg9[%dma_start3A_291, %dma_start3A_292] : memref<128x128xf32, #tpu.memory_space<vmem>> -> memref<32x128xf32, #tpu.memory_space<vmem>>
        %dma_start3A_294 = arith.constant 0 : i32
        %dma_start3A_295 = tpu.memref_slice %arg7[%add3A_290, %dma_start3A_294] : memref<16x128xi32, #tpu.memory_space<vmem>> -> memref<1x128xi32, #tpu.memory_space<vmem>>
        %dma_start3A_296 = tpu.memref_squeeze %dma_start3A_295 : memref<1x128xi32, #tpu.memory_space<vmem>> -> memref<128xi32, #tpu.memory_space<vmem>>
        %dma_start3A_297 = arith.constant 0 : i32
        %dma_start3A_298 = tpu.memref_slice %dma_start3A_296[%dma_start3A_297] : memref<128xi32, #tpu.memory_space<vmem>> -> memref<32xi32, #tpu.memory_space<vmem>>
        %dma_start3A_299 = arith.constant 0 : i32
        %dma_start3A_300 = arith.constant 0 : i32
        %dma_start3A_301 = tpu.memref_slice %arg4[%dma_start3A_299, %dma_start3A_300] : memref<80000x128xf32, #tpu.memory_space<hbm>> -> memref<80000x128xf32, #tpu.memory_space<hbm>>
        tpu.enqueue_indirect_dma source(%dma_start3A_301 : memref<80000x128xf32, #tpu.memory_space<hbm>>) target(%dma_start3A_293 : memref<32x128xf32, #tpu.memory_space<vmem>>) offsets(%dma_start3A_298 : memref<32xi32, #tpu.memory_space<vmem>>) semaphore(%arg12 : memref<!tpu.dma_semaphore, #tpu.memory_space<semaphore_mem>>)
        %dma_start3A_302 = arith.constant 32 : i32
        %dma_start3A_303 = arith.constant 0 : i32
        %dma_start3A_304 = tpu.memref_slice %arg9[%dma_start3A_302, %dma_start3A_303] : memref<128x128xf32, #tpu.memory_space<vmem>> -> memref<32x128xf32, #tpu.memory_space<vmem>>
        %dma_start3A_305 = arith.constant 0 : i32
        %dma_start3A_306 = tpu.memref_slice %arg7[%add3A_290, %dma_start3A_305] : memref<16x128xi32, #tpu.memory_space<vmem>> -> memref<1x128xi32, #tpu.memory_space<vmem>>
        %dma_start3A_307 = tpu.memref_squeeze %dma_start3A_306 : memref<1x128xi32, #tpu.memory_space<vmem>> -> memref<128xi32, #tpu.memory_space<vmem>>
        %dma_start3A_308 = arith.constant 32 : i32
        %dma_start3A_309 = tpu.memref_slice %dma_start3A_307[%dma_start3A_308] : memref<128xi32, #tpu.memory_space<vmem>> -> memref<32xi32, #tpu.memory_space<vmem>>
        %dma_start3A_310 = arith.constant 0 : i32
        %dma_start3A_311 = arith.constant 0 : i32
        %dma_start3A_312 = tpu.memref_slice %arg4[%dma_start3A_310, %dma_start3A_311] : memref<80000x128xf32, #tpu.memory_space<hbm>> -> memref<80000x128xf32, #tpu.memory_space<hbm>>
        tpu.enqueue_indirect_dma source(%dma_start3A_312 : memref<80000x128xf32, #tpu.memory_space<hbm>>) target(%dma_start3A_304 : memref<32x128xf32, #tpu.memory_space<vmem>>) offsets(%dma_start3A_309 : memref<32xi32, #tpu.memory_space<vmem>>) semaphore(%arg12 : memref<!tpu.dma_semaphore, #tpu.memory_space<semaphore_mem>>)
        %dma_start3A_313 = arith.constant 64 : i32
        %dma_start3A_314 = arith.constant 0 : i32
        %dma_start3A_315 = tpu.memref_slice %arg9[%dma_start3A_313, %dma_start3A_314] : memref<128x128xf32, #tpu.memory_space<vmem>> -> memref<32x128xf32, #tpu.memory_space<vmem>>
        %dma_start3A_316 = arith.constant 0 : i32
        %dma_start3A_317 = tpu.memref_slice %arg7[%add3A_290, %dma_start3A_316] : memref<16x128xi32, #tpu.memory_space<vmem>> -> memref<1x128xi32, #tpu.memory_space<vmem>>
        %dma_start3A_318 = tpu.memref_squeeze %dma_start3A_317 : memref<1x128xi32, #tpu.memory_space<vmem>> -> memref<128xi32, #tpu.memory_space<vmem>>
        %dma_start3A_319 = arith.constant 64 : i32
        %dma_start3A_320 = tpu.memref_slice %dma_start3A_318[%dma_start3A_319] : memref<128xi32, #tpu.memory_space<vmem>> -> memref<32xi32, #tpu.memory_space<vmem>>
        %dma_start3A_321 = arith.constant 0 : i32
        %dma_start3A_322 = arith.constant 0 : i32
        %dma_start3A_323 = tpu.memref_slice %arg4[%dma_start3A_321, %dma_start3A_322] : memref<80000x128xf32, #tpu.memory_space<hbm>> -> memref<80000x128xf32, #tpu.memory_space<hbm>>
        tpu.enqueue_indirect_dma source(%dma_start3A_323 : memref<80000x128xf32, #tpu.memory_space<hbm>>) target(%dma_start3A_315 : memref<32x128xf32, #tpu.memory_space<vmem>>) offsets(%dma_start3A_320 : memref<32xi32, #tpu.memory_space<vmem>>) semaphore(%arg12 : memref<!tpu.dma_semaphore, #tpu.memory_space<semaphore_mem>>)
        %dma_start3A_324 = arith.constant 96 : i32
        %dma_start3A_325 = arith.constant 0 : i32
        %dma_start3A_326 = tpu.memref_slice %arg9[%dma_start3A_324, %dma_start3A_325] : memref<128x128xf32, #tpu.memory_space<vmem>> -> memref<32x128xf32, #tpu.memory_space<vmem>>
        %dma_start3A_327 = arith.constant 0 : i32
        %dma_start3A_328 = tpu.memref_slice %arg7[%add3A_290, %dma_start3A_327] : memref<16x128xi32, #tpu.memory_space<vmem>> -> memref<1x128xi32, #tpu.memory_space<vmem>>
        %dma_start3A_329 = tpu.memref_squeeze %dma_start3A_328 : memref<1x128xi32, #tpu.memory_space<vmem>> -> memref<128xi32, #tpu.memory_space<vmem>>
        %dma_start3A_330 = arith.constant 96 : i32
        %dma_start3A_331 = tpu.memref_slice %dma_start3A_329[%dma_start3A_330] : memref<128xi32, #tpu.memory_space<vmem>> -> memref<32xi32, #tpu.memory_space<vmem>>
        %dma_start3A_332 = arith.constant 0 : i32
        %dma_start3A_333 = arith.constant 0 : i32
        %dma_start3A_334 = tpu.memref_slice %arg4[%dma_start3A_332, %dma_start3A_333] : memref<80000x128xf32, #tpu.memory_space<hbm>> -> memref<80000x128xf32, #tpu.memory_space<hbm>>
        tpu.enqueue_indirect_dma source(%dma_start3A_334 : memref<80000x128xf32, #tpu.memory_space<hbm>>) target(%dma_start3A_326 : memref<32x128xf32, #tpu.memory_space<vmem>>) offsets(%dma_start3A_331 : memref<32xi32, #tpu.memory_space<vmem>>) semaphore(%arg12 : memref<!tpu.dma_semaphore, #tpu.memory_space<semaphore_mem>>)
        %add3A_335 = arith.constant 1 : i32
        %add3A_336 = arith.addi %mul3A_232, %add3A_335 : i32
        %dma_wait3A_337 = arith.constant 0 : i32
        %dma_wait3A_338 = arith.constant 0 : i32
        %dma_wait3A_339 = tpu.memref_slice %arg10[%dma_wait3A_337, %dma_wait3A_338] : memref<128x128xf32, #tpu.memory_space<vmem>> -> memref<32x128xf32, #tpu.memory_space<vmem>>
        %dma_wait3A_340 = arith.constant 0 : i32
        %dma_wait3A_341 = tpu.memref_slice %arg7[%add3A_336, %dma_wait3A_340] : memref<16x128xi32, #tpu.memory_space<vmem>> -> memref<1x128xi32, #tpu.memory_space<vmem>>
        %dma_wait3A_342 = tpu.memref_squeeze %dma_wait3A_341 : memref<1x128xi32, #tpu.memory_space<vmem>> -> memref<128xi32, #tpu.memory_space<vmem>>
        %dma_wait3A_343 = arith.constant 0 : i32
        %dma_wait3A_344 = tpu.memref_slice %dma_wait3A_342[%dma_wait3A_343] : memref<128xi32, #tpu.memory_space<vmem>> -> memref<32xi32, #tpu.memory_space<vmem>>
        %dma_wait3A_345 = arith.constant 0 : i32
        %dma_wait3A_346 = arith.constant 0 : i32
        %dma_wait3A_347 = tpu.memref_slice %arg4[%dma_wait3A_345, %dma_wait3A_346] : memref<80000x128xf32, #tpu.memory_space<hbm>> -> memref<80000x128xf32, #tpu.memory_space<hbm>>
        tpu.wait_indirect_dma semaphore(%arg13 : memref<!tpu.dma_semaphore, #tpu.memory_space<semaphore_mem>>) src(%dma_wait3A_347 : memref<80000x128xf32, #tpu.memory_space<hbm>>) dst(%dma_wait3A_339 : memref<32x128xf32, #tpu.memory_space<vmem>>)
        %dma_wait3A_348 = arith.constant 32 : i32
        %dma_wait3A_349 = arith.constant 0 : i32
        %dma_wait3A_350 = tpu.memref_slice %arg10[%dma_wait3A_348, %dma_wait3A_349] : memref<128x128xf32, #tpu.memory_space<vmem>> -> memref<32x128xf32, #tpu.memory_space<vmem>>
        %dma_wait3A_351 = arith.constant 0 : i32
        %dma_wait3A_352 = tpu.memref_slice %arg7[%add3A_336, %dma_wait3A_351] : memref<16x128xi32, #tpu.memory_space<vmem>> -> memref<1x128xi32, #tpu.memory_space<vmem>>
        %dma_wait3A_353 = tpu.memref_squeeze %dma_wait3A_352 : memref<1x128xi32, #tpu.memory_space<vmem>> -> memref<128xi32, #tpu.memory_space<vmem>>
        %dma_wait3A_354 = arith.constant 32 : i32
        %dma_wait3A_355 = tpu.memref_slice %dma_wait3A_353[%dma_wait3A_354] : memref<128xi32, #tpu.memory_space<vmem>> -> memref<32xi32, #tpu.memory_space<vmem>>
        %dma_wait3A_356 = arith.constant 0 : i32
        %dma_wait3A_357 = arith.constant 0 : i32
        %dma_wait3A_358 = tpu.memref_slice %arg4[%dma_wait3A_356, %dma_wait3A_357] : memref<80000x128xf32, #tpu.memory_space<hbm>> -> memref<80000x128xf32, #tpu.memory_space<hbm>>
        tpu.wait_indirect_dma semaphore(%arg13 : memref<!tpu.dma_semaphore, #tpu.memory_space<semaphore_mem>>) src(%dma_wait3A_358 : memref<80000x128xf32, #tpu.memory_space<hbm>>) dst(%dma_wait3A_350 : memref<32x128xf32, #tpu.memory_space<vmem>>)
        %dma_wait3A_359 = arith.constant 64 : i32
        %dma_wait3A_360 = arith.constant 0 : i32
        %dma_wait3A_361 = tpu.memref_slice %arg10[%dma_wait3A_359, %dma_wait3A_360] : memref<128x128xf32, #tpu.memory_space<vmem>> -> memref<32x128xf32, #tpu.memory_space<vmem>>
        %dma_wait3A_362 = arith.constant 0 : i32
        %dma_wait3A_363 = tpu.memref_slice %arg7[%add3A_336, %dma_wait3A_362] : memref<16x128xi32, #tpu.memory_space<vmem>> -> memref<1x128xi32, #tpu.memory_space<vmem>>
        %dma_wait3A_364 = tpu.memref_squeeze %dma_wait3A_363 : memref<1x128xi32, #tpu.memory_space<vmem>> -> memref<128xi32, #tpu.memory_space<vmem>>
        %dma_wait3A_365 = arith.constant 64 : i32
        %dma_wait3A_366 = tpu.memref_slice %dma_wait3A_364[%dma_wait3A_365] : memref<128xi32, #tpu.memory_space<vmem>> -> memref<32xi32, #tpu.memory_space<vmem>>
        %dma_wait3A_367 = arith.constant 0 : i32
        %dma_wait3A_368 = arith.constant 0 : i32
        %dma_wait3A_369 = tpu.memref_slice %arg4[%dma_wait3A_367, %dma_wait3A_368] : memref<80000x128xf32, #tpu.memory_space<hbm>> -> memref<80000x128xf32, #tpu.memory_space<hbm>>
        tpu.wait_indirect_dma semaphore(%arg13 : memref<!tpu.dma_semaphore, #tpu.memory_space<semaphore_mem>>) src(%dma_wait3A_369 : memref<80000x128xf32, #tpu.memory_space<hbm>>) dst(%dma_wait3A_361 : memref<32x128xf32, #tpu.memory_space<vmem>>)
        %dma_wait3A_370 = arith.constant 96 : i32
        %dma_wait3A_371 = arith.constant 0 : i32
        %dma_wait3A_372 = tpu.memref_slice %arg10[%dma_wait3A_370, %dma_wait3A_371] : memref<128x128xf32, #tpu.memory_space<vmem>> -> memref<32x128xf32, #tpu.memory_space<vmem>>
        %dma_wait3A_373 = arith.constant 0 : i32
        %dma_wait3A_374 = tpu.memref_slice %arg7[%add3A_336, %dma_wait3A_373] : memref<16x128xi32, #tpu.memory_space<vmem>> -> memref<1x128xi32, #tpu.memory_space<vmem>>
        %dma_wait3A_375 = tpu.memref_squeeze %dma_wait3A_374 : memref<1x128xi32, #tpu.memory_space<vmem>> -> memref<128xi32, #tpu.memory_space<vmem>>
        %dma_wait3A_376 = arith.constant 96 : i32
        %dma_wait3A_377 = tpu.memref_slice %dma_wait3A_375[%dma_wait3A_376] : memref<128xi32, #tpu.memory_space<vmem>> -> memref<32xi32, #tpu.memory_space<vmem>>
        %dma_wait3A_378 = arith.constant 0 : i32
        %dma_wait3A_379 = arith.constant 0 : i32
        %dma_wait3A_380 = tpu.memref_slice %arg4[%dma_wait3A_378, %dma_wait3A_379] : memref<80000x128xf32, #tpu.memory_space<hbm>> -> memref<80000x128xf32, #tpu.memory_space<hbm>>
        tpu.wait_indirect_dma semaphore(%arg13 : memref<!tpu.dma_semaphore, #tpu.memory_space<semaphore_mem>>) src(%dma_wait3A_380 : memref<80000x128xf32, #tpu.memory_space<hbm>>) dst(%dma_wait3A_372 : memref<32x128xf32, #tpu.memory_space<vmem>>)
        %add3A_381 = arith.constant 1 : i32
        %add3A_382 = arith.addi %mul3A_232, %add3A_381 : i32
        %dma_start3A_383 = arith.constant 0 : i32
        %dma_start3A_384 = tpu.memref_slice %arg8[%add3A_382, %dma_start3A_383] : memref<16x128xi32, #tpu.memory_space<vmem>> -> memref<1x128xi32, #tpu.memory_space<vmem>>
        %dma_start3A_385 = tpu.memref_squeeze %dma_start3A_384 : memref<1x128xi32, #tpu.memory_space<vmem>> -> memref<128xi32, #tpu.memory_space<vmem>>
        %dma_start3A_386 = arith.constant 0 : i32
        %dma_start3A_387 = arith.constant 0 : i32
        %dma_start3A_388 = tpu.memref_slice %arg11[%dma_start3A_386, %dma_start3A_387] : memref<10112x128xf32, #tpu.memory_space<vmem_shared>> -> memref<10112x128xf32, #tpu.memory_space<vmem_shared>>
        tpu.enqueue_indirect_dma source(%arg10 : memref<128x128xf32, #tpu.memory_space<vmem>>) target(%dma_start3A_388 : memref<10112x128xf32, #tpu.memory_space<vmem_shared>>) offsets(%dma_start3A_385 : memref<128xi32, #tpu.memory_space<vmem>>) semaphore(%arg15 : memref<!tpu.dma_semaphore, #tpu.memory_space<semaphore_mem>>) {add = true}
        %add3A_389 = arith.constant 1 : i32
        %add3A_390 = arith.addi %mul3A_232, %add3A_389 : i32
        %dma_wait3A_391 = arith.constant 0 : i32
        %dma_wait3A_392 = tpu.memref_slice %arg8[%add3A_390, %dma_wait3A_391] : memref<16x128xi32, #tpu.memory_space<vmem>> -> memref<1x128xi32, #tpu.memory_space<vmem>>
        %dma_wait3A_393 = tpu.memref_squeeze %dma_wait3A_392 : memref<1x128xi32, #tpu.memory_space<vmem>> -> memref<128xi32, #tpu.memory_space<vmem>>
        %dma_wait3A_394 = arith.constant 0 : i32
        %dma_wait3A_395 = arith.constant 0 : i32
        %dma_wait3A_396 = tpu.memref_slice %arg11[%dma_wait3A_394, %dma_wait3A_395] : memref<10112x128xf32, #tpu.memory_space<vmem_shared>> -> memref<10112x128xf32, #tpu.memory_space<vmem_shared>>
        tpu.wait_indirect_dma semaphore(%arg15 : memref<!tpu.dma_semaphore, #tpu.memory_space<semaphore_mem>>) src(%arg10 : memref<128x128xf32, #tpu.memory_space<vmem>>) dst(%dma_wait3A_396 : memref<10112x128xf32, #tpu.memory_space<vmem_shared>>)
        %add3A_397 = arith.constant 3 : i32
        %add3A_398 = arith.addi %mul3A_232, %add3A_397 : i32
        %dma_start3A_399 = arith.constant 0 : i32
        %dma_start3A_400 = arith.constant 0 : i32
        %dma_start3A_401 = tpu.memref_slice %arg10[%dma_start3A_399, %dma_start3A_400] : memref<128x128xf32, #tpu.memory_space<vmem>> -> memref<32x128xf32, #tpu.memory_space<vmem>>
        %dma_start3A_402 = arith.constant 0 : i32
        %dma_start3A_403 = tpu.memref_slice %arg7[%add3A_398, %dma_start3A_402] : memref<16x128xi32, #tpu.memory_space<vmem>> -> memref<1x128xi32, #tpu.memory_space<vmem>>
        %dma_start3A_404 = tpu.memref_squeeze %dma_start3A_403 : memref<1x128xi32, #tpu.memory_space<vmem>> -> memref<128xi32, #tpu.memory_space<vmem>>
        %dma_start3A_405 = arith.constant 0 : i32
        %dma_start3A_406 = tpu.memref_slice %dma_start3A_404[%dma_start3A_405] : memref<128xi32, #tpu.memory_space<vmem>> -> memref<32xi32, #tpu.memory_space<vmem>>
        %dma_start3A_407 = arith.constant 0 : i32
        %dma_start3A_408 = arith.constant 0 : i32
        %dma_start3A_409 = tpu.memref_slice %arg4[%dma_start3A_407, %dma_start3A_408] : memref<80000x128xf32, #tpu.memory_space<hbm>> -> memref<80000x128xf32, #tpu.memory_space<hbm>>
        tpu.enqueue_indirect_dma source(%dma_start3A_409 : memref<80000x128xf32, #tpu.memory_space<hbm>>) target(%dma_start3A_401 : memref<32x128xf32, #tpu.memory_space<vmem>>) offsets(%dma_start3A_406 : memref<32xi32, #tpu.memory_space<vmem>>) semaphore(%arg13 : memref<!tpu.dma_semaphore, #tpu.memory_space<semaphore_mem>>)
        %dma_start3A_410 = arith.constant 32 : i32
        %dma_start3A_411 = arith.constant 0 : i32
        %dma_start3A_412 = tpu.memref_slice %arg10[%dma_start3A_410, %dma_start3A_411] : memref<128x128xf32, #tpu.memory_space<vmem>> -> memref<32x128xf32, #tpu.memory_space<vmem>>
        %dma_start3A_413 = arith.constant 0 : i32
        %dma_start3A_414 = tpu.memref_slice %arg7[%add3A_398, %dma_start3A_413] : memref<16x128xi32, #tpu.memory_space<vmem>> -> memref<1x128xi32, #tpu.memory_space<vmem>>
        %dma_start3A_415 = tpu.memref_squeeze %dma_start3A_414 : memref<1x128xi32, #tpu.memory_space<vmem>> -> memref<128xi32, #tpu.memory_space<vmem>>
        %dma_start3A_416 = arith.constant 32 : i32
        %dma_start3A_417 = tpu.memref_slice %dma_start3A_415[%dma_start3A_416] : memref<128xi32, #tpu.memory_space<vmem>> -> memref<32xi32, #tpu.memory_space<vmem>>
        %dma_start3A_418 = arith.constant 0 : i32
        %dma_start3A_419 = arith.constant 0 : i32
        %dma_start3A_420 = tpu.memref_slice %arg4[%dma_start3A_418, %dma_start3A_419] : memref<80000x128xf32, #tpu.memory_space<hbm>> -> memref<80000x128xf32, #tpu.memory_space<hbm>>
        tpu.enqueue_indirect_dma source(%dma_start3A_420 : memref<80000x128xf32, #tpu.memory_space<hbm>>) target(%dma_start3A_412 : memref<32x128xf32, #tpu.memory_space<vmem>>) offsets(%dma_start3A_417 : memref<32xi32, #tpu.memory_space<vmem>>) semaphore(%arg13 : memref<!tpu.dma_semaphore, #tpu.memory_space<semaphore_mem>>)
        %dma_start3A_421 = arith.constant 64 : i32
        %dma_start3A_422 = arith.constant 0 : i32
        %dma_start3A_423 = tpu.memref_slice %arg10[%dma_start3A_421, %dma_start3A_422] : memref<128x128xf32, #tpu.memory_space<vmem>> -> memref<32x128xf32, #tpu.memory_space<vmem>>
        %dma_start3A_424 = arith.constant 0 : i32
        %dma_start3A_425 = tpu.memref_slice %arg7[%add3A_398, %dma_start3A_424] : memref<16x128xi32, #tpu.memory_space<vmem>> -> memref<1x128xi32, #tpu.memory_space<vmem>>
        %dma_start3A_426 = tpu.memref_squeeze %dma_start3A_425 : memref<1x128xi32, #tpu.memory_space<vmem>> -> memref<128xi32, #tpu.memory_space<vmem>>
        %dma_start3A_427 = arith.constant 64 : i32
        %dma_start3A_428 = tpu.memref_slice %dma_start3A_426[%dma_start3A_427] : memref<128xi32, #tpu.memory_space<vmem>> -> memref<32xi32, #tpu.memory_space<vmem>>
        %dma_start3A_429 = arith.constant 0 : i32
        %dma_start3A_430 = arith.constant 0 : i32
        %dma_start3A_431 = tpu.memref_slice %arg4[%dma_start3A_429, %dma_start3A_430] : memref<80000x128xf32, #tpu.memory_space<hbm>> -> memref<80000x128xf32, #tpu.memory_space<hbm>>
        tpu.enqueue_indirect_dma source(%dma_start3A_431 : memref<80000x128xf32, #tpu.memory_space<hbm>>) target(%dma_start3A_423 : memref<32x128xf32, #tpu.memory_space<vmem>>) offsets(%dma_start3A_428 : memref<32xi32, #tpu.memory_space<vmem>>) semaphore(%arg13 : memref<!tpu.dma_semaphore, #tpu.memory_space<semaphore_mem>>)
        %dma_start3A_432 = arith.constant 96 : i32
        %dma_start3A_433 = arith.constant 0 : i32
        %dma_start3A_434 = tpu.memref_slice %arg10[%dma_start3A_432, %dma_start3A_433] : memref<128x128xf32, #tpu.memory_space<vmem>> -> memref<32x128xf32, #tpu.memory_space<vmem>>
        %dma_start3A_435 = arith.constant 0 : i32
        %dma_start3A_436 = tpu.memref_slice %arg7[%add3A_398, %dma_start3A_435] : memref<16x128xi32, #tpu.memory_space<vmem>> -> memref<1x128xi32, #tpu.memory_space<vmem>>
        %dma_start3A_437 = tpu.memref_squeeze %dma_start3A_436 : memref<1x128xi32, #tpu.memory_space<vmem>> -> memref<128xi32, #tpu.memory_space<vmem>>
        %dma_start3A_438 = arith.constant 96 : i32
        %dma_start3A_439 = tpu.memref_slice %dma_start3A_437[%dma_start3A_438] : memref<128xi32, #tpu.memory_space<vmem>> -> memref<32xi32, #tpu.memory_space<vmem>>
        %dma_start3A_440 = arith.constant 0 : i32
        %dma_start3A_441 = arith.constant 0 : i32
        %dma_start3A_442 = tpu.memref_slice %arg4[%dma_start3A_440, %dma_start3A_441] : memref<80000x128xf32, #tpu.memory_space<hbm>> -> memref<80000x128xf32, #tpu.memory_space<hbm>>
        tpu.enqueue_indirect_dma source(%dma_start3A_442 : memref<80000x128xf32, #tpu.memory_space<hbm>>) target(%dma_start3A_434 : memref<32x128xf32, #tpu.memory_space<vmem>>) offsets(%dma_start3A_439 : memref<32xi32, #tpu.memory_space<vmem>>) semaphore(%arg13 : memref<!tpu.dma_semaphore, #tpu.memory_space<semaphore_mem>>)
      }
      %scan3A_133 = arith.constant 7 : i32
      %dma_wait3A = arith.constant 14 : i32
      %dma_wait3A_134 = arith.constant 0 : i32
      %dma_wait3A_135 = arith.constant 0 : i32
      %dma_wait3A_136 = tpu.memref_slice %arg9[%dma_wait3A_134, %dma_wait3A_135] : memref<128x128xf32, #tpu.memory_space<vmem>> -> memref<32x128xf32, #tpu.memory_space<vmem>>
      %dma_wait3A_137 = arith.constant 0 : i32
      %dma_wait3A_138 = tpu.memref_slice %arg7[%dma_wait3A, %dma_wait3A_137] : memref<16x128xi32, #tpu.memory_space<vmem>> -> memref<1x128xi32, #tpu.memory_space<vmem>>
      %dma_wait3A_139 = tpu.memref_squeeze %dma_wait3A_138 : memref<1x128xi32, #tpu.memory_space<vmem>> -> memref<128xi32, #tpu.memory_space<vmem>>
      %dma_wait3A_140 = arith.constant 0 : i32
      %dma_wait3A_141 = tpu.memref_slice %dma_wait3A_139[%dma_wait3A_140] : memref<128xi32, #tpu.memory_space<vmem>> -> memref<32xi32, #tpu.memory_space<vmem>>
      %dma_wait3A_142 = arith.constant 0 : i32
      %dma_wait3A_143 = arith.constant 0 : i32
      %dma_wait3A_144 = tpu.memref_slice %arg4[%dma_wait3A_142, %dma_wait3A_143] : memref<80000x128xf32, #tpu.memory_space<hbm>> -> memref<80000x128xf32, #tpu.memory_space<hbm>>
      tpu.wait_indirect_dma semaphore(%arg12 : memref<!tpu.dma_semaphore, #tpu.memory_space<semaphore_mem>>) src(%dma_wait3A_144 : memref<80000x128xf32, #tpu.memory_space<hbm>>) dst(%dma_wait3A_136 : memref<32x128xf32, #tpu.memory_space<vmem>>)
      %dma_wait3A_145 = arith.constant 14 : i32
      %dma_wait3A_146 = arith.constant 32 : i32
      %dma_wait3A_147 = arith.constant 0 : i32
      %dma_wait3A_148 = tpu.memref_slice %arg9[%dma_wait3A_146, %dma_wait3A_147] : memref<128x128xf32, #tpu.memory_space<vmem>> -> memref<32x128xf32, #tpu.memory_space<vmem>>
      %dma_wait3A_149 = arith.constant 0 : i32
      %dma_wait3A_150 = tpu.memref_slice %arg7[%dma_wait3A_145, %dma_wait3A_149] : memref<16x128xi32, #tpu.memory_space<vmem>> -> memref<1x128xi32, #tpu.memory_space<vmem>>
      %dma_wait3A_151 = tpu.memref_squeeze %dma_wait3A_150 : memref<1x128xi32, #tpu.memory_space<vmem>> -> memref<128xi32, #tpu.memory_space<vmem>>
      %dma_wait3A_152 = arith.constant 32 : i32
      %dma_wait3A_153 = tpu.memref_slice %dma_wait3A_151[%dma_wait3A_152] : memref<128xi32, #tpu.memory_space<vmem>> -> memref<32xi32, #tpu.memory_space<vmem>>
      %dma_wait3A_154 = arith.constant 0 : i32
      %dma_wait3A_155 = arith.constant 0 : i32
      %dma_wait3A_156 = tpu.memref_slice %arg4[%dma_wait3A_154, %dma_wait3A_155] : memref<80000x128xf32, #tpu.memory_space<hbm>> -> memref<80000x128xf32, #tpu.memory_space<hbm>>
      tpu.wait_indirect_dma semaphore(%arg12 : memref<!tpu.dma_semaphore, #tpu.memory_space<semaphore_mem>>) src(%dma_wait3A_156 : memref<80000x128xf32, #tpu.memory_space<hbm>>) dst(%dma_wait3A_148 : memref<32x128xf32, #tpu.memory_space<vmem>>)
      %dma_wait3A_157 = arith.constant 14 : i32
      %dma_wait3A_158 = arith.constant 64 : i32
      %dma_wait3A_159 = arith.constant 0 : i32
      %dma_wait3A_160 = tpu.memref_slice %arg9[%dma_wait3A_158, %dma_wait3A_159] : memref<128x128xf32, #tpu.memory_space<vmem>> -> memref<32x128xf32, #tpu.memory_space<vmem>>
      %dma_wait3A_161 = arith.constant 0 : i32
      %dma_wait3A_162 = tpu.memref_slice %arg7[%dma_wait3A_157, %dma_wait3A_161] : memref<16x128xi32, #tpu.memory_space<vmem>> -> memref<1x128xi32, #tpu.memory_space<vmem>>
      %dma_wait3A_163 = tpu.memref_squeeze %dma_wait3A_162 : memref<1x128xi32, #tpu.memory_space<vmem>> -> memref<128xi32, #tpu.memory_space<vmem>>
      %dma_wait3A_164 = arith.constant 64 : i32
      %dma_wait3A_165 = tpu.memref_slice %dma_wait3A_163[%dma_wait3A_164] : memref<128xi32, #tpu.memory_space<vmem>> -> memref<32xi32, #tpu.memory_space<vmem>>
      %dma_wait3A_166 = arith.constant 0 : i32
      %dma_wait3A_167 = arith.constant 0 : i32
      %dma_wait3A_168 = tpu.memref_slice %arg4[%dma_wait3A_166, %dma_wait3A_167] : memref<80000x128xf32, #tpu.memory_space<hbm>> -> memref<80000x128xf32, #tpu.memory_space<hbm>>
      tpu.wait_indirect_dma semaphore(%arg12 : memref<!tpu.dma_semaphore, #tpu.memory_space<semaphore_mem>>) src(%dma_wait3A_168 : memref<80000x128xf32, #tpu.memory_space<hbm>>) dst(%dma_wait3A_160 : memref<32x128xf32, #tpu.memory_space<vmem>>)
      %dma_wait3A_169 = arith.constant 14 : i32
      %dma_wait3A_170 = arith.constant 96 : i32
      %dma_wait3A_171 = arith.constant 0 : i32
      %dma_wait3A_172 = tpu.memref_slice %arg9[%dma_wait3A_170, %dma_wait3A_171] : memref<128x128xf32, #tpu.memory_space<vmem>> -> memref<32x128xf32, #tpu.memory_space<vmem>>
      %dma_wait3A_173 = arith.constant 0 : i32
      %dma_wait3A_174 = tpu.memref_slice %arg7[%dma_wait3A_169, %dma_wait3A_173] : memref<16x128xi32, #tpu.memory_space<vmem>> -> memref<1x128xi32, #tpu.memory_space<vmem>>
      %dma_wait3A_175 = tpu.memref_squeeze %dma_wait3A_174 : memref<1x128xi32, #tpu.memory_space<vmem>> -> memref<128xi32, #tpu.memory_space<vmem>>
      %dma_wait3A_176 = arith.constant 96 : i32
      %dma_wait3A_177 = tpu.memref_slice %dma_wait3A_175[%dma_wait3A_176] : memref<128xi32, #tpu.memory_space<vmem>> -> memref<32xi32, #tpu.memory_space<vmem>>
      %dma_wait3A_178 = arith.constant 0 : i32
      %dma_wait3A_179 = arith.constant 0 : i32
      %dma_wait3A_180 = tpu.memref_slice %arg4[%dma_wait3A_178, %dma_wait3A_179] : memref<80000x128xf32, #tpu.memory_space<hbm>> -> memref<80000x128xf32, #tpu.memory_space<hbm>>
      tpu.wait_indirect_dma semaphore(%arg12 : memref<!tpu.dma_semaphore, #tpu.memory_space<semaphore_mem>>) src(%dma_wait3A_180 : memref<80000x128xf32, #tpu.memory_space<hbm>>) dst(%dma_wait3A_172 : memref<32x128xf32, #tpu.memory_space<vmem>>)
      %run_scoped3A = arith.constant 14 : i32
      "tpu.region"() ({
        %run_scoped3A_230 = tpu.sem_alloc : memref<!tpu.dma_semaphore, #tpu.memory_space<semaphore_mem>>
        %dma_start3A_231 = arith.constant 0 : i32
        %dma_start3A_232 = tpu.memref_slice %arg8[%run_scoped3A, %dma_start3A_231] : memref<16x128xi32, #tpu.memory_space<vmem>> -> memref<1x128xi32, #tpu.memory_space<vmem>>
        %dma_start3A_233 = tpu.memref_squeeze %dma_start3A_232 : memref<1x128xi32, #tpu.memory_space<vmem>> -> memref<128xi32, #tpu.memory_space<vmem>>
        %dma_start3A_234 = arith.constant 0 : i32
        %dma_start3A_235 = arith.constant 0 : i32
        %dma_start3A_236 = tpu.memref_slice %arg11[%dma_start3A_234, %dma_start3A_235] : memref<10112x128xf32, #tpu.memory_space<vmem_shared>> -> memref<10112x128xf32, #tpu.memory_space<vmem_shared>>
        tpu.enqueue_indirect_dma source(%arg9 : memref<128x128xf32, #tpu.memory_space<vmem>>) target(%dma_start3A_236 : memref<10112x128xf32, #tpu.memory_space<vmem_shared>>) offsets(%dma_start3A_233 : memref<128xi32, #tpu.memory_space<vmem>>) semaphore(%run_scoped3A_230 : memref<!tpu.dma_semaphore, #tpu.memory_space<semaphore_mem>>) {add = true}
        %dma_wait3A_237 = arith.constant 0 : i32
        %dma_wait3A_238 = tpu.memref_slice %arg8[%run_scoped3A, %dma_wait3A_237] : memref<16x128xi32, #tpu.memory_space<vmem>> -> memref<1x128xi32, #tpu.memory_space<vmem>>
        %dma_wait3A_239 = tpu.memref_squeeze %dma_wait3A_238 : memref<1x128xi32, #tpu.memory_space<vmem>> -> memref<128xi32, #tpu.memory_space<vmem>>
        %dma_wait3A_240 = arith.constant 0 : i32
        %dma_wait3A_241 = arith.constant 0 : i32
        %dma_wait3A_242 = tpu.memref_slice %arg11[%dma_wait3A_240, %dma_wait3A_241] : memref<10112x128xf32, #tpu.memory_space<vmem_shared>> -> memref<10112x128xf32, #tpu.memory_space<vmem_shared>>
        tpu.wait_indirect_dma semaphore(%run_scoped3A_230 : memref<!tpu.dma_semaphore, #tpu.memory_space<semaphore_mem>>) src(%arg9 : memref<128x128xf32, #tpu.memory_space<vmem>>) dst(%dma_wait3A_242 : memref<10112x128xf32, #tpu.memory_space<vmem_shared>>)
        tpu.yield
      }) : () -> ()
      %dma_wait3A_181 = arith.constant 15 : i32
      %dma_wait3A_182 = arith.constant 0 : i32
      %dma_wait3A_183 = arith.constant 0 : i32
      %dma_wait3A_184 = tpu.memref_slice %arg10[%dma_wait3A_182, %dma_wait3A_183] : memref<128x128xf32, #tpu.memory_space<vmem>> -> memref<32x128xf32, #tpu.memory_space<vmem>>
      %dma_wait3A_185 = arith.constant 0 : i32
      %dma_wait3A_186 = tpu.memref_slice %arg7[%dma_wait3A_181, %dma_wait3A_185] : memref<16x128xi32, #tpu.memory_space<vmem>> -> memref<1x128xi32, #tpu.memory_space<vmem>>
      %dma_wait3A_187 = tpu.memref_squeeze %dma_wait3A_186 : memref<1x128xi32, #tpu.memory_space<vmem>> -> memref<128xi32, #tpu.memory_space<vmem>>
      %dma_wait3A_188 = arith.constant 0 : i32
      %dma_wait3A_189 = tpu.memref_slice %dma_wait3A_187[%dma_wait3A_188] : memref<128xi32, #tpu.memory_space<vmem>> -> memref<32xi32, #tpu.memory_space<vmem>>
      %dma_wait3A_190 = arith.constant 0 : i32
      %dma_wait3A_191 = arith.constant 0 : i32
      %dma_wait3A_192 = tpu.memref_slice %arg4[%dma_wait3A_190, %dma_wait3A_191] : memref<80000x128xf32, #tpu.memory_space<hbm>> -> memref<80000x128xf32, #tpu.memory_space<hbm>>
      tpu.wait_indirect_dma semaphore(%arg13 : memref<!tpu.dma_semaphore, #tpu.memory_space<semaphore_mem>>) src(%dma_wait3A_192 : memref<80000x128xf32, #tpu.memory_space<hbm>>) dst(%dma_wait3A_184 : memref<32x128xf32, #tpu.memory_space<vmem>>)
      %dma_wait3A_193 = arith.constant 15 : i32
      %dma_wait3A_194 = arith.constant 32 : i32
      %dma_wait3A_195 = arith.constant 0 : i32
      %dma_wait3A_196 = tpu.memref_slice %arg10[%dma_wait3A_194, %dma_wait3A_195] : memref<128x128xf32, #tpu.memory_space<vmem>> -> memref<32x128xf32, #tpu.memory_space<vmem>>
      %dma_wait3A_197 = arith.constant 0 : i32
      %dma_wait3A_198 = tpu.memref_slice %arg7[%dma_wait3A_193, %dma_wait3A_197] : memref<16x128xi32, #tpu.memory_space<vmem>> -> memref<1x128xi32, #tpu.memory_space<vmem>>
      %dma_wait3A_199 = tpu.memref_squeeze %dma_wait3A_198 : memref<1x128xi32, #tpu.memory_space<vmem>> -> memref<128xi32, #tpu.memory_space<vmem>>
      %dma_wait3A_200 = arith.constant 32 : i32
      %dma_wait3A_201 = tpu.memref_slice %dma_wait3A_199[%dma_wait3A_200] : memref<128xi32, #tpu.memory_space<vmem>> -> memref<32xi32, #tpu.memory_space<vmem>>
      %dma_wait3A_202 = arith.constant 0 : i32
      %dma_wait3A_203 = arith.constant 0 : i32
      %dma_wait3A_204 = tpu.memref_slice %arg4[%dma_wait3A_202, %dma_wait3A_203] : memref<80000x128xf32, #tpu.memory_space<hbm>> -> memref<80000x128xf32, #tpu.memory_space<hbm>>
      tpu.wait_indirect_dma semaphore(%arg13 : memref<!tpu.dma_semaphore, #tpu.memory_space<semaphore_mem>>) src(%dma_wait3A_204 : memref<80000x128xf32, #tpu.memory_space<hbm>>) dst(%dma_wait3A_196 : memref<32x128xf32, #tpu.memory_space<vmem>>)
      %dma_wait3A_205 = arith.constant 15 : i32
      %dma_wait3A_206 = arith.constant 64 : i32
      %dma_wait3A_207 = arith.constant 0 : i32
      %dma_wait3A_208 = tpu.memref_slice %arg10[%dma_wait3A_206, %dma_wait3A_207] : memref<128x128xf32, #tpu.memory_space<vmem>> -> memref<32x128xf32, #tpu.memory_space<vmem>>
      %dma_wait3A_209 = arith.constant 0 : i32
      %dma_wait3A_210 = tpu.memref_slice %arg7[%dma_wait3A_205, %dma_wait3A_209] : memref<16x128xi32, #tpu.memory_space<vmem>> -> memref<1x128xi32, #tpu.memory_space<vmem>>
      %dma_wait3A_211 = tpu.memref_squeeze %dma_wait3A_210 : memref<1x128xi32, #tpu.memory_space<vmem>> -> memref<128xi32, #tpu.memory_space<vmem>>
      %dma_wait3A_212 = arith.constant 64 : i32
      %dma_wait3A_213 = tpu.memref_slice %dma_wait3A_211[%dma_wait3A_212] : memref<128xi32, #tpu.memory_space<vmem>> -> memref<32xi32, #tpu.memory_space<vmem>>
      %dma_wait3A_214 = arith.constant 0 : i32
      %dma_wait3A_215 = arith.constant 0 : i32
      %dma_wait3A_216 = tpu.memref_slice %arg4[%dma_wait3A_214, %dma_wait3A_215] : memref<80000x128xf32, #tpu.memory_space<hbm>> -> memref<80000x128xf32, #tpu.memory_space<hbm>>
      tpu.wait_indirect_dma semaphore(%arg13 : memref<!tpu.dma_semaphore, #tpu.memory_space<semaphore_mem>>) src(%dma_wait3A_216 : memref<80000x128xf32, #tpu.memory_space<hbm>>) dst(%dma_wait3A_208 : memref<32x128xf32, #tpu.memory_space<vmem>>)
      %dma_wait3A_217 = arith.constant 15 : i32
      %dma_wait3A_218 = arith.constant 96 : i32
      %dma_wait3A_219 = arith.constant 0 : i32
      %dma_wait3A_220 = tpu.memref_slice %arg10[%dma_wait3A_218, %dma_wait3A_219] : memref<128x128xf32, #tpu.memory_space<vmem>> -> memref<32x128xf32, #tpu.memory_space<vmem>>
      %dma_wait3A_221 = arith.constant 0 : i32
      %dma_wait3A_222 = tpu.memref_slice %arg7[%dma_wait3A_217, %dma_wait3A_221] : memref<16x128xi32, #tpu.memory_space<vmem>> -> memref<1x128xi32, #tpu.memory_space<vmem>>
      %dma_wait3A_223 = tpu.memref_squeeze %dma_wait3A_222 : memref<1x128xi32, #tpu.memory_space<vmem>> -> memref<128xi32, #tpu.memory_space<vmem>>
      %dma_wait3A_224 = arith.constant 96 : i32
      %dma_wait3A_225 = tpu.memref_slice %dma_wait3A_223[%dma_wait3A_224] : memref<128xi32, #tpu.memory_space<vmem>> -> memref<32xi32, #tpu.memory_space<vmem>>
      %dma_wait3A_226 = arith.constant 0 : i32
      %dma_wait3A_227 = arith.constant 0 : i32
      %dma_wait3A_228 = tpu.memref_slice %arg4[%dma_wait3A_226, %dma_wait3A_227] : memref<80000x128xf32, #tpu.memory_space<hbm>> -> memref<80000x128xf32, #tpu.memory_space<hbm>>
      tpu.wait_indirect_dma semaphore(%arg13 : memref<!tpu.dma_semaphore, #tpu.memory_space<semaphore_mem>>) src(%dma_wait3A_228 : memref<80000x128xf32, #tpu.memory_space<hbm>>) dst(%dma_wait3A_220 : memref<32x128xf32, #tpu.memory_space<vmem>>)
      %run_scoped3A_229 = arith.constant 15 : i32
      "tpu.region"() ({
        %run_scoped3A_230 = tpu.sem_alloc : memref<!tpu.dma_semaphore, #tpu.memory_space<semaphore_mem>>
        %dma_start3A_231 = arith.constant 0 : i32
        %dma_start3A_232 = tpu.memref_slice %arg8[%run_scoped3A_229, %dma_start3A_231] : memref<16x128xi32, #tpu.memory_space<vmem>> -> memref<1x128xi32, #tpu.memory_space<vmem>>
        %dma_start3A_233 = tpu.memref_squeeze %dma_start3A_232 : memref<1x128xi32, #tpu.memory_space<vmem>> -> memref<128xi32, #tpu.memory_space<vmem>>
        %dma_start3A_234 = arith.constant 0 : i32
        %dma_start3A_235 = arith.constant 0 : i32
        %dma_start3A_236 = tpu.memref_slice %arg11[%dma_start3A_234, %dma_start3A_235] : memref<10112x128xf32, #tpu.memory_space<vmem_shared>> -> memref<10112x128xf32, #tpu.memory_space<vmem_shared>>
        tpu.enqueue_indirect_dma source(%arg10 : memref<128x128xf32, #tpu.memory_space<vmem>>) target(%dma_start3A_236 : memref<10112x128xf32, #tpu.memory_space<vmem_shared>>) offsets(%dma_start3A_233 : memref<128xi32, #tpu.memory_space<vmem>>) semaphore(%run_scoped3A_230 : memref<!tpu.dma_semaphore, #tpu.memory_space<semaphore_mem>>) {add = true}
        %dma_wait3A_237 = arith.constant 0 : i32
        %dma_wait3A_238 = tpu.memref_slice %arg8[%run_scoped3A_229, %dma_wait3A_237] : memref<16x128xi32, #tpu.memory_space<vmem>> -> memref<1x128xi32, #tpu.memory_space<vmem>>
        %dma_wait3A_239 = tpu.memref_squeeze %dma_wait3A_238 : memref<1x128xi32, #tpu.memory_space<vmem>> -> memref<128xi32, #tpu.memory_space<vmem>>
        %dma_wait3A_240 = arith.constant 0 : i32
        %dma_wait3A_241 = arith.constant 0 : i32
        %dma_wait3A_242 = tpu.memref_slice %arg11[%dma_wait3A_240, %dma_wait3A_241] : memref<10112x128xf32, #tpu.memory_space<vmem_shared>> -> memref<10112x128xf32, #tpu.memory_space<vmem_shared>>
        tpu.wait_indirect_dma semaphore(%run_scoped3A_230 : memref<!tpu.dma_semaphore, #tpu.memory_space<semaphore_mem>>) src(%arg10 : memref<128x128xf32, #tpu.memory_space<vmem>>) dst(%dma_wait3A_242 : memref<10112x128xf32, #tpu.memory_space<vmem_shared>>)
        tpu.yield
      }) : () -> ()
    }
    %barrier3A_27 = arith.constant 0 : index
    tpu.barrier barrier_id(%barrier3A_27)
    "tpu.region"() ({
      %run_scoped3A = tpu.sem_alloc : memref<!tpu.dma_semaphore, #tpu.memory_space<semaphore_mem>>
      %dma_start3A = arith.constant 0 : i32
      %dma_start3A_28 = arith.constant 0 : i32
      %dma_start3A_29 = tpu.memref_slice %arg6[%arg0, %dma_start3A, %dma_start3A_28] : memref<2x10112x128xf32, #tpu.memory_space<hbm>> -> memref<1x10112x128xf32, #tpu.memory_space<hbm>>
      %dma_start3A_30 = tpu.memref_squeeze %dma_start3A_29 : memref<1x10112x128xf32, #tpu.memory_space<hbm>> -> memref<10112x128xf32, #tpu.memory_space<hbm>>
      %dma_start3A_31 = arith.constant 0 : i32
      %dma_start3A_32 = tpu.memref_slice %dma_start3A_30[%mul3A_17, %dma_start3A_31] : memref<10112x128xf32, #tpu.memory_space<hbm>> -> memref<632x128xf32, #tpu.memory_space<hbm>>
      %dma_start3A_33 = arith.constant 0 : i32
      %dma_start3A_34 = tpu.memref_slice %arg11[%mul3A_17, %dma_start3A_33] : memref<10112x128xf32, #tpu.memory_space<vmem_shared>> -> memref<632x128xf32, #tpu.memory_space<vmem_shared>>
      tpu.enqueue_dma source(%dma_start3A_34 : memref<632x128xf32, #tpu.memory_space<vmem_shared>>) target(%dma_start3A_32 : memref<632x128xf32, #tpu.memory_space<hbm>>) target_semaphore(%run_scoped3A : memref<!tpu.dma_semaphore, #tpu.memory_space<semaphore_mem>>)
      %dma_wait3A = arith.constant 0 : i32
      %dma_wait3A_35 = arith.constant 0 : i32
      %dma_wait3A_36 = tpu.memref_slice %arg6[%arg0, %dma_wait3A, %dma_wait3A_35] : memref<2x10112x128xf32, #tpu.memory_space<hbm>> -> memref<1x10112x128xf32, #tpu.memory_space<hbm>>
      %dma_wait3A_37 = tpu.memref_squeeze %dma_wait3A_36 : memref<1x10112x128xf32, #tpu.memory_space<hbm>> -> memref<10112x128xf32, #tpu.memory_space<hbm>>
      %dma_wait3A_38 = arith.constant 0 : i32
      %dma_wait3A_39 = tpu.memref_slice %dma_wait3A_37[%mul3A_17, %dma_wait3A_38] : memref<10112x128xf32, #tpu.memory_space<hbm>> -> memref<632x128xf32, #tpu.memory_space<hbm>>
      %dma_wait3A_40 = arith.constant 0 : i32
      %dma_wait3A_41 = tpu.memref_slice %arg11[%mul3A_17, %dma_wait3A_40] : memref<10112x128xf32, #tpu.memory_space<vmem_shared>> -> memref<632x128xf32, #tpu.memory_space<vmem_shared>>
      tpu.wait_dma2 semaphore(%run_scoped3A : memref<!tpu.dma_semaphore, #tpu.memory_space<semaphore_mem>>) src(%dma_wait3A_41 : memref<632x128xf32, #tpu.memory_space<vmem_shared>>) dst(%dma_wait3A_39 : memref<632x128xf32, #tpu.memory_space<hbm>>)
      tpu.yield
    }) : () -> ()
    return
  }
}

#map = affine_map<(d0, d1) -> (0, 0, 0)>
#map1 = affine_map<(d0, d1) -> (0, 0)>
module attributes {stable_mosaic.version = 14 : i64} {
  func.func @deg_kernel(%arg0: i32, %arg1: i32, %arg2: memref<32x80x128xi32, #tpu.memory_space<hbm>>, %arg3: memref<632x128xf32, #tpu.memory_space<hbm>>, %arg4: memref<128x128xf32, #tpu.memory_space<hbm>>, %arg5: memref<2x10112x128xf32, #tpu.memory_space<hbm>>, %arg6: memref<80x128xi32, #tpu.memory_space<vmem>>, %arg7: memref<128x128xf32, #tpu.memory_space<vmem>>, %arg8: memref<10112x128xf32, #tpu.memory_space<vmem_shared>>, %arg9: memref<!tpu.dma_semaphore, #tpu.memory_space<semaphore_mem>>) attributes {dimension_semantics = [#tpu.dimension_semantics<core_parallel>, #tpu.dimension_semantics<subcore_parallel>], iteration_bounds = array<i64: 2, 16>, scalar_prefetch = 0 : i64, scratch_operands = 4 : i64, tpu.core_type = #tpu.core_type<sc_vector_subcore>, window_params = [{transform_indices = #map}, {transform_indices = #map1}, {transform_indices = #map1}, {transform_indices = #map}]} {
    %mul3A = arith.constant 16 : i32
    %mul3A_0 = arith.muli %arg0, %mul3A : i32
    %add3A = arith.addi %mul3A_0, %arg1 : i32
    "tpu.region"() ({
      %run_scoped3A = tpu.sem_alloc : memref<!tpu.dma_semaphore, #tpu.memory_space<semaphore_mem>>
      %dma_start3A = arith.constant 0 : i32
      %dma_start3A_9 = arith.constant 0 : i32
      %dma_start3A_10 = tpu.memref_slice %arg2[%add3A, %dma_start3A, %dma_start3A_9] : memref<32x80x128xi32, #tpu.memory_space<hbm>> -> memref<1x80x128xi32, #tpu.memory_space<hbm>>
      %dma_start3A_11 = tpu.memref_squeeze %dma_start3A_10 : memref<1x80x128xi32, #tpu.memory_space<hbm>> -> memref<80x128xi32, #tpu.memory_space<hbm>>
      %dma_start3A_12 = arith.constant 0 : i32
      %dma_start3A_13 = arith.constant 0 : i32
      %dma_start3A_14 = tpu.memref_slice %arg2[%add3A, %dma_start3A_12, %dma_start3A_13] : memref<32x80x128xi32, #tpu.memory_space<hbm>> -> memref<1x80x128xi32, #tpu.memory_space<hbm>>
      %dma_start3A_15 = tpu.memref_squeeze %dma_start3A_14 : memref<1x80x128xi32, #tpu.memory_space<hbm>> -> memref<80x128xi32, #tpu.memory_space<hbm>>
      tpu.enqueue_dma source(%dma_start3A_15 : memref<80x128xi32, #tpu.memory_space<hbm>>) target(%arg6 : memref<80x128xi32, #tpu.memory_space<vmem>>) target_semaphore(%run_scoped3A : memref<!tpu.dma_semaphore, #tpu.memory_space<semaphore_mem>>)
      %dma_wait3A = arith.constant 0 : i32
      %dma_wait3A_16 = arith.constant 0 : i32
      %dma_wait3A_17 = tpu.memref_slice %arg2[%add3A, %dma_wait3A, %dma_wait3A_16] : memref<32x80x128xi32, #tpu.memory_space<hbm>> -> memref<1x80x128xi32, #tpu.memory_space<hbm>>
      %dma_wait3A_18 = tpu.memref_squeeze %dma_wait3A_17 : memref<1x80x128xi32, #tpu.memory_space<hbm>> -> memref<80x128xi32, #tpu.memory_space<hbm>>
      %dma_wait3A_19 = arith.constant 0 : i32
      %dma_wait3A_20 = arith.constant 0 : i32
      %dma_wait3A_21 = tpu.memref_slice %arg2[%add3A, %dma_wait3A_19, %dma_wait3A_20] : memref<32x80x128xi32, #tpu.memory_space<hbm>> -> memref<1x80x128xi32, #tpu.memory_space<hbm>>
      %dma_wait3A_22 = tpu.memref_squeeze %dma_wait3A_21 : memref<1x80x128xi32, #tpu.memory_space<hbm>> -> memref<80x128xi32, #tpu.memory_space<hbm>>
      tpu.wait_dma2 semaphore(%run_scoped3A : memref<!tpu.dma_semaphore, #tpu.memory_space<semaphore_mem>>) src(%dma_wait3A_22 : memref<80x128xi32, #tpu.memory_space<hbm>>) dst(%arg6 : memref<80x128xi32, #tpu.memory_space<vmem>>)
      tpu.yield
    }) : () -> ()
    "tpu.region"() ({
      %run_scoped3A = tpu.sem_alloc : memref<!tpu.dma_semaphore, #tpu.memory_space<semaphore_mem>>
      tpu.enqueue_dma source(%arg4 : memref<128x128xf32, #tpu.memory_space<hbm>>) target(%arg7 : memref<128x128xf32, #tpu.memory_space<vmem>>) target_semaphore(%run_scoped3A : memref<!tpu.dma_semaphore, #tpu.memory_space<semaphore_mem>>)
      tpu.wait_dma2 semaphore(%run_scoped3A : memref<!tpu.dma_semaphore, #tpu.memory_space<semaphore_mem>>) src(%arg4 : memref<128x128xf32, #tpu.memory_space<hbm>>) dst(%arg7 : memref<128x128xf32, #tpu.memory_space<vmem>>)
      tpu.yield
    }) : () -> ()
    %mul3A_1 = arith.constant 632 : i32
    %mul3A_2 = arith.muli %arg1, %mul3A_1 : i32
    "tpu.region"() ({
      %run_scoped3A = tpu.sem_alloc : memref<!tpu.dma_semaphore, #tpu.memory_space<semaphore_mem>>
      %dma_start3A = arith.constant 0 : i32
      %dma_start3A_9 = tpu.memref_slice %arg8[%mul3A_2, %dma_start3A] : memref<10112x128xf32, #tpu.memory_space<vmem_shared>> -> memref<632x128xf32, #tpu.memory_space<vmem_shared>>
      tpu.enqueue_dma source(%arg3 : memref<632x128xf32, #tpu.memory_space<hbm>>) target(%dma_start3A_9 : memref<632x128xf32, #tpu.memory_space<vmem_shared>>) target_semaphore(%run_scoped3A : memref<!tpu.dma_semaphore, #tpu.memory_space<semaphore_mem>>)
      %dma_wait3A = arith.constant 0 : i32
      %dma_wait3A_10 = tpu.memref_slice %arg8[%mul3A_2, %dma_wait3A] : memref<10112x128xf32, #tpu.memory_space<vmem_shared>> -> memref<632x128xf32, #tpu.memory_space<vmem_shared>>
      tpu.wait_dma2 semaphore(%run_scoped3A : memref<!tpu.dma_semaphore, #tpu.memory_space<semaphore_mem>>) src(%arg3 : memref<632x128xf32, #tpu.memory_space<hbm>>) dst(%dma_wait3A_10 : memref<632x128xf32, #tpu.memory_space<vmem_shared>>)
      tpu.yield
    }) : () -> ()
    %barrier3A = arith.constant 0 : index
    tpu.barrier barrier_id(%barrier3A)
    %scan3A = arith.constant 0 : i32
    %scan3A_3 = arith.constant 0 : i32
    %scan3A_4 = arith.constant 10 : i32
    %scan3A_5 = arith.addi %scan3A_3, %scan3A_4 : i32
    %scan3A_6 = arith.constant 1 : i32
    scf.for %scan3A_9 = %scan3A_3 to %scan3A_5 step %scan3A_6  : i32 {
      %mul3A_10 = arith.constant 8 : i32
      %mul3A_11 = arith.muli %scan3A_9, %mul3A_10 : i32
      %add3A_12 = arith.constant 0 : i32
      %add3A_13 = arith.addi %mul3A_11, %add3A_12 : i32
      %dma_start3A = arith.constant 0 : i32
      %dma_start3A_14 = tpu.memref_slice %arg6[%add3A_13, %dma_start3A] : memref<80x128xi32, #tpu.memory_space<vmem>> -> memref<1x128xi32, #tpu.memory_space<vmem>>
      %dma_start3A_15 = tpu.memref_squeeze %dma_start3A_14 : memref<1x128xi32, #tpu.memory_space<vmem>> -> memref<128xi32, #tpu.memory_space<vmem>>
      %dma_start3A_16 = arith.constant 0 : i32
      %dma_start3A_17 = arith.constant 0 : i32
      %dma_start3A_18 = tpu.memref_slice %arg8[%dma_start3A_16, %dma_start3A_17] : memref<10112x128xf32, #tpu.memory_space<vmem_shared>> -> memref<10112x128xf32, #tpu.memory_space<vmem_shared>>
      tpu.enqueue_indirect_dma source(%arg7 : memref<128x128xf32, #tpu.memory_space<vmem>>) target(%dma_start3A_18 : memref<10112x128xf32, #tpu.memory_space<vmem_shared>>) offsets(%dma_start3A_15 : memref<128xi32, #tpu.memory_space<vmem>>) semaphore(%arg9 : memref<!tpu.dma_semaphore, #tpu.memory_space<semaphore_mem>>) {add = true}
      %mul3A_19 = arith.constant 8 : i32
      %mul3A_20 = arith.muli %scan3A_9, %mul3A_19 : i32
      %add3A_21 = arith.constant 1 : i32
      %add3A_22 = arith.addi %mul3A_20, %add3A_21 : i32
      %dma_start3A_23 = arith.constant 0 : i32
      %dma_start3A_24 = tpu.memref_slice %arg6[%add3A_22, %dma_start3A_23] : memref<80x128xi32, #tpu.memory_space<vmem>> -> memref<1x128xi32, #tpu.memory_space<vmem>>
      %dma_start3A_25 = tpu.memref_squeeze %dma_start3A_24 : memref<1x128xi32, #tpu.memory_space<vmem>> -> memref<128xi32, #tpu.memory_space<vmem>>
      %dma_start3A_26 = arith.constant 0 : i32
      %dma_start3A_27 = arith.constant 0 : i32
      %dma_start3A_28 = tpu.memref_slice %arg8[%dma_start3A_26, %dma_start3A_27] : memref<10112x128xf32, #tpu.memory_space<vmem_shared>> -> memref<10112x128xf32, #tpu.memory_space<vmem_shared>>
      tpu.enqueue_indirect_dma source(%arg7 : memref<128x128xf32, #tpu.memory_space<vmem>>) target(%dma_start3A_28 : memref<10112x128xf32, #tpu.memory_space<vmem_shared>>) offsets(%dma_start3A_25 : memref<128xi32, #tpu.memory_space<vmem>>) semaphore(%arg9 : memref<!tpu.dma_semaphore, #tpu.memory_space<semaphore_mem>>) {add = true}
      %mul3A_29 = arith.constant 8 : i32
      %mul3A_30 = arith.muli %scan3A_9, %mul3A_29 : i32
      %add3A_31 = arith.constant 2 : i32
      %add3A_32 = arith.addi %mul3A_30, %add3A_31 : i32
      %dma_start3A_33 = arith.constant 0 : i32
      %dma_start3A_34 = tpu.memref_slice %arg6[%add3A_32, %dma_start3A_33] : memref<80x128xi32, #tpu.memory_space<vmem>> -> memref<1x128xi32, #tpu.memory_space<vmem>>
      %dma_start3A_35 = tpu.memref_squeeze %dma_start3A_34 : memref<1x128xi32, #tpu.memory_space<vmem>> -> memref<128xi32, #tpu.memory_space<vmem>>
      %dma_start3A_36 = arith.constant 0 : i32
      %dma_start3A_37 = arith.constant 0 : i32
      %dma_start3A_38 = tpu.memref_slice %arg8[%dma_start3A_36, %dma_start3A_37] : memref<10112x128xf32, #tpu.memory_space<vmem_shared>> -> memref<10112x128xf32, #tpu.memory_space<vmem_shared>>
      tpu.enqueue_indirect_dma source(%arg7 : memref<128x128xf32, #tpu.memory_space<vmem>>) target(%dma_start3A_38 : memref<10112x128xf32, #tpu.memory_space<vmem_shared>>) offsets(%dma_start3A_35 : memref<128xi32, #tpu.memory_space<vmem>>) semaphore(%arg9 : memref<!tpu.dma_semaphore, #tpu.memory_space<semaphore_mem>>) {add = true}
      %mul3A_39 = arith.constant 8 : i32
      %mul3A_40 = arith.muli %scan3A_9, %mul3A_39 : i32
      %add3A_41 = arith.constant 3 : i32
      %add3A_42 = arith.addi %mul3A_40, %add3A_41 : i32
      %dma_start3A_43 = arith.constant 0 : i32
      %dma_start3A_44 = tpu.memref_slice %arg6[%add3A_42, %dma_start3A_43] : memref<80x128xi32, #tpu.memory_space<vmem>> -> memref<1x128xi32, #tpu.memory_space<vmem>>
      %dma_start3A_45 = tpu.memref_squeeze %dma_start3A_44 : memref<1x128xi32, #tpu.memory_space<vmem>> -> memref<128xi32, #tpu.memory_space<vmem>>
      %dma_start3A_46 = arith.constant 0 : i32
      %dma_start3A_47 = arith.constant 0 : i32
      %dma_start3A_48 = tpu.memref_slice %arg8[%dma_start3A_46, %dma_start3A_47] : memref<10112x128xf32, #tpu.memory_space<vmem_shared>> -> memref<10112x128xf32, #tpu.memory_space<vmem_shared>>
      tpu.enqueue_indirect_dma source(%arg7 : memref<128x128xf32, #tpu.memory_space<vmem>>) target(%dma_start3A_48 : memref<10112x128xf32, #tpu.memory_space<vmem_shared>>) offsets(%dma_start3A_45 : memref<128xi32, #tpu.memory_space<vmem>>) semaphore(%arg9 : memref<!tpu.dma_semaphore, #tpu.memory_space<semaphore_mem>>) {add = true}
      %mul3A_49 = arith.constant 8 : i32
      %mul3A_50 = arith.muli %scan3A_9, %mul3A_49 : i32
      %add3A_51 = arith.constant 4 : i32
      %add3A_52 = arith.addi %mul3A_50, %add3A_51 : i32
      %dma_start3A_53 = arith.constant 0 : i32
      %dma_start3A_54 = tpu.memref_slice %arg6[%add3A_52, %dma_start3A_53] : memref<80x128xi32, #tpu.memory_space<vmem>> -> memref<1x128xi32, #tpu.memory_space<vmem>>
      %dma_start3A_55 = tpu.memref_squeeze %dma_start3A_54 : memref<1x128xi32, #tpu.memory_space<vmem>> -> memref<128xi32, #tpu.memory_space<vmem>>
      %dma_start3A_56 = arith.constant 0 : i32
      %dma_start3A_57 = arith.constant 0 : i32
      %dma_start3A_58 = tpu.memref_slice %arg8[%dma_start3A_56, %dma_start3A_57] : memref<10112x128xf32, #tpu.memory_space<vmem_shared>> -> memref<10112x128xf32, #tpu.memory_space<vmem_shared>>
      tpu.enqueue_indirect_dma source(%arg7 : memref<128x128xf32, #tpu.memory_space<vmem>>) target(%dma_start3A_58 : memref<10112x128xf32, #tpu.memory_space<vmem_shared>>) offsets(%dma_start3A_55 : memref<128xi32, #tpu.memory_space<vmem>>) semaphore(%arg9 : memref<!tpu.dma_semaphore, #tpu.memory_space<semaphore_mem>>) {add = true}
      %mul3A_59 = arith.constant 8 : i32
      %mul3A_60 = arith.muli %scan3A_9, %mul3A_59 : i32
      %add3A_61 = arith.constant 5 : i32
      %add3A_62 = arith.addi %mul3A_60, %add3A_61 : i32
      %dma_start3A_63 = arith.constant 0 : i32
      %dma_start3A_64 = tpu.memref_slice %arg6[%add3A_62, %dma_start3A_63] : memref<80x128xi32, #tpu.memory_space<vmem>> -> memref<1x128xi32, #tpu.memory_space<vmem>>
      %dma_start3A_65 = tpu.memref_squeeze %dma_start3A_64 : memref<1x128xi32, #tpu.memory_space<vmem>> -> memref<128xi32, #tpu.memory_space<vmem>>
      %dma_start3A_66 = arith.constant 0 : i32
      %dma_start3A_67 = arith.constant 0 : i32
      %dma_start3A_68 = tpu.memref_slice %arg8[%dma_start3A_66, %dma_start3A_67] : memref<10112x128xf32, #tpu.memory_space<vmem_shared>> -> memref<10112x128xf32, #tpu.memory_space<vmem_shared>>
      tpu.enqueue_indirect_dma source(%arg7 : memref<128x128xf32, #tpu.memory_space<vmem>>) target(%dma_start3A_68 : memref<10112x128xf32, #tpu.memory_space<vmem_shared>>) offsets(%dma_start3A_65 : memref<128xi32, #tpu.memory_space<vmem>>) semaphore(%arg9 : memref<!tpu.dma_semaphore, #tpu.memory_space<semaphore_mem>>) {add = true}
      %mul3A_69 = arith.constant 8 : i32
      %mul3A_70 = arith.muli %scan3A_9, %mul3A_69 : i32
      %add3A_71 = arith.constant 6 : i32
      %add3A_72 = arith.addi %mul3A_70, %add3A_71 : i32
      %dma_start3A_73 = arith.constant 0 : i32
      %dma_start3A_74 = tpu.memref_slice %arg6[%add3A_72, %dma_start3A_73] : memref<80x128xi32, #tpu.memory_space<vmem>> -> memref<1x128xi32, #tpu.memory_space<vmem>>
      %dma_start3A_75 = tpu.memref_squeeze %dma_start3A_74 : memref<1x128xi32, #tpu.memory_space<vmem>> -> memref<128xi32, #tpu.memory_space<vmem>>
      %dma_start3A_76 = arith.constant 0 : i32
      %dma_start3A_77 = arith.constant 0 : i32
      %dma_start3A_78 = tpu.memref_slice %arg8[%dma_start3A_76, %dma_start3A_77] : memref<10112x128xf32, #tpu.memory_space<vmem_shared>> -> memref<10112x128xf32, #tpu.memory_space<vmem_shared>>
      tpu.enqueue_indirect_dma source(%arg7 : memref<128x128xf32, #tpu.memory_space<vmem>>) target(%dma_start3A_78 : memref<10112x128xf32, #tpu.memory_space<vmem_shared>>) offsets(%dma_start3A_75 : memref<128xi32, #tpu.memory_space<vmem>>) semaphore(%arg9 : memref<!tpu.dma_semaphore, #tpu.memory_space<semaphore_mem>>) {add = true}
      %mul3A_79 = arith.constant 8 : i32
      %mul3A_80 = arith.muli %scan3A_9, %mul3A_79 : i32
      %add3A_81 = arith.constant 7 : i32
      %add3A_82 = arith.addi %mul3A_80, %add3A_81 : i32
      %dma_start3A_83 = arith.constant 0 : i32
      %dma_start3A_84 = tpu.memref_slice %arg6[%add3A_82, %dma_start3A_83] : memref<80x128xi32, #tpu.memory_space<vmem>> -> memref<1x128xi32, #tpu.memory_space<vmem>>
      %dma_start3A_85 = tpu.memref_squeeze %dma_start3A_84 : memref<1x128xi32, #tpu.memory_space<vmem>> -> memref<128xi32, #tpu.memory_space<vmem>>
      %dma_start3A_86 = arith.constant 0 : i32
      %dma_start3A_87 = arith.constant 0 : i32
      %dma_start3A_88 = tpu.memref_slice %arg8[%dma_start3A_86, %dma_start3A_87] : memref<10112x128xf32, #tpu.memory_space<vmem_shared>> -> memref<10112x128xf32, #tpu.memory_space<vmem_shared>>
      tpu.enqueue_indirect_dma source(%arg7 : memref<128x128xf32, #tpu.memory_space<vmem>>) target(%dma_start3A_88 : memref<10112x128xf32, #tpu.memory_space<vmem_shared>>) offsets(%dma_start3A_85 : memref<128xi32, #tpu.memory_space<vmem>>) semaphore(%arg9 : memref<!tpu.dma_semaphore, #tpu.memory_space<semaphore_mem>>) {add = true}
      %mul3A_89 = arith.constant 8 : i32
      %mul3A_90 = arith.muli %scan3A_9, %mul3A_89 : i32
      %add3A_91 = arith.constant 0 : i32
      %add3A_92 = arith.addi %mul3A_90, %add3A_91 : i32
      %dma_wait3A = arith.constant 0 : i32
      %dma_wait3A_93 = tpu.memref_slice %arg6[%add3A_92, %dma_wait3A] : memref<80x128xi32, #tpu.memory_space<vmem>> -> memref<1x128xi32, #tpu.memory_space<vmem>>
      %dma_wait3A_94 = tpu.memref_squeeze %dma_wait3A_93 : memref<1x128xi32, #tpu.memory_space<vmem>> -> memref<128xi32, #tpu.memory_space<vmem>>
      %dma_wait3A_95 = arith.constant 0 : i32
      %dma_wait3A_96 = arith.constant 0 : i32
      %dma_wait3A_97 = tpu.memref_slice %arg8[%dma_wait3A_95, %dma_wait3A_96] : memref<10112x128xf32, #tpu.memory_space<vmem_shared>> -> memref<10112x128xf32, #tpu.memory_space<vmem_shared>>
      tpu.wait_indirect_dma semaphore(%arg9 : memref<!tpu.dma_semaphore, #tpu.memory_space<semaphore_mem>>) src(%arg7 : memref<128x128xf32, #tpu.memory_space<vmem>>) dst(%dma_wait3A_97 : memref<10112x128xf32, #tpu.memory_space<vmem_shared>>)
      %mul3A_98 = arith.constant 8 : i32
      %mul3A_99 = arith.muli %scan3A_9, %mul3A_98 : i32
      %add3A_100 = arith.constant 1 : i32
      %add3A_101 = arith.addi %mul3A_99, %add3A_100 : i32
      %dma_wait3A_102 = arith.constant 0 : i32
      %dma_wait3A_103 = tpu.memref_slice %arg6[%add3A_101, %dma_wait3A_102] : memref<80x128xi32, #tpu.memory_space<vmem>> -> memref<1x128xi32, #tpu.memory_space<vmem>>
      %dma_wait3A_104 = tpu.memref_squeeze %dma_wait3A_103 : memref<1x128xi32, #tpu.memory_space<vmem>> -> memref<128xi32, #tpu.memory_space<vmem>>
      %dma_wait3A_105 = arith.constant 0 : i32
      %dma_wait3A_106 = arith.constant 0 : i32
      %dma_wait3A_107 = tpu.memref_slice %arg8[%dma_wait3A_105, %dma_wait3A_106] : memref<10112x128xf32, #tpu.memory_space<vmem_shared>> -> memref<10112x128xf32, #tpu.memory_space<vmem_shared>>
      tpu.wait_indirect_dma semaphore(%arg9 : memref<!tpu.dma_semaphore, #tpu.memory_space<semaphore_mem>>) src(%arg7 : memref<128x128xf32, #tpu.memory_space<vmem>>) dst(%dma_wait3A_107 : memref<10112x128xf32, #tpu.memory_space<vmem_shared>>)
      %mul3A_108 = arith.constant 8 : i32
      %mul3A_109 = arith.muli %scan3A_9, %mul3A_108 : i32
      %add3A_110 = arith.constant 2 : i32
      %add3A_111 = arith.addi %mul3A_109, %add3A_110 : i32
      %dma_wait3A_112 = arith.constant 0 : i32
      %dma_wait3A_113 = tpu.memref_slice %arg6[%add3A_111, %dma_wait3A_112] : memref<80x128xi32, #tpu.memory_space<vmem>> -> memref<1x128xi32, #tpu.memory_space<vmem>>
      %dma_wait3A_114 = tpu.memref_squeeze %dma_wait3A_113 : memref<1x128xi32, #tpu.memory_space<vmem>> -> memref<128xi32, #tpu.memory_space<vmem>>
      %dma_wait3A_115 = arith.constant 0 : i32
      %dma_wait3A_116 = arith.constant 0 : i32
      %dma_wait3A_117 = tpu.memref_slice %arg8[%dma_wait3A_115, %dma_wait3A_116] : memref<10112x128xf32, #tpu.memory_space<vmem_shared>> -> memref<10112x128xf32, #tpu.memory_space<vmem_shared>>
      tpu.wait_indirect_dma semaphore(%arg9 : memref<!tpu.dma_semaphore, #tpu.memory_space<semaphore_mem>>) src(%arg7 : memref<128x128xf32, #tpu.memory_space<vmem>>) dst(%dma_wait3A_117 : memref<10112x128xf32, #tpu.memory_space<vmem_shared>>)
      %mul3A_118 = arith.constant 8 : i32
      %mul3A_119 = arith.muli %scan3A_9, %mul3A_118 : i32
      %add3A_120 = arith.constant 3 : i32
      %add3A_121 = arith.addi %mul3A_119, %add3A_120 : i32
      %dma_wait3A_122 = arith.constant 0 : i32
      %dma_wait3A_123 = tpu.memref_slice %arg6[%add3A_121, %dma_wait3A_122] : memref<80x128xi32, #tpu.memory_space<vmem>> -> memref<1x128xi32, #tpu.memory_space<vmem>>
      %dma_wait3A_124 = tpu.memref_squeeze %dma_wait3A_123 : memref<1x128xi32, #tpu.memory_space<vmem>> -> memref<128xi32, #tpu.memory_space<vmem>>
      %dma_wait3A_125 = arith.constant 0 : i32
      %dma_wait3A_126 = arith.constant 0 : i32
      %dma_wait3A_127 = tpu.memref_slice %arg8[%dma_wait3A_125, %dma_wait3A_126] : memref<10112x128xf32, #tpu.memory_space<vmem_shared>> -> memref<10112x128xf32, #tpu.memory_space<vmem_shared>>
      tpu.wait_indirect_dma semaphore(%arg9 : memref<!tpu.dma_semaphore, #tpu.memory_space<semaphore_mem>>) src(%arg7 : memref<128x128xf32, #tpu.memory_space<vmem>>) dst(%dma_wait3A_127 : memref<10112x128xf32, #tpu.memory_space<vmem_shared>>)
      %mul3A_128 = arith.constant 8 : i32
      %mul3A_129 = arith.muli %scan3A_9, %mul3A_128 : i32
      %add3A_130 = arith.constant 4 : i32
      %add3A_131 = arith.addi %mul3A_129, %add3A_130 : i32
      %dma_wait3A_132 = arith.constant 0 : i32
      %dma_wait3A_133 = tpu.memref_slice %arg6[%add3A_131, %dma_wait3A_132] : memref<80x128xi32, #tpu.memory_space<vmem>> -> memref<1x128xi32, #tpu.memory_space<vmem>>
      %dma_wait3A_134 = tpu.memref_squeeze %dma_wait3A_133 : memref<1x128xi32, #tpu.memory_space<vmem>> -> memref<128xi32, #tpu.memory_space<vmem>>
      %dma_wait3A_135 = arith.constant 0 : i32
      %dma_wait3A_136 = arith.constant 0 : i32
      %dma_wait3A_137 = tpu.memref_slice %arg8[%dma_wait3A_135, %dma_wait3A_136] : memref<10112x128xf32, #tpu.memory_space<vmem_shared>> -> memref<10112x128xf32, #tpu.memory_space<vmem_shared>>
      tpu.wait_indirect_dma semaphore(%arg9 : memref<!tpu.dma_semaphore, #tpu.memory_space<semaphore_mem>>) src(%arg7 : memref<128x128xf32, #tpu.memory_space<vmem>>) dst(%dma_wait3A_137 : memref<10112x128xf32, #tpu.memory_space<vmem_shared>>)
      %mul3A_138 = arith.constant 8 : i32
      %mul3A_139 = arith.muli %scan3A_9, %mul3A_138 : i32
      %add3A_140 = arith.constant 5 : i32
      %add3A_141 = arith.addi %mul3A_139, %add3A_140 : i32
      %dma_wait3A_142 = arith.constant 0 : i32
      %dma_wait3A_143 = tpu.memref_slice %arg6[%add3A_141, %dma_wait3A_142] : memref<80x128xi32, #tpu.memory_space<vmem>> -> memref<1x128xi32, #tpu.memory_space<vmem>>
      %dma_wait3A_144 = tpu.memref_squeeze %dma_wait3A_143 : memref<1x128xi32, #tpu.memory_space<vmem>> -> memref<128xi32, #tpu.memory_space<vmem>>
      %dma_wait3A_145 = arith.constant 0 : i32
      %dma_wait3A_146 = arith.constant 0 : i32
      %dma_wait3A_147 = tpu.memref_slice %arg8[%dma_wait3A_145, %dma_wait3A_146] : memref<10112x128xf32, #tpu.memory_space<vmem_shared>> -> memref<10112x128xf32, #tpu.memory_space<vmem_shared>>
      tpu.wait_indirect_dma semaphore(%arg9 : memref<!tpu.dma_semaphore, #tpu.memory_space<semaphore_mem>>) src(%arg7 : memref<128x128xf32, #tpu.memory_space<vmem>>) dst(%dma_wait3A_147 : memref<10112x128xf32, #tpu.memory_space<vmem_shared>>)
      %mul3A_148 = arith.constant 8 : i32
      %mul3A_149 = arith.muli %scan3A_9, %mul3A_148 : i32
      %add3A_150 = arith.constant 6 : i32
      %add3A_151 = arith.addi %mul3A_149, %add3A_150 : i32
      %dma_wait3A_152 = arith.constant 0 : i32
      %dma_wait3A_153 = tpu.memref_slice %arg6[%add3A_151, %dma_wait3A_152] : memref<80x128xi32, #tpu.memory_space<vmem>> -> memref<1x128xi32, #tpu.memory_space<vmem>>
      %dma_wait3A_154 = tpu.memref_squeeze %dma_wait3A_153 : memref<1x128xi32, #tpu.memory_space<vmem>> -> memref<128xi32, #tpu.memory_space<vmem>>
      %dma_wait3A_155 = arith.constant 0 : i32
      %dma_wait3A_156 = arith.constant 0 : i32
      %dma_wait3A_157 = tpu.memref_slice %arg8[%dma_wait3A_155, %dma_wait3A_156] : memref<10112x128xf32, #tpu.memory_space<vmem_shared>> -> memref<10112x128xf32, #tpu.memory_space<vmem_shared>>
      tpu.wait_indirect_dma semaphore(%arg9 : memref<!tpu.dma_semaphore, #tpu.memory_space<semaphore_mem>>) src(%arg7 : memref<128x128xf32, #tpu.memory_space<vmem>>) dst(%dma_wait3A_157 : memref<10112x128xf32, #tpu.memory_space<vmem_shared>>)
      %mul3A_158 = arith.constant 8 : i32
      %mul3A_159 = arith.muli %scan3A_9, %mul3A_158 : i32
      %add3A_160 = arith.constant 7 : i32
      %add3A_161 = arith.addi %mul3A_159, %add3A_160 : i32
      %dma_wait3A_162 = arith.constant 0 : i32
      %dma_wait3A_163 = tpu.memref_slice %arg6[%add3A_161, %dma_wait3A_162] : memref<80x128xi32, #tpu.memory_space<vmem>> -> memref<1x128xi32, #tpu.memory_space<vmem>>
      %dma_wait3A_164 = tpu.memref_squeeze %dma_wait3A_163 : memref<1x128xi32, #tpu.memory_space<vmem>> -> memref<128xi32, #tpu.memory_space<vmem>>
      %dma_wait3A_165 = arith.constant 0 : i32
      %dma_wait3A_166 = arith.constant 0 : i32
      %dma_wait3A_167 = tpu.memref_slice %arg8[%dma_wait3A_165, %dma_wait3A_166] : memref<10112x128xf32, #tpu.memory_space<vmem_shared>> -> memref<10112x128xf32, #tpu.memory_space<vmem_shared>>
      tpu.wait_indirect_dma semaphore(%arg9 : memref<!tpu.dma_semaphore, #tpu.memory_space<semaphore_mem>>) src(%arg7 : memref<128x128xf32, #tpu.memory_space<vmem>>) dst(%dma_wait3A_167 : memref<10112x128xf32, #tpu.memory_space<vmem_shared>>)
    }
    %scan3A_7 = arith.constant 10 : i32
    %barrier3A_8 = arith.constant 0 : index
    tpu.barrier barrier_id(%barrier3A_8)
    "tpu.region"() ({
      %run_scoped3A = tpu.sem_alloc : memref<!tpu.dma_semaphore, #tpu.memory_space<semaphore_mem>>
      %dma_start3A = arith.constant 0 : i32
      %dma_start3A_9 = arith.constant 0 : i32
      %dma_start3A_10 = tpu.memref_slice %arg5[%arg0, %dma_start3A, %dma_start3A_9] : memref<2x10112x128xf32, #tpu.memory_space<hbm>> -> memref<1x10112x128xf32, #tpu.memory_space<hbm>>
      %dma_start3A_11 = tpu.memref_squeeze %dma_start3A_10 : memref<1x10112x128xf32, #tpu.memory_space<hbm>> -> memref<10112x128xf32, #tpu.memory_space<hbm>>
      %dma_start3A_12 = arith.constant 0 : i32
      %dma_start3A_13 = tpu.memref_slice %dma_start3A_11[%mul3A_2, %dma_start3A_12] : memref<10112x128xf32, #tpu.memory_space<hbm>> -> memref<632x128xf32, #tpu.memory_space<hbm>>
      %dma_start3A_14 = arith.constant 0 : i32
      %dma_start3A_15 = tpu.memref_slice %arg8[%mul3A_2, %dma_start3A_14] : memref<10112x128xf32, #tpu.memory_space<vmem_shared>> -> memref<632x128xf32, #tpu.memory_space<vmem_shared>>
      tpu.enqueue_dma source(%dma_start3A_15 : memref<632x128xf32, #tpu.memory_space<vmem_shared>>) target(%dma_start3A_13 : memref<632x128xf32, #tpu.memory_space<hbm>>) target_semaphore(%run_scoped3A : memref<!tpu.dma_semaphore, #tpu.memory_space<semaphore_mem>>)
      %dma_wait3A = arith.constant 0 : i32
      %dma_wait3A_16 = arith.constant 0 : i32
      %dma_wait3A_17 = tpu.memref_slice %arg5[%arg0, %dma_wait3A, %dma_wait3A_16] : memref<2x10112x128xf32, #tpu.memory_space<hbm>> -> memref<1x10112x128xf32, #tpu.memory_space<hbm>>
      %dma_wait3A_18 = tpu.memref_squeeze %dma_wait3A_17 : memref<1x10112x128xf32, #tpu.memory_space<hbm>> -> memref<10112x128xf32, #tpu.memory_space<hbm>>
      %dma_wait3A_19 = arith.constant 0 : i32
      %dma_wait3A_20 = tpu.memref_slice %dma_wait3A_18[%mul3A_2, %dma_wait3A_19] : memref<10112x128xf32, #tpu.memory_space<hbm>> -> memref<632x128xf32, #tpu.memory_space<hbm>>
      %dma_wait3A_21 = arith.constant 0 : i32
      %dma_wait3A_22 = tpu.memref_slice %arg8[%mul3A_2, %dma_wait3A_21] : memref<10112x128xf32, #tpu.memory_space<vmem_shared>> -> memref<632x128xf32, #tpu.memory_space<vmem_shared>>
      tpu.wait_dma2 semaphore(%run_scoped3A : memref<!tpu.dma_semaphore, #tpu.memory_space<semaphore_mem>>) src(%dma_wait3A_22 : memref<632x128xf32, #tpu.memory_space<vmem_shared>>) dst(%dma_wait3A_20 : memref<632x128xf32, #tpu.memory_space<hbm>>)
      tpu.yield
    }) : () -> ()
    return
  }
}

#map = affine_map<(d0, d1) -> (0, 0)>
#map1 = affine_map<(d0, d1) -> (0, 0, 0)>
module attributes {stable_mosaic.version = 14 : i64} {
  func.func @agg_kernel(%arg0: i32, %arg1: i32, %arg2: memref<2560x128xi32, #tpu.memory_space<hbm>>, %arg3: memref<2560x128xi32, #tpu.memory_space<hbm>>, %arg4: memref<80000x128xf32, #tpu.memory_space<hbm>>, %arg5: memref<632x128xf32, #tpu.memory_space<hbm>>, %arg6: memref<2x10112x128xf32, #tpu.memory_space<hbm>>, %arg7: memref<16x128xi32, #tpu.memory_space<vmem>>, %arg8: memref<16x128xi32, #tpu.memory_space<vmem>>, %arg9: memref<128x128xf32, #tpu.memory_space<vmem>>, %arg10: memref<128x128xf32, #tpu.memory_space<vmem>>, %arg11: memref<10112x128xf32, #tpu.memory_space<vmem_shared>>, %arg12: memref<!tpu.dma_semaphore, #tpu.memory_space<semaphore_mem>>, %arg13: memref<!tpu.dma_semaphore, #tpu.memory_space<semaphore_mem>>, %arg14: memref<!tpu.dma_semaphore, #tpu.memory_space<semaphore_mem>>, %arg15: memref<!tpu.dma_semaphore, #tpu.memory_space<semaphore_mem>>) attributes {dimension_semantics = [#tpu.dimension_semantics<core_parallel>, #tpu.dimension_semantics<subcore_parallel>], iteration_bounds = array<i64: 2, 16>, scalar_prefetch = 0 : i64, scratch_operands = 9 : i64, tpu.core_type = #tpu.core_type<sc_vector_subcore>, window_params = [{transform_indices = #map}, {transform_indices = #map}, {transform_indices = #map}, {transform_indices = #map}, {transform_indices = #map1}]} {
    %sub3A = arith.constant 1 : i32
    %sub3A_0 = arith.subi %sub3A, %arg0 : i32
    %mul3A = arith.constant 5 : i32
    %mul3A_1 = arith.muli %arg1, %mul3A : i32
    %mul3A_2 = arith.constant 16 : i32
    %mul3A_3 = arith.muli %mul3A_1, %mul3A_2 : i32
    %mul3A_4 = arith.muli %sub3A_0, %mul3A_3 : i32
    %mul3A_5 = arith.constant 5 : i32
    %mul3A_6 = arith.muli %arg1, %mul3A_5 : i32
    %mul3A_7 = arith.constant 16 : i32
    %mul3A_8 = arith.muli %mul3A_6, %mul3A_7 : i32
    %add3A = arith.constant 1280 : i32
    %add3A_9 = arith.addi %add3A, %mul3A_8 : i32
    %mul3A_10 = arith.muli %arg0, %add3A_9 : i32
    %add3A_11 = arith.addi %mul3A_4, %mul3A_10 : i32
    %mul3A_12 = arith.constant 0 : i32
    %mul3A_13 = arith.muli %arg0, %mul3A_12 : i32
    %add3A_14 = arith.constant 5 : i32
    %add3A_15 = arith.addi %add3A_14, %mul3A_13 : i32
    %mul3A_16 = arith.constant 632 : i32
    %mul3A_17 = arith.muli %arg1, %mul3A_16 : i32
    "tpu.region"() ({
      %run_scoped3A = tpu.sem_alloc : memref<!tpu.dma_semaphore, #tpu.memory_space<semaphore_mem>>
      %dma_start3A = arith.constant 0 : i32
      %dma_start3A_28 = tpu.memref_slice %arg11[%mul3A_17, %dma_start3A] : memref<10112x128xf32, #tpu.memory_space<vmem_shared>> -> memref<632x128xf32, #tpu.memory_space<vmem_shared>>
      tpu.enqueue_dma source(%arg5 : memref<632x128xf32, #tpu.memory_space<hbm>>) target(%dma_start3A_28 : memref<632x128xf32, #tpu.memory_space<vmem_shared>>) target_semaphore(%run_scoped3A : memref<!tpu.dma_semaphore, #tpu.memory_space<semaphore_mem>>)
      %dma_wait3A = arith.constant 0 : i32
      %dma_wait3A_29 = tpu.memref_slice %arg11[%mul3A_17, %dma_wait3A] : memref<10112x128xf32, #tpu.memory_space<vmem_shared>> -> memref<632x128xf32, #tpu.memory_space<vmem_shared>>
      tpu.wait_dma2 semaphore(%run_scoped3A : memref<!tpu.dma_semaphore, #tpu.memory_space<semaphore_mem>>) src(%arg5 : memref<632x128xf32, #tpu.memory_space<hbm>>) dst(%dma_wait3A_29 : memref<632x128xf32, #tpu.memory_space<vmem_shared>>)
      tpu.yield
    }) : () -> ()
    %barrier3A = arith.constant 0 : index
    tpu.barrier barrier_id(%barrier3A)
    %while3A = arith.constant 0 : i32
    %while3A_18 = arith.constant 0 : i32
    %while3A_19 = arith.subi %add3A_15, %while3A_18 : i32
    %while3A_20 = arith.addi %while3A_18, %while3A_19 : i32
    %while3A_21 = arith.constant 1 : i32
    %while3A_22 = arith.divsi %while3A_19, %while3A_21 : i32
    %while3A_23 = arith.muli %while3A_22, %while3A_21 : i32
    %while3A_24 = arith.addi %while3A_18, %while3A_23 : i32
    %while3A_25 = arith.constant 1 : i32
    scf.for %while3A_28 = %while3A_18 to %while3A_24 step %while3A_25  : i32 {
      %mul3A_29 = arith.constant 16 : i32
      %mul3A_30 = arith.muli %while3A_28, %mul3A_29 : i32
      %add3A_31 = arith.addi %add3A_11, %mul3A_30 : i32
      "tpu.region"() ({
        %run_scoped3A_230 = tpu.sem_alloc : memref<!tpu.dma_semaphore, #tpu.memory_space<semaphore_mem>>
        %dma_start3A_231 = arith.constant 0 : i32
        %dma_start3A_232 = tpu.memref_slice %arg2[%add3A_31, %dma_start3A_231] : memref<2560x128xi32, #tpu.memory_space<hbm>> -> memref<16x128xi32, #tpu.memory_space<hbm>>
        %dma_start3A_233 = arith.constant 0 : i32
        %dma_start3A_234 = tpu.memref_slice %arg2[%add3A_31, %dma_start3A_233] : memref<2560x128xi32, #tpu.memory_space<hbm>> -> memref<16x128xi32, #tpu.memory_space<hbm>>
        tpu.enqueue_dma source(%dma_start3A_234 : memref<16x128xi32, #tpu.memory_space<hbm>>) target(%arg7 : memref<16x128xi32, #tpu.memory_space<vmem>>) target_semaphore(%run_scoped3A_230 : memref<!tpu.dma_semaphore, #tpu.memory_space<semaphore_mem>>)
        %dma_wait3A_235 = arith.constant 0 : i32
        %dma_wait3A_236 = tpu.memref_slice %arg2[%add3A_31, %dma_wait3A_235] : memref<2560x128xi32, #tpu.memory_space<hbm>> -> memref<16x128xi32, #tpu.memory_space<hbm>>
        %dma_wait3A_237 = arith.constant 0 : i32
        %dma_wait3A_238 = tpu.memref_slice %arg2[%add3A_31, %dma_wait3A_237] : memref<2560x128xi32, #tpu.memory_space<hbm>> -> memref<16x128xi32, #tpu.memory_space<hbm>>
        tpu.wait_dma2 semaphore(%run_scoped3A_230 : memref<!tpu.dma_semaphore, #tpu.memory_space<semaphore_mem>>) src(%dma_wait3A_238 : memref<16x128xi32, #tpu.memory_space<hbm>>) dst(%arg7 : memref<16x128xi32, #tpu.memory_space<vmem>>)
        tpu.yield
      }) : () -> ()
      %mul3A_32 = arith.constant 16 : i32
      %mul3A_33 = arith.muli %while3A_28, %mul3A_32 : i32
      %add3A_34 = arith.addi %add3A_11, %mul3A_33 : i32
      "tpu.region"() ({
        %run_scoped3A_230 = tpu.sem_alloc : memref<!tpu.dma_semaphore, #tpu.memory_space<semaphore_mem>>
        %dma_start3A_231 = arith.constant 0 : i32
        %dma_start3A_232 = tpu.memref_slice %arg3[%add3A_34, %dma_start3A_231] : memref<2560x128xi32, #tpu.memory_space<hbm>> -> memref<16x128xi32, #tpu.memory_space<hbm>>
        %dma_start3A_233 = arith.constant 0 : i32
        %dma_start3A_234 = tpu.memref_slice %arg3[%add3A_34, %dma_start3A_233] : memref<2560x128xi32, #tpu.memory_space<hbm>> -> memref<16x128xi32, #tpu.memory_space<hbm>>
        tpu.enqueue_dma source(%dma_start3A_234 : memref<16x128xi32, #tpu.memory_space<hbm>>) target(%arg8 : memref<16x128xi32, #tpu.memory_space<vmem>>) target_semaphore(%run_scoped3A_230 : memref<!tpu.dma_semaphore, #tpu.memory_space<semaphore_mem>>)
        %dma_wait3A_235 = arith.constant 0 : i32
        %dma_wait3A_236 = tpu.memref_slice %arg3[%add3A_34, %dma_wait3A_235] : memref<2560x128xi32, #tpu.memory_space<hbm>> -> memref<16x128xi32, #tpu.memory_space<hbm>>
        %dma_wait3A_237 = arith.constant 0 : i32
        %dma_wait3A_238 = tpu.memref_slice %arg3[%add3A_34, %dma_wait3A_237] : memref<2560x128xi32, #tpu.memory_space<hbm>> -> memref<16x128xi32, #tpu.memory_space<hbm>>
        tpu.wait_dma2 semaphore(%run_scoped3A_230 : memref<!tpu.dma_semaphore, #tpu.memory_space<semaphore_mem>>) src(%dma_wait3A_238 : memref<16x128xi32, #tpu.memory_space<hbm>>) dst(%arg8 : memref<16x128xi32, #tpu.memory_space<vmem>>)
        tpu.yield
      }) : () -> ()
      %dma_start3A = arith.constant 0 : i32
      %dma_start3A_35 = arith.constant 0 : i32
      %dma_start3A_36 = arith.constant 0 : i32
      %dma_start3A_37 = tpu.memref_slice %arg9[%dma_start3A_35, %dma_start3A_36] : memref<128x128xf32, #tpu.memory_space<vmem>> -> memref<32x128xf32, #tpu.memory_space<vmem>>
      %dma_start3A_38 = arith.constant 0 : i32
      %dma_start3A_39 = tpu.memref_slice %arg7[%dma_start3A, %dma_start3A_38] : memref<16x128xi32, #tpu.memory_space<vmem>> -> memref<1x128xi32, #tpu.memory_space<vmem>>
      %dma_start3A_40 = tpu.memref_squeeze %dma_start3A_39 : memref<1x128xi32, #tpu.memory_space<vmem>> -> memref<128xi32, #tpu.memory_space<vmem>>
      %dma_start3A_41 = arith.constant 0 : i32
      %dma_start3A_42 = tpu.memref_slice %dma_start3A_40[%dma_start3A_41] : memref<128xi32, #tpu.memory_space<vmem>> -> memref<32xi32, #tpu.memory_space<vmem>>
      %dma_start3A_43 = arith.constant 0 : i32
      %dma_start3A_44 = arith.constant 0 : i32
      %dma_start3A_45 = tpu.memref_slice %arg4[%dma_start3A_43, %dma_start3A_44] : memref<80000x128xf32, #tpu.memory_space<hbm>> -> memref<80000x128xf32, #tpu.memory_space<hbm>>
      tpu.enqueue_indirect_dma source(%dma_start3A_45 : memref<80000x128xf32, #tpu.memory_space<hbm>>) target(%dma_start3A_37 : memref<32x128xf32, #tpu.memory_space<vmem>>) offsets(%dma_start3A_42 : memref<32xi32, #tpu.memory_space<vmem>>) semaphore(%arg12 : memref<!tpu.dma_semaphore, #tpu.memory_space<semaphore_mem>>)
      %dma_start3A_46 = arith.constant 0 : i32
      %dma_start3A_47 = arith.constant 32 : i32
      %dma_start3A_48 = arith.constant 0 : i32
      %dma_start3A_49 = tpu.memref_slice %arg9[%dma_start3A_47, %dma_start3A_48] : memref<128x128xf32, #tpu.memory_space<vmem>> -> memref<32x128xf32, #tpu.memory_space<vmem>>
      %dma_start3A_50 = arith.constant 0 : i32
      %dma_start3A_51 = tpu.memref_slice %arg7[%dma_start3A_46, %dma_start3A_50] : memref<16x128xi32, #tpu.memory_space<vmem>> -> memref<1x128xi32, #tpu.memory_space<vmem>>
      %dma_start3A_52 = tpu.memref_squeeze %dma_start3A_51 : memref<1x128xi32, #tpu.memory_space<vmem>> -> memref<128xi32, #tpu.memory_space<vmem>>
      %dma_start3A_53 = arith.constant 32 : i32
      %dma_start3A_54 = tpu.memref_slice %dma_start3A_52[%dma_start3A_53] : memref<128xi32, #tpu.memory_space<vmem>> -> memref<32xi32, #tpu.memory_space<vmem>>
      %dma_start3A_55 = arith.constant 0 : i32
      %dma_start3A_56 = arith.constant 0 : i32
      %dma_start3A_57 = tpu.memref_slice %arg4[%dma_start3A_55, %dma_start3A_56] : memref<80000x128xf32, #tpu.memory_space<hbm>> -> memref<80000x128xf32, #tpu.memory_space<hbm>>
      tpu.enqueue_indirect_dma source(%dma_start3A_57 : memref<80000x128xf32, #tpu.memory_space<hbm>>) target(%dma_start3A_49 : memref<32x128xf32, #tpu.memory_space<vmem>>) offsets(%dma_start3A_54 : memref<32xi32, #tpu.memory_space<vmem>>) semaphore(%arg12 : memref<!tpu.dma_semaphore, #tpu.memory_space<semaphore_mem>>)
      %dma_start3A_58 = arith.constant 0 : i32
      %dma_start3A_59 = arith.constant 64 : i32
      %dma_start3A_60 = arith.constant 0 : i32
      %dma_start3A_61 = tpu.memref_slice %arg9[%dma_start3A_59, %dma_start3A_60] : memref<128x128xf32, #tpu.memory_space<vmem>> -> memref<32x128xf32, #tpu.memory_space<vmem>>
      %dma_start3A_62 = arith.constant 0 : i32
      %dma_start3A_63 = tpu.memref_slice %arg7[%dma_start3A_58, %dma_start3A_62] : memref<16x128xi32, #tpu.memory_space<vmem>> -> memref<1x128xi32, #tpu.memory_space<vmem>>
      %dma_start3A_64 = tpu.memref_squeeze %dma_start3A_63 : memref<1x128xi32, #tpu.memory_space<vmem>> -> memref<128xi32, #tpu.memory_space<vmem>>
      %dma_start3A_65 = arith.constant 64 : i32
      %dma_start3A_66 = tpu.memref_slice %dma_start3A_64[%dma_start3A_65] : memref<128xi32, #tpu.memory_space<vmem>> -> memref<32xi32, #tpu.memory_space<vmem>>
      %dma_start3A_67 = arith.constant 0 : i32
      %dma_start3A_68 = arith.constant 0 : i32
      %dma_start3A_69 = tpu.memref_slice %arg4[%dma_start3A_67, %dma_start3A_68] : memref<80000x128xf32, #tpu.memory_space<hbm>> -> memref<80000x128xf32, #tpu.memory_space<hbm>>
      tpu.enqueue_indirect_dma source(%dma_start3A_69 : memref<80000x128xf32, #tpu.memory_space<hbm>>) target(%dma_start3A_61 : memref<32x128xf32, #tpu.memory_space<vmem>>) offsets(%dma_start3A_66 : memref<32xi32, #tpu.memory_space<vmem>>) semaphore(%arg12 : memref<!tpu.dma_semaphore, #tpu.memory_space<semaphore_mem>>)
      %dma_start3A_70 = arith.constant 0 : i32
      %dma_start3A_71 = arith.constant 96 : i32
      %dma_start3A_72 = arith.constant 0 : i32
      %dma_start3A_73 = tpu.memref_slice %arg9[%dma_start3A_71, %dma_start3A_72] : memref<128x128xf32, #tpu.memory_space<vmem>> -> memref<32x128xf32, #tpu.memory_space<vmem>>
      %dma_start3A_74 = arith.constant 0 : i32
      %dma_start3A_75 = tpu.memref_slice %arg7[%dma_start3A_70, %dma_start3A_74] : memref<16x128xi32, #tpu.memory_space<vmem>> -> memref<1x128xi32, #tpu.memory_space<vmem>>
      %dma_start3A_76 = tpu.memref_squeeze %dma_start3A_75 : memref<1x128xi32, #tpu.memory_space<vmem>> -> memref<128xi32, #tpu.memory_space<vmem>>
      %dma_start3A_77 = arith.constant 96 : i32
      %dma_start3A_78 = tpu.memref_slice %dma_start3A_76[%dma_start3A_77] : memref<128xi32, #tpu.memory_space<vmem>> -> memref<32xi32, #tpu.memory_space<vmem>>
      %dma_start3A_79 = arith.constant 0 : i32
      %dma_start3A_80 = arith.constant 0 : i32
      %dma_start3A_81 = tpu.memref_slice %arg4[%dma_start3A_79, %dma_start3A_80] : memref<80000x128xf32, #tpu.memory_space<hbm>> -> memref<80000x128xf32, #tpu.memory_space<hbm>>
      tpu.enqueue_indirect_dma source(%dma_start3A_81 : memref<80000x128xf32, #tpu.memory_space<hbm>>) target(%dma_start3A_73 : memref<32x128xf32, #tpu.memory_space<vmem>>) offsets(%dma_start3A_78 : memref<32xi32, #tpu.memory_space<vmem>>) semaphore(%arg12 : memref<!tpu.dma_semaphore, #tpu.memory_space<semaphore_mem>>)
      %dma_start3A_82 = arith.constant 1 : i32
      %dma_start3A_83 = arith.constant 0 : i32
      %dma_start3A_84 = arith.constant 0 : i32
      %dma_start3A_85 = tpu.memref_slice %arg10[%dma_start3A_83, %dma_start3A_84] : memref<128x128xf32, #tpu.memory_space<vmem>> -> memref<32x128xf32, #tpu.memory_space<vmem>>
      %dma_start3A_86 = arith.constant 0 : i32
      %dma_start3A_87 = tpu.memref_slice %arg7[%dma_start3A_82, %dma_start3A_86] : memref<16x128xi32, #tpu.memory_space<vmem>> -> memref<1x128xi32, #tpu.memory_space<vmem>>
      %dma_start3A_88 = tpu.memref_squeeze %dma_start3A_87 : memref<1x128xi32, #tpu.memory_space<vmem>> -> memref<128xi32, #tpu.memory_space<vmem>>
      %dma_start3A_89 = arith.constant 0 : i32
      %dma_start3A_90 = tpu.memref_slice %dma_start3A_88[%dma_start3A_89] : memref<128xi32, #tpu.memory_space<vmem>> -> memref<32xi32, #tpu.memory_space<vmem>>
      %dma_start3A_91 = arith.constant 0 : i32
      %dma_start3A_92 = arith.constant 0 : i32
      %dma_start3A_93 = tpu.memref_slice %arg4[%dma_start3A_91, %dma_start3A_92] : memref<80000x128xf32, #tpu.memory_space<hbm>> -> memref<80000x128xf32, #tpu.memory_space<hbm>>
      tpu.enqueue_indirect_dma source(%dma_start3A_93 : memref<80000x128xf32, #tpu.memory_space<hbm>>) target(%dma_start3A_85 : memref<32x128xf32, #tpu.memory_space<vmem>>) offsets(%dma_start3A_90 : memref<32xi32, #tpu.memory_space<vmem>>) semaphore(%arg13 : memref<!tpu.dma_semaphore, #tpu.memory_space<semaphore_mem>>)
      %dma_start3A_94 = arith.constant 1 : i32
      %dma_start3A_95 = arith.constant 32 : i32
      %dma_start3A_96 = arith.constant 0 : i32
      %dma_start3A_97 = tpu.memref_slice %arg10[%dma_start3A_95, %dma_start3A_96] : memref<128x128xf32, #tpu.memory_space<vmem>> -> memref<32x128xf32, #tpu.memory_space<vmem>>
      %dma_start3A_98 = arith.constant 0 : i32
      %dma_start3A_99 = tpu.memref_slice %arg7[%dma_start3A_94, %dma_start3A_98] : memref<16x128xi32, #tpu.memory_space<vmem>> -> memref<1x128xi32, #tpu.memory_space<vmem>>
      %dma_start3A_100 = tpu.memref_squeeze %dma_start3A_99 : memref<1x128xi32, #tpu.memory_space<vmem>> -> memref<128xi32, #tpu.memory_space<vmem>>
      %dma_start3A_101 = arith.constant 32 : i32
      %dma_start3A_102 = tpu.memref_slice %dma_start3A_100[%dma_start3A_101] : memref<128xi32, #tpu.memory_space<vmem>> -> memref<32xi32, #tpu.memory_space<vmem>>
      %dma_start3A_103 = arith.constant 0 : i32
      %dma_start3A_104 = arith.constant 0 : i32
      %dma_start3A_105 = tpu.memref_slice %arg4[%dma_start3A_103, %dma_start3A_104] : memref<80000x128xf32, #tpu.memory_space<hbm>> -> memref<80000x128xf32, #tpu.memory_space<hbm>>
      tpu.enqueue_indirect_dma source(%dma_start3A_105 : memref<80000x128xf32, #tpu.memory_space<hbm>>) target(%dma_start3A_97 : memref<32x128xf32, #tpu.memory_space<vmem>>) offsets(%dma_start3A_102 : memref<32xi32, #tpu.memory_space<vmem>>) semaphore(%arg13 : memref<!tpu.dma_semaphore, #tpu.memory_space<semaphore_mem>>)
      %dma_start3A_106 = arith.constant 1 : i32
      %dma_start3A_107 = arith.constant 64 : i32
      %dma_start3A_108 = arith.constant 0 : i32
      %dma_start3A_109 = tpu.memref_slice %arg10[%dma_start3A_107, %dma_start3A_108] : memref<128x128xf32, #tpu.memory_space<vmem>> -> memref<32x128xf32, #tpu.memory_space<vmem>>
      %dma_start3A_110 = arith.constant 0 : i32
      %dma_start3A_111 = tpu.memref_slice %arg7[%dma_start3A_106, %dma_start3A_110] : memref<16x128xi32, #tpu.memory_space<vmem>> -> memref<1x128xi32, #tpu.memory_space<vmem>>
      %dma_start3A_112 = tpu.memref_squeeze %dma_start3A_111 : memref<1x128xi32, #tpu.memory_space<vmem>> -> memref<128xi32, #tpu.memory_space<vmem>>
      %dma_start3A_113 = arith.constant 64 : i32
      %dma_start3A_114 = tpu.memref_slice %dma_start3A_112[%dma_start3A_113] : memref<128xi32, #tpu.memory_space<vmem>> -> memref<32xi32, #tpu.memory_space<vmem>>
      %dma_start3A_115 = arith.constant 0 : i32
      %dma_start3A_116 = arith.constant 0 : i32
      %dma_start3A_117 = tpu.memref_slice %arg4[%dma_start3A_115, %dma_start3A_116] : memref<80000x128xf32, #tpu.memory_space<hbm>> -> memref<80000x128xf32, #tpu.memory_space<hbm>>
      tpu.enqueue_indirect_dma source(%dma_start3A_117 : memref<80000x128xf32, #tpu.memory_space<hbm>>) target(%dma_start3A_109 : memref<32x128xf32, #tpu.memory_space<vmem>>) offsets(%dma_start3A_114 : memref<32xi32, #tpu.memory_space<vmem>>) semaphore(%arg13 : memref<!tpu.dma_semaphore, #tpu.memory_space<semaphore_mem>>)
      %dma_start3A_118 = arith.constant 1 : i32
      %dma_start3A_119 = arith.constant 96 : i32
      %dma_start3A_120 = arith.constant 0 : i32
      %dma_start3A_121 = tpu.memref_slice %arg10[%dma_start3A_119, %dma_start3A_120] : memref<128x128xf32, #tpu.memory_space<vmem>> -> memref<32x128xf32, #tpu.memory_space<vmem>>
      %dma_start3A_122 = arith.constant 0 : i32
      %dma_start3A_123 = tpu.memref_slice %arg7[%dma_start3A_118, %dma_start3A_122] : memref<16x128xi32, #tpu.memory_space<vmem>> -> memref<1x128xi32, #tpu.memory_space<vmem>>
      %dma_start3A_124 = tpu.memref_squeeze %dma_start3A_123 : memref<1x128xi32, #tpu.memory_space<vmem>> -> memref<128xi32, #tpu.memory_space<vmem>>
      %dma_start3A_125 = arith.constant 96 : i32
      %dma_start3A_126 = tpu.memref_slice %dma_start3A_124[%dma_start3A_125] : memref<128xi32, #tpu.memory_space<vmem>> -> memref<32xi32, #tpu.memory_space<vmem>>
      %dma_start3A_127 = arith.constant 0 : i32
      %dma_start3A_128 = arith.constant 0 : i32
      %dma_start3A_129 = tpu.memref_slice %arg4[%dma_start3A_127, %dma_start3A_128] : memref<80000x128xf32, #tpu.memory_space<hbm>> -> memref<80000x128xf32, #tpu.memory_space<hbm>>
      tpu.enqueue_indirect_dma source(%dma_start3A_129 : memref<80000x128xf32, #tpu.memory_space<hbm>>) target(%dma_start3A_121 : memref<32x128xf32, #tpu.memory_space<vmem>>) offsets(%dma_start3A_126 : memref<32xi32, #tpu.memory_space<vmem>>) semaphore(%arg13 : memref<!tpu.dma_semaphore, #tpu.memory_space<semaphore_mem>>)
      %scan3A = arith.constant 0 : i32
      %scan3A_130 = arith.constant 7 : i32
      %scan3A_131 = arith.addi %scan3A, %scan3A_130 : i32
      %scan3A_132 = arith.constant 1 : i32
      scf.for %scan3A_230 = %scan3A to %scan3A_131 step %scan3A_132  : i32 {
        %mul3A_231 = arith.constant 2 : i32
        %mul3A_232 = arith.muli %mul3A_231, %scan3A_230 : i32
        %dma_wait3A_233 = arith.constant 0 : i32
        %dma_wait3A_234 = arith.constant 0 : i32
        %dma_wait3A_235 = tpu.memref_slice %arg9[%dma_wait3A_233, %dma_wait3A_234] : memref<128x128xf32, #tpu.memory_space<vmem>> -> memref<32x128xf32, #tpu.memory_space<vmem>>
        %dma_wait3A_236 = arith.constant 0 : i32
        %dma_wait3A_237 = tpu.memref_slice %arg7[%mul3A_232, %dma_wait3A_236] : memref<16x128xi32, #tpu.memory_space<vmem>> -> memref<1x128xi32, #tpu.memory_space<vmem>>
        %dma_wait3A_238 = tpu.memref_squeeze %dma_wait3A_237 : memref<1x128xi32, #tpu.memory_space<vmem>> -> memref<128xi32, #tpu.memory_space<vmem>>
        %dma_wait3A_239 = arith.constant 0 : i32
        %dma_wait3A_240 = tpu.memref_slice %dma_wait3A_238[%dma_wait3A_239] : memref<128xi32, #tpu.memory_space<vmem>> -> memref<32xi32, #tpu.memory_space<vmem>>
        %dma_wait3A_241 = arith.constant 0 : i32
        %dma_wait3A_242 = arith.constant 0 : i32
        %dma_wait3A_243 = tpu.memref_slice %arg4[%dma_wait3A_241, %dma_wait3A_242] : memref<80000x128xf32, #tpu.memory_space<hbm>> -> memref<80000x128xf32, #tpu.memory_space<hbm>>
        tpu.wait_indirect_dma semaphore(%arg12 : memref<!tpu.dma_semaphore, #tpu.memory_space<semaphore_mem>>) src(%dma_wait3A_243 : memref<80000x128xf32, #tpu.memory_space<hbm>>) dst(%dma_wait3A_235 : memref<32x128xf32, #tpu.memory_space<vmem>>)
        %dma_wait3A_244 = arith.constant 32 : i32
        %dma_wait3A_245 = arith.constant 0 : i32
        %dma_wait3A_246 = tpu.memref_slice %arg9[%dma_wait3A_244, %dma_wait3A_245] : memref<128x128xf32, #tpu.memory_space<vmem>> -> memref<32x128xf32, #tpu.memory_space<vmem>>
        %dma_wait3A_247 = arith.constant 0 : i32
        %dma_wait3A_248 = tpu.memref_slice %arg7[%mul3A_232, %dma_wait3A_247] : memref<16x128xi32, #tpu.memory_space<vmem>> -> memref<1x128xi32, #tpu.memory_space<vmem>>
        %dma_wait3A_249 = tpu.memref_squeeze %dma_wait3A_248 : memref<1x128xi32, #tpu.memory_space<vmem>> -> memref<128xi32, #tpu.memory_space<vmem>>
        %dma_wait3A_250 = arith.constant 32 : i32
        %dma_wait3A_251 = tpu.memref_slice %dma_wait3A_249[%dma_wait3A_250] : memref<128xi32, #tpu.memory_space<vmem>> -> memref<32xi32, #tpu.memory_space<vmem>>
        %dma_wait3A_252 = arith.constant 0 : i32
        %dma_wait3A_253 = arith.constant 0 : i32
        %dma_wait3A_254 = tpu.memref_slice %arg4[%dma_wait3A_252, %dma_wait3A_253] : memref<80000x128xf32, #tpu.memory_space<hbm>> -> memref<80000x128xf32, #tpu.memory_space<hbm>>
        tpu.wait_indirect_dma semaphore(%arg12 : memref<!tpu.dma_semaphore, #tpu.memory_space<semaphore_mem>>) src(%dma_wait3A_254 : memref<80000x128xf32, #tpu.memory_space<hbm>>) dst(%dma_wait3A_246 : memref<32x128xf32, #tpu.memory_space<vmem>>)
        %dma_wait3A_255 = arith.constant 64 : i32
        %dma_wait3A_256 = arith.constant 0 : i32
        %dma_wait3A_257 = tpu.memref_slice %arg9[%dma_wait3A_255, %dma_wait3A_256] : memref<128x128xf32, #tpu.memory_space<vmem>> -> memref<32x128xf32, #tpu.memory_space<vmem>>
        %dma_wait3A_258 = arith.constant 0 : i32
        %dma_wait3A_259 = tpu.memref_slice %arg7[%mul3A_232, %dma_wait3A_258] : memref<16x128xi32, #tpu.memory_space<vmem>> -> memref<1x128xi32, #tpu.memory_space<vmem>>
        %dma_wait3A_260 = tpu.memref_squeeze %dma_wait3A_259 : memref<1x128xi32, #tpu.memory_space<vmem>> -> memref<128xi32, #tpu.memory_space<vmem>>
        %dma_wait3A_261 = arith.constant 64 : i32
        %dma_wait3A_262 = tpu.memref_slice %dma_wait3A_260[%dma_wait3A_261] : memref<128xi32, #tpu.memory_space<vmem>> -> memref<32xi32, #tpu.memory_space<vmem>>
        %dma_wait3A_263 = arith.constant 0 : i32
        %dma_wait3A_264 = arith.constant 0 : i32
        %dma_wait3A_265 = tpu.memref_slice %arg4[%dma_wait3A_263, %dma_wait3A_264] : memref<80000x128xf32, #tpu.memory_space<hbm>> -> memref<80000x128xf32, #tpu.memory_space<hbm>>
        tpu.wait_indirect_dma semaphore(%arg12 : memref<!tpu.dma_semaphore, #tpu.memory_space<semaphore_mem>>) src(%dma_wait3A_265 : memref<80000x128xf32, #tpu.memory_space<hbm>>) dst(%dma_wait3A_257 : memref<32x128xf32, #tpu.memory_space<vmem>>)
        %dma_wait3A_266 = arith.constant 96 : i32
        %dma_wait3A_267 = arith.constant 0 : i32
        %dma_wait3A_268 = tpu.memref_slice %arg9[%dma_wait3A_266, %dma_wait3A_267] : memref<128x128xf32, #tpu.memory_space<vmem>> -> memref<32x128xf32, #tpu.memory_space<vmem>>
        %dma_wait3A_269 = arith.constant 0 : i32
        %dma_wait3A_270 = tpu.memref_slice %arg7[%mul3A_232, %dma_wait3A_269] : memref<16x128xi32, #tpu.memory_space<vmem>> -> memref<1x128xi32, #tpu.memory_space<vmem>>
        %dma_wait3A_271 = tpu.memref_squeeze %dma_wait3A_270 : memref<1x128xi32, #tpu.memory_space<vmem>> -> memref<128xi32, #tpu.memory_space<vmem>>
        %dma_wait3A_272 = arith.constant 96 : i32
        %dma_wait3A_273 = tpu.memref_slice %dma_wait3A_271[%dma_wait3A_272] : memref<128xi32, #tpu.memory_space<vmem>> -> memref<32xi32, #tpu.memory_space<vmem>>
        %dma_wait3A_274 = arith.constant 0 : i32
        %dma_wait3A_275 = arith.constant 0 : i32
        %dma_wait3A_276 = tpu.memref_slice %arg4[%dma_wait3A_274, %dma_wait3A_275] : memref<80000x128xf32, #tpu.memory_space<hbm>> -> memref<80000x128xf32, #tpu.memory_space<hbm>>
        tpu.wait_indirect_dma semaphore(%arg12 : memref<!tpu.dma_semaphore, #tpu.memory_space<semaphore_mem>>) src(%dma_wait3A_276 : memref<80000x128xf32, #tpu.memory_space<hbm>>) dst(%dma_wait3A_268 : memref<32x128xf32, #tpu.memory_space<vmem>>)
        %dma_start3A_277 = arith.constant 0 : i32
        %dma_start3A_278 = tpu.memref_slice %arg8[%mul3A_232, %dma_start3A_277] : memref<16x128xi32, #tpu.memory_space<vmem>> -> memref<1x128xi32, #tpu.memory_space<vmem>>
        %dma_start3A_279 = tpu.memref_squeeze %dma_start3A_278 : memref<1x128xi32, #tpu.memory_space<vmem>> -> memref<128xi32, #tpu.memory_space<vmem>>
        %dma_start3A_280 = arith.constant 0 : i32
        %dma_start3A_281 = arith.constant 0 : i32
        %dma_start3A_282 = tpu.memref_slice %arg11[%dma_start3A_280, %dma_start3A_281] : memref<10112x128xf32, #tpu.memory_space<vmem_shared>> -> memref<10112x128xf32, #tpu.memory_space<vmem_shared>>
        tpu.enqueue_indirect_dma source(%arg9 : memref<128x128xf32, #tpu.memory_space<vmem>>) target(%dma_start3A_282 : memref<10112x128xf32, #tpu.memory_space<vmem_shared>>) offsets(%dma_start3A_279 : memref<128xi32, #tpu.memory_space<vmem>>) semaphore(%arg14 : memref<!tpu.dma_semaphore, #tpu.memory_space<semaphore_mem>>) {add = true}
        %dma_wait3A_283 = arith.constant 0 : i32
        %dma_wait3A_284 = tpu.memref_slice %arg8[%mul3A_232, %dma_wait3A_283] : memref<16x128xi32, #tpu.memory_space<vmem>> -> memref<1x128xi32, #tpu.memory_space<vmem>>
        %dma_wait3A_285 = tpu.memref_squeeze %dma_wait3A_284 : memref<1x128xi32, #tpu.memory_space<vmem>> -> memref<128xi32, #tpu.memory_space<vmem>>
        %dma_wait3A_286 = arith.constant 0 : i32
        %dma_wait3A_287 = arith.constant 0 : i32
        %dma_wait3A_288 = tpu.memref_slice %arg11[%dma_wait3A_286, %dma_wait3A_287] : memref<10112x128xf32, #tpu.memory_space<vmem_shared>> -> memref<10112x128xf32, #tpu.memory_space<vmem_shared>>
        tpu.wait_indirect_dma semaphore(%arg14 : memref<!tpu.dma_semaphore, #tpu.memory_space<semaphore_mem>>) src(%arg9 : memref<128x128xf32, #tpu.memory_space<vmem>>) dst(%dma_wait3A_288 : memref<10112x128xf32, #tpu.memory_space<vmem_shared>>)
        %add3A_289 = arith.constant 2 : i32
        %add3A_290 = arith.addi %mul3A_232, %add3A_289 : i32
        %dma_start3A_291 = arith.constant 0 : i32
        %dma_start3A_292 = arith.constant 0 : i32
        %dma_start3A_293 = tpu.memref_slice %arg9[%dma_start3A_291, %dma_start3A_292] : memref<128x128xf32, #tpu.memory_space<vmem>> -> memref<32x128xf32, #tpu.memory_space<vmem>>
        %dma_start3A_294 = arith.constant 0 : i32
        %dma_start3A_295 = tpu.memref_slice %arg7[%add3A_290, %dma_start3A_294] : memref<16x128xi32, #tpu.memory_space<vmem>> -> memref<1x128xi32, #tpu.memory_space<vmem>>
        %dma_start3A_296 = tpu.memref_squeeze %dma_start3A_295 : memref<1x128xi32, #tpu.memory_space<vmem>> -> memref<128xi32, #tpu.memory_space<vmem>>
        %dma_start3A_297 = arith.constant 0 : i32
        %dma_start3A_298 = tpu.memref_slice %dma_start3A_296[%dma_start3A_297] : memref<128xi32, #tpu.memory_space<vmem>> -> memref<32xi32, #tpu.memory_space<vmem>>
        %dma_start3A_299 = arith.constant 0 : i32
        %dma_start3A_300 = arith.constant 0 : i32
        %dma_start3A_301 = tpu.memref_slice %arg4[%dma_start3A_299, %dma_start3A_300] : memref<80000x128xf32, #tpu.memory_space<hbm>> -> memref<80000x128xf32, #tpu.memory_space<hbm>>
        tpu.enqueue_indirect_dma source(%dma_start3A_301 : memref<80000x128xf32, #tpu.memory_space<hbm>>) target(%dma_start3A_293 : memref<32x128xf32, #tpu.memory_space<vmem>>) offsets(%dma_start3A_298 : memref<32xi32, #tpu.memory_space<vmem>>) semaphore(%arg12 : memref<!tpu.dma_semaphore, #tpu.memory_space<semaphore_mem>>)
        %dma_start3A_302 = arith.constant 32 : i32
        %dma_start3A_303 = arith.constant 0 : i32
        %dma_start3A_304 = tpu.memref_slice %arg9[%dma_start3A_302, %dma_start3A_303] : memref<128x128xf32, #tpu.memory_space<vmem>> -> memref<32x128xf32, #tpu.memory_space<vmem>>
        %dma_start3A_305 = arith.constant 0 : i32
        %dma_start3A_306 = tpu.memref_slice %arg7[%add3A_290, %dma_start3A_305] : memref<16x128xi32, #tpu.memory_space<vmem>> -> memref<1x128xi32, #tpu.memory_space<vmem>>
        %dma_start3A_307 = tpu.memref_squeeze %dma_start3A_306 : memref<1x128xi32, #tpu.memory_space<vmem>> -> memref<128xi32, #tpu.memory_space<vmem>>
        %dma_start3A_308 = arith.constant 32 : i32
        %dma_start3A_309 = tpu.memref_slice %dma_start3A_307[%dma_start3A_308] : memref<128xi32, #tpu.memory_space<vmem>> -> memref<32xi32, #tpu.memory_space<vmem>>
        %dma_start3A_310 = arith.constant 0 : i32
        %dma_start3A_311 = arith.constant 0 : i32
        %dma_start3A_312 = tpu.memref_slice %arg4[%dma_start3A_310, %dma_start3A_311] : memref<80000x128xf32, #tpu.memory_space<hbm>> -> memref<80000x128xf32, #tpu.memory_space<hbm>>
        tpu.enqueue_indirect_dma source(%dma_start3A_312 : memref<80000x128xf32, #tpu.memory_space<hbm>>) target(%dma_start3A_304 : memref<32x128xf32, #tpu.memory_space<vmem>>) offsets(%dma_start3A_309 : memref<32xi32, #tpu.memory_space<vmem>>) semaphore(%arg12 : memref<!tpu.dma_semaphore, #tpu.memory_space<semaphore_mem>>)
        %dma_start3A_313 = arith.constant 64 : i32
        %dma_start3A_314 = arith.constant 0 : i32
        %dma_start3A_315 = tpu.memref_slice %arg9[%dma_start3A_313, %dma_start3A_314] : memref<128x128xf32, #tpu.memory_space<vmem>> -> memref<32x128xf32, #tpu.memory_space<vmem>>
        %dma_start3A_316 = arith.constant 0 : i32
        %dma_start3A_317 = tpu.memref_slice %arg7[%add3A_290, %dma_start3A_316] : memref<16x128xi32, #tpu.memory_space<vmem>> -> memref<1x128xi32, #tpu.memory_space<vmem>>
        %dma_start3A_318 = tpu.memref_squeeze %dma_start3A_317 : memref<1x128xi32, #tpu.memory_space<vmem>> -> memref<128xi32, #tpu.memory_space<vmem>>
        %dma_start3A_319 = arith.constant 64 : i32
        %dma_start3A_320 = tpu.memref_slice %dma_start3A_318[%dma_start3A_319] : memref<128xi32, #tpu.memory_space<vmem>> -> memref<32xi32, #tpu.memory_space<vmem>>
        %dma_start3A_321 = arith.constant 0 : i32
        %dma_start3A_322 = arith.constant 0 : i32
        %dma_start3A_323 = tpu.memref_slice %arg4[%dma_start3A_321, %dma_start3A_322] : memref<80000x128xf32, #tpu.memory_space<hbm>> -> memref<80000x128xf32, #tpu.memory_space<hbm>>
        tpu.enqueue_indirect_dma source(%dma_start3A_323 : memref<80000x128xf32, #tpu.memory_space<hbm>>) target(%dma_start3A_315 : memref<32x128xf32, #tpu.memory_space<vmem>>) offsets(%dma_start3A_320 : memref<32xi32, #tpu.memory_space<vmem>>) semaphore(%arg12 : memref<!tpu.dma_semaphore, #tpu.memory_space<semaphore_mem>>)
        %dma_start3A_324 = arith.constant 96 : i32
        %dma_start3A_325 = arith.constant 0 : i32
        %dma_start3A_326 = tpu.memref_slice %arg9[%dma_start3A_324, %dma_start3A_325] : memref<128x128xf32, #tpu.memory_space<vmem>> -> memref<32x128xf32, #tpu.memory_space<vmem>>
        %dma_start3A_327 = arith.constant 0 : i32
        %dma_start3A_328 = tpu.memref_slice %arg7[%add3A_290, %dma_start3A_327] : memref<16x128xi32, #tpu.memory_space<vmem>> -> memref<1x128xi32, #tpu.memory_space<vmem>>
        %dma_start3A_329 = tpu.memref_squeeze %dma_start3A_328 : memref<1x128xi32, #tpu.memory_space<vmem>> -> memref<128xi32, #tpu.memory_space<vmem>>
        %dma_start3A_330 = arith.constant 96 : i32
        %dma_start3A_331 = tpu.memref_slice %dma_start3A_329[%dma_start3A_330] : memref<128xi32, #tpu.memory_space<vmem>> -> memref<32xi32, #tpu.memory_space<vmem>>
        %dma_start3A_332 = arith.constant 0 : i32
        %dma_start3A_333 = arith.constant 0 : i32
        %dma_start3A_334 = tpu.memref_slice %arg4[%dma_start3A_332, %dma_start3A_333] : memref<80000x128xf32, #tpu.memory_space<hbm>> -> memref<80000x128xf32, #tpu.memory_space<hbm>>
        tpu.enqueue_indirect_dma source(%dma_start3A_334 : memref<80000x128xf32, #tpu.memory_space<hbm>>) target(%dma_start3A_326 : memref<32x128xf32, #tpu.memory_space<vmem>>) offsets(%dma_start3A_331 : memref<32xi32, #tpu.memory_space<vmem>>) semaphore(%arg12 : memref<!tpu.dma_semaphore, #tpu.memory_space<semaphore_mem>>)
        %add3A_335 = arith.constant 1 : i32
        %add3A_336 = arith.addi %mul3A_232, %add3A_335 : i32
        %dma_wait3A_337 = arith.constant 0 : i32
        %dma_wait3A_338 = arith.constant 0 : i32
        %dma_wait3A_339 = tpu.memref_slice %arg10[%dma_wait3A_337, %dma_wait3A_338] : memref<128x128xf32, #tpu.memory_space<vmem>> -> memref<32x128xf32, #tpu.memory_space<vmem>>
        %dma_wait3A_340 = arith.constant 0 : i32
        %dma_wait3A_341 = tpu.memref_slice %arg7[%add3A_336, %dma_wait3A_340] : memref<16x128xi32, #tpu.memory_space<vmem>> -> memref<1x128xi32, #tpu.memory_space<vmem>>
        %dma_wait3A_342 = tpu.memref_squeeze %dma_wait3A_341 : memref<1x128xi32, #tpu.memory_space<vmem>> -> memref<128xi32, #tpu.memory_space<vmem>>
        %dma_wait3A_343 = arith.constant 0 : i32
        %dma_wait3A_344 = tpu.memref_slice %dma_wait3A_342[%dma_wait3A_343] : memref<128xi32, #tpu.memory_space<vmem>> -> memref<32xi32, #tpu.memory_space<vmem>>
        %dma_wait3A_345 = arith.constant 0 : i32
        %dma_wait3A_346 = arith.constant 0 : i32
        %dma_wait3A_347 = tpu.memref_slice %arg4[%dma_wait3A_345, %dma_wait3A_346] : memref<80000x128xf32, #tpu.memory_space<hbm>> -> memref<80000x128xf32, #tpu.memory_space<hbm>>
        tpu.wait_indirect_dma semaphore(%arg13 : memref<!tpu.dma_semaphore, #tpu.memory_space<semaphore_mem>>) src(%dma_wait3A_347 : memref<80000x128xf32, #tpu.memory_space<hbm>>) dst(%dma_wait3A_339 : memref<32x128xf32, #tpu.memory_space<vmem>>)
        %dma_wait3A_348 = arith.constant 32 : i32
        %dma_wait3A_349 = arith.constant 0 : i32
        %dma_wait3A_350 = tpu.memref_slice %arg10[%dma_wait3A_348, %dma_wait3A_349] : memref<128x128xf32, #tpu.memory_space<vmem>> -> memref<32x128xf32, #tpu.memory_space<vmem>>
        %dma_wait3A_351 = arith.constant 0 : i32
        %dma_wait3A_352 = tpu.memref_slice %arg7[%add3A_336, %dma_wait3A_351] : memref<16x128xi32, #tpu.memory_space<vmem>> -> memref<1x128xi32, #tpu.memory_space<vmem>>
        %dma_wait3A_353 = tpu.memref_squeeze %dma_wait3A_352 : memref<1x128xi32, #tpu.memory_space<vmem>> -> memref<128xi32, #tpu.memory_space<vmem>>
        %dma_wait3A_354 = arith.constant 32 : i32
        %dma_wait3A_355 = tpu.memref_slice %dma_wait3A_353[%dma_wait3A_354] : memref<128xi32, #tpu.memory_space<vmem>> -> memref<32xi32, #tpu.memory_space<vmem>>
        %dma_wait3A_356 = arith.constant 0 : i32
        %dma_wait3A_357 = arith.constant 0 : i32
        %dma_wait3A_358 = tpu.memref_slice %arg4[%dma_wait3A_356, %dma_wait3A_357] : memref<80000x128xf32, #tpu.memory_space<hbm>> -> memref<80000x128xf32, #tpu.memory_space<hbm>>
        tpu.wait_indirect_dma semaphore(%arg13 : memref<!tpu.dma_semaphore, #tpu.memory_space<semaphore_mem>>) src(%dma_wait3A_358 : memref<80000x128xf32, #tpu.memory_space<hbm>>) dst(%dma_wait3A_350 : memref<32x128xf32, #tpu.memory_space<vmem>>)
        %dma_wait3A_359 = arith.constant 64 : i32
        %dma_wait3A_360 = arith.constant 0 : i32
        %dma_wait3A_361 = tpu.memref_slice %arg10[%dma_wait3A_359, %dma_wait3A_360] : memref<128x128xf32, #tpu.memory_space<vmem>> -> memref<32x128xf32, #tpu.memory_space<vmem>>
        %dma_wait3A_362 = arith.constant 0 : i32
        %dma_wait3A_363 = tpu.memref_slice %arg7[%add3A_336, %dma_wait3A_362] : memref<16x128xi32, #tpu.memory_space<vmem>> -> memref<1x128xi32, #tpu.memory_space<vmem>>
        %dma_wait3A_364 = tpu.memref_squeeze %dma_wait3A_363 : memref<1x128xi32, #tpu.memory_space<vmem>> -> memref<128xi32, #tpu.memory_space<vmem>>
        %dma_wait3A_365 = arith.constant 64 : i32
        %dma_wait3A_366 = tpu.memref_slice %dma_wait3A_364[%dma_wait3A_365] : memref<128xi32, #tpu.memory_space<vmem>> -> memref<32xi32, #tpu.memory_space<vmem>>
        %dma_wait3A_367 = arith.constant 0 : i32
        %dma_wait3A_368 = arith.constant 0 : i32
        %dma_wait3A_369 = tpu.memref_slice %arg4[%dma_wait3A_367, %dma_wait3A_368] : memref<80000x128xf32, #tpu.memory_space<hbm>> -> memref<80000x128xf32, #tpu.memory_space<hbm>>
        tpu.wait_indirect_dma semaphore(%arg13 : memref<!tpu.dma_semaphore, #tpu.memory_space<semaphore_mem>>) src(%dma_wait3A_369 : memref<80000x128xf32, #tpu.memory_space<hbm>>) dst(%dma_wait3A_361 : memref<32x128xf32, #tpu.memory_space<vmem>>)
        %dma_wait3A_370 = arith.constant 96 : i32
        %dma_wait3A_371 = arith.constant 0 : i32
        %dma_wait3A_372 = tpu.memref_slice %arg10[%dma_wait3A_370, %dma_wait3A_371] : memref<128x128xf32, #tpu.memory_space<vmem>> -> memref<32x128xf32, #tpu.memory_space<vmem>>
        %dma_wait3A_373 = arith.constant 0 : i32
        %dma_wait3A_374 = tpu.memref_slice %arg7[%add3A_336, %dma_wait3A_373] : memref<16x128xi32, #tpu.memory_space<vmem>> -> memref<1x128xi32, #tpu.memory_space<vmem>>
        %dma_wait3A_375 = tpu.memref_squeeze %dma_wait3A_374 : memref<1x128xi32, #tpu.memory_space<vmem>> -> memref<128xi32, #tpu.memory_space<vmem>>
        %dma_wait3A_376 = arith.constant 96 : i32
        %dma_wait3A_377 = tpu.memref_slice %dma_wait3A_375[%dma_wait3A_376] : memref<128xi32, #tpu.memory_space<vmem>> -> memref<32xi32, #tpu.memory_space<vmem>>
        %dma_wait3A_378 = arith.constant 0 : i32
        %dma_wait3A_379 = arith.constant 0 : i32
        %dma_wait3A_380 = tpu.memref_slice %arg4[%dma_wait3A_378, %dma_wait3A_379] : memref<80000x128xf32, #tpu.memory_space<hbm>> -> memref<80000x128xf32, #tpu.memory_space<hbm>>
        tpu.wait_indirect_dma semaphore(%arg13 : memref<!tpu.dma_semaphore, #tpu.memory_space<semaphore_mem>>) src(%dma_wait3A_380 : memref<80000x128xf32, #tpu.memory_space<hbm>>) dst(%dma_wait3A_372 : memref<32x128xf32, #tpu.memory_space<vmem>>)
        %add3A_381 = arith.constant 1 : i32
        %add3A_382 = arith.addi %mul3A_232, %add3A_381 : i32
        %dma_start3A_383 = arith.constant 0 : i32
        %dma_start3A_384 = tpu.memref_slice %arg8[%add3A_382, %dma_start3A_383] : memref<16x128xi32, #tpu.memory_space<vmem>> -> memref<1x128xi32, #tpu.memory_space<vmem>>
        %dma_start3A_385 = tpu.memref_squeeze %dma_start3A_384 : memref<1x128xi32, #tpu.memory_space<vmem>> -> memref<128xi32, #tpu.memory_space<vmem>>
        %dma_start3A_386 = arith.constant 0 : i32
        %dma_start3A_387 = arith.constant 0 : i32
        %dma_start3A_388 = tpu.memref_slice %arg11[%dma_start3A_386, %dma_start3A_387] : memref<10112x128xf32, #tpu.memory_space<vmem_shared>> -> memref<10112x128xf32, #tpu.memory_space<vmem_shared>>
        tpu.enqueue_indirect_dma source(%arg10 : memref<128x128xf32, #tpu.memory_space<vmem>>) target(%dma_start3A_388 : memref<10112x128xf32, #tpu.memory_space<vmem_shared>>) offsets(%dma_start3A_385 : memref<128xi32, #tpu.memory_space<vmem>>) semaphore(%arg15 : memref<!tpu.dma_semaphore, #tpu.memory_space<semaphore_mem>>) {add = true}
        %add3A_389 = arith.constant 1 : i32
        %add3A_390 = arith.addi %mul3A_232, %add3A_389 : i32
        %dma_wait3A_391 = arith.constant 0 : i32
        %dma_wait3A_392 = tpu.memref_slice %arg8[%add3A_390, %dma_wait3A_391] : memref<16x128xi32, #tpu.memory_space<vmem>> -> memref<1x128xi32, #tpu.memory_space<vmem>>
        %dma_wait3A_393 = tpu.memref_squeeze %dma_wait3A_392 : memref<1x128xi32, #tpu.memory_space<vmem>> -> memref<128xi32, #tpu.memory_space<vmem>>
        %dma_wait3A_394 = arith.constant 0 : i32
        %dma_wait3A_395 = arith.constant 0 : i32
        %dma_wait3A_396 = tpu.memref_slice %arg11[%dma_wait3A_394, %dma_wait3A_395] : memref<10112x128xf32, #tpu.memory_space<vmem_shared>> -> memref<10112x128xf32, #tpu.memory_space<vmem_shared>>
        tpu.wait_indirect_dma semaphore(%arg15 : memref<!tpu.dma_semaphore, #tpu.memory_space<semaphore_mem>>) src(%arg10 : memref<128x128xf32, #tpu.memory_space<vmem>>) dst(%dma_wait3A_396 : memref<10112x128xf32, #tpu.memory_space<vmem_shared>>)
        %add3A_397 = arith.constant 3 : i32
        %add3A_398 = arith.addi %mul3A_232, %add3A_397 : i32
        %dma_start3A_399 = arith.constant 0 : i32
        %dma_start3A_400 = arith.constant 0 : i32
        %dma_start3A_401 = tpu.memref_slice %arg10[%dma_start3A_399, %dma_start3A_400] : memref<128x128xf32, #tpu.memory_space<vmem>> -> memref<32x128xf32, #tpu.memory_space<vmem>>
        %dma_start3A_402 = arith.constant 0 : i32
        %dma_start3A_403 = tpu.memref_slice %arg7[%add3A_398, %dma_start3A_402] : memref<16x128xi32, #tpu.memory_space<vmem>> -> memref<1x128xi32, #tpu.memory_space<vmem>>
        %dma_start3A_404 = tpu.memref_squeeze %dma_start3A_403 : memref<1x128xi32, #tpu.memory_space<vmem>> -> memref<128xi32, #tpu.memory_space<vmem>>
        %dma_start3A_405 = arith.constant 0 : i32
        %dma_start3A_406 = tpu.memref_slice %dma_start3A_404[%dma_start3A_405] : memref<128xi32, #tpu.memory_space<vmem>> -> memref<32xi32, #tpu.memory_space<vmem>>
        %dma_start3A_407 = arith.constant 0 : i32
        %dma_start3A_408 = arith.constant 0 : i32
        %dma_start3A_409 = tpu.memref_slice %arg4[%dma_start3A_407, %dma_start3A_408] : memref<80000x128xf32, #tpu.memory_space<hbm>> -> memref<80000x128xf32, #tpu.memory_space<hbm>>
        tpu.enqueue_indirect_dma source(%dma_start3A_409 : memref<80000x128xf32, #tpu.memory_space<hbm>>) target(%dma_start3A_401 : memref<32x128xf32, #tpu.memory_space<vmem>>) offsets(%dma_start3A_406 : memref<32xi32, #tpu.memory_space<vmem>>) semaphore(%arg13 : memref<!tpu.dma_semaphore, #tpu.memory_space<semaphore_mem>>)
        %dma_start3A_410 = arith.constant 32 : i32
        %dma_start3A_411 = arith.constant 0 : i32
        %dma_start3A_412 = tpu.memref_slice %arg10[%dma_start3A_410, %dma_start3A_411] : memref<128x128xf32, #tpu.memory_space<vmem>> -> memref<32x128xf32, #tpu.memory_space<vmem>>
        %dma_start3A_413 = arith.constant 0 : i32
        %dma_start3A_414 = tpu.memref_slice %arg7[%add3A_398, %dma_start3A_413] : memref<16x128xi32, #tpu.memory_space<vmem>> -> memref<1x128xi32, #tpu.memory_space<vmem>>
        %dma_start3A_415 = tpu.memref_squeeze %dma_start3A_414 : memref<1x128xi32, #tpu.memory_space<vmem>> -> memref<128xi32, #tpu.memory_space<vmem>>
        %dma_start3A_416 = arith.constant 32 : i32
        %dma_start3A_417 = tpu.memref_slice %dma_start3A_415[%dma_start3A_416] : memref<128xi32, #tpu.memory_space<vmem>> -> memref<32xi32, #tpu.memory_space<vmem>>
        %dma_start3A_418 = arith.constant 0 : i32
        %dma_start3A_419 = arith.constant 0 : i32
        %dma_start3A_420 = tpu.memref_slice %arg4[%dma_start3A_418, %dma_start3A_419] : memref<80000x128xf32, #tpu.memory_space<hbm>> -> memref<80000x128xf32, #tpu.memory_space<hbm>>
        tpu.enqueue_indirect_dma source(%dma_start3A_420 : memref<80000x128xf32, #tpu.memory_space<hbm>>) target(%dma_start3A_412 : memref<32x128xf32, #tpu.memory_space<vmem>>) offsets(%dma_start3A_417 : memref<32xi32, #tpu.memory_space<vmem>>) semaphore(%arg13 : memref<!tpu.dma_semaphore, #tpu.memory_space<semaphore_mem>>)
        %dma_start3A_421 = arith.constant 64 : i32
        %dma_start3A_422 = arith.constant 0 : i32
        %dma_start3A_423 = tpu.memref_slice %arg10[%dma_start3A_421, %dma_start3A_422] : memref<128x128xf32, #tpu.memory_space<vmem>> -> memref<32x128xf32, #tpu.memory_space<vmem>>
        %dma_start3A_424 = arith.constant 0 : i32
        %dma_start3A_425 = tpu.memref_slice %arg7[%add3A_398, %dma_start3A_424] : memref<16x128xi32, #tpu.memory_space<vmem>> -> memref<1x128xi32, #tpu.memory_space<vmem>>
        %dma_start3A_426 = tpu.memref_squeeze %dma_start3A_425 : memref<1x128xi32, #tpu.memory_space<vmem>> -> memref<128xi32, #tpu.memory_space<vmem>>
        %dma_start3A_427 = arith.constant 64 : i32
        %dma_start3A_428 = tpu.memref_slice %dma_start3A_426[%dma_start3A_427] : memref<128xi32, #tpu.memory_space<vmem>> -> memref<32xi32, #tpu.memory_space<vmem>>
        %dma_start3A_429 = arith.constant 0 : i32
        %dma_start3A_430 = arith.constant 0 : i32
        %dma_start3A_431 = tpu.memref_slice %arg4[%dma_start3A_429, %dma_start3A_430] : memref<80000x128xf32, #tpu.memory_space<hbm>> -> memref<80000x128xf32, #tpu.memory_space<hbm>>
        tpu.enqueue_indirect_dma source(%dma_start3A_431 : memref<80000x128xf32, #tpu.memory_space<hbm>>) target(%dma_start3A_423 : memref<32x128xf32, #tpu.memory_space<vmem>>) offsets(%dma_start3A_428 : memref<32xi32, #tpu.memory_space<vmem>>) semaphore(%arg13 : memref<!tpu.dma_semaphore, #tpu.memory_space<semaphore_mem>>)
        %dma_start3A_432 = arith.constant 96 : i32
        %dma_start3A_433 = arith.constant 0 : i32
        %dma_start3A_434 = tpu.memref_slice %arg10[%dma_start3A_432, %dma_start3A_433] : memref<128x128xf32, #tpu.memory_space<vmem>> -> memref<32x128xf32, #tpu.memory_space<vmem>>
        %dma_start3A_435 = arith.constant 0 : i32
        %dma_start3A_436 = tpu.memref_slice %arg7[%add3A_398, %dma_start3A_435] : memref<16x128xi32, #tpu.memory_space<vmem>> -> memref<1x128xi32, #tpu.memory_space<vmem>>
        %dma_start3A_437 = tpu.memref_squeeze %dma_start3A_436 : memref<1x128xi32, #tpu.memory_space<vmem>> -> memref<128xi32, #tpu.memory_space<vmem>>
        %dma_start3A_438 = arith.constant 96 : i32
        %dma_start3A_439 = tpu.memref_slice %dma_start3A_437[%dma_start3A_438] : memref<128xi32, #tpu.memory_space<vmem>> -> memref<32xi32, #tpu.memory_space<vmem>>
        %dma_start3A_440 = arith.constant 0 : i32
        %dma_start3A_441 = arith.constant 0 : i32
        %dma_start3A_442 = tpu.memref_slice %arg4[%dma_start3A_440, %dma_start3A_441] : memref<80000x128xf32, #tpu.memory_space<hbm>> -> memref<80000x128xf32, #tpu.memory_space<hbm>>
        tpu.enqueue_indirect_dma source(%dma_start3A_442 : memref<80000x128xf32, #tpu.memory_space<hbm>>) target(%dma_start3A_434 : memref<32x128xf32, #tpu.memory_space<vmem>>) offsets(%dma_start3A_439 : memref<32xi32, #tpu.memory_space<vmem>>) semaphore(%arg13 : memref<!tpu.dma_semaphore, #tpu.memory_space<semaphore_mem>>)
      }
      %scan3A_133 = arith.constant 7 : i32
      %dma_wait3A = arith.constant 14 : i32
      %dma_wait3A_134 = arith.constant 0 : i32
      %dma_wait3A_135 = arith.constant 0 : i32
      %dma_wait3A_136 = tpu.memref_slice %arg9[%dma_wait3A_134, %dma_wait3A_135] : memref<128x128xf32, #tpu.memory_space<vmem>> -> memref<32x128xf32, #tpu.memory_space<vmem>>
      %dma_wait3A_137 = arith.constant 0 : i32
      %dma_wait3A_138 = tpu.memref_slice %arg7[%dma_wait3A, %dma_wait3A_137] : memref<16x128xi32, #tpu.memory_space<vmem>> -> memref<1x128xi32, #tpu.memory_space<vmem>>
      %dma_wait3A_139 = tpu.memref_squeeze %dma_wait3A_138 : memref<1x128xi32, #tpu.memory_space<vmem>> -> memref<128xi32, #tpu.memory_space<vmem>>
      %dma_wait3A_140 = arith.constant 0 : i32
      %dma_wait3A_141 = tpu.memref_slice %dma_wait3A_139[%dma_wait3A_140] : memref<128xi32, #tpu.memory_space<vmem>> -> memref<32xi32, #tpu.memory_space<vmem>>
      %dma_wait3A_142 = arith.constant 0 : i32
      %dma_wait3A_143 = arith.constant 0 : i32
      %dma_wait3A_144 = tpu.memref_slice %arg4[%dma_wait3A_142, %dma_wait3A_143] : memref<80000x128xf32, #tpu.memory_space<hbm>> -> memref<80000x128xf32, #tpu.memory_space<hbm>>
      tpu.wait_indirect_dma semaphore(%arg12 : memref<!tpu.dma_semaphore, #tpu.memory_space<semaphore_mem>>) src(%dma_wait3A_144 : memref<80000x128xf32, #tpu.memory_space<hbm>>) dst(%dma_wait3A_136 : memref<32x128xf32, #tpu.memory_space<vmem>>)
      %dma_wait3A_145 = arith.constant 14 : i32
      %dma_wait3A_146 = arith.constant 32 : i32
      %dma_wait3A_147 = arith.constant 0 : i32
      %dma_wait3A_148 = tpu.memref_slice %arg9[%dma_wait3A_146, %dma_wait3A_147] : memref<128x128xf32, #tpu.memory_space<vmem>> -> memref<32x128xf32, #tpu.memory_space<vmem>>
      %dma_wait3A_149 = arith.constant 0 : i32
      %dma_wait3A_150 = tpu.memref_slice %arg7[%dma_wait3A_145, %dma_wait3A_149] : memref<16x128xi32, #tpu.memory_space<vmem>> -> memref<1x128xi32, #tpu.memory_space<vmem>>
      %dma_wait3A_151 = tpu.memref_squeeze %dma_wait3A_150 : memref<1x128xi32, #tpu.memory_space<vmem>> -> memref<128xi32, #tpu.memory_space<vmem>>
      %dma_wait3A_152 = arith.constant 32 : i32
      %dma_wait3A_153 = tpu.memref_slice %dma_wait3A_151[%dma_wait3A_152] : memref<128xi32, #tpu.memory_space<vmem>> -> memref<32xi32, #tpu.memory_space<vmem>>
      %dma_wait3A_154 = arith.constant 0 : i32
      %dma_wait3A_155 = arith.constant 0 : i32
      %dma_wait3A_156 = tpu.memref_slice %arg4[%dma_wait3A_154, %dma_wait3A_155] : memref<80000x128xf32, #tpu.memory_space<hbm>> -> memref<80000x128xf32, #tpu.memory_space<hbm>>
      tpu.wait_indirect_dma semaphore(%arg12 : memref<!tpu.dma_semaphore, #tpu.memory_space<semaphore_mem>>) src(%dma_wait3A_156 : memref<80000x128xf32, #tpu.memory_space<hbm>>) dst(%dma_wait3A_148 : memref<32x128xf32, #tpu.memory_space<vmem>>)
      %dma_wait3A_157 = arith.constant 14 : i32
      %dma_wait3A_158 = arith.constant 64 : i32
      %dma_wait3A_159 = arith.constant 0 : i32
      %dma_wait3A_160 = tpu.memref_slice %arg9[%dma_wait3A_158, %dma_wait3A_159] : memref<128x128xf32, #tpu.memory_space<vmem>> -> memref<32x128xf32, #tpu.memory_space<vmem>>
      %dma_wait3A_161 = arith.constant 0 : i32
      %dma_wait3A_162 = tpu.memref_slice %arg7[%dma_wait3A_157, %dma_wait3A_161] : memref<16x128xi32, #tpu.memory_space<vmem>> -> memref<1x128xi32, #tpu.memory_space<vmem>>
      %dma_wait3A_163 = tpu.memref_squeeze %dma_wait3A_162 : memref<1x128xi32, #tpu.memory_space<vmem>> -> memref<128xi32, #tpu.memory_space<vmem>>
      %dma_wait3A_164 = arith.constant 64 : i32
      %dma_wait3A_165 = tpu.memref_slice %dma_wait3A_163[%dma_wait3A_164] : memref<128xi32, #tpu.memory_space<vmem>> -> memref<32xi32, #tpu.memory_space<vmem>>
      %dma_wait3A_166 = arith.constant 0 : i32
      %dma_wait3A_167 = arith.constant 0 : i32
      %dma_wait3A_168 = tpu.memref_slice %arg4[%dma_wait3A_166, %dma_wait3A_167] : memref<80000x128xf32, #tpu.memory_space<hbm>> -> memref<80000x128xf32, #tpu.memory_space<hbm>>
      tpu.wait_indirect_dma semaphore(%arg12 : memref<!tpu.dma_semaphore, #tpu.memory_space<semaphore_mem>>) src(%dma_wait3A_168 : memref<80000x128xf32, #tpu.memory_space<hbm>>) dst(%dma_wait3A_160 : memref<32x128xf32, #tpu.memory_space<vmem>>)
      %dma_wait3A_169 = arith.constant 14 : i32
      %dma_wait3A_170 = arith.constant 96 : i32
      %dma_wait3A_171 = arith.constant 0 : i32
      %dma_wait3A_172 = tpu.memref_slice %arg9[%dma_wait3A_170, %dma_wait3A_171] : memref<128x128xf32, #tpu.memory_space<vmem>> -> memref<32x128xf32, #tpu.memory_space<vmem>>
      %dma_wait3A_173 = arith.constant 0 : i32
      %dma_wait3A_174 = tpu.memref_slice %arg7[%dma_wait3A_169, %dma_wait3A_173] : memref<16x128xi32, #tpu.memory_space<vmem>> -> memref<1x128xi32, #tpu.memory_space<vmem>>
      %dma_wait3A_175 = tpu.memref_squeeze %dma_wait3A_174 : memref<1x128xi32, #tpu.memory_space<vmem>> -> memref<128xi32, #tpu.memory_space<vmem>>
      %dma_wait3A_176 = arith.constant 96 : i32
      %dma_wait3A_177 = tpu.memref_slice %dma_wait3A_175[%dma_wait3A_176] : memref<128xi32, #tpu.memory_space<vmem>> -> memref<32xi32, #tpu.memory_space<vmem>>
      %dma_wait3A_178 = arith.constant 0 : i32
      %dma_wait3A_179 = arith.constant 0 : i32
      %dma_wait3A_180 = tpu.memref_slice %arg4[%dma_wait3A_178, %dma_wait3A_179] : memref<80000x128xf32, #tpu.memory_space<hbm>> -> memref<80000x128xf32, #tpu.memory_space<hbm>>
      tpu.wait_indirect_dma semaphore(%arg12 : memref<!tpu.dma_semaphore, #tpu.memory_space<semaphore_mem>>) src(%dma_wait3A_180 : memref<80000x128xf32, #tpu.memory_space<hbm>>) dst(%dma_wait3A_172 : memref<32x128xf32, #tpu.memory_space<vmem>>)
      %run_scoped3A = arith.constant 14 : i32
      "tpu.region"() ({
        %run_scoped3A_230 = tpu.sem_alloc : memref<!tpu.dma_semaphore, #tpu.memory_space<semaphore_mem>>
        %dma_start3A_231 = arith.constant 0 : i32
        %dma_start3A_232 = tpu.memref_slice %arg8[%run_scoped3A, %dma_start3A_231] : memref<16x128xi32, #tpu.memory_space<vmem>> -> memref<1x128xi32, #tpu.memory_space<vmem>>
        %dma_start3A_233 = tpu.memref_squeeze %dma_start3A_232 : memref<1x128xi32, #tpu.memory_space<vmem>> -> memref<128xi32, #tpu.memory_space<vmem>>
        %dma_start3A_234 = arith.constant 0 : i32
        %dma_start3A_235 = arith.constant 0 : i32
        %dma_start3A_236 = tpu.memref_slice %arg11[%dma_start3A_234, %dma_start3A_235] : memref<10112x128xf32, #tpu.memory_space<vmem_shared>> -> memref<10112x128xf32, #tpu.memory_space<vmem_shared>>
        tpu.enqueue_indirect_dma source(%arg9 : memref<128x128xf32, #tpu.memory_space<vmem>>) target(%dma_start3A_236 : memref<10112x128xf32, #tpu.memory_space<vmem_shared>>) offsets(%dma_start3A_233 : memref<128xi32, #tpu.memory_space<vmem>>) semaphore(%run_scoped3A_230 : memref<!tpu.dma_semaphore, #tpu.memory_space<semaphore_mem>>) {add = true}
        %dma_wait3A_237 = arith.constant 0 : i32
        %dma_wait3A_238 = tpu.memref_slice %arg8[%run_scoped3A, %dma_wait3A_237] : memref<16x128xi32, #tpu.memory_space<vmem>> -> memref<1x128xi32, #tpu.memory_space<vmem>>
        %dma_wait3A_239 = tpu.memref_squeeze %dma_wait3A_238 : memref<1x128xi32, #tpu.memory_space<vmem>> -> memref<128xi32, #tpu.memory_space<vmem>>
        %dma_wait3A_240 = arith.constant 0 : i32
        %dma_wait3A_241 = arith.constant 0 : i32
        %dma_wait3A_242 = tpu.memref_slice %arg11[%dma_wait3A_240, %dma_wait3A_241] : memref<10112x128xf32, #tpu.memory_space<vmem_shared>> -> memref<10112x128xf32, #tpu.memory_space<vmem_shared>>
        tpu.wait_indirect_dma semaphore(%run_scoped3A_230 : memref<!tpu.dma_semaphore, #tpu.memory_space<semaphore_mem>>) src(%arg9 : memref<128x128xf32, #tpu.memory_space<vmem>>) dst(%dma_wait3A_242 : memref<10112x128xf32, #tpu.memory_space<vmem_shared>>)
        tpu.yield
      }) : () -> ()
      %dma_wait3A_181 = arith.constant 15 : i32
      %dma_wait3A_182 = arith.constant 0 : i32
      %dma_wait3A_183 = arith.constant 0 : i32
      %dma_wait3A_184 = tpu.memref_slice %arg10[%dma_wait3A_182, %dma_wait3A_183] : memref<128x128xf32, #tpu.memory_space<vmem>> -> memref<32x128xf32, #tpu.memory_space<vmem>>
      %dma_wait3A_185 = arith.constant 0 : i32
      %dma_wait3A_186 = tpu.memref_slice %arg7[%dma_wait3A_181, %dma_wait3A_185] : memref<16x128xi32, #tpu.memory_space<vmem>> -> memref<1x128xi32, #tpu.memory_space<vmem>>
      %dma_wait3A_187 = tpu.memref_squeeze %dma_wait3A_186 : memref<1x128xi32, #tpu.memory_space<vmem>> -> memref<128xi32, #tpu.memory_space<vmem>>
      %dma_wait3A_188 = arith.constant 0 : i32
      %dma_wait3A_189 = tpu.memref_slice %dma_wait3A_187[%dma_wait3A_188] : memref<128xi32, #tpu.memory_space<vmem>> -> memref<32xi32, #tpu.memory_space<vmem>>
      %dma_wait3A_190 = arith.constant 0 : i32
      %dma_wait3A_191 = arith.constant 0 : i32
      %dma_wait3A_192 = tpu.memref_slice %arg4[%dma_wait3A_190, %dma_wait3A_191] : memref<80000x128xf32, #tpu.memory_space<hbm>> -> memref<80000x128xf32, #tpu.memory_space<hbm>>
      tpu.wait_indirect_dma semaphore(%arg13 : memref<!tpu.dma_semaphore, #tpu.memory_space<semaphore_mem>>) src(%dma_wait3A_192 : memref<80000x128xf32, #tpu.memory_space<hbm>>) dst(%dma_wait3A_184 : memref<32x128xf32, #tpu.memory_space<vmem>>)
      %dma_wait3A_193 = arith.constant 15 : i32
      %dma_wait3A_194 = arith.constant 32 : i32
      %dma_wait3A_195 = arith.constant 0 : i32
      %dma_wait3A_196 = tpu.memref_slice %arg10[%dma_wait3A_194, %dma_wait3A_195] : memref<128x128xf32, #tpu.memory_space<vmem>> -> memref<32x128xf32, #tpu.memory_space<vmem>>
      %dma_wait3A_197 = arith.constant 0 : i32
      %dma_wait3A_198 = tpu.memref_slice %arg7[%dma_wait3A_193, %dma_wait3A_197] : memref<16x128xi32, #tpu.memory_space<vmem>> -> memref<1x128xi32, #tpu.memory_space<vmem>>
      %dma_wait3A_199 = tpu.memref_squeeze %dma_wait3A_198 : memref<1x128xi32, #tpu.memory_space<vmem>> -> memref<128xi32, #tpu.memory_space<vmem>>
      %dma_wait3A_200 = arith.constant 32 : i32
      %dma_wait3A_201 = tpu.memref_slice %dma_wait3A_199[%dma_wait3A_200] : memref<128xi32, #tpu.memory_space<vmem>> -> memref<32xi32, #tpu.memory_space<vmem>>
      %dma_wait3A_202 = arith.constant 0 : i32
      %dma_wait3A_203 = arith.constant 0 : i32
      %dma_wait3A_204 = tpu.memref_slice %arg4[%dma_wait3A_202, %dma_wait3A_203] : memref<80000x128xf32, #tpu.memory_space<hbm>> -> memref<80000x128xf32, #tpu.memory_space<hbm>>
      tpu.wait_indirect_dma semaphore(%arg13 : memref<!tpu.dma_semaphore, #tpu.memory_space<semaphore_mem>>) src(%dma_wait3A_204 : memref<80000x128xf32, #tpu.memory_space<hbm>>) dst(%dma_wait3A_196 : memref<32x128xf32, #tpu.memory_space<vmem>>)
      %dma_wait3A_205 = arith.constant 15 : i32
      %dma_wait3A_206 = arith.constant 64 : i32
      %dma_wait3A_207 = arith.constant 0 : i32
      %dma_wait3A_208 = tpu.memref_slice %arg10[%dma_wait3A_206, %dma_wait3A_207] : memref<128x128xf32, #tpu.memory_space<vmem>> -> memref<32x128xf32, #tpu.memory_space<vmem>>
      %dma_wait3A_209 = arith.constant 0 : i32
      %dma_wait3A_210 = tpu.memref_slice %arg7[%dma_wait3A_205, %dma_wait3A_209] : memref<16x128xi32, #tpu.memory_space<vmem>> -> memref<1x128xi32, #tpu.memory_space<vmem>>
      %dma_wait3A_211 = tpu.memref_squeeze %dma_wait3A_210 : memref<1x128xi32, #tpu.memory_space<vmem>> -> memref<128xi32, #tpu.memory_space<vmem>>
      %dma_wait3A_212 = arith.constant 64 : i32
      %dma_wait3A_213 = tpu.memref_slice %dma_wait3A_211[%dma_wait3A_212] : memref<128xi32, #tpu.memory_space<vmem>> -> memref<32xi32, #tpu.memory_space<vmem>>
      %dma_wait3A_214 = arith.constant 0 : i32
      %dma_wait3A_215 = arith.constant 0 : i32
      %dma_wait3A_216 = tpu.memref_slice %arg4[%dma_wait3A_214, %dma_wait3A_215] : memref<80000x128xf32, #tpu.memory_space<hbm>> -> memref<80000x128xf32, #tpu.memory_space<hbm>>
      tpu.wait_indirect_dma semaphore(%arg13 : memref<!tpu.dma_semaphore, #tpu.memory_space<semaphore_mem>>) src(%dma_wait3A_216 : memref<80000x128xf32, #tpu.memory_space<hbm>>) dst(%dma_wait3A_208 : memref<32x128xf32, #tpu.memory_space<vmem>>)
      %dma_wait3A_217 = arith.constant 15 : i32
      %dma_wait3A_218 = arith.constant 96 : i32
      %dma_wait3A_219 = arith.constant 0 : i32
      %dma_wait3A_220 = tpu.memref_slice %arg10[%dma_wait3A_218, %dma_wait3A_219] : memref<128x128xf32, #tpu.memory_space<vmem>> -> memref<32x128xf32, #tpu.memory_space<vmem>>
      %dma_wait3A_221 = arith.constant 0 : i32
      %dma_wait3A_222 = tpu.memref_slice %arg7[%dma_wait3A_217, %dma_wait3A_221] : memref<16x128xi32, #tpu.memory_space<vmem>> -> memref<1x128xi32, #tpu.memory_space<vmem>>
      %dma_wait3A_223 = tpu.memref_squeeze %dma_wait3A_222 : memref<1x128xi32, #tpu.memory_space<vmem>> -> memref<128xi32, #tpu.memory_space<vmem>>
      %dma_wait3A_224 = arith.constant 96 : i32
      %dma_wait3A_225 = tpu.memref_slice %dma_wait3A_223[%dma_wait3A_224] : memref<128xi32, #tpu.memory_space<vmem>> -> memref<32xi32, #tpu.memory_space<vmem>>
      %dma_wait3A_226 = arith.constant 0 : i32
      %dma_wait3A_227 = arith.constant 0 : i32
      %dma_wait3A_228 = tpu.memref_slice %arg4[%dma_wait3A_226, %dma_wait3A_227] : memref<80000x128xf32, #tpu.memory_space<hbm>> -> memref<80000x128xf32, #tpu.memory_space<hbm>>
      tpu.wait_indirect_dma semaphore(%arg13 : memref<!tpu.dma_semaphore, #tpu.memory_space<semaphore_mem>>) src(%dma_wait3A_228 : memref<80000x128xf32, #tpu.memory_space<hbm>>) dst(%dma_wait3A_220 : memref<32x128xf32, #tpu.memory_space<vmem>>)
      %run_scoped3A_229 = arith.constant 15 : i32
      "tpu.region"() ({
        %run_scoped3A_230 = tpu.sem_alloc : memref<!tpu.dma_semaphore, #tpu.memory_space<semaphore_mem>>
        %dma_start3A_231 = arith.constant 0 : i32
        %dma_start3A_232 = tpu.memref_slice %arg8[%run_scoped3A_229, %dma_start3A_231] : memref<16x128xi32, #tpu.memory_space<vmem>> -> memref<1x128xi32, #tpu.memory_space<vmem>>
        %dma_start3A_233 = tpu.memref_squeeze %dma_start3A_232 : memref<1x128xi32, #tpu.memory_space<vmem>> -> memref<128xi32, #tpu.memory_space<vmem>>
        %dma_start3A_234 = arith.constant 0 : i32
        %dma_start3A_235 = arith.constant 0 : i32
        %dma_start3A_236 = tpu.memref_slice %arg11[%dma_start3A_234, %dma_start3A_235] : memref<10112x128xf32, #tpu.memory_space<vmem_shared>> -> memref<10112x128xf32, #tpu.memory_space<vmem_shared>>
        tpu.enqueue_indirect_dma source(%arg10 : memref<128x128xf32, #tpu.memory_space<vmem>>) target(%dma_start3A_236 : memref<10112x128xf32, #tpu.memory_space<vmem_shared>>) offsets(%dma_start3A_233 : memref<128xi32, #tpu.memory_space<vmem>>) semaphore(%run_scoped3A_230 : memref<!tpu.dma_semaphore, #tpu.memory_space<semaphore_mem>>) {add = true}
        %dma_wait3A_237 = arith.constant 0 : i32
        %dma_wait3A_238 = tpu.memref_slice %arg8[%run_scoped3A_229, %dma_wait3A_237] : memref<16x128xi32, #tpu.memory_space<vmem>> -> memref<1x128xi32, #tpu.memory_space<vmem>>
        %dma_wait3A_239 = tpu.memref_squeeze %dma_wait3A_238 : memref<1x128xi32, #tpu.memory_space<vmem>> -> memref<128xi32, #tpu.memory_space<vmem>>
        %dma_wait3A_240 = arith.constant 0 : i32
        %dma_wait3A_241 = arith.constant 0 : i32
        %dma_wait3A_242 = tpu.memref_slice %arg11[%dma_wait3A_240, %dma_wait3A_241] : memref<10112x128xf32, #tpu.memory_space<vmem_shared>> -> memref<10112x128xf32, #tpu.memory_space<vmem_shared>>
        tpu.wait_indirect_dma semaphore(%run_scoped3A_230 : memref<!tpu.dma_semaphore, #tpu.memory_space<semaphore_mem>>) src(%arg10 : memref<128x128xf32, #tpu.memory_space<vmem>>) dst(%dma_wait3A_242 : memref<10112x128xf32, #tpu.memory_space<vmem_shared>>)
        tpu.yield
      }) : () -> ()
    }
    %while3A_26 = arith.constant 1 : i32
    scf.for %while3A_28 = %while3A_24 to %while3A_20 step %while3A_26  : i32 {
      %mul3A_29 = arith.constant 16 : i32
      %mul3A_30 = arith.muli %while3A_28, %mul3A_29 : i32
      %add3A_31 = arith.addi %add3A_11, %mul3A_30 : i32
      "tpu.region"() ({
        %run_scoped3A_230 = tpu.sem_alloc : memref<!tpu.dma_semaphore, #tpu.memory_space<semaphore_mem>>
        %dma_start3A_231 = arith.constant 0 : i32
        %dma_start3A_232 = tpu.memref_slice %arg2[%add3A_31, %dma_start3A_231] : memref<2560x128xi32, #tpu.memory_space<hbm>> -> memref<16x128xi32, #tpu.memory_space<hbm>>
        %dma_start3A_233 = arith.constant 0 : i32
        %dma_start3A_234 = tpu.memref_slice %arg2[%add3A_31, %dma_start3A_233] : memref<2560x128xi32, #tpu.memory_space<hbm>> -> memref<16x128xi32, #tpu.memory_space<hbm>>
        tpu.enqueue_dma source(%dma_start3A_234 : memref<16x128xi32, #tpu.memory_space<hbm>>) target(%arg7 : memref<16x128xi32, #tpu.memory_space<vmem>>) target_semaphore(%run_scoped3A_230 : memref<!tpu.dma_semaphore, #tpu.memory_space<semaphore_mem>>)
        %dma_wait3A_235 = arith.constant 0 : i32
        %dma_wait3A_236 = tpu.memref_slice %arg2[%add3A_31, %dma_wait3A_235] : memref<2560x128xi32, #tpu.memory_space<hbm>> -> memref<16x128xi32, #tpu.memory_space<hbm>>
        %dma_wait3A_237 = arith.constant 0 : i32
        %dma_wait3A_238 = tpu.memref_slice %arg2[%add3A_31, %dma_wait3A_237] : memref<2560x128xi32, #tpu.memory_space<hbm>> -> memref<16x128xi32, #tpu.memory_space<hbm>>
        tpu.wait_dma2 semaphore(%run_scoped3A_230 : memref<!tpu.dma_semaphore, #tpu.memory_space<semaphore_mem>>) src(%dma_wait3A_238 : memref<16x128xi32, #tpu.memory_space<hbm>>) dst(%arg7 : memref<16x128xi32, #tpu.memory_space<vmem>>)
        tpu.yield
      }) : () -> ()
      %mul3A_32 = arith.constant 16 : i32
      %mul3A_33 = arith.muli %while3A_28, %mul3A_32 : i32
      %add3A_34 = arith.addi %add3A_11, %mul3A_33 : i32
      "tpu.region"() ({
        %run_scoped3A_230 = tpu.sem_alloc : memref<!tpu.dma_semaphore, #tpu.memory_space<semaphore_mem>>
        %dma_start3A_231 = arith.constant 0 : i32
        %dma_start3A_232 = tpu.memref_slice %arg3[%add3A_34, %dma_start3A_231] : memref<2560x128xi32, #tpu.memory_space<hbm>> -> memref<16x128xi32, #tpu.memory_space<hbm>>
        %dma_start3A_233 = arith.constant 0 : i32
        %dma_start3A_234 = tpu.memref_slice %arg3[%add3A_34, %dma_start3A_233] : memref<2560x128xi32, #tpu.memory_space<hbm>> -> memref<16x128xi32, #tpu.memory_space<hbm>>
        tpu.enqueue_dma source(%dma_start3A_234 : memref<16x128xi32, #tpu.memory_space<hbm>>) target(%arg8 : memref<16x128xi32, #tpu.memory_space<vmem>>) target_semaphore(%run_scoped3A_230 : memref<!tpu.dma_semaphore, #tpu.memory_space<semaphore_mem>>)
        %dma_wait3A_235 = arith.constant 0 : i32
        %dma_wait3A_236 = tpu.memref_slice %arg3[%add3A_34, %dma_wait3A_235] : memref<2560x128xi32, #tpu.memory_space<hbm>> -> memref<16x128xi32, #tpu.memory_space<hbm>>
        %dma_wait3A_237 = arith.constant 0 : i32
        %dma_wait3A_238 = tpu.memref_slice %arg3[%add3A_34, %dma_wait3A_237] : memref<2560x128xi32, #tpu.memory_space<hbm>> -> memref<16x128xi32, #tpu.memory_space<hbm>>
        tpu.wait_dma2 semaphore(%run_scoped3A_230 : memref<!tpu.dma_semaphore, #tpu.memory_space<semaphore_mem>>) src(%dma_wait3A_238 : memref<16x128xi32, #tpu.memory_space<hbm>>) dst(%arg8 : memref<16x128xi32, #tpu.memory_space<vmem>>)
        tpu.yield
      }) : () -> ()
      %dma_start3A = arith.constant 0 : i32
      %dma_start3A_35 = arith.constant 0 : i32
      %dma_start3A_36 = arith.constant 0 : i32
      %dma_start3A_37 = tpu.memref_slice %arg9[%dma_start3A_35, %dma_start3A_36] : memref<128x128xf32, #tpu.memory_space<vmem>> -> memref<32x128xf32, #tpu.memory_space<vmem>>
      %dma_start3A_38 = arith.constant 0 : i32
      %dma_start3A_39 = tpu.memref_slice %arg7[%dma_start3A, %dma_start3A_38] : memref<16x128xi32, #tpu.memory_space<vmem>> -> memref<1x128xi32, #tpu.memory_space<vmem>>
      %dma_start3A_40 = tpu.memref_squeeze %dma_start3A_39 : memref<1x128xi32, #tpu.memory_space<vmem>> -> memref<128xi32, #tpu.memory_space<vmem>>
      %dma_start3A_41 = arith.constant 0 : i32
      %dma_start3A_42 = tpu.memref_slice %dma_start3A_40[%dma_start3A_41] : memref<128xi32, #tpu.memory_space<vmem>> -> memref<32xi32, #tpu.memory_space<vmem>>
      %dma_start3A_43 = arith.constant 0 : i32
      %dma_start3A_44 = arith.constant 0 : i32
      %dma_start3A_45 = tpu.memref_slice %arg4[%dma_start3A_43, %dma_start3A_44] : memref<80000x128xf32, #tpu.memory_space<hbm>> -> memref<80000x128xf32, #tpu.memory_space<hbm>>
      tpu.enqueue_indirect_dma source(%dma_start3A_45 : memref<80000x128xf32, #tpu.memory_space<hbm>>) target(%dma_start3A_37 : memref<32x128xf32, #tpu.memory_space<vmem>>) offsets(%dma_start3A_42 : memref<32xi32, #tpu.memory_space<vmem>>) semaphore(%arg12 : memref<!tpu.dma_semaphore, #tpu.memory_space<semaphore_mem>>)
      %dma_start3A_46 = arith.constant 0 : i32
      %dma_start3A_47 = arith.constant 32 : i32
      %dma_start3A_48 = arith.constant 0 : i32
      %dma_start3A_49 = tpu.memref_slice %arg9[%dma_start3A_47, %dma_start3A_48] : memref<128x128xf32, #tpu.memory_space<vmem>> -> memref<32x128xf32, #tpu.memory_space<vmem>>
      %dma_start3A_50 = arith.constant 0 : i32
      %dma_start3A_51 = tpu.memref_slice %arg7[%dma_start3A_46, %dma_start3A_50] : memref<16x128xi32, #tpu.memory_space<vmem>> -> memref<1x128xi32, #tpu.memory_space<vmem>>
      %dma_start3A_52 = tpu.memref_squeeze %dma_start3A_51 : memref<1x128xi32, #tpu.memory_space<vmem>> -> memref<128xi32, #tpu.memory_space<vmem>>
      %dma_start3A_53 = arith.constant 32 : i32
      %dma_start3A_54 = tpu.memref_slice %dma_start3A_52[%dma_start3A_53] : memref<128xi32, #tpu.memory_space<vmem>> -> memref<32xi32, #tpu.memory_space<vmem>>
      %dma_start3A_55 = arith.constant 0 : i32
      %dma_start3A_56 = arith.constant 0 : i32
      %dma_start3A_57 = tpu.memref_slice %arg4[%dma_start3A_55, %dma_start3A_56] : memref<80000x128xf32, #tpu.memory_space<hbm>> -> memref<80000x128xf32, #tpu.memory_space<hbm>>
      tpu.enqueue_indirect_dma source(%dma_start3A_57 : memref<80000x128xf32, #tpu.memory_space<hbm>>) target(%dma_start3A_49 : memref<32x128xf32, #tpu.memory_space<vmem>>) offsets(%dma_start3A_54 : memref<32xi32, #tpu.memory_space<vmem>>) semaphore(%arg12 : memref<!tpu.dma_semaphore, #tpu.memory_space<semaphore_mem>>)
      %dma_start3A_58 = arith.constant 0 : i32
      %dma_start3A_59 = arith.constant 64 : i32
      %dma_start3A_60 = arith.constant 0 : i32
      %dma_start3A_61 = tpu.memref_slice %arg9[%dma_start3A_59, %dma_start3A_60] : memref<128x128xf32, #tpu.memory_space<vmem>> -> memref<32x128xf32, #tpu.memory_space<vmem>>
      %dma_start3A_62 = arith.constant 0 : i32
      %dma_start3A_63 = tpu.memref_slice %arg7[%dma_start3A_58, %dma_start3A_62] : memref<16x128xi32, #tpu.memory_space<vmem>> -> memref<1x128xi32, #tpu.memory_space<vmem>>
      %dma_start3A_64 = tpu.memref_squeeze %dma_start3A_63 : memref<1x128xi32, #tpu.memory_space<vmem>> -> memref<128xi32, #tpu.memory_space<vmem>>
      %dma_start3A_65 = arith.constant 64 : i32
      %dma_start3A_66 = tpu.memref_slice %dma_start3A_64[%dma_start3A_65] : memref<128xi32, #tpu.memory_space<vmem>> -> memref<32xi32, #tpu.memory_space<vmem>>
      %dma_start3A_67 = arith.constant 0 : i32
      %dma_start3A_68 = arith.constant 0 : i32
      %dma_start3A_69 = tpu.memref_slice %arg4[%dma_start3A_67, %dma_start3A_68] : memref<80000x128xf32, #tpu.memory_space<hbm>> -> memref<80000x128xf32, #tpu.memory_space<hbm>>
      tpu.enqueue_indirect_dma source(%dma_start3A_69 : memref<80000x128xf32, #tpu.memory_space<hbm>>) target(%dma_start3A_61 : memref<32x128xf32, #tpu.memory_space<vmem>>) offsets(%dma_start3A_66 : memref<32xi32, #tpu.memory_space<vmem>>) semaphore(%arg12 : memref<!tpu.dma_semaphore, #tpu.memory_space<semaphore_mem>>)
      %dma_start3A_70 = arith.constant 0 : i32
      %dma_start3A_71 = arith.constant 96 : i32
      %dma_start3A_72 = arith.constant 0 : i32
      %dma_start3A_73 = tpu.memref_slice %arg9[%dma_start3A_71, %dma_start3A_72] : memref<128x128xf32, #tpu.memory_space<vmem>> -> memref<32x128xf32, #tpu.memory_space<vmem>>
      %dma_start3A_74 = arith.constant 0 : i32
      %dma_start3A_75 = tpu.memref_slice %arg7[%dma_start3A_70, %dma_start3A_74] : memref<16x128xi32, #tpu.memory_space<vmem>> -> memref<1x128xi32, #tpu.memory_space<vmem>>
      %dma_start3A_76 = tpu.memref_squeeze %dma_start3A_75 : memref<1x128xi32, #tpu.memory_space<vmem>> -> memref<128xi32, #tpu.memory_space<vmem>>
      %dma_start3A_77 = arith.constant 96 : i32
      %dma_start3A_78 = tpu.memref_slice %dma_start3A_76[%dma_start3A_77] : memref<128xi32, #tpu.memory_space<vmem>> -> memref<32xi32, #tpu.memory_space<vmem>>
      %dma_start3A_79 = arith.constant 0 : i32
      %dma_start3A_80 = arith.constant 0 : i32
      %dma_start3A_81 = tpu.memref_slice %arg4[%dma_start3A_79, %dma_start3A_80] : memref<80000x128xf32, #tpu.memory_space<hbm>> -> memref<80000x128xf32, #tpu.memory_space<hbm>>
      tpu.enqueue_indirect_dma source(%dma_start3A_81 : memref<80000x128xf32, #tpu.memory_space<hbm>>) target(%dma_start3A_73 : memref<32x128xf32, #tpu.memory_space<vmem>>) offsets(%dma_start3A_78 : memref<32xi32, #tpu.memory_space<vmem>>) semaphore(%arg12 : memref<!tpu.dma_semaphore, #tpu.memory_space<semaphore_mem>>)
      %dma_start3A_82 = arith.constant 1 : i32
      %dma_start3A_83 = arith.constant 0 : i32
      %dma_start3A_84 = arith.constant 0 : i32
      %dma_start3A_85 = tpu.memref_slice %arg10[%dma_start3A_83, %dma_start3A_84] : memref<128x128xf32, #tpu.memory_space<vmem>> -> memref<32x128xf32, #tpu.memory_space<vmem>>
      %dma_start3A_86 = arith.constant 0 : i32
      %dma_start3A_87 = tpu.memref_slice %arg7[%dma_start3A_82, %dma_start3A_86] : memref<16x128xi32, #tpu.memory_space<vmem>> -> memref<1x128xi32, #tpu.memory_space<vmem>>
      %dma_start3A_88 = tpu.memref_squeeze %dma_start3A_87 : memref<1x128xi32, #tpu.memory_space<vmem>> -> memref<128xi32, #tpu.memory_space<vmem>>
      %dma_start3A_89 = arith.constant 0 : i32
      %dma_start3A_90 = tpu.memref_slice %dma_start3A_88[%dma_start3A_89] : memref<128xi32, #tpu.memory_space<vmem>> -> memref<32xi32, #tpu.memory_space<vmem>>
      %dma_start3A_91 = arith.constant 0 : i32
      %dma_start3A_92 = arith.constant 0 : i32
      %dma_start3A_93 = tpu.memref_slice %arg4[%dma_start3A_91, %dma_start3A_92] : memref<80000x128xf32, #tpu.memory_space<hbm>> -> memref<80000x128xf32, #tpu.memory_space<hbm>>
      tpu.enqueue_indirect_dma source(%dma_start3A_93 : memref<80000x128xf32, #tpu.memory_space<hbm>>) target(%dma_start3A_85 : memref<32x128xf32, #tpu.memory_space<vmem>>) offsets(%dma_start3A_90 : memref<32xi32, #tpu.memory_space<vmem>>) semaphore(%arg13 : memref<!tpu.dma_semaphore, #tpu.memory_space<semaphore_mem>>)
      %dma_start3A_94 = arith.constant 1 : i32
      %dma_start3A_95 = arith.constant 32 : i32
      %dma_start3A_96 = arith.constant 0 : i32
      %dma_start3A_97 = tpu.memref_slice %arg10[%dma_start3A_95, %dma_start3A_96] : memref<128x128xf32, #tpu.memory_space<vmem>> -> memref<32x128xf32, #tpu.memory_space<vmem>>
      %dma_start3A_98 = arith.constant 0 : i32
      %dma_start3A_99 = tpu.memref_slice %arg7[%dma_start3A_94, %dma_start3A_98] : memref<16x128xi32, #tpu.memory_space<vmem>> -> memref<1x128xi32, #tpu.memory_space<vmem>>
      %dma_start3A_100 = tpu.memref_squeeze %dma_start3A_99 : memref<1x128xi32, #tpu.memory_space<vmem>> -> memref<128xi32, #tpu.memory_space<vmem>>
      %dma_start3A_101 = arith.constant 32 : i32
      %dma_start3A_102 = tpu.memref_slice %dma_start3A_100[%dma_start3A_101] : memref<128xi32, #tpu.memory_space<vmem>> -> memref<32xi32, #tpu.memory_space<vmem>>
      %dma_start3A_103 = arith.constant 0 : i32
      %dma_start3A_104 = arith.constant 0 : i32
      %dma_start3A_105 = tpu.memref_slice %arg4[%dma_start3A_103, %dma_start3A_104] : memref<80000x128xf32, #tpu.memory_space<hbm>> -> memref<80000x128xf32, #tpu.memory_space<hbm>>
      tpu.enqueue_indirect_dma source(%dma_start3A_105 : memref<80000x128xf32, #tpu.memory_space<hbm>>) target(%dma_start3A_97 : memref<32x128xf32, #tpu.memory_space<vmem>>) offsets(%dma_start3A_102 : memref<32xi32, #tpu.memory_space<vmem>>) semaphore(%arg13 : memref<!tpu.dma_semaphore, #tpu.memory_space<semaphore_mem>>)
      %dma_start3A_106 = arith.constant 1 : i32
      %dma_start3A_107 = arith.constant 64 : i32
      %dma_start3A_108 = arith.constant 0 : i32
      %dma_start3A_109 = tpu.memref_slice %arg10[%dma_start3A_107, %dma_start3A_108] : memref<128x128xf32, #tpu.memory_space<vmem>> -> memref<32x128xf32, #tpu.memory_space<vmem>>
      %dma_start3A_110 = arith.constant 0 : i32
      %dma_start3A_111 = tpu.memref_slice %arg7[%dma_start3A_106, %dma_start3A_110] : memref<16x128xi32, #tpu.memory_space<vmem>> -> memref<1x128xi32, #tpu.memory_space<vmem>>
      %dma_start3A_112 = tpu.memref_squeeze %dma_start3A_111 : memref<1x128xi32, #tpu.memory_space<vmem>> -> memref<128xi32, #tpu.memory_space<vmem>>
      %dma_start3A_113 = arith.constant 64 : i32
      %dma_start3A_114 = tpu.memref_slice %dma_start3A_112[%dma_start3A_113] : memref<128xi32, #tpu.memory_space<vmem>> -> memref<32xi32, #tpu.memory_space<vmem>>
      %dma_start3A_115 = arith.constant 0 : i32
      %dma_start3A_116 = arith.constant 0 : i32
      %dma_start3A_117 = tpu.memref_slice %arg4[%dma_start3A_115, %dma_start3A_116] : memref<80000x128xf32, #tpu.memory_space<hbm>> -> memref<80000x128xf32, #tpu.memory_space<hbm>>
      tpu.enqueue_indirect_dma source(%dma_start3A_117 : memref<80000x128xf32, #tpu.memory_space<hbm>>) target(%dma_start3A_109 : memref<32x128xf32, #tpu.memory_space<vmem>>) offsets(%dma_start3A_114 : memref<32xi32, #tpu.memory_space<vmem>>) semaphore(%arg13 : memref<!tpu.dma_semaphore, #tpu.memory_space<semaphore_mem>>)
      %dma_start3A_118 = arith.constant 1 : i32
      %dma_start3A_119 = arith.constant 96 : i32
      %dma_start3A_120 = arith.constant 0 : i32
      %dma_start3A_121 = tpu.memref_slice %arg10[%dma_start3A_119, %dma_start3A_120] : memref<128x128xf32, #tpu.memory_space<vmem>> -> memref<32x128xf32, #tpu.memory_space<vmem>>
      %dma_start3A_122 = arith.constant 0 : i32
      %dma_start3A_123 = tpu.memref_slice %arg7[%dma_start3A_118, %dma_start3A_122] : memref<16x128xi32, #tpu.memory_space<vmem>> -> memref<1x128xi32, #tpu.memory_space<vmem>>
      %dma_start3A_124 = tpu.memref_squeeze %dma_start3A_123 : memref<1x128xi32, #tpu.memory_space<vmem>> -> memref<128xi32, #tpu.memory_space<vmem>>
      %dma_start3A_125 = arith.constant 96 : i32
      %dma_start3A_126 = tpu.memref_slice %dma_start3A_124[%dma_start3A_125] : memref<128xi32, #tpu.memory_space<vmem>> -> memref<32xi32, #tpu.memory_space<vmem>>
      %dma_start3A_127 = arith.constant 0 : i32
      %dma_start3A_128 = arith.constant 0 : i32
      %dma_start3A_129 = tpu.memref_slice %arg4[%dma_start3A_127, %dma_start3A_128] : memref<80000x128xf32, #tpu.memory_space<hbm>> -> memref<80000x128xf32, #tpu.memory_space<hbm>>
      tpu.enqueue_indirect_dma source(%dma_start3A_129 : memref<80000x128xf32, #tpu.memory_space<hbm>>) target(%dma_start3A_121 : memref<32x128xf32, #tpu.memory_space<vmem>>) offsets(%dma_start3A_126 : memref<32xi32, #tpu.memory_space<vmem>>) semaphore(%arg13 : memref<!tpu.dma_semaphore, #tpu.memory_space<semaphore_mem>>)
      %scan3A = arith.constant 0 : i32
      %scan3A_130 = arith.constant 7 : i32
      %scan3A_131 = arith.addi %scan3A, %scan3A_130 : i32
      %scan3A_132 = arith.constant 1 : i32
      scf.for %scan3A_230 = %scan3A to %scan3A_131 step %scan3A_132  : i32 {
        %mul3A_231 = arith.constant 2 : i32
        %mul3A_232 = arith.muli %mul3A_231, %scan3A_230 : i32
        %dma_wait3A_233 = arith.constant 0 : i32
        %dma_wait3A_234 = arith.constant 0 : i32
        %dma_wait3A_235 = tpu.memref_slice %arg9[%dma_wait3A_233, %dma_wait3A_234] : memref<128x128xf32, #tpu.memory_space<vmem>> -> memref<32x128xf32, #tpu.memory_space<vmem>>
        %dma_wait3A_236 = arith.constant 0 : i32
        %dma_wait3A_237 = tpu.memref_slice %arg7[%mul3A_232, %dma_wait3A_236] : memref<16x128xi32, #tpu.memory_space<vmem>> -> memref<1x128xi32, #tpu.memory_space<vmem>>
        %dma_wait3A_238 = tpu.memref_squeeze %dma_wait3A_237 : memref<1x128xi32, #tpu.memory_space<vmem>> -> memref<128xi32, #tpu.memory_space<vmem>>
        %dma_wait3A_239 = arith.constant 0 : i32
        %dma_wait3A_240 = tpu.memref_slice %dma_wait3A_238[%dma_wait3A_239] : memref<128xi32, #tpu.memory_space<vmem>> -> memref<32xi32, #tpu.memory_space<vmem>>
        %dma_wait3A_241 = arith.constant 0 : i32
        %dma_wait3A_242 = arith.constant 0 : i32
        %dma_wait3A_243 = tpu.memref_slice %arg4[%dma_wait3A_241, %dma_wait3A_242] : memref<80000x128xf32, #tpu.memory_space<hbm>> -> memref<80000x128xf32, #tpu.memory_space<hbm>>
        tpu.wait_indirect_dma semaphore(%arg12 : memref<!tpu.dma_semaphore, #tpu.memory_space<semaphore_mem>>) src(%dma_wait3A_243 : memref<80000x128xf32, #tpu.memory_space<hbm>>) dst(%dma_wait3A_235 : memref<32x128xf32, #tpu.memory_space<vmem>>)
        %dma_wait3A_244 = arith.constant 32 : i32
        %dma_wait3A_245 = arith.constant 0 : i32
        %dma_wait3A_246 = tpu.memref_slice %arg9[%dma_wait3A_244, %dma_wait3A_245] : memref<128x128xf32, #tpu.memory_space<vmem>> -> memref<32x128xf32, #tpu.memory_space<vmem>>
        %dma_wait3A_247 = arith.constant 0 : i32
        %dma_wait3A_248 = tpu.memref_slice %arg7[%mul3A_232, %dma_wait3A_247] : memref<16x128xi32, #tpu.memory_space<vmem>> -> memref<1x128xi32, #tpu.memory_space<vmem>>
        %dma_wait3A_249 = tpu.memref_squeeze %dma_wait3A_248 : memref<1x128xi32, #tpu.memory_space<vmem>> -> memref<128xi32, #tpu.memory_space<vmem>>
        %dma_wait3A_250 = arith.constant 32 : i32
        %dma_wait3A_251 = tpu.memref_slice %dma_wait3A_249[%dma_wait3A_250] : memref<128xi32, #tpu.memory_space<vmem>> -> memref<32xi32, #tpu.memory_space<vmem>>
        %dma_wait3A_252 = arith.constant 0 : i32
        %dma_wait3A_253 = arith.constant 0 : i32
        %dma_wait3A_254 = tpu.memref_slice %arg4[%dma_wait3A_252, %dma_wait3A_253] : memref<80000x128xf32, #tpu.memory_space<hbm>> -> memref<80000x128xf32, #tpu.memory_space<hbm>>
        tpu.wait_indirect_dma semaphore(%arg12 : memref<!tpu.dma_semaphore, #tpu.memory_space<semaphore_mem>>) src(%dma_wait3A_254 : memref<80000x128xf32, #tpu.memory_space<hbm>>) dst(%dma_wait3A_246 : memref<32x128xf32, #tpu.memory_space<vmem>>)
        %dma_wait3A_255 = arith.constant 64 : i32
        %dma_wait3A_256 = arith.constant 0 : i32
        %dma_wait3A_257 = tpu.memref_slice %arg9[%dma_wait3A_255, %dma_wait3A_256] : memref<128x128xf32, #tpu.memory_space<vmem>> -> memref<32x128xf32, #tpu.memory_space<vmem>>
        %dma_wait3A_258 = arith.constant 0 : i32
        %dma_wait3A_259 = tpu.memref_slice %arg7[%mul3A_232, %dma_wait3A_258] : memref<16x128xi32, #tpu.memory_space<vmem>> -> memref<1x128xi32, #tpu.memory_space<vmem>>
        %dma_wait3A_260 = tpu.memref_squeeze %dma_wait3A_259 : memref<1x128xi32, #tpu.memory_space<vmem>> -> memref<128xi32, #tpu.memory_space<vmem>>
        %dma_wait3A_261 = arith.constant 64 : i32
        %dma_wait3A_262 = tpu.memref_slice %dma_wait3A_260[%dma_wait3A_261] : memref<128xi32, #tpu.memory_space<vmem>> -> memref<32xi32, #tpu.memory_space<vmem>>
        %dma_wait3A_263 = arith.constant 0 : i32
        %dma_wait3A_264 = arith.constant 0 : i32
        %dma_wait3A_265 = tpu.memref_slice %arg4[%dma_wait3A_263, %dma_wait3A_264] : memref<80000x128xf32, #tpu.memory_space<hbm>> -> memref<80000x128xf32, #tpu.memory_space<hbm>>
        tpu.wait_indirect_dma semaphore(%arg12 : memref<!tpu.dma_semaphore, #tpu.memory_space<semaphore_mem>>) src(%dma_wait3A_265 : memref<80000x128xf32, #tpu.memory_space<hbm>>) dst(%dma_wait3A_257 : memref<32x128xf32, #tpu.memory_space<vmem>>)
        %dma_wait3A_266 = arith.constant 96 : i32
        %dma_wait3A_267 = arith.constant 0 : i32
        %dma_wait3A_268 = tpu.memref_slice %arg9[%dma_wait3A_266, %dma_wait3A_267] : memref<128x128xf32, #tpu.memory_space<vmem>> -> memref<32x128xf32, #tpu.memory_space<vmem>>
        %dma_wait3A_269 = arith.constant 0 : i32
        %dma_wait3A_270 = tpu.memref_slice %arg7[%mul3A_232, %dma_wait3A_269] : memref<16x128xi32, #tpu.memory_space<vmem>> -> memref<1x128xi32, #tpu.memory_space<vmem>>
        %dma_wait3A_271 = tpu.memref_squeeze %dma_wait3A_270 : memref<1x128xi32, #tpu.memory_space<vmem>> -> memref<128xi32, #tpu.memory_space<vmem>>
        %dma_wait3A_272 = arith.constant 96 : i32
        %dma_wait3A_273 = tpu.memref_slice %dma_wait3A_271[%dma_wait3A_272] : memref<128xi32, #tpu.memory_space<vmem>> -> memref<32xi32, #tpu.memory_space<vmem>>
        %dma_wait3A_274 = arith.constant 0 : i32
        %dma_wait3A_275 = arith.constant 0 : i32
        %dma_wait3A_276 = tpu.memref_slice %arg4[%dma_wait3A_274, %dma_wait3A_275] : memref<80000x128xf32, #tpu.memory_space<hbm>> -> memref<80000x128xf32, #tpu.memory_space<hbm>>
        tpu.wait_indirect_dma semaphore(%arg12 : memref<!tpu.dma_semaphore, #tpu.memory_space<semaphore_mem>>) src(%dma_wait3A_276 : memref<80000x128xf32, #tpu.memory_space<hbm>>) dst(%dma_wait3A_268 : memref<32x128xf32, #tpu.memory_space<vmem>>)
        %dma_start3A_277 = arith.constant 0 : i32
        %dma_start3A_278 = tpu.memref_slice %arg8[%mul3A_232, %dma_start3A_277] : memref<16x128xi32, #tpu.memory_space<vmem>> -> memref<1x128xi32, #tpu.memory_space<vmem>>
        %dma_start3A_279 = tpu.memref_squeeze %dma_start3A_278 : memref<1x128xi32, #tpu.memory_space<vmem>> -> memref<128xi32, #tpu.memory_space<vmem>>
        %dma_start3A_280 = arith.constant 0 : i32
        %dma_start3A_281 = arith.constant 0 : i32
        %dma_start3A_282 = tpu.memref_slice %arg11[%dma_start3A_280, %dma_start3A_281] : memref<10112x128xf32, #tpu.memory_space<vmem_shared>> -> memref<10112x128xf32, #tpu.memory_space<vmem_shared>>
        tpu.enqueue_indirect_dma source(%arg9 : memref<128x128xf32, #tpu.memory_space<vmem>>) target(%dma_start3A_282 : memref<10112x128xf32, #tpu.memory_space<vmem_shared>>) offsets(%dma_start3A_279 : memref<128xi32, #tpu.memory_space<vmem>>) semaphore(%arg14 : memref<!tpu.dma_semaphore, #tpu.memory_space<semaphore_mem>>) {add = true}
        %dma_wait3A_283 = arith.constant 0 : i32
        %dma_wait3A_284 = tpu.memref_slice %arg8[%mul3A_232, %dma_wait3A_283] : memref<16x128xi32, #tpu.memory_space<vmem>> -> memref<1x128xi32, #tpu.memory_space<vmem>>
        %dma_wait3A_285 = tpu.memref_squeeze %dma_wait3A_284 : memref<1x128xi32, #tpu.memory_space<vmem>> -> memref<128xi32, #tpu.memory_space<vmem>>
        %dma_wait3A_286 = arith.constant 0 : i32
        %dma_wait3A_287 = arith.constant 0 : i32
        %dma_wait3A_288 = tpu.memref_slice %arg11[%dma_wait3A_286, %dma_wait3A_287] : memref<10112x128xf32, #tpu.memory_space<vmem_shared>> -> memref<10112x128xf32, #tpu.memory_space<vmem_shared>>
        tpu.wait_indirect_dma semaphore(%arg14 : memref<!tpu.dma_semaphore, #tpu.memory_space<semaphore_mem>>) src(%arg9 : memref<128x128xf32, #tpu.memory_space<vmem>>) dst(%dma_wait3A_288 : memref<10112x128xf32, #tpu.memory_space<vmem_shared>>)
        %add3A_289 = arith.constant 2 : i32
        %add3A_290 = arith.addi %mul3A_232, %add3A_289 : i32
        %dma_start3A_291 = arith.constant 0 : i32
        %dma_start3A_292 = arith.constant 0 : i32
        %dma_start3A_293 = tpu.memref_slice %arg9[%dma_start3A_291, %dma_start3A_292] : memref<128x128xf32, #tpu.memory_space<vmem>> -> memref<32x128xf32, #tpu.memory_space<vmem>>
        %dma_start3A_294 = arith.constant 0 : i32
        %dma_start3A_295 = tpu.memref_slice %arg7[%add3A_290, %dma_start3A_294] : memref<16x128xi32, #tpu.memory_space<vmem>> -> memref<1x128xi32, #tpu.memory_space<vmem>>
        %dma_start3A_296 = tpu.memref_squeeze %dma_start3A_295 : memref<1x128xi32, #tpu.memory_space<vmem>> -> memref<128xi32, #tpu.memory_space<vmem>>
        %dma_start3A_297 = arith.constant 0 : i32
        %dma_start3A_298 = tpu.memref_slice %dma_start3A_296[%dma_start3A_297] : memref<128xi32, #tpu.memory_space<vmem>> -> memref<32xi32, #tpu.memory_space<vmem>>
        %dma_start3A_299 = arith.constant 0 : i32
        %dma_start3A_300 = arith.constant 0 : i32
        %dma_start3A_301 = tpu.memref_slice %arg4[%dma_start3A_299, %dma_start3A_300] : memref<80000x128xf32, #tpu.memory_space<hbm>> -> memref<80000x128xf32, #tpu.memory_space<hbm>>
        tpu.enqueue_indirect_dma source(%dma_start3A_301 : memref<80000x128xf32, #tpu.memory_space<hbm>>) target(%dma_start3A_293 : memref<32x128xf32, #tpu.memory_space<vmem>>) offsets(%dma_start3A_298 : memref<32xi32, #tpu.memory_space<vmem>>) semaphore(%arg12 : memref<!tpu.dma_semaphore, #tpu.memory_space<semaphore_mem>>)
        %dma_start3A_302 = arith.constant 32 : i32
        %dma_start3A_303 = arith.constant 0 : i32
        %dma_start3A_304 = tpu.memref_slice %arg9[%dma_start3A_302, %dma_start3A_303] : memref<128x128xf32, #tpu.memory_space<vmem>> -> memref<32x128xf32, #tpu.memory_space<vmem>>
        %dma_start3A_305 = arith.constant 0 : i32
        %dma_start3A_306 = tpu.memref_slice %arg7[%add3A_290, %dma_start3A_305] : memref<16x128xi32, #tpu.memory_space<vmem>> -> memref<1x128xi32, #tpu.memory_space<vmem>>
        %dma_start3A_307 = tpu.memref_squeeze %dma_start3A_306 : memref<1x128xi32, #tpu.memory_space<vmem>> -> memref<128xi32, #tpu.memory_space<vmem>>
        %dma_start3A_308 = arith.constant 32 : i32
        %dma_start3A_309 = tpu.memref_slice %dma_start3A_307[%dma_start3A_308] : memref<128xi32, #tpu.memory_space<vmem>> -> memref<32xi32, #tpu.memory_space<vmem>>
        %dma_start3A_310 = arith.constant 0 : i32
        %dma_start3A_311 = arith.constant 0 : i32
        %dma_start3A_312 = tpu.memref_slice %arg4[%dma_start3A_310, %dma_start3A_311] : memref<80000x128xf32, #tpu.memory_space<hbm>> -> memref<80000x128xf32, #tpu.memory_space<hbm>>
        tpu.enqueue_indirect_dma source(%dma_start3A_312 : memref<80000x128xf32, #tpu.memory_space<hbm>>) target(%dma_start3A_304 : memref<32x128xf32, #tpu.memory_space<vmem>>) offsets(%dma_start3A_309 : memref<32xi32, #tpu.memory_space<vmem>>) semaphore(%arg12 : memref<!tpu.dma_semaphore, #tpu.memory_space<semaphore_mem>>)
        %dma_start3A_313 = arith.constant 64 : i32
        %dma_start3A_314 = arith.constant 0 : i32
        %dma_start3A_315 = tpu.memref_slice %arg9[%dma_start3A_313, %dma_start3A_314] : memref<128x128xf32, #tpu.memory_space<vmem>> -> memref<32x128xf32, #tpu.memory_space<vmem>>
        %dma_start3A_316 = arith.constant 0 : i32
        %dma_start3A_317 = tpu.memref_slice %arg7[%add3A_290, %dma_start3A_316] : memref<16x128xi32, #tpu.memory_space<vmem>> -> memref<1x128xi32, #tpu.memory_space<vmem>>
        %dma_start3A_318 = tpu.memref_squeeze %dma_start3A_317 : memref<1x128xi32, #tpu.memory_space<vmem>> -> memref<128xi32, #tpu.memory_space<vmem>>
        %dma_start3A_319 = arith.constant 64 : i32
        %dma_start3A_320 = tpu.memref_slice %dma_start3A_318[%dma_start3A_319] : memref<128xi32, #tpu.memory_space<vmem>> -> memref<32xi32, #tpu.memory_space<vmem>>
        %dma_start3A_321 = arith.constant 0 : i32
        %dma_start3A_322 = arith.constant 0 : i32
        %dma_start3A_323 = tpu.memref_slice %arg4[%dma_start3A_321, %dma_start3A_322] : memref<80000x128xf32, #tpu.memory_space<hbm>> -> memref<80000x128xf32, #tpu.memory_space<hbm>>
        tpu.enqueue_indirect_dma source(%dma_start3A_323 : memref<80000x128xf32, #tpu.memory_space<hbm>>) target(%dma_start3A_315 : memref<32x128xf32, #tpu.memory_space<vmem>>) offsets(%dma_start3A_320 : memref<32xi32, #tpu.memory_space<vmem>>) semaphore(%arg12 : memref<!tpu.dma_semaphore, #tpu.memory_space<semaphore_mem>>)
        %dma_start3A_324 = arith.constant 96 : i32
        %dma_start3A_325 = arith.constant 0 : i32
        %dma_start3A_326 = tpu.memref_slice %arg9[%dma_start3A_324, %dma_start3A_325] : memref<128x128xf32, #tpu.memory_space<vmem>> -> memref<32x128xf32, #tpu.memory_space<vmem>>
        %dma_start3A_327 = arith.constant 0 : i32
        %dma_start3A_328 = tpu.memref_slice %arg7[%add3A_290, %dma_start3A_327] : memref<16x128xi32, #tpu.memory_space<vmem>> -> memref<1x128xi32, #tpu.memory_space<vmem>>
        %dma_start3A_329 = tpu.memref_squeeze %dma_start3A_328 : memref<1x128xi32, #tpu.memory_space<vmem>> -> memref<128xi32, #tpu.memory_space<vmem>>
        %dma_start3A_330 = arith.constant 96 : i32
        %dma_start3A_331 = tpu.memref_slice %dma_start3A_329[%dma_start3A_330] : memref<128xi32, #tpu.memory_space<vmem>> -> memref<32xi32, #tpu.memory_space<vmem>>
        %dma_start3A_332 = arith.constant 0 : i32
        %dma_start3A_333 = arith.constant 0 : i32
        %dma_start3A_334 = tpu.memref_slice %arg4[%dma_start3A_332, %dma_start3A_333] : memref<80000x128xf32, #tpu.memory_space<hbm>> -> memref<80000x128xf32, #tpu.memory_space<hbm>>
        tpu.enqueue_indirect_dma source(%dma_start3A_334 : memref<80000x128xf32, #tpu.memory_space<hbm>>) target(%dma_start3A_326 : memref<32x128xf32, #tpu.memory_space<vmem>>) offsets(%dma_start3A_331 : memref<32xi32, #tpu.memory_space<vmem>>) semaphore(%arg12 : memref<!tpu.dma_semaphore, #tpu.memory_space<semaphore_mem>>)
        %add3A_335 = arith.constant 1 : i32
        %add3A_336 = arith.addi %mul3A_232, %add3A_335 : i32
        %dma_wait3A_337 = arith.constant 0 : i32
        %dma_wait3A_338 = arith.constant 0 : i32
        %dma_wait3A_339 = tpu.memref_slice %arg10[%dma_wait3A_337, %dma_wait3A_338] : memref<128x128xf32, #tpu.memory_space<vmem>> -> memref<32x128xf32, #tpu.memory_space<vmem>>
        %dma_wait3A_340 = arith.constant 0 : i32
        %dma_wait3A_341 = tpu.memref_slice %arg7[%add3A_336, %dma_wait3A_340] : memref<16x128xi32, #tpu.memory_space<vmem>> -> memref<1x128xi32, #tpu.memory_space<vmem>>
        %dma_wait3A_342 = tpu.memref_squeeze %dma_wait3A_341 : memref<1x128xi32, #tpu.memory_space<vmem>> -> memref<128xi32, #tpu.memory_space<vmem>>
        %dma_wait3A_343 = arith.constant 0 : i32
        %dma_wait3A_344 = tpu.memref_slice %dma_wait3A_342[%dma_wait3A_343] : memref<128xi32, #tpu.memory_space<vmem>> -> memref<32xi32, #tpu.memory_space<vmem>>
        %dma_wait3A_345 = arith.constant 0 : i32
        %dma_wait3A_346 = arith.constant 0 : i32
        %dma_wait3A_347 = tpu.memref_slice %arg4[%dma_wait3A_345, %dma_wait3A_346] : memref<80000x128xf32, #tpu.memory_space<hbm>> -> memref<80000x128xf32, #tpu.memory_space<hbm>>
        tpu.wait_indirect_dma semaphore(%arg13 : memref<!tpu.dma_semaphore, #tpu.memory_space<semaphore_mem>>) src(%dma_wait3A_347 : memref<80000x128xf32, #tpu.memory_space<hbm>>) dst(%dma_wait3A_339 : memref<32x128xf32, #tpu.memory_space<vmem>>)
        %dma_wait3A_348 = arith.constant 32 : i32
        %dma_wait3A_349 = arith.constant 0 : i32
        %dma_wait3A_350 = tpu.memref_slice %arg10[%dma_wait3A_348, %dma_wait3A_349] : memref<128x128xf32, #tpu.memory_space<vmem>> -> memref<32x128xf32, #tpu.memory_space<vmem>>
        %dma_wait3A_351 = arith.constant 0 : i32
        %dma_wait3A_352 = tpu.memref_slice %arg7[%add3A_336, %dma_wait3A_351] : memref<16x128xi32, #tpu.memory_space<vmem>> -> memref<1x128xi32, #tpu.memory_space<vmem>>
        %dma_wait3A_353 = tpu.memref_squeeze %dma_wait3A_352 : memref<1x128xi32, #tpu.memory_space<vmem>> -> memref<128xi32, #tpu.memory_space<vmem>>
        %dma_wait3A_354 = arith.constant 32 : i32
        %dma_wait3A_355 = tpu.memref_slice %dma_wait3A_353[%dma_wait3A_354] : memref<128xi32, #tpu.memory_space<vmem>> -> memref<32xi32, #tpu.memory_space<vmem>>
        %dma_wait3A_356 = arith.constant 0 : i32
        %dma_wait3A_357 = arith.constant 0 : i32
        %dma_wait3A_358 = tpu.memref_slice %arg4[%dma_wait3A_356, %dma_wait3A_357] : memref<80000x128xf32, #tpu.memory_space<hbm>> -> memref<80000x128xf32, #tpu.memory_space<hbm>>
        tpu.wait_indirect_dma semaphore(%arg13 : memref<!tpu.dma_semaphore, #tpu.memory_space<semaphore_mem>>) src(%dma_wait3A_358 : memref<80000x128xf32, #tpu.memory_space<hbm>>) dst(%dma_wait3A_350 : memref<32x128xf32, #tpu.memory_space<vmem>>)
        %dma_wait3A_359 = arith.constant 64 : i32
        %dma_wait3A_360 = arith.constant 0 : i32
        %dma_wait3A_361 = tpu.memref_slice %arg10[%dma_wait3A_359, %dma_wait3A_360] : memref<128x128xf32, #tpu.memory_space<vmem>> -> memref<32x128xf32, #tpu.memory_space<vmem>>
        %dma_wait3A_362 = arith.constant 0 : i32
        %dma_wait3A_363 = tpu.memref_slice %arg7[%add3A_336, %dma_wait3A_362] : memref<16x128xi32, #tpu.memory_space<vmem>> -> memref<1x128xi32, #tpu.memory_space<vmem>>
        %dma_wait3A_364 = tpu.memref_squeeze %dma_wait3A_363 : memref<1x128xi32, #tpu.memory_space<vmem>> -> memref<128xi32, #tpu.memory_space<vmem>>
        %dma_wait3A_365 = arith.constant 64 : i32
        %dma_wait3A_366 = tpu.memref_slice %dma_wait3A_364[%dma_wait3A_365] : memref<128xi32, #tpu.memory_space<vmem>> -> memref<32xi32, #tpu.memory_space<vmem>>
        %dma_wait3A_367 = arith.constant 0 : i32
        %dma_wait3A_368 = arith.constant 0 : i32
        %dma_wait3A_369 = tpu.memref_slice %arg4[%dma_wait3A_367, %dma_wait3A_368] : memref<80000x128xf32, #tpu.memory_space<hbm>> -> memref<80000x128xf32, #tpu.memory_space<hbm>>
        tpu.wait_indirect_dma semaphore(%arg13 : memref<!tpu.dma_semaphore, #tpu.memory_space<semaphore_mem>>) src(%dma_wait3A_369 : memref<80000x128xf32, #tpu.memory_space<hbm>>) dst(%dma_wait3A_361 : memref<32x128xf32, #tpu.memory_space<vmem>>)
        %dma_wait3A_370 = arith.constant 96 : i32
        %dma_wait3A_371 = arith.constant 0 : i32
        %dma_wait3A_372 = tpu.memref_slice %arg10[%dma_wait3A_370, %dma_wait3A_371] : memref<128x128xf32, #tpu.memory_space<vmem>> -> memref<32x128xf32, #tpu.memory_space<vmem>>
        %dma_wait3A_373 = arith.constant 0 : i32
        %dma_wait3A_374 = tpu.memref_slice %arg7[%add3A_336, %dma_wait3A_373] : memref<16x128xi32, #tpu.memory_space<vmem>> -> memref<1x128xi32, #tpu.memory_space<vmem>>
        %dma_wait3A_375 = tpu.memref_squeeze %dma_wait3A_374 : memref<1x128xi32, #tpu.memory_space<vmem>> -> memref<128xi32, #tpu.memory_space<vmem>>
        %dma_wait3A_376 = arith.constant 96 : i32
        %dma_wait3A_377 = tpu.memref_slice %dma_wait3A_375[%dma_wait3A_376] : memref<128xi32, #tpu.memory_space<vmem>> -> memref<32xi32, #tpu.memory_space<vmem>>
        %dma_wait3A_378 = arith.constant 0 : i32
        %dma_wait3A_379 = arith.constant 0 : i32
        %dma_wait3A_380 = tpu.memref_slice %arg4[%dma_wait3A_378, %dma_wait3A_379] : memref<80000x128xf32, #tpu.memory_space<hbm>> -> memref<80000x128xf32, #tpu.memory_space<hbm>>
        tpu.wait_indirect_dma semaphore(%arg13 : memref<!tpu.dma_semaphore, #tpu.memory_space<semaphore_mem>>) src(%dma_wait3A_380 : memref<80000x128xf32, #tpu.memory_space<hbm>>) dst(%dma_wait3A_372 : memref<32x128xf32, #tpu.memory_space<vmem>>)
        %add3A_381 = arith.constant 1 : i32
        %add3A_382 = arith.addi %mul3A_232, %add3A_381 : i32
        %dma_start3A_383 = arith.constant 0 : i32
        %dma_start3A_384 = tpu.memref_slice %arg8[%add3A_382, %dma_start3A_383] : memref<16x128xi32, #tpu.memory_space<vmem>> -> memref<1x128xi32, #tpu.memory_space<vmem>>
        %dma_start3A_385 = tpu.memref_squeeze %dma_start3A_384 : memref<1x128xi32, #tpu.memory_space<vmem>> -> memref<128xi32, #tpu.memory_space<vmem>>
        %dma_start3A_386 = arith.constant 0 : i32
        %dma_start3A_387 = arith.constant 0 : i32
        %dma_start3A_388 = tpu.memref_slice %arg11[%dma_start3A_386, %dma_start3A_387] : memref<10112x128xf32, #tpu.memory_space<vmem_shared>> -> memref<10112x128xf32, #tpu.memory_space<vmem_shared>>
        tpu.enqueue_indirect_dma source(%arg10 : memref<128x128xf32, #tpu.memory_space<vmem>>) target(%dma_start3A_388 : memref<10112x128xf32, #tpu.memory_space<vmem_shared>>) offsets(%dma_start3A_385 : memref<128xi32, #tpu.memory_space<vmem>>) semaphore(%arg15 : memref<!tpu.dma_semaphore, #tpu.memory_space<semaphore_mem>>) {add = true}
        %add3A_389 = arith.constant 1 : i32
        %add3A_390 = arith.addi %mul3A_232, %add3A_389 : i32
        %dma_wait3A_391 = arith.constant 0 : i32
        %dma_wait3A_392 = tpu.memref_slice %arg8[%add3A_390, %dma_wait3A_391] : memref<16x128xi32, #tpu.memory_space<vmem>> -> memref<1x128xi32, #tpu.memory_space<vmem>>
        %dma_wait3A_393 = tpu.memref_squeeze %dma_wait3A_392 : memref<1x128xi32, #tpu.memory_space<vmem>> -> memref<128xi32, #tpu.memory_space<vmem>>
        %dma_wait3A_394 = arith.constant 0 : i32
        %dma_wait3A_395 = arith.constant 0 : i32
        %dma_wait3A_396 = tpu.memref_slice %arg11[%dma_wait3A_394, %dma_wait3A_395] : memref<10112x128xf32, #tpu.memory_space<vmem_shared>> -> memref<10112x128xf32, #tpu.memory_space<vmem_shared>>
        tpu.wait_indirect_dma semaphore(%arg15 : memref<!tpu.dma_semaphore, #tpu.memory_space<semaphore_mem>>) src(%arg10 : memref<128x128xf32, #tpu.memory_space<vmem>>) dst(%dma_wait3A_396 : memref<10112x128xf32, #tpu.memory_space<vmem_shared>>)
        %add3A_397 = arith.constant 3 : i32
        %add3A_398 = arith.addi %mul3A_232, %add3A_397 : i32
        %dma_start3A_399 = arith.constant 0 : i32
        %dma_start3A_400 = arith.constant 0 : i32
        %dma_start3A_401 = tpu.memref_slice %arg10[%dma_start3A_399, %dma_start3A_400] : memref<128x128xf32, #tpu.memory_space<vmem>> -> memref<32x128xf32, #tpu.memory_space<vmem>>
        %dma_start3A_402 = arith.constant 0 : i32
        %dma_start3A_403 = tpu.memref_slice %arg7[%add3A_398, %dma_start3A_402] : memref<16x128xi32, #tpu.memory_space<vmem>> -> memref<1x128xi32, #tpu.memory_space<vmem>>
        %dma_start3A_404 = tpu.memref_squeeze %dma_start3A_403 : memref<1x128xi32, #tpu.memory_space<vmem>> -> memref<128xi32, #tpu.memory_space<vmem>>
        %dma_start3A_405 = arith.constant 0 : i32
        %dma_start3A_406 = tpu.memref_slice %dma_start3A_404[%dma_start3A_405] : memref<128xi32, #tpu.memory_space<vmem>> -> memref<32xi32, #tpu.memory_space<vmem>>
        %dma_start3A_407 = arith.constant 0 : i32
        %dma_start3A_408 = arith.constant 0 : i32
        %dma_start3A_409 = tpu.memref_slice %arg4[%dma_start3A_407, %dma_start3A_408] : memref<80000x128xf32, #tpu.memory_space<hbm>> -> memref<80000x128xf32, #tpu.memory_space<hbm>>
        tpu.enqueue_indirect_dma source(%dma_start3A_409 : memref<80000x128xf32, #tpu.memory_space<hbm>>) target(%dma_start3A_401 : memref<32x128xf32, #tpu.memory_space<vmem>>) offsets(%dma_start3A_406 : memref<32xi32, #tpu.memory_space<vmem>>) semaphore(%arg13 : memref<!tpu.dma_semaphore, #tpu.memory_space<semaphore_mem>>)
        %dma_start3A_410 = arith.constant 32 : i32
        %dma_start3A_411 = arith.constant 0 : i32
        %dma_start3A_412 = tpu.memref_slice %arg10[%dma_start3A_410, %dma_start3A_411] : memref<128x128xf32, #tpu.memory_space<vmem>> -> memref<32x128xf32, #tpu.memory_space<vmem>>
        %dma_start3A_413 = arith.constant 0 : i32
        %dma_start3A_414 = tpu.memref_slice %arg7[%add3A_398, %dma_start3A_413] : memref<16x128xi32, #tpu.memory_space<vmem>> -> memref<1x128xi32, #tpu.memory_space<vmem>>
        %dma_start3A_415 = tpu.memref_squeeze %dma_start3A_414 : memref<1x128xi32, #tpu.memory_space<vmem>> -> memref<128xi32, #tpu.memory_space<vmem>>
        %dma_start3A_416 = arith.constant 32 : i32
        %dma_start3A_417 = tpu.memref_slice %dma_start3A_415[%dma_start3A_416] : memref<128xi32, #tpu.memory_space<vmem>> -> memref<32xi32, #tpu.memory_space<vmem>>
        %dma_start3A_418 = arith.constant 0 : i32
        %dma_start3A_419 = arith.constant 0 : i32
        %dma_start3A_420 = tpu.memref_slice %arg4[%dma_start3A_418, %dma_start3A_419] : memref<80000x128xf32, #tpu.memory_space<hbm>> -> memref<80000x128xf32, #tpu.memory_space<hbm>>
        tpu.enqueue_indirect_dma source(%dma_start3A_420 : memref<80000x128xf32, #tpu.memory_space<hbm>>) target(%dma_start3A_412 : memref<32x128xf32, #tpu.memory_space<vmem>>) offsets(%dma_start3A_417 : memref<32xi32, #tpu.memory_space<vmem>>) semaphore(%arg13 : memref<!tpu.dma_semaphore, #tpu.memory_space<semaphore_mem>>)
        %dma_start3A_421 = arith.constant 64 : i32
        %dma_start3A_422 = arith.constant 0 : i32
        %dma_start3A_423 = tpu.memref_slice %arg10[%dma_start3A_421, %dma_start3A_422] : memref<128x128xf32, #tpu.memory_space<vmem>> -> memref<32x128xf32, #tpu.memory_space<vmem>>
        %dma_start3A_424 = arith.constant 0 : i32
        %dma_start3A_425 = tpu.memref_slice %arg7[%add3A_398, %dma_start3A_424] : memref<16x128xi32, #tpu.memory_space<vmem>> -> memref<1x128xi32, #tpu.memory_space<vmem>>
        %dma_start3A_426 = tpu.memref_squeeze %dma_start3A_425 : memref<1x128xi32, #tpu.memory_space<vmem>> -> memref<128xi32, #tpu.memory_space<vmem>>
        %dma_start3A_427 = arith.constant 64 : i32
        %dma_start3A_428 = tpu.memref_slice %dma_start3A_426[%dma_start3A_427] : memref<128xi32, #tpu.memory_space<vmem>> -> memref<32xi32, #tpu.memory_space<vmem>>
        %dma_start3A_429 = arith.constant 0 : i32
        %dma_start3A_430 = arith.constant 0 : i32
        %dma_start3A_431 = tpu.memref_slice %arg4[%dma_start3A_429, %dma_start3A_430] : memref<80000x128xf32, #tpu.memory_space<hbm>> -> memref<80000x128xf32, #tpu.memory_space<hbm>>
        tpu.enqueue_indirect_dma source(%dma_start3A_431 : memref<80000x128xf32, #tpu.memory_space<hbm>>) target(%dma_start3A_423 : memref<32x128xf32, #tpu.memory_space<vmem>>) offsets(%dma_start3A_428 : memref<32xi32, #tpu.memory_space<vmem>>) semaphore(%arg13 : memref<!tpu.dma_semaphore, #tpu.memory_space<semaphore_mem>>)
        %dma_start3A_432 = arith.constant 96 : i32
        %dma_start3A_433 = arith.constant 0 : i32
        %dma_start3A_434 = tpu.memref_slice %arg10[%dma_start3A_432, %dma_start3A_433] : memref<128x128xf32, #tpu.memory_space<vmem>> -> memref<32x128xf32, #tpu.memory_space<vmem>>
        %dma_start3A_435 = arith.constant 0 : i32
        %dma_start3A_436 = tpu.memref_slice %arg7[%add3A_398, %dma_start3A_435] : memref<16x128xi32, #tpu.memory_space<vmem>> -> memref<1x128xi32, #tpu.memory_space<vmem>>
        %dma_start3A_437 = tpu.memref_squeeze %dma_start3A_436 : memref<1x128xi32, #tpu.memory_space<vmem>> -> memref<128xi32, #tpu.memory_space<vmem>>
        %dma_start3A_438 = arith.constant 96 : i32
        %dma_start3A_439 = tpu.memref_slice %dma_start3A_437[%dma_start3A_438] : memref<128xi32, #tpu.memory_space<vmem>> -> memref<32xi32, #tpu.memory_space<vmem>>
        %dma_start3A_440 = arith.constant 0 : i32
        %dma_start3A_441 = arith.constant 0 : i32
        %dma_start3A_442 = tpu.memref_slice %arg4[%dma_start3A_440, %dma_start3A_441] : memref<80000x128xf32, #tpu.memory_space<hbm>> -> memref<80000x128xf32, #tpu.memory_space<hbm>>
        tpu.enqueue_indirect_dma source(%dma_start3A_442 : memref<80000x128xf32, #tpu.memory_space<hbm>>) target(%dma_start3A_434 : memref<32x128xf32, #tpu.memory_space<vmem>>) offsets(%dma_start3A_439 : memref<32xi32, #tpu.memory_space<vmem>>) semaphore(%arg13 : memref<!tpu.dma_semaphore, #tpu.memory_space<semaphore_mem>>)
      }
      %scan3A_133 = arith.constant 7 : i32
      %dma_wait3A = arith.constant 14 : i32
      %dma_wait3A_134 = arith.constant 0 : i32
      %dma_wait3A_135 = arith.constant 0 : i32
      %dma_wait3A_136 = tpu.memref_slice %arg9[%dma_wait3A_134, %dma_wait3A_135] : memref<128x128xf32, #tpu.memory_space<vmem>> -> memref<32x128xf32, #tpu.memory_space<vmem>>
      %dma_wait3A_137 = arith.constant 0 : i32
      %dma_wait3A_138 = tpu.memref_slice %arg7[%dma_wait3A, %dma_wait3A_137] : memref<16x128xi32, #tpu.memory_space<vmem>> -> memref<1x128xi32, #tpu.memory_space<vmem>>
      %dma_wait3A_139 = tpu.memref_squeeze %dma_wait3A_138 : memref<1x128xi32, #tpu.memory_space<vmem>> -> memref<128xi32, #tpu.memory_space<vmem>>
      %dma_wait3A_140 = arith.constant 0 : i32
      %dma_wait3A_141 = tpu.memref_slice %dma_wait3A_139[%dma_wait3A_140] : memref<128xi32, #tpu.memory_space<vmem>> -> memref<32xi32, #tpu.memory_space<vmem>>
      %dma_wait3A_142 = arith.constant 0 : i32
      %dma_wait3A_143 = arith.constant 0 : i32
      %dma_wait3A_144 = tpu.memref_slice %arg4[%dma_wait3A_142, %dma_wait3A_143] : memref<80000x128xf32, #tpu.memory_space<hbm>> -> memref<80000x128xf32, #tpu.memory_space<hbm>>
      tpu.wait_indirect_dma semaphore(%arg12 : memref<!tpu.dma_semaphore, #tpu.memory_space<semaphore_mem>>) src(%dma_wait3A_144 : memref<80000x128xf32, #tpu.memory_space<hbm>>) dst(%dma_wait3A_136 : memref<32x128xf32, #tpu.memory_space<vmem>>)
      %dma_wait3A_145 = arith.constant 14 : i32
      %dma_wait3A_146 = arith.constant 32 : i32
      %dma_wait3A_147 = arith.constant 0 : i32
      %dma_wait3A_148 = tpu.memref_slice %arg9[%dma_wait3A_146, %dma_wait3A_147] : memref<128x128xf32, #tpu.memory_space<vmem>> -> memref<32x128xf32, #tpu.memory_space<vmem>>
      %dma_wait3A_149 = arith.constant 0 : i32
      %dma_wait3A_150 = tpu.memref_slice %arg7[%dma_wait3A_145, %dma_wait3A_149] : memref<16x128xi32, #tpu.memory_space<vmem>> -> memref<1x128xi32, #tpu.memory_space<vmem>>
      %dma_wait3A_151 = tpu.memref_squeeze %dma_wait3A_150 : memref<1x128xi32, #tpu.memory_space<vmem>> -> memref<128xi32, #tpu.memory_space<vmem>>
      %dma_wait3A_152 = arith.constant 32 : i32
      %dma_wait3A_153 = tpu.memref_slice %dma_wait3A_151[%dma_wait3A_152] : memref<128xi32, #tpu.memory_space<vmem>> -> memref<32xi32, #tpu.memory_space<vmem>>
      %dma_wait3A_154 = arith.constant 0 : i32
      %dma_wait3A_155 = arith.constant 0 : i32
      %dma_wait3A_156 = tpu.memref_slice %arg4[%dma_wait3A_154, %dma_wait3A_155] : memref<80000x128xf32, #tpu.memory_space<hbm>> -> memref<80000x128xf32, #tpu.memory_space<hbm>>
      tpu.wait_indirect_dma semaphore(%arg12 : memref<!tpu.dma_semaphore, #tpu.memory_space<semaphore_mem>>) src(%dma_wait3A_156 : memref<80000x128xf32, #tpu.memory_space<hbm>>) dst(%dma_wait3A_148 : memref<32x128xf32, #tpu.memory_space<vmem>>)
      %dma_wait3A_157 = arith.constant 14 : i32
      %dma_wait3A_158 = arith.constant 64 : i32
      %dma_wait3A_159 = arith.constant 0 : i32
      %dma_wait3A_160 = tpu.memref_slice %arg9[%dma_wait3A_158, %dma_wait3A_159] : memref<128x128xf32, #tpu.memory_space<vmem>> -> memref<32x128xf32, #tpu.memory_space<vmem>>
      %dma_wait3A_161 = arith.constant 0 : i32
      %dma_wait3A_162 = tpu.memref_slice %arg7[%dma_wait3A_157, %dma_wait3A_161] : memref<16x128xi32, #tpu.memory_space<vmem>> -> memref<1x128xi32, #tpu.memory_space<vmem>>
      %dma_wait3A_163 = tpu.memref_squeeze %dma_wait3A_162 : memref<1x128xi32, #tpu.memory_space<vmem>> -> memref<128xi32, #tpu.memory_space<vmem>>
      %dma_wait3A_164 = arith.constant 64 : i32
      %dma_wait3A_165 = tpu.memref_slice %dma_wait3A_163[%dma_wait3A_164] : memref<128xi32, #tpu.memory_space<vmem>> -> memref<32xi32, #tpu.memory_space<vmem>>
      %dma_wait3A_166 = arith.constant 0 : i32
      %dma_wait3A_167 = arith.constant 0 : i32
      %dma_wait3A_168 = tpu.memref_slice %arg4[%dma_wait3A_166, %dma_wait3A_167] : memref<80000x128xf32, #tpu.memory_space<hbm>> -> memref<80000x128xf32, #tpu.memory_space<hbm>>
      tpu.wait_indirect_dma semaphore(%arg12 : memref<!tpu.dma_semaphore, #tpu.memory_space<semaphore_mem>>) src(%dma_wait3A_168 : memref<80000x128xf32, #tpu.memory_space<hbm>>) dst(%dma_wait3A_160 : memref<32x128xf32, #tpu.memory_space<vmem>>)
      %dma_wait3A_169 = arith.constant 14 : i32
      %dma_wait3A_170 = arith.constant 96 : i32
      %dma_wait3A_171 = arith.constant 0 : i32
      %dma_wait3A_172 = tpu.memref_slice %arg9[%dma_wait3A_170, %dma_wait3A_171] : memref<128x128xf32, #tpu.memory_space<vmem>> -> memref<32x128xf32, #tpu.memory_space<vmem>>
      %dma_wait3A_173 = arith.constant 0 : i32
      %dma_wait3A_174 = tpu.memref_slice %arg7[%dma_wait3A_169, %dma_wait3A_173] : memref<16x128xi32, #tpu.memory_space<vmem>> -> memref<1x128xi32, #tpu.memory_space<vmem>>
      %dma_wait3A_175 = tpu.memref_squeeze %dma_wait3A_174 : memref<1x128xi32, #tpu.memory_space<vmem>> -> memref<128xi32, #tpu.memory_space<vmem>>
      %dma_wait3A_176 = arith.constant 96 : i32
      %dma_wait3A_177 = tpu.memref_slice %dma_wait3A_175[%dma_wait3A_176] : memref<128xi32, #tpu.memory_space<vmem>> -> memref<32xi32, #tpu.memory_space<vmem>>
      %dma_wait3A_178 = arith.constant 0 : i32
      %dma_wait3A_179 = arith.constant 0 : i32
      %dma_wait3A_180 = tpu.memref_slice %arg4[%dma_wait3A_178, %dma_wait3A_179] : memref<80000x128xf32, #tpu.memory_space<hbm>> -> memref<80000x128xf32, #tpu.memory_space<hbm>>
      tpu.wait_indirect_dma semaphore(%arg12 : memref<!tpu.dma_semaphore, #tpu.memory_space<semaphore_mem>>) src(%dma_wait3A_180 : memref<80000x128xf32, #tpu.memory_space<hbm>>) dst(%dma_wait3A_172 : memref<32x128xf32, #tpu.memory_space<vmem>>)
      %run_scoped3A = arith.constant 14 : i32
      "tpu.region"() ({
        %run_scoped3A_230 = tpu.sem_alloc : memref<!tpu.dma_semaphore, #tpu.memory_space<semaphore_mem>>
        %dma_start3A_231 = arith.constant 0 : i32
        %dma_start3A_232 = tpu.memref_slice %arg8[%run_scoped3A, %dma_start3A_231] : memref<16x128xi32, #tpu.memory_space<vmem>> -> memref<1x128xi32, #tpu.memory_space<vmem>>
        %dma_start3A_233 = tpu.memref_squeeze %dma_start3A_232 : memref<1x128xi32, #tpu.memory_space<vmem>> -> memref<128xi32, #tpu.memory_space<vmem>>
        %dma_start3A_234 = arith.constant 0 : i32
        %dma_start3A_235 = arith.constant 0 : i32
        %dma_start3A_236 = tpu.memref_slice %arg11[%dma_start3A_234, %dma_start3A_235] : memref<10112x128xf32, #tpu.memory_space<vmem_shared>> -> memref<10112x128xf32, #tpu.memory_space<vmem_shared>>
        tpu.enqueue_indirect_dma source(%arg9 : memref<128x128xf32, #tpu.memory_space<vmem>>) target(%dma_start3A_236 : memref<10112x128xf32, #tpu.memory_space<vmem_shared>>) offsets(%dma_start3A_233 : memref<128xi32, #tpu.memory_space<vmem>>) semaphore(%run_scoped3A_230 : memref<!tpu.dma_semaphore, #tpu.memory_space<semaphore_mem>>) {add = true}
        %dma_wait3A_237 = arith.constant 0 : i32
        %dma_wait3A_238 = tpu.memref_slice %arg8[%run_scoped3A, %dma_wait3A_237] : memref<16x128xi32, #tpu.memory_space<vmem>> -> memref<1x128xi32, #tpu.memory_space<vmem>>
        %dma_wait3A_239 = tpu.memref_squeeze %dma_wait3A_238 : memref<1x128xi32, #tpu.memory_space<vmem>> -> memref<128xi32, #tpu.memory_space<vmem>>
        %dma_wait3A_240 = arith.constant 0 : i32
        %dma_wait3A_241 = arith.constant 0 : i32
        %dma_wait3A_242 = tpu.memref_slice %arg11[%dma_wait3A_240, %dma_wait3A_241] : memref<10112x128xf32, #tpu.memory_space<vmem_shared>> -> memref<10112x128xf32, #tpu.memory_space<vmem_shared>>
        tpu.wait_indirect_dma semaphore(%run_scoped3A_230 : memref<!tpu.dma_semaphore, #tpu.memory_space<semaphore_mem>>) src(%arg9 : memref<128x128xf32, #tpu.memory_space<vmem>>) dst(%dma_wait3A_242 : memref<10112x128xf32, #tpu.memory_space<vmem_shared>>)
        tpu.yield
      }) : () -> ()
      %dma_wait3A_181 = arith.constant 15 : i32
      %dma_wait3A_182 = arith.constant 0 : i32
      %dma_wait3A_183 = arith.constant 0 : i32
      %dma_wait3A_184 = tpu.memref_slice %arg10[%dma_wait3A_182, %dma_wait3A_183] : memref<128x128xf32, #tpu.memory_space<vmem>> -> memref<32x128xf32, #tpu.memory_space<vmem>>
      %dma_wait3A_185 = arith.constant 0 : i32
      %dma_wait3A_186 = tpu.memref_slice %arg7[%dma_wait3A_181, %dma_wait3A_185] : memref<16x128xi32, #tpu.memory_space<vmem>> -> memref<1x128xi32, #tpu.memory_space<vmem>>
      %dma_wait3A_187 = tpu.memref_squeeze %dma_wait3A_186 : memref<1x128xi32, #tpu.memory_space<vmem>> -> memref<128xi32, #tpu.memory_space<vmem>>
      %dma_wait3A_188 = arith.constant 0 : i32
      %dma_wait3A_189 = tpu.memref_slice %dma_wait3A_187[%dma_wait3A_188] : memref<128xi32, #tpu.memory_space<vmem>> -> memref<32xi32, #tpu.memory_space<vmem>>
      %dma_wait3A_190 = arith.constant 0 : i32
      %dma_wait3A_191 = arith.constant 0 : i32
      %dma_wait3A_192 = tpu.memref_slice %arg4[%dma_wait3A_190, %dma_wait3A_191] : memref<80000x128xf32, #tpu.memory_space<hbm>> -> memref<80000x128xf32, #tpu.memory_space<hbm>>
      tpu.wait_indirect_dma semaphore(%arg13 : memref<!tpu.dma_semaphore, #tpu.memory_space<semaphore_mem>>) src(%dma_wait3A_192 : memref<80000x128xf32, #tpu.memory_space<hbm>>) dst(%dma_wait3A_184 : memref<32x128xf32, #tpu.memory_space<vmem>>)
      %dma_wait3A_193 = arith.constant 15 : i32
      %dma_wait3A_194 = arith.constant 32 : i32
      %dma_wait3A_195 = arith.constant 0 : i32
      %dma_wait3A_196 = tpu.memref_slice %arg10[%dma_wait3A_194, %dma_wait3A_195] : memref<128x128xf32, #tpu.memory_space<vmem>> -> memref<32x128xf32, #tpu.memory_space<vmem>>
      %dma_wait3A_197 = arith.constant 0 : i32
      %dma_wait3A_198 = tpu.memref_slice %arg7[%dma_wait3A_193, %dma_wait3A_197] : memref<16x128xi32, #tpu.memory_space<vmem>> -> memref<1x128xi32, #tpu.memory_space<vmem>>
      %dma_wait3A_199 = tpu.memref_squeeze %dma_wait3A_198 : memref<1x128xi32, #tpu.memory_space<vmem>> -> memref<128xi32, #tpu.memory_space<vmem>>
      %dma_wait3A_200 = arith.constant 32 : i32
      %dma_wait3A_201 = tpu.memref_slice %dma_wait3A_199[%dma_wait3A_200] : memref<128xi32, #tpu.memory_space<vmem>> -> memref<32xi32, #tpu.memory_space<vmem>>
      %dma_wait3A_202 = arith.constant 0 : i32
      %dma_wait3A_203 = arith.constant 0 : i32
      %dma_wait3A_204 = tpu.memref_slice %arg4[%dma_wait3A_202, %dma_wait3A_203] : memref<80000x128xf32, #tpu.memory_space<hbm>> -> memref<80000x128xf32, #tpu.memory_space<hbm>>
      tpu.wait_indirect_dma semaphore(%arg13 : memref<!tpu.dma_semaphore, #tpu.memory_space<semaphore_mem>>) src(%dma_wait3A_204 : memref<80000x128xf32, #tpu.memory_space<hbm>>) dst(%dma_wait3A_196 : memref<32x128xf32, #tpu.memory_space<vmem>>)
      %dma_wait3A_205 = arith.constant 15 : i32
      %dma_wait3A_206 = arith.constant 64 : i32
      %dma_wait3A_207 = arith.constant 0 : i32
      %dma_wait3A_208 = tpu.memref_slice %arg10[%dma_wait3A_206, %dma_wait3A_207] : memref<128x128xf32, #tpu.memory_space<vmem>> -> memref<32x128xf32, #tpu.memory_space<vmem>>
      %dma_wait3A_209 = arith.constant 0 : i32
      %dma_wait3A_210 = tpu.memref_slice %arg7[%dma_wait3A_205, %dma_wait3A_209] : memref<16x128xi32, #tpu.memory_space<vmem>> -> memref<1x128xi32, #tpu.memory_space<vmem>>
      %dma_wait3A_211 = tpu.memref_squeeze %dma_wait3A_210 : memref<1x128xi32, #tpu.memory_space<vmem>> -> memref<128xi32, #tpu.memory_space<vmem>>
      %dma_wait3A_212 = arith.constant 64 : i32
      %dma_wait3A_213 = tpu.memref_slice %dma_wait3A_211[%dma_wait3A_212] : memref<128xi32, #tpu.memory_space<vmem>> -> memref<32xi32, #tpu.memory_space<vmem>>
      %dma_wait3A_214 = arith.constant 0 : i32
      %dma_wait3A_215 = arith.constant 0 : i32
      %dma_wait3A_216 = tpu.memref_slice %arg4[%dma_wait3A_214, %dma_wait3A_215] : memref<80000x128xf32, #tpu.memory_space<hbm>> -> memref<80000x128xf32, #tpu.memory_space<hbm>>
      tpu.wait_indirect_dma semaphore(%arg13 : memref<!tpu.dma_semaphore, #tpu.memory_space<semaphore_mem>>) src(%dma_wait3A_216 : memref<80000x128xf32, #tpu.memory_space<hbm>>) dst(%dma_wait3A_208 : memref<32x128xf32, #tpu.memory_space<vmem>>)
      %dma_wait3A_217 = arith.constant 15 : i32
      %dma_wait3A_218 = arith.constant 96 : i32
      %dma_wait3A_219 = arith.constant 0 : i32
      %dma_wait3A_220 = tpu.memref_slice %arg10[%dma_wait3A_218, %dma_wait3A_219] : memref<128x128xf32, #tpu.memory_space<vmem>> -> memref<32x128xf32, #tpu.memory_space<vmem>>
      %dma_wait3A_221 = arith.constant 0 : i32
      %dma_wait3A_222 = tpu.memref_slice %arg7[%dma_wait3A_217, %dma_wait3A_221] : memref<16x128xi32, #tpu.memory_space<vmem>> -> memref<1x128xi32, #tpu.memory_space<vmem>>
      %dma_wait3A_223 = tpu.memref_squeeze %dma_wait3A_222 : memref<1x128xi32, #tpu.memory_space<vmem>> -> memref<128xi32, #tpu.memory_space<vmem>>
      %dma_wait3A_224 = arith.constant 96 : i32
      %dma_wait3A_225 = tpu.memref_slice %dma_wait3A_223[%dma_wait3A_224] : memref<128xi32, #tpu.memory_space<vmem>> -> memref<32xi32, #tpu.memory_space<vmem>>
      %dma_wait3A_226 = arith.constant 0 : i32
      %dma_wait3A_227 = arith.constant 0 : i32
      %dma_wait3A_228 = tpu.memref_slice %arg4[%dma_wait3A_226, %dma_wait3A_227] : memref<80000x128xf32, #tpu.memory_space<hbm>> -> memref<80000x128xf32, #tpu.memory_space<hbm>>
      tpu.wait_indirect_dma semaphore(%arg13 : memref<!tpu.dma_semaphore, #tpu.memory_space<semaphore_mem>>) src(%dma_wait3A_228 : memref<80000x128xf32, #tpu.memory_space<hbm>>) dst(%dma_wait3A_220 : memref<32x128xf32, #tpu.memory_space<vmem>>)
      %run_scoped3A_229 = arith.constant 15 : i32
      "tpu.region"() ({
        %run_scoped3A_230 = tpu.sem_alloc : memref<!tpu.dma_semaphore, #tpu.memory_space<semaphore_mem>>
        %dma_start3A_231 = arith.constant 0 : i32
        %dma_start3A_232 = tpu.memref_slice %arg8[%run_scoped3A_229, %dma_start3A_231] : memref<16x128xi32, #tpu.memory_space<vmem>> -> memref<1x128xi32, #tpu.memory_space<vmem>>
        %dma_start3A_233 = tpu.memref_squeeze %dma_start3A_232 : memref<1x128xi32, #tpu.memory_space<vmem>> -> memref<128xi32, #tpu.memory_space<vmem>>
        %dma_start3A_234 = arith.constant 0 : i32
        %dma_start3A_235 = arith.constant 0 : i32
        %dma_start3A_236 = tpu.memref_slice %arg11[%dma_start3A_234, %dma_start3A_235] : memref<10112x128xf32, #tpu.memory_space<vmem_shared>> -> memref<10112x128xf32, #tpu.memory_space<vmem_shared>>
        tpu.enqueue_indirect_dma source(%arg10 : memref<128x128xf32, #tpu.memory_space<vmem>>) target(%dma_start3A_236 : memref<10112x128xf32, #tpu.memory_space<vmem_shared>>) offsets(%dma_start3A_233 : memref<128xi32, #tpu.memory_space<vmem>>) semaphore(%run_scoped3A_230 : memref<!tpu.dma_semaphore, #tpu.memory_space<semaphore_mem>>) {add = true}
        %dma_wait3A_237 = arith.constant 0 : i32
        %dma_wait3A_238 = tpu.memref_slice %arg8[%run_scoped3A_229, %dma_wait3A_237] : memref<16x128xi32, #tpu.memory_space<vmem>> -> memref<1x128xi32, #tpu.memory_space<vmem>>
        %dma_wait3A_239 = tpu.memref_squeeze %dma_wait3A_238 : memref<1x128xi32, #tpu.memory_space<vmem>> -> memref<128xi32, #tpu.memory_space<vmem>>
        %dma_wait3A_240 = arith.constant 0 : i32
        %dma_wait3A_241 = arith.constant 0 : i32
        %dma_wait3A_242 = tpu.memref_slice %arg11[%dma_wait3A_240, %dma_wait3A_241] : memref<10112x128xf32, #tpu.memory_space<vmem_shared>> -> memref<10112x128xf32, #tpu.memory_space<vmem_shared>>
        tpu.wait_indirect_dma semaphore(%run_scoped3A_230 : memref<!tpu.dma_semaphore, #tpu.memory_space<semaphore_mem>>) src(%arg10 : memref<128x128xf32, #tpu.memory_space<vmem>>) dst(%dma_wait3A_242 : memref<10112x128xf32, #tpu.memory_space<vmem_shared>>)
        tpu.yield
      }) : () -> ()
    }
    %barrier3A_27 = arith.constant 0 : index
    tpu.barrier barrier_id(%barrier3A_27)
    "tpu.region"() ({
      %run_scoped3A = tpu.sem_alloc : memref<!tpu.dma_semaphore, #tpu.memory_space<semaphore_mem>>
      %dma_start3A = arith.constant 0 : i32
      %dma_start3A_28 = arith.constant 0 : i32
      %dma_start3A_29 = tpu.memref_slice %arg6[%arg0, %dma_start3A, %dma_start3A_28] : memref<2x10112x128xf32, #tpu.memory_space<hbm>> -> memref<1x10112x128xf32, #tpu.memory_space<hbm>>
      %dma_start3A_30 = tpu.memref_squeeze %dma_start3A_29 : memref<1x10112x128xf32, #tpu.memory_space<hbm>> -> memref<10112x128xf32, #tpu.memory_space<hbm>>
      %dma_start3A_31 = arith.constant 0 : i32
      %dma_start3A_32 = tpu.memref_slice %dma_start3A_30[%mul3A_17, %dma_start3A_31] : memref<10112x128xf32, #tpu.memory_space<hbm>> -> memref<632x128xf32, #tpu.memory_space<hbm>>
      %dma_start3A_33 = arith.constant 0 : i32
      %dma_start3A_34 = tpu.memref_slice %arg11[%mul3A_17, %dma_start3A_33] : memref<10112x128xf32, #tpu.memory_space<vmem_shared>> -> memref<632x128xf32, #tpu.memory_space<vmem_shared>>
      tpu.enqueue_dma source(%dma_start3A_34 : memref<632x128xf32, #tpu.memory_space<vmem_shared>>) target(%dma_start3A_32 : memref<632x128xf32, #tpu.memory_space<hbm>>) target_semaphore(%run_scoped3A : memref<!tpu.dma_semaphore, #tpu.memory_space<semaphore_mem>>)
      %dma_wait3A = arith.constant 0 : i32
      %dma_wait3A_35 = arith.constant 0 : i32
      %dma_wait3A_36 = tpu.memref_slice %arg6[%arg0, %dma_wait3A, %dma_wait3A_35] : memref<2x10112x128xf32, #tpu.memory_space<hbm>> -> memref<1x10112x128xf32, #tpu.memory_space<hbm>>
      %dma_wait3A_37 = tpu.memref_squeeze %dma_wait3A_36 : memref<1x10112x128xf32, #tpu.memory_space<hbm>> -> memref<10112x128xf32, #tpu.memory_space<hbm>>
      %dma_wait3A_38 = arith.constant 0 : i32
      %dma_wait3A_39 = tpu.memref_slice %dma_wait3A_37[%mul3A_17, %dma_wait3A_38] : memref<10112x128xf32, #tpu.memory_space<hbm>> -> memref<632x128xf32, #tpu.memory_space<hbm>>
      %dma_wait3A_40 = arith.constant 0 : i32
      %dma_wait3A_41 = tpu.memref_slice %arg11[%mul3A_17, %dma_wait3A_40] : memref<10112x128xf32, #tpu.memory_space<vmem_shared>> -> memref<632x128xf32, #tpu.memory_space<vmem_shared>>
      tpu.wait_dma2 semaphore(%run_scoped3A : memref<!tpu.dma_semaphore, #tpu.memory_space<semaphore_mem>>) src(%dma_wait3A_41 : memref<632x128xf32, #tpu.memory_space<vmem_shared>>) dst(%dma_wait3A_39 : memref<632x128xf32, #tpu.memory_space<hbm>>)
      tpu.yield
    }) : () -> ()
    return
  }
}

module attributes {stable_mosaic.version = 14 : i64} {
  func.func @body(%arg0: i32, %arg1: memref<2x10112x128xf32, #tpu.memory_space<vmem>>, %arg2: memref<10000x128xf32, #tpu.memory_space<vmem>>, %arg3: memref<10000x128xf32, #tpu.memory_space<vmem>>, %arg4: memref<10000x1xf32, #tpu.memory_space<vmem>>) attributes {dimension_semantics = [#tpu.dimension_semantics<arbitrary>], iteration_bounds = array<i64: 8>, scalar_prefetch = 0 : i64, scratch_operands = 0 : i64, tpu.core_type = #tpu.core_type<tc>, window_params = [{pipeline_mode = #tpu.pipeline_mode<synchronous>, transform_indices = @transform_0, window_bounds = array<i64: 2, 10112, 128>}, {pipeline_mode = #tpu.pipeline_mode<synchronous>, transform_indices = @transform_1, window_bounds = array<i64: 10000, 128>}, {transform_indices = @transform_2, window_bounds = array<i64: 10000, 128>}, {pipeline_mode = #tpu.pipeline_mode<synchronous>, transform_indices = @transform_3, window_bounds = array<i64: 10000, 1>}]} {
    %get3A = arith.constant 0 : index
    %get3A_0 = arith.constant 0 : index
    %get3A_1 = arith.constant 0 : index
    %get3A_2 = vector.load %arg1[%get3A, %get3A_0, %get3A_1] : memref<2x10112x128xf32, #tpu.memory_space<vmem>>, vector<1x10000x1xf32>
    %get3A_3 = vector.shape_cast %get3A_2 : vector<1x10000x1xf32> to vector<10000x1xf32>
    %get3A_4 = arith.constant 1 : index
    %get3A_5 = arith.constant 0 : index
    %get3A_6 = arith.constant 0 : index
    %get3A_7 = vector.load %arg1[%get3A_4, %get3A_5, %get3A_6] : memref<2x10112x128xf32, #tpu.memory_space<vmem>>, vector<1x10000x1xf32>
    %get3A_8 = vector.shape_cast %get3A_7 : vector<1x10000x1xf32> to vector<10000x1xf32>
    %add3A = arith.addf %get3A_3, %get3A_8 : vector<10000x1xf32>
    %add3A_9 = arith.constant 1.000000e+00 : f32
    %add3A_10 = vector.broadcast %add3A_9 : f32 to vector<10000x1xf32>
    %add3A_11 = arith.addf %add3A, %add3A_10 : vector<10000x1xf32>
    %rsqrt3A = math.rsqrt %add3A_11 : vector<10000x1xf32>
    %swap3A = arith.constant 0 : index
    %swap3A_12 = arith.constant 0 : index
    %swap3A_13 = vector.load %arg4[%swap3A, %swap3A_12] : memref<10000x1xf32, #tpu.memory_space<vmem>>, vector<10000x1xf32>
    tpu.vector_store %arg4[%swap3A, %swap3A_12], %rsqrt3A {strides = array<i32>} : memref<10000x1xf32, #tpu.memory_space<vmem>>, vector<10000x1xf32>,
    %get3A_14 = arith.constant 0 : index
    %get3A_15 = arith.constant 0 : index
    %get3A_16 = vector.load %arg2[%get3A_14, %get3A_15] : memref<10000x128xf32, #tpu.memory_space<vmem>>, vector<10000x128xf32>
    %mul3A = vector.broadcast %rsqrt3A : vector<10000x1xf32> to vector<10000x128xf32>
    %mul3A_17 = arith.mulf %get3A_16, %mul3A : vector<10000x128xf32>
    %swap3A_18 = arith.constant 0 : index
    %swap3A_19 = arith.constant 0 : index
    %swap3A_20 = vector.load %arg3[%swap3A_18, %swap3A_19] : memref<10000x128xf32, #tpu.memory_space<vmem>>, vector<10000x128xf32>
    tpu.vector_store %arg3[%swap3A_18, %swap3A_19], %mul3A_17 {strides = array<i32>} : memref<10000x128xf32, #tpu.memory_space<vmem>>, vector<10000x128xf32>,
    return
  }
  func.func @transform_0(%arg0: i32) -> (i32, i32, i32) {
    %c0_i32 = arith.constant 0 : i32
    %c0_i32_0 = arith.constant 0 : i32
    %c0_i32_1 = arith.constant 0 : i32
    %c0_i32_2 = arith.constant 0 : i32
    return %c0_i32, %c0_i32_0, %c0_i32_1 : i32, i32, i32
  }
  func.func @transform_1(%arg0: i32) -> (i32, i32) {
    %c0_i32 = arith.constant 0 : i32
    %c0_i32_0 = arith.constant 0 : i32
    %c0_i32_1 = arith.constant 0 : i32
    return %c0_i32, %c0_i32_0 : i32, i32
  }
  func.func @transform_2(%arg0: i32) -> (i32, i32) {
    %c0_i32 = arith.constant 0 : i32
    %c0_i32_0 = arith.constant 0 : i32
    return %arg0, %c0_i32 : i32, i32
  }
  func.func @transform_3(%arg0: i32) -> (i32, i32) {
    %c0_i32 = arith.constant 0 : i32
    %c0_i32_0 = arith.constant 0 : i32
    %c0_i32_1 = arith.constant 0 : i32
    return %c0_i32, %c0_i32_0 : i32, i32
  }
}

module attributes {stable_mosaic.version = 14 : i64} {
  func.func @body(%arg0: i32, %arg1: memref<2x10112x128xf32, #tpu.memory_space<vmem>>, %arg2: memref<10000x128xf32, #tpu.memory_space<vmem>>, %arg3: memref<10000x1xf32, #tpu.memory_space<vmem>>, %arg4: memref<128x256xf32, #tpu.memory_space<vmem>>, %arg5: memref<1x256xf32, #tpu.memory_space<vmem>>, %arg6: memref<10000x128xf32, #tpu.memory_space<vmem>>) attributes {dimension_semantics = [#tpu.dimension_semantics<arbitrary>], iteration_bounds = array<i64: 8>, scalar_prefetch = 0 : i64, scratch_operands = 0 : i64, tpu.core_type = #tpu.core_type<tc>, window_params = [{pipeline_mode = #tpu.pipeline_mode<synchronous>, transform_indices = @transform_0, window_bounds = array<i64: 2, 10112, 128>}, {transform_indices = @transform_1, window_bounds = array<i64: 10000, 128>}, {pipeline_mode = #tpu.pipeline_mode<synchronous>, transform_indices = @transform_2, window_bounds = array<i64: 10000, 1>}, {pipeline_mode = #tpu.pipeline_mode<synchronous>, transform_indices = @transform_3, window_bounds = array<i64: 128, 256>}, {pipeline_mode = #tpu.pipeline_mode<synchronous>, transform_indices = @transform_4, window_bounds = array<i64: 1, 256>}, {transform_indices = @transform_5, window_bounds = array<i64: 10000, 128>}]} {
    %get3A = arith.constant 0 : index
    %get3A_0 = arith.constant 0 : index
    %get3A_1 = vector.load %arg3[%get3A, %get3A_0] : memref<10000x1xf32, #tpu.memory_space<vmem>>, vector<10000x1xf32>
    %get3A_2 = arith.constant 0 : index
    %get3A_3 = arith.constant 0 : index
    %get3A_4 = arith.constant 0 : index
    %get3A_5 = vector.load %arg1[%get3A_2, %get3A_3, %get3A_4] : memref<2x10112x128xf32, #tpu.memory_space<vmem>>, vector<1x10000x128xf32>
    %get3A_6 = vector.shape_cast %get3A_5 : vector<1x10000x128xf32> to vector<10000x128xf32>
    %get3A_7 = arith.constant 1 : index
    %get3A_8 = arith.constant 0 : index
    %get3A_9 = arith.constant 0 : index
    %get3A_10 = vector.load %arg1[%get3A_7, %get3A_8, %get3A_9] : memref<2x10112x128xf32, #tpu.memory_space<vmem>>, vector<1x10000x128xf32>
    %get3A_11 = vector.shape_cast %get3A_10 : vector<1x10000x128xf32> to vector<10000x128xf32>
    %add3A = arith.addf %get3A_6, %get3A_11 : vector<10000x128xf32>
    %get3A_12 = arith.constant 0 : index
    %get3A_13 = arith.constant 0 : index
    %get3A_14 = vector.load %arg2[%get3A_12, %get3A_13] : memref<10000x128xf32, #tpu.memory_space<vmem>>, vector<10000x128xf32>
    %add3A_15 = arith.addf %add3A, %get3A_14 : vector<10000x128xf32>
    %mul3A = vector.broadcast %get3A_1 : vector<10000x1xf32> to vector<10000x128xf32>
    %mul3A_16 = arith.mulf %add3A_15, %mul3A : vector<10000x128xf32>
    %get3A_17 = arith.constant 0 : index
    %get3A_18 = arith.constant 0 : index
    %get3A_19 = vector.load %arg4[%get3A_17, %get3A_18] : memref<128x256xf32, #tpu.memory_space<vmem>>, vector<128x256xf32>
    %dot_general3A = arith.constant dense<0.000000e+00> : vector<10000x256xf32>
    %dot_general3A_20 = tpu.matmul %mul3A_16, %get3A_19, %dot_general3A {dimension_numbers = #tpu.dot_dimension_numbers<[1], [0], [0], [1], [0, 0, 1, 1], [], []>, transpose_lhs_hint = false} : vector<10000x128xf32>, vector<128x256xf32>, vector<10000x256xf32> -> vector<10000x256xf32>
    %get3A_21 = arith.constant 0 : index
    %get3A_22 = arith.constant 0 : index
    %get3A_23 = vector.load %arg5[%get3A_21, %get3A_22] : memref<1x256xf32, #tpu.memory_space<vmem>>, vector<1x256xf32>
    %add3A_24 = vector.broadcast %get3A_23 : vector<1x256xf32> to vector<10000x256xf32>
    %add3A_25 = arith.addf %dot_general3A_20, %add3A_24 : vector<10000x256xf32>
    %max3A = arith.constant 0.000000e+00 : f32
    %max3A_26 = vector.broadcast %max3A : f32 to vector<10000x256xf32>
    %max3A_27 = arith.maximumf %add3A_25, %max3A_26 : vector<10000x256xf32>
    %mul3A_28 = vector.broadcast %get3A_1 : vector<10000x1xf32> to vector<10000x256xf32>
    %mul3A_29 = arith.mulf %max3A_27, %mul3A_28 : vector<10000x256xf32>
    %jit3A = arith.constant 2 : i32
    %eq3A = arith.constant 0 : i32
    %eq3A_30 = arith.cmpi eq, %jit3A, %eq3A : i32
    %jit3A_31 = arith.constant 1 : i32
    %select_n3A = arith.select %eq3A_30, %jit3A_31, %jit3A : i32
    %rem3A = arith.remsi %arg0, %select_n3A : i32
    %ne3A = arith.constant 0 : i32
    %ne3A_32 = arith.cmpi ne, %rem3A, %ne3A : i32
    %lt3A = arith.constant 0 : i32
    %lt3A_33 = arith.cmpi slt, %rem3A, %lt3A : i32
    %lt3A_34 = arith.constant 0 : i32
    %lt3A_35 = arith.cmpi slt, %select_n3A, %lt3A_34 : i32
    %ne3A_36 = arith.xori %lt3A_33, %lt3A_35 : i1
    %and3A = arith.andi %ne3A_36, %ne3A_32 : i1
    %add3A_37 = arith.addi %rem3A, %select_n3A : i32
    %select_n3A_38 = arith.select %and3A, %add3A_37, %rem3A : i32
    %eq3A_39 = arith.constant 0 : i32
    %eq3A_40 = arith.cmpi eq, %select_n3A_38, %eq3A_39 : i32
    %slice3A = vector.extract_strided_slice %mul3A_29 {offsets = [0, 0], sizes = [10000, 128], strides = [1, 1]} : vector<10000x256xf32> to vector<10000x128xf32>
    %slice3A_41 = vector.extract_strided_slice %mul3A_29 {offsets = [0, 128], sizes = [10000, 128], strides = [1, 1]} : vector<10000x256xf32> to vector<10000x128xf32>
    %select_n3A_42 = arith.select %eq3A_40, %slice3A, %slice3A_41 : vector<10000x128xf32>
    %swap3A = arith.constant 0 : index
    %swap3A_43 = arith.constant 0 : index
    %swap3A_44 = vector.load %arg6[%swap3A, %swap3A_43] : memref<10000x128xf32, #tpu.memory_space<vmem>>, vector<10000x128xf32>
    tpu.vector_store %arg6[%swap3A, %swap3A_43], %select_n3A_42 {strides = array<i32>} : memref<10000x128xf32, #tpu.memory_space<vmem>>, vector<10000x128xf32>,
    return
  }
  func.func @transform_0(%arg0: i32) -> (i32, i32, i32) {
    %c0_i32 = arith.constant 0 : i32
    %c0_i32_0 = arith.constant 0 : i32
    %c0_i32_1 = arith.constant 0 : i32
    %c0_i32_2 = arith.constant 0 : i32
    return %c0_i32, %c0_i32_0, %c0_i32_1 : i32, i32, i32
  }
  func.func @transform_1(%arg0: i32) -> (i32, i32) {
    %c0_i32 = arith.constant 0 : i32
    %c0_i32_0 = arith.constant 0 : i32
    %c0_i32_1 = arith.constant 0 : i32
    return %c0_i32, %c0_i32_0 : i32, i32
  }
  func.func @transform_2(%arg0: i32) -> (i32, i32) {
    %c0_i32 = arith.constant 0 : i32
    %c0_i32_0 = arith.constant 0 : i32
    %c0_i32_1 = arith.constant 0 : i32
    return %c0_i32, %c0_i32_0 : i32, i32
  }
  func.func @transform_3(%arg0: i32) -> (i32, i32) {
    %c0_i32 = arith.constant 0 : i32
    %c0_i32_0 = arith.constant 0 : i32
    %c0_i32_1 = arith.constant 0 : i32
    return %c0_i32, %c0_i32_0 : i32, i32
  }
  func.func @transform_4(%arg0: i32) -> (i32, i32) {
    %c0_i32 = arith.constant 0 : i32
    %c0_i32_0 = arith.constant 0 : i32
    %c0_i32_1 = arith.constant 0 : i32
    return %c0_i32, %c0_i32_0 : i32, i32
  }
  func.func @transform_5(%arg0: i32) -> (i32, i32) {
    %c0_i32 = arith.constant 0 : i32
    %c0_i32_0 = arith.constant 0 : i32
    return %arg0, %c0_i32 : i32, i32
  }
}

module attributes {stable_mosaic.version = 14 : i64} {
  func.func @body(%arg0: i32, %arg1: memref<2x10112x128xf32, #tpu.memory_space<vmem>>, %arg2: memref<20000x128xf32, #tpu.memory_space<vmem>>, %arg3: memref<10000x1xf32, #tpu.memory_space<vmem>>, %arg4: memref<256x256xf32, #tpu.memory_space<vmem>>, %arg5: memref<1x256xf32, #tpu.memory_space<vmem>>, %arg6: memref<256x1xf32, #tpu.memory_space<vmem>>, %arg7: memref<1x1xf32, #tpu.memory_space<vmem>>, %arg8: memref<10000x1xf32, #tpu.memory_space<vmem>>) attributes {dimension_semantics = [#tpu.dimension_semantics<arbitrary>], iteration_bounds = array<i64: 1>, scalar_prefetch = 0 : i64, scratch_operands = 0 : i64, tpu.core_type = #tpu.core_type<tc>, window_params = [{pipeline_mode = #tpu.pipeline_mode<synchronous>, transform_indices = @transform_0, window_bounds = array<i64: 2, 10112, 128>}, {transform_indices = @transform_1, window_bounds = array<i64: 20000, 128>}, {pipeline_mode = #tpu.pipeline_mode<synchronous>, transform_indices = @transform_2, window_bounds = array<i64: 10000, 1>}, {pipeline_mode = #tpu.pipeline_mode<synchronous>, transform_indices = @transform_3, window_bounds = array<i64: 256, 256>}, {pipeline_mode = #tpu.pipeline_mode<synchronous>, transform_indices = @transform_4, window_bounds = array<i64: 1, 256>}, {pipeline_mode = #tpu.pipeline_mode<synchronous>, transform_indices = @transform_5, window_bounds = array<i64: 256, 1>}, {pipeline_mode = #tpu.pipeline_mode<synchronous>, transform_indices = @transform_6, window_bounds = array<i64: 1, 1>}, {pipeline_mode = #tpu.pipeline_mode<synchronous>, transform_indices = @transform_7, window_bounds = array<i64: 10000, 1>}]} {
    %get3A = arith.constant 0 : index
    %get3A_0 = arith.constant 0 : index
    %get3A_1 = vector.load %arg3[%get3A, %get3A_0] : memref<10000x1xf32, #tpu.memory_space<vmem>>, vector<10000x1xf32>
    %get3A_2 = arith.constant 0 : index
    %get3A_3 = arith.constant 0 : index
    %get3A_4 = arith.constant 0 : index
    %get3A_5 = vector.load %arg1[%get3A_2, %get3A_3, %get3A_4] : memref<2x10112x128xf32, #tpu.memory_space<vmem>>, vector<1x10000x128xf32>
    %get3A_6 = vector.shape_cast %get3A_5 : vector<1x10000x128xf32> to vector<10000x128xf32>
    %get3A_7 = arith.constant 0 : index
    %get3A_8 = arith.constant 0 : index
    %get3A_9 = vector.load %arg2[%get3A_7, %get3A_8] : memref<20000x128xf32, #tpu.memory_space<vmem>>, vector<10000x128xf32>
    %add3A = arith.addf %get3A_6, %get3A_9 : vector<10000x128xf32>
    %get3A_10 = arith.constant 1 : index
    %get3A_11 = arith.constant 0 : index
    %get3A_12 = arith.constant 0 : index
    %get3A_13 = vector.load %arg1[%get3A_10, %get3A_11, %get3A_12] : memref<2x10112x128xf32, #tpu.memory_space<vmem>>, vector<1x10000x128xf32>
    %get3A_14 = vector.shape_cast %get3A_13 : vector<1x10000x128xf32> to vector<10000x128xf32>
    %get3A_15 = arith.constant 10000 : index
    %get3A_16 = arith.constant 0 : index
    %get3A_17 = vector.load %arg2[%get3A_15, %get3A_16] : memref<20000x128xf32, #tpu.memory_space<vmem>>, vector<10000x128xf32>
    %add3A_18 = arith.addf %get3A_14, %get3A_17 : vector<10000x128xf32>
    %concatenate3A = tpu.concatenate %add3A, %add3A_18 in 1 : vector<10000x128xf32>, vector<10000x128xf32> -> vector<10000x256xf32>
    %mul3A = vector.broadcast %get3A_1 : vector<10000x1xf32> to vector<10000x256xf32>
    %mul3A_19 = arith.mulf %concatenate3A, %mul3A : vector<10000x256xf32>
    %get3A_20 = arith.constant 0 : index
    %get3A_21 = arith.constant 0 : index
    %get3A_22 = vector.load %arg4[%get3A_20, %get3A_21] : memref<256x256xf32, #tpu.memory_space<vmem>>, vector<256x256xf32>
    %dot_general3A = arith.constant dense<0.000000e+00> : vector<10000x256xf32>
    %dot_general3A_23 = tpu.matmul %mul3A_19, %get3A_22, %dot_general3A {dimension_numbers = #tpu.dot_dimension_numbers<[1], [0], [0], [1], [0, 0, 1, 1], [], []>, transpose_lhs_hint = false} : vector<10000x256xf32>, vector<256x256xf32>, vector<10000x256xf32> -> vector<10000x256xf32>
    %get3A_24 = arith.constant 0 : index
    %get3A_25 = arith.constant 0 : index
    %get3A_26 = vector.load %arg5[%get3A_24, %get3A_25] : memref<1x256xf32, #tpu.memory_space<vmem>>, vector<1x256xf32>
    %add3A_27 = vector.broadcast %get3A_26 : vector<1x256xf32> to vector<10000x256xf32>
    %add3A_28 = arith.addf %dot_general3A_23, %add3A_27 : vector<10000x256xf32>
    %max3A = arith.constant 0.000000e+00 : f32
    %max3A_29 = vector.broadcast %max3A : f32 to vector<10000x256xf32>
    %max3A_30 = arith.maximumf %add3A_28, %max3A_29 : vector<10000x256xf32>
    %get3A_31 = arith.constant 0 : index
    %get3A_32 = arith.constant 0 : index
    %get3A_33 = vector.load %arg6[%get3A_31, %get3A_32] : memref<256x1xf32, #tpu.memory_space<vmem>>, vector<256x1xf32>
    %dot_general3A_34 = arith.constant dense<0.000000e+00> : vector<10000x1xf32>
    %dot_general3A_35 = tpu.matmul %max3A_30, %get3A_33, %dot_general3A_34 {dimension_numbers = #tpu.dot_dimension_numbers<[1], [0], [0], [1], [0, 0, 1, 1], [], []>, transpose_lhs_hint = false} : vector<10000x256xf32>, vector<256x1xf32>, vector<10000x1xf32> -> vector<10000x1xf32>
    %get3A_36 = arith.constant 0 : index
    %get3A_37 = arith.constant 0 : index
    %get3A_38 = vector.load %arg7[%get3A_36, %get3A_37] : memref<1x1xf32, #tpu.memory_space<vmem>>, vector<1x1xf32>
    %add3A_39 = vector.broadcast %get3A_38 : vector<1x1xf32> to vector<10000x1xf32>
    %add3A_40 = arith.addf %dot_general3A_35, %add3A_39 : vector<10000x1xf32>
    %neg3A = arith.constant 0.000000e+00 : f32
    %neg3A_41 = vector.broadcast %neg3A : f32 to vector<10000x1xf32>
    %neg3A_42 = arith.subf %neg3A_41, %add3A_40 : vector<10000x1xf32>
    %exp3A = math.exp %neg3A_42 : vector<10000x1xf32>
    %add3A_43 = arith.constant 1.000000e+00 : f32
    %add3A_44 = vector.broadcast %add3A_43 : f32 to vector<10000x1xf32>
    %add3A_45 = arith.addf %add3A_44, %exp3A : vector<10000x1xf32>
    %div3A = arith.constant 4.000000e+00 : f32
    %div3A_46 = vector.broadcast %div3A : f32 to vector<10000x1xf32>
    %div3A_47 = arith.divf %div3A_46, %add3A_45 : vector<10000x1xf32>
    %swap3A = arith.constant 0 : index
    %swap3A_48 = arith.constant 0 : index
    %swap3A_49 = vector.load %arg8[%swap3A, %swap3A_48] : memref<10000x1xf32, #tpu.memory_space<vmem>>, vector<10000x1xf32>
    tpu.vector_store %arg8[%swap3A, %swap3A_48], %div3A_47 {strides = array<i32>} : memref<10000x1xf32, #tpu.memory_space<vmem>>, vector<10000x1xf32>,
    return
  }
  func.func @transform_0(%arg0: i32) -> (i32, i32, i32) {
    %c0_i32 = arith.constant 0 : i32
    %c0_i32_0 = arith.constant 0 : i32
    %c0_i32_1 = arith.constant 0 : i32
    %c0_i32_2 = arith.constant 0 : i32
    return %c0_i32, %c0_i32_0, %c0_i32_1 : i32, i32, i32
  }
  func.func @transform_1(%arg0: i32) -> (i32, i32) {
    %c0_i32 = arith.constant 0 : i32
    %c0_i32_0 = arith.constant 0 : i32
    %c0_i32_1 = arith.constant 0 : i32
    return %c0_i32, %c0_i32_0 : i32, i32
  }
  func.func @transform_2(%arg0: i32) -> (i32, i32) {
    %c0_i32 = arith.constant 0 : i32
    %c0_i32_0 = arith.constant 0 : i32
    %c0_i32_1 = arith.constant 0 : i32
    return %c0_i32, %c0_i32_0 : i32, i32
  }
  func.func @transform_3(%arg0: i32) -> (i32, i32) {
    %c0_i32 = arith.constant 0 : i32
    %c0_i32_0 = arith.constant 0 : i32
    %c0_i32_1 = arith.constant 0 : i32
    return %c0_i32, %c0_i32_0 : i32, i32
  }
  func.func @transform_4(%arg0: i32) -> (i32, i32) {
    %c0_i32 = arith.constant 0 : i32
    %c0_i32_0 = arith.constant 0 : i32
    %c0_i32_1 = arith.constant 0 : i32
    return %c0_i32, %c0_i32_0 : i32, i32
  }
  func.func @transform_5(%arg0: i32) -> (i32, i32) {
    %c0_i32 = arith.constant 0 : i32
    %c0_i32_0 = arith.constant 0 : i32
    %c0_i32_1 = arith.constant 0 : i32
    return %c0_i32, %c0_i32_0 : i32, i32
  }
  func.func @transform_6(%arg0: i32) -> (i32, i32) {
    %c0_i32 = arith.constant 0 : i32
    %c0_i32_0 = arith.constant 0 : i32
    %c0_i32_1 = arith.constant 0 : i32
    return %c0_i32, %c0_i32_0 : i32, i32
  }
  func.func @transform_7(%arg0: i32) -> (i32, i32) {
    %c0_i32 = arith.constant 0 : i32
    %c0_i32_0 = arith.constant 0 : i32
    %c0_i32_1 = arith.constant 0 : i32
    return %c0_i32, %c0_i32_0 : i32, i32
  }
}

</mosaic_0001>

<sc_bundles>
// kernel: kernel.11.cloned.1.call-start
scs
__scs_entry_jumppad:
0x0: {  	(pc) =	sbr.rel $0x88, $3  }
0x1: {  	(tag) =	ssettag $0x0;
	lr =	simm.s32 $0x1  }
0x2: {  	[smem:$0x3F99] =	sst lr;
	_ =	strace $0xD0000000  }
0x3: {  	_ = 	snop  }
0x4: {  	_ = 	snop  }
0x5: {  	_ = 	snop  }
0x6: {  	_ = 	snop  }
0x7: {  	_ = 	snop  }
__scs_overlays_trampoline_lowered:
0x8: {  	[smem:$0x3FA8] =	sst s0  }
0x9: {  	[smem:$0x3FA9] =	sst s1  }
0xa: {  	[smem:$0x3FAA] =	sst s2  }
0xb: {  	[smem:$0x3FAB] =	sst s3  }
0xc: {  	[smem:$0x3FAC] =	sst s4  }
0xd: {  	[smem:$0x3FAD] =	sst s5  }
0xe: {  	[smem:$0x3FAE] =	sst s6  }
0xf: {  	[smem:$0x3FAF] =	sst s7  }
0x10: {  	[smem:$0x3FB0] =	sst s8  }
0x11: {  	[smem:$0x3FB1] =	sst s9;
	s0 =	simm.s32 @!p0 $0x0  }
0x12: {  	s1 =	sld [smem:$0x3F97];
	s0 =	simm.s32 @p0 $0x1  }
0x13: {  	[smem:$0x3FB2] =	sst s0;
	s0 =	simm.s32 @!p1 $0x0  }
0x14: {  	s2 =	sld [smem:$0x3F96];
	s0 =	simm.s32 @p1 $0x1  }
0x15: {  	[smem:$0x3FB3] =	sst s0;
	s0 =	simm.s32 @!p2 $0x0  }
0x16: {  	s3 =	sld [smem:$0x3FDB];
	s0 =	simm.s32 @p2 $0x1  }
0x17: {  	s4 =	simm.s32 $0x1BF5;
	[smem:$0x3FB5] =	sst s0  }
0x18: {  	s0 =	sld [smem:$0x3F98];
	_ =	swait.ge [sflag:s4], $0x0  }
0x19: {  	s7 =	sld [smem:$0x3F99]  }
0x1a: {  	s8 =	sadd.s32 $0xFFFFE003, lr  }
0x1b: {  	s9 =	sadd.s32 $0xFFFFFEF7, lr;
	s5 =	simm.s32 $0xFFFFFFFF;
	p2 =	slt.u32 s8, $0xFFFFF086  }
0x1c: {  	p1 =	slt.u32 s9, $0xF7A;
	s5 =	simm.s32 @!p2 $0x0  }
0x1d: {  	s5 =	simm.s32 @p1 $0x1;
	p0 =	seq.s32 s7, s2  }
0x1e: {  	s7 =	smul.u32 @!p0 $0xF7A, s2;
	p2 =	seq.s32 @!p0 s5, $0x0  }
0x1f: {  	s9 =	smul.u32 $0xF7A, s1;
	s8 =	simm.s32 @!p0 $0x1BF5;
	p2 =	por !p2, p0  }
0x20: {  	[sflag:s8] =	ssyncset.s32 @!p0 $0xFFFFF086;
	s6 =	sadd.s32 @!p0 s3, s7;
	s7 =	simm.s32 @!p0 $0x108  }
0x21: {  	s3 =	sadd.s32 s3, s9;
	s6 =	sadd.s32 @!p0 $0x88, s6;
	s7 =	simm.s32 @p2 $0x1082  }
0x22: {  	[simem:s7], [sflag:s8] =	dma.local @!p0 [hbm:s6], $0xF7A  }
0x23: {  	s9 =	sor.u32 $0xD0000000, s2;
	s6 =	simm.s32 $0x108;
	_ =	swait.ge @!p0 [sflag:s8], $0x0  }
0x24: {  	s3 =	sadd.s32 $0x88, s3;
	s6 =	simm.s32 @!p1 $0x1082;
	[sflag:s4] =	ssyncset.s32 $0xFFFFF086  }
0x25: {  	[simem:s6], [sflag:s4] =	dma.local [hbm:s3], $0xF7A  }
0x26: {  	[smem:$0x3F99] =	sst s1;
	(tag) =	ssettag s2;
	_ =	strace s9  }
0x27: {  	s1 =	sld [smem:$0x3FA9]  }
0x28: {  	s2 =	sld [smem:$0x3FAA]  }
0x29: {  	s4 =	sld [smem:$0x3FAC]  }
0x2a: {  	p0 =	seq.s32 s5, $0x0;
	s5 =	sld [smem:$0x3FAD]  }
0x2b: {  	s6 =	sld [smem:$0x3FAE]  }
0x2c: {  	s7 =	sld [smem:$0x3FAF]  }
0x2d: {  	s3 =	simm.s32 $0x108;
	s8 =	sld [smem:$0x3FB0]  }
0x2e: {  	s3 =	simm.s32 @!p0 $0x1082;
	s9 =	sld [smem:$0x3FB1]  }
0x2f: {  	lr =	sadd.s32 s0, s3;
	s0 =	sld [smem:$0x3FA8]  }
0x30: {  	s3 =	sld [smem:$0x3FAB]  }
0x31: {  	[smem:$0x3FB4] =	sst s10  }
0x32: {  	s10 =	sld [smem:$0x3FB2];
	_ =	sdelay $0x3  }
0x33: {  	p0 =	seq.s32 s10, $0x1;
	s10 =	sld [smem:$0x3FB4];
	_ =	sdelay $0x3  }
0x34: {  	[smem:$0x3FB4] =	sst s10  }
0x35: {  	s10 =	sld [smem:$0x3FB3];
	_ =	sdelay $0x3  }
0x36: {  	p1 =	seq.s32 s10, $0x1;
	s10 =	sld [smem:$0x3FB4];
	_ =	sdelay $0x3  }
0x37: {  	[smem:$0x3FB4] =	sst s10  }
0x38: {  	s10 =	sld [smem:$0x3FB5]  }
0x39: {  	_ = 	snop;
	(pc) =	sbr.ind lr, $3  }
0x3a: {  	_ = 	snop  }
0x3b: {  	_ = 	snop  }
0x3c: {  	p2 =	seq.s32 s10, $0x1;
	s10 =	sld [smem:$0x3FB4]  }
0x3d: {  	_ =	shalt  }
0x3e: {  	_ =	shalt  }
0x3f: {  	_ =	shalt  }
0x40: {  	_ =	shalt  }
0x41: {  	_ =	shalt  }
0x42: {  	_ =	shalt  }
0x43: {  	_ =	shalt  }
0x44: {  	_ =	shalt  }
0x45: {  	_ =	shalt  }
0x46: {  	_ =	shalt  }
0x47: {  	_ =	shalt  }
0x48: {  	_ =	shalt  }
0x49: {  	_ =	shalt  }
0x4a: {  	_ =	shalt  }
0x4b: {  	_ =	shalt  }
0x4c: {  	_ =	shalt  }
0x4d: {  	_ =	shalt  }
0x4e: {  	_ =	shalt  }
0x4f: {  	_ =	shalt  }
0x50: {  	_ =	shalt  }
0x51: {  	_ =	shalt  }
0x52: {  	_ =	shalt  }
0x53: {  	_ =	shalt  }
0x54: {  	_ =	shalt  }
0x55: {  	_ =	shalt  }
0x56: {  	_ =	shalt  }
0x57: {  	_ =	shalt  }
0x58: {  	_ =	shalt  }
0x59: {  	_ =	shalt  }
0x5a: {  	_ =	shalt  }
0x5b: {  	_ =	shalt  }
0x5c: {  	_ =	shalt  }
0x5d: {  	_ =	shalt  }
0x5e: {  	_ =	shalt  }
0x5f: {  	_ =	shalt  }
0x60: {  	_ =	shalt  }
0x61: {  	_ =	shalt  }
0x62: {  	_ =	shalt  }
0x63: {  	_ =	shalt  }
0x64: {  	_ =	shalt  }
0x65: {  	_ =	shalt  }
0x66: {  	_ =	shalt  }
0x67: {  	_ =	shalt  }
0x68: {  	_ =	shalt  }
0x69: {  	_ =	shalt  }
0x6a: {  	_ =	shalt  }
0x6b: {  	_ =	shalt  }
0x6c: {  	_ =	shalt  }
0x6d: {  	_ =	shalt  }
0x6e: {  	_ =	shalt  }
0x6f: {  	_ =	shalt  }
0x70: {  	_ =	shalt  }
0x71: {  	_ =	shalt  }
0x72: {  	_ =	shalt  }
0x73: {  	_ =	shalt  }
0x74: {  	_ =	shalt  }
0x75: {  	_ =	shalt  }
0x76: {  	_ =	shalt  }
0x77: {  	_ =	shalt  }
0x78: {  	_ =	shalt  }
0x79: {  	_ =	shalt  }
0x7a: {  	_ =	shalt  }
0x7b: {  	_ =	shalt  }
0x7c: {  	_ =	shalt  }
0x7d: {  	_ =	shalt  }
0x7e: {  	_ =	shalt  }
0x7f: {  	_ =	shalt  }
0x80: {  	_ =	shalt  }
0x81: {  	_ =	shalt  }
0x82: {  	_ =	shalt  }
0x83: {  	_ =	shalt  }
0x84: {  	_ =	shalt  }
0x85: {  	_ =	shalt  }
0x86: {  	_ =	shalt  }
0x87: {  	_ =	shalt  }
.Lfunc_end0:
.L_simem_size_0:
called_computation.1_lowered:
.L_overlay_start_0:
0x88: {  	s2 =	sld [smem:$0x3FD9]  }
0x89: {  	s3 =	sld [smem:$0x3FFE];
	_ =	sdelay $0x1  }
0x8a: {  	s1 =	srdreg.scid  }
0x8b: {  	s0 =	sand.u32 $0x1, s1  }
0x8c: {  	s16 =	sshll.u32 s0, $0xA;
	s2 =	sadd.s32 s3, s2  }
0x8d: {  	s2 =	sadd.s32 s2, s16  }
0x8e: {  	[smem:$0x3FC0] =	sst s2  }
0x8f: {  	_ = 	snop  }
0x90: {  	(tm) =	ssettm $0x1  }
0x91: {  	s17 =	sld [smem:$0x3FFB];
	_ =	sdelay $0x3  }
0x92: {  	_ =	strace s17  }
0x93: {  	s2 =	sld [smem:$0x3FFC];
	_ =	sdelay $0x3  }
0x94: {  	_ =	strace s2  }
0x95: {  	s2 =	sld [smem:$0x3FFD];
	_ =	sdelay $0x3  }
0x96: {  	_ =	strace s2  }
0x97: {  	_ =	strace $0x8FFFFFFF  }
0x98: {  	s18 =	sld [smem:$0x3FDB];
	_ =	sdelay $0x1  }
0x99: {  	s19 =	simm.s32 $_scs_section_size  }
0x9a: {  	s4 =	simm.s32 $_size__tile_overlayer_lowered;
	s5 =	simm.s32 $_tile_overlayer_lowered  }
0x9b: {  	s22 =	simm.s32 $0x1BFF;
	s21 =	sshll.u32 s5, $0x1;
	s2 =	sadd.s32 s19, s18  }
0x9c: {  	s6 =	simm.s32 $0x0;
	s20 =	sshll.u32 s4, $0x1;
	s4 =	sadd.s32 s21, s2  }
0x9d: {  	[timem:s6], [sflag:s22] =	dma.local [hbm:s4], s20  }
0x9e: {  	_ =	swait.ge [sflag:s22], s20  }
0x9f: {  	s3 =	ssub.s32 $0x0, s20;
	[sflag:s22] =	ssyncset.done $0x0  }
0xa0: {  	[sflag:s22] =	ssyncadd.s32 s3;
	_ =	sdelay $0x1  }
0xa1: {  	s23 =	simm.s32 $0x1B8B  }
0xa2: {  	_ =	swait.ge [sflag:s23], $0x1  }
0xa3: {  	[sflag:s23] =	ssyncset.done $0x0  }
0xa4: {  	s25 =	simm.s32 $0x1B8E;
	s24 =	sld [smem:$0x3FFE];
	[sflag:s23] =	ssyncadd.s32 $0xFFFFFFFF  }
0xa5: {  	s26 =	simm.s32 $execute0_lowered;
	[smem:$0x3FD2] =	sst s25  }
0xa6: {  	s4 =	sshll.u32 s26, $0x1;
	_ =	strace $0x80000049;
	[dreg:$0x1] =	wrdreg $0xFFFFFFFF  }
0xa7: {  	s28 =	simm.s32 $_size_execute0_lowered;
	s2 =	sadd.s32 s2, s4;
	[dreg:$0x0] =	wrdreg $0x0  }
0xa8: {  	s4 =	sshll.u32 s28, $0x1;
	[dreg:$0x2] =	wrdreg s2  }
0xa9: {  	[dreg:$0x3] =	wrdreg s4  }
0xaa: {  	[dreg:$0x4] =	wrdreg $0xC0  }
0xab: {  	_ =	task [dreg:s6], $0x5FFFF  }
0xac: {  	[dreg:$0x1] =	wrdreg $0xFFFFFFFF  }
0xad: {  	[dreg:$0x0] =	wrdreg $0x60  }
0xae: {  	[dreg:$0x2] =	wrdreg s24  }
0xaf: {  	[dreg:$0x3] =	wrdreg $0x90000  }
0xb0: {  	[dreg:$0x4] =	wrdreg $0x9  }
0xb1: {  	_ =	task.clear_ibuf [dreg:s6], $0x5FFFF;
	_ =	strace $0x90000049  }
0xb2: {  	s29 =	simm.s32 $0x9;
	_ =	strace $0x8000004B  }
0xb3: {  	_ =	swait.ge [sflag:s29], $0x1  }
0xb4: {  	[sflag:s29] =	ssyncadd.s32 $0xFFFFFFFF  }
0xb5: {  	_ =	strace $0x9000004B  }
0xb6: {  	_ =	sfence  }
0xb7: {  	s30 =	sld [smem:$0x0];
	_ =	sdelay $0x2  }
0xb8: {  	s31 =	sshll.u32 s1, $0xD;
	s1 =	sshrl.u32 s1, $0x2  }
0xb9: {  	s3 =	sand.u32 $0x4000, s31;
	s1 =	sadd.s32 s1, s30  }
0xba: {  	s0 =	sor.u32 s3, s0;
	s1 =	sshll.u32 s1, $0x11  }
0xbb: {  	s0 =	sor.u32 s1, s0  }
0xbc: {  	s0 =	sadd.s32 $0x8F2B, s0  }
0xbd: {  	[sflag:s0] =	ssyncadd.remote.s32 $0x1  }
0xbe: {  	_ =	sfence.sel $0xFFFF  }
0xbf: {  	[dreg:$0x0] =	wrdreg $0xFFFFFFFF;
	(pc) =	sbr.abs _section_cstart, $3  }
0xc0: {  	[dreg:$0x1] =	wrdreg $0xFFFFFFFF  }
0xc1: {  	_ =	task.clear_ibuf [dreg:s6], $0x2FFFF;
	_ =	strace $0x9FFFFFFF  }
0xc2: {  	(tm) =	ssettm $0x7FFFFFFF  }
0xc3: {  	_ =	shalt  }
tec
execute0_lowered:
.L_overlay_start_1:
0x0: {  	(tag) =	ssettag $0x1  }
0x1: {  	s0 =	rddreg [dreg:$0x0]  }
0x2: {  	s1 =	rddreg [dreg:$0x1];
	s13 =	simm.s32 $0x0;
	s2 =	srdreg.scid  }
0x3: {  	s12 =	stileid.u32;
	s14 =	simm.s32 $0x20;
	s15 =	simm.s32 $0x1000  }
0x4: {  	s16 =	simm.s32 $0x2000;
	s17 =	simm.s32 $0x40;
	s18 =	simm.s32 $0x3000  }
0x5: {  	s19 =	simm.s32 $0x60;
	s20 =	simm.s32 $0x4000;
	s21 =	simm.s32 $0x80  }
0x6: {  	s28 =	simm.s32 $0x7000;
	s29 =	simm.s32 $0xE0;
	s30 =	simm.s32 $0x8000  }
0x7: {  	s31 =	simm.s32 $0x1;
	[smem:$0x7FF] =	sst s13;
	s2 =	sand.u32 $0x1, s2  }
0x8: {  	s3 =	smul.u32 $0x50, s12;
	s4 =	sadd.s32 $0x68200, s0;
	s5 =	sadd.s32 $0xC200, s0  }
0x9: {  	s6 =	sadd.s32 $0x72200, s0;
	s10 =	smul.u32 $0x4F000, s12;
	s11 =	sadd.s32 $0x16200, s0  }
0xa: {  	s25 =	sshll.u32 s12, $0x6;
	s26 =	smul.u32 $0x2780, s12;
	s12 =	simm.s32 $0x5  }
0xb: {  	_ =	strace $0x8000004A;
	s7 =	smul.u32 $0x27800, s2;
	s8 =	sxor.u32 $0x1, s2  }
0xc: {  	s9 =	ssub.s32 $0x2, s2;
	[dreg:$0x4] =	wrdreg s11;
	s8 =	smul.u32 s3, s8  }
0xd: {  	s3 =	sadd.s32 $0x500, s3;
	s22 =	sshrl.u32 s9, $0x1;
	s24 =	sshrl.u32 s10, $0x2  }
0xe: {  	s10 =	simm.s32 $0xF00;
	s2 =	smul.u32 s2, s3;
	s0 =	sadd.s32 s7, s0  }
0xf: {  	s23 =	ssub.s32 s9, s22;
	s7 =	sadd.s32 s24, s1;
	s22 =	simm.s32 $0x5000  }
0x10: {  	s24 =	simm.s32 $0xF80;
	s0 =	sadd.s32 $0x18A00, s0;
	s3 =	smax.u32 s23, $0x1  }
0x11: {  	s11 =	sshrl.u32 s7, $0x3;
	s23 =	simm.s32 $0xA0;
	s7 =	simm.s32 $0x4  }
0x12: {  	s2 =	sadd.s32 s8, s2;
	s8 =	sor.u32 $0x1C05, s25;
	[dreg:$0x6] =	wrdreg s3  }
0x13: {  	s0 =	sadd.s32 s26, s0;
	s25 =	simm.s32 $0x6000;
	[dreg:$0x7] =	wrdreg s11  }
0x14: {  	s26 =	simm.s32 $0xC0;
	s9 =	sshll.u32 s2, $0x4;
	[dreg:$0x8] =	wrdreg s0  }
0x15: {  	s0 =	simm.s32 $0x3;
	s2 =	simm.s32 $0x2;
	[dreg:$0x5] =	wrdreg s8  }
.LBB2_1:
0x16: {  	[dreg:$0x3] =	wrdreg s13  }
0x17: {  	s3 =	rddreg [dreg:$0x4]  }
0x18: {  	[spmem:s11], [sflag:s8] =	dma.local [hbm:s3], $0x2780  }
0x19: {  	_ =	swait.ge [sflag:s12], $0x2780  }
0x1a: {  	[sflag:s12] =	ssyncset.done $0x0  }
0x1b: {  	[sflag:s12] =	ssyncadd.s32 $0xFFFFD880  }
0x1c: {  	s8 =	simm.s32 $0x0;
	[bflag:$0x0] =	sbarrier.arrive $0xFFFF  }
.LBB2_2:
0x1d: {  	s3 =	sshll.u32 s8, $0x8  }
0x1e: {  	s3 =	sadd.s32 s9, s3  }
0x1f: {  	s13 =	simm.s32 $0x0;
	s11 =	sadd.s32 s4, s3  }
0x20: {  	[tilespmem:s13], [sflag:$0x5] =	stream.linear.gather [hbm4b:s11+s13], $0x800, $0x38;
	[tilespmem:$0x1CC00] =	vst v63  }
0x21: {  	_ =	swait.ge [sflag:s12], $0x800  }
0x22: {  	[sflag:s12] =	ssyncset.done $0x0  }
0x23: {  	s3 =	sadd.s32 s5, s3;
	s11 =	simm.s32 $0x800;
	[sflag:s12] =	ssyncadd.s32 $0xFFFFF800  }
0x24: {  	[tilespmem:s11], [sflag:$0x5] =	stream.linear.gather [hbm4b:s3+s13], $0x800, $0x38;
	[tilespmem:$0x1CC00] =	vst v63  }
0x25: {  	_ =	swait.ge [sflag:s12], $0x800  }
0x26: {  	[sflag:s12] =	ssyncset.done $0x0  }
0x27: {  	[sflag:s12] =	ssyncadd.s32 $0xFFFFF800  }
0x28: {  	[tilespmem:s15], [sflag:$0x1] =	stream.indirect.gather [hbm4b:s6+s14], $0x80, s13, s14, $0xb8;
	[tilespmem:$0x1CC00] =	vst v63  }
0x29: {  	_ = 	snop  }
0x2a: {  	[tilespmem:s16], [sflag:$0x1] =	stream.indirect.gather [hbm4b:s6+s14], $0x80, s14, s14, $0xb8;
	[tilespmem:$0x1CC00] =	vst v63  }
0x2b: {  	_ = 	snop  }
0x2c: {  	[tilespmem:s18], [sflag:$0x1] =	stream.indirect.gather [hbm4b:s6+s14], $0x80, s17, s14, $0xb8;
	[tilespmem:$0x1CC00] =	vst v63  }
0x2d: {  	_ = 	snop  }
0x2e: {  	[tilespmem:s20], [sflag:$0x1] =	stream.indirect.gather [hbm4b:s6+s14], $0x80, s19, s14, $0xb8;
	[tilespmem:$0x1CC00] =	vst v63  }
0x2f: {  	_ = 	snop  }
0x30: {  	[tilespmem:s22], [sflag:$0x2] =	stream.indirect.gather [hbm4b:s6+s14], $0x80, s21, s14, $0xb8;
	[tilespmem:$0x1CC00] =	vst v63  }
0x31: {  	_ = 	snop  }
0x32: {  	[tilespmem:s25], [sflag:$0x2] =	stream.indirect.gather [hbm4b:s6+s14], $0x80, s23, s14, $0xb8;
	[tilespmem:$0x1CC00] =	vst v63  }
0x33: {  	_ = 	snop  }
0x34: {  	[tilespmem:s28], [sflag:$0x2] =	stream.indirect.gather [hbm4b:s6+s14], $0x80, s26, s14, $0xb8;
	[tilespmem:$0x1CC00] =	vst v63  }
0x35: {  	_ = 	snop  }
0x36: {  	[tilespmem:s30], [sflag:$0x2] =	stream.indirect.gather [hbm4b:s6+s14], $0x80, s29, s14, $0xb8;
	[tilespmem:$0x1CC00] =	vst v63  }
0x37: {  	_ =	swait.ge [sflag:s31], $0x1000  }
0x38: {  	[sflag:s31] =	ssyncset.done $0x0  }
0x39: {  	[sflag:s31] =	ssyncadd.s32 $0xFFFFF000  }
0x3a: {  	_ =	swait.ge [sflag:s31], $0x1000  }
0x3b: {  	[sflag:s31] =	ssyncset.done $0x0  }
0x3c: {  	[sflag:s31] =	ssyncadd.s32 $0xFFFFF000  }
0x3d: {  	_ =	swait.ge [sflag:s31], $0x1000  }
0x3e: {  	[sflag:s31] =	ssyncset.done $0x0  }
0x3f: {  	[sflag:s31] =	ssyncadd.s32 $0xFFFFF000  }
0x40: {  	_ =	swait.ge [sflag:s31], $0x1000  }
0x41: {  	[sflag:s31] =	ssyncset.done $0x0  }
0x42: {  	s13 =	simm.s32 $0x800;
	[sflag:s31] =	ssyncadd.s32 $0xFFFFF000  }
0x43: {  	[spmem:s1] =	stream.indirect.scatter.add.f32 [tilespmem:s15], [sflag:$0x3], $0x80, s13, s21, $0xb8;
	[tilespmem:$0x1CC00] =	vst v63  }
0x44: {  	_ =	swait.ge [sflag:s0], $0x4000  }
0x45: {  	[sflag:s0] =	ssyncset.done $0x0  }
0x46: {  	s11 =	simm.s32 $0x100;
	[sflag:s0] =	ssyncadd.s32 $0xFFFFC000  }
0x47: {  	[tilespmem:s15], [sflag:$0x1] =	stream.indirect.gather [hbm4b:s6+s14], $0x80, s11, s14, $0xb8;
	[tilespmem:$0x1CC00] =	vst v63  }
0x48: {  	s13 =	simm.s32 $0x120  }
0x49: {  	[tilespmem:s16], [sflag:$0x1] =	stream.indirect.gather [hbm4b:s6+s14], $0x80, s13, s14, $0xb8;
	[tilespmem:$0x1CC00] =	vst v63  }
0x4a: {  	s11 =	simm.s32 $0x140  }
0x4b: {  	[tilespmem:s18], [sflag:$0x1] =	stream.indirect.gather [hbm4b:s6+s14], $0x80, s11, s14, $0xb8;
	[tilespmem:$0x1CC00] =	vst v63  }
0x4c: {  	s13 =	simm.s32 $0x160  }
0x4d: {  	[tilespmem:s20], [sflag:$0x1] =	stream.indirect.gather [hbm4b:s6+s14], $0x80, s13, s14, $0xb8;
	[tilespmem:$0x1CC00] =	vst v63  }
0x4e: {  	_ =	swait.ge [sflag:s2], $0x1000  }
0x4f: {  	[sflag:s2] =	ssyncset.done $0x0  }
0x50: {  	[sflag:s2] =	ssyncadd.s32 $0xFFFFF000  }
0x51: {  	_ =	swait.ge [sflag:s2], $0x1000  }
0x52: {  	[sflag:s2] =	ssyncset.done $0x0  }
0x53: {  	[sflag:s2] =	ssyncadd.s32 $0xFFFFF000  }
0x54: {  	_ =	swait.ge [sflag:s2], $0x1000  }
0x55: {  	[sflag:s2] =	ssyncset.done $0x0  }
0x56: {  	[sflag:s2] =	ssyncadd.s32 $0xFFFFF000  }
0x57: {  	_ =	swait.ge [sflag:s2], $0x1000  }
0x58: {  	[sflag:s2] =	ssyncset.done $0x0  }
0x59: {  	s11 =	simm.s32 $0x880;
	[sflag:s2] =	ssyncadd.s32 $0xFFFFF000  }
0x5a: {  	[spmem:s1] =	stream.indirect.scatter.add.f32 [tilespmem:s22], [sflag:$0x4], $0x80, s11, s21, $0xb8;
	[tilespmem:$0x1CC00] =	vst v63  }
0x5b: {  	_ =	swait.ge [sflag:s7], $0x4000  }
0x5c: {  	[sflag:s7] =	ssyncset.done $0x0  }
0x5d: {  	s13 =	simm.s32 $0x180;
	[sflag:s7] =	ssyncadd.s32 $0xFFFFC000  }
0x5e: {  	[tilespmem:s22], [sflag:$0x2] =	stream.indirect.gather [hbm4b:s6+s14], $0x80, s13, s14, $0xb8;
	[tilespmem:$0x1CC00] =	vst v63  }
0x5f: {  	s11 =	simm.s32 $0x1A0  }
0x60: {  	[tilespmem:s25], [sflag:$0x2] =	stream.indirect.gather [hbm4b:s6+s14], $0x80, s11, s14, $0xb8;
	[tilespmem:$0x1CC00] =	vst v63  }
0x61: {  	s3 =	simm.s32 $0x1E0;
	s13 =	simm.s32 $0x1C0;
	s11 =	simm.s32 $0x400  }
0x62: {  	[tilespmem:s28], [sflag:$0x2] =	stream.indirect.gather [hbm4b:s6+s14], $0x80, s13, s14, $0xb8;
	[tilespmem:$0x1CC00] =	vst v63  }
.LBB2_3:
0x63: {  	[tilespmem:s30], [sflag:$0x2] =	stream.indirect.gather [hbm4b:s6+s14], $0x80, s3, s14, $0xb8;
	[tilespmem:$0x1CC00] =	vst v63  }
0x64: {  	s3 =	smov.u32 s11  }
0x65: {  	p0 =	sne.s32 s11, $0x1800;
	s11 =	sadd.s32 $0x400, s11;
	_ =	swait.ge [sflag:s31], $0x1000  }
0x66: {  	[sflag:s31] =	ssyncset.done $0x0  }
0x67: {  	[sflag:s31] =	ssyncadd.s32 $0xFFFFF000  }
0x68: {  	_ =	swait.ge [sflag:s31], $0x1000  }
0x69: {  	[sflag:s31] =	ssyncset.done $0x0  }
0x6a: {  	[sflag:s31] =	ssyncadd.s32 $0xFFFFF000  }
0x6b: {  	_ =	swait.ge [sflag:s31], $0x1000  }
0x6c: {  	[sflag:s31] =	ssyncset.done $0x0  }
0x6d: {  	[sflag:s31] =	ssyncadd.s32 $0xFFFFF000  }
0x6e: {  	_ =	swait.ge [sflag:s31], $0x1000  }
0x6f: {  	s3 =	sshra.s32 s3, $0x2;
	[sflag:s31] =	ssyncset.done $0x0  }
0x70: {  	s13 =	sadd.s32 $0x800, s3;
	[sflag:s31] =	ssyncadd.s32 $0xFFFFF000  }
0x71: {  	[spmem:s1] =	stream.indirect.scatter.add.f32 [tilespmem:s15], [sflag:$0x3], $0x80, s13, s21, $0xb8;
	[tilespmem:$0x1CC00] =	vst v63  }
0x72: {  	_ =	swait.ge [sflag:s0], $0x4000  }
0x73: {  	[sflag:s0] =	ssyncset.done $0x0  }
0x74: {  	s13 =	sadd.s32 $0x100, s3;
	[sflag:s0] =	ssyncadd.s32 $0xFFFFC000  }
0x75: {  	[tilespmem:s15], [sflag:$0x1] =	stream.indirect.gather [hbm4b:s6+s14], $0x80, s13, s14, $0xb8;
	[tilespmem:$0x1CC00] =	vst v63  }
0x76: {  	s13 =	sadd.s32 $0x120, s3  }
0x77: {  	[tilespmem:s16], [sflag:$0x1] =	stream.indirect.gather [hbm4b:s6+s14], $0x80, s13, s14, $0xb8;
	[tilespmem:$0x1CC00] =	vst v63  }
0x78: {  	s13 =	sadd.s32 $0x140, s3  }
0x79: {  	[tilespmem:s18], [sflag:$0x1] =	stream.indirect.gather [hbm4b:s6+s14], $0x80, s13, s14, $0xb8;
	[tilespmem:$0x1CC00] =	vst v63  }
0x7a: {  	s13 =	sadd.s32 $0x160, s3  }
0x7b: {  	[tilespmem:s20], [sflag:$0x1] =	stream.indirect.gather [hbm4b:s6+s14], $0x80, s13, s14, $0xb8;
	[tilespmem:$0x1CC00] =	vst v63  }
0x7c: {  	_ =	swait.ge [sflag:s2], $0x1000  }
0x7d: {  	[sflag:s2] =	ssyncset.done $0x0  }
0x7e: {  	[sflag:s2] =	ssyncadd.s32 $0xFFFFF000  }
0x7f: {  	_ =	swait.ge [sflag:s2], $0x1000  }
0x80: {  	[sflag:s2] =	ssyncset.done $0x0  }
0x81: {  	[sflag:s2] =	ssyncadd.s32 $0xFFFFF000  }
0x82: {  	_ =	swait.ge [sflag:s2], $0x1000  }
0x83: {  	[sflag:s2] =	ssyncset.done $0x0  }
0x84: {  	[sflag:s2] =	ssyncadd.s32 $0xFFFFF000  }
0x85: {  	_ =	swait.ge [sflag:s2], $0x1000  }
0x86: {  	[sflag:s2] =	ssyncset.done $0x0  }
0x87: {  	s13 =	sadd.s32 $0x880, s3;
	[sflag:s2] =	ssyncadd.s32 $0xFFFFF000  }
0x88: {  	[spmem:s1] =	stream.indirect.scatter.add.f32 [tilespmem:s22], [sflag:$0x4], $0x80, s13, s21, $0xb8;
	[tilespmem:$0x1CC00] =	vst v63  }
0x89: {  	_ =	swait.ge [sflag:s7], $0x4000  }
0x8a: {  	[sflag:s7] =	ssyncset.done $0x0  }
0x8b: {  	s13 =	sadd.s32 $0x180, s3;
	[sflag:s7] =	ssyncadd.s32 $0xFFFFC000  }
0x8c: {  	[tilespmem:s22], [sflag:$0x2] =	stream.indirect.gather [hbm4b:s6+s14], $0x80, s13, s14, $0xb8;
	[tilespmem:$0x1CC00] =	vst v63  }
.Ltmp0:
0x8d: {  	s13 =	sadd.s32 $0x1A0, s3;
	(pc) =	sbr.rel @p0 .LBB2_3-.Ltmp0, $4  }
0x8e: {  	[tilespmem:s25], [sflag:$0x2] =	stream.indirect.gather [hbm4b:s6+s14], $0x80, s13, s14, $0xb8;
	[tilespmem:$0x1CC00] =	vst v63  }
0x8f: {  	s13 =	sadd.s32 $0x1C0, s3  }
0x90: {  	[tilespmem:s28], [sflag:$0x2] =	stream.indirect.gather [hbm4b:s6+s14], $0x80, s13, s14, $0xb8;
	[tilespmem:$0x1CC00] =	vst v63  }
0x91: {  	s3 =	sadd.s32 $0x1E0, s3  }
0x92: {  	[tilespmem:s30], [sflag:$0x2] =	stream.indirect.gather [hbm4b:s6+s14], $0x80, s3, s14, $0xb8;
	[tilespmem:$0x1CC00] =	vst v63  }
0x93: {  	_ =	swait.ge [sflag:s31], $0x1000  }
0x94: {  	[sflag:s31] =	ssyncset.done $0x0  }
0x95: {  	[sflag:s31] =	ssyncadd.s32 $0xFFFFF000  }
0x96: {  	_ =	swait.ge [sflag:s31], $0x1000  }
0x97: {  	[sflag:s31] =	ssyncset.done $0x0  }
0x98: {  	[sflag:s31] =	ssyncadd.s32 $0xFFFFF000  }
0x99: {  	_ =	swait.ge [sflag:s31], $0x1000  }
0x9a: {  	[sflag:s31] =	ssyncset.done $0x0  }
0x9b: {  	[sflag:s31] =	ssyncadd.s32 $0xFFFFF000  }
0x9c: {  	_ =	swait.ge [sflag:s31], $0x1000  }
0x9d: {  	[sflag:s31] =	ssyncset.done $0x0  }
0x9e: {  	[sflag:s31] =	ssyncadd.s32 $0xFFFFF000  }
0x9f: {  	[spmem:s1] =	stream.indirect.scatter.add.f32 [tilespmem:s15], [sflag:$0x5], $0x80, s10, s21, $0xb8;
	[tilespmem:$0x1CC00] =	vst v63  }
0xa0: {  	_ =	swait.ge [sflag:s12], $0x4000  }
0xa1: {  	[sflag:s12] =	ssyncset.done $0x0  }
0xa2: {  	[sflag:s12] =	ssyncadd.s32 $0xFFFFC000  }
0xa3: {  	_ =	swait.ge [sflag:s2], $0x1000  }
0xa4: {  	[sflag:s2] =	ssyncset.done $0x0  }
0xa5: {  	[sflag:s2] =	ssyncadd.s32 $0xFFFFF000  }
0xa6: {  	_ =	swait.ge [sflag:s2], $0x1000  }
0xa7: {  	[sflag:s2] =	ssyncset.done $0x0  }
0xa8: {  	[sflag:s2] =	ssyncadd.s32 $0xFFFFF000  }
0xa9: {  	_ =	swait.ge [sflag:s2], $0x1000  }
0xaa: {  	[sflag:s2] =	ssyncset.done $0x0  }
0xab: {  	[sflag:s2] =	ssyncadd.s32 $0xFFFFF000  }
0xac: {  	s8 =	sadd.s32 $0x1, s8;
	_ =	swait.ge [sflag:s2], $0x1000  }
0xad: {  	p0 =	sne.s32 s8, $0x5;
	[sflag:s2] =	ssyncset.done $0x0  }
.Ltmp1:
0xae: {  	[sflag:s2] =	ssyncadd.s32 $0xFFFFF000;
	(pc) =	sbr.rel @p0 .LBB2_2-.Ltmp1, $4  }
0xaf: {  	[spmem:s1] =	stream.indirect.scatter.add.f32 [tilespmem:s22], [sflag:$0x5], $0x80, s24, s21, $0xb8;
	[tilespmem:$0x1CC00] =	vst v63  }
0xb0: {  	_ =	swait.ge [sflag:s12], $0x4000  }
0xb1: {  	[sflag:s12] =	ssyncset.done $0x0  }
0xb2: {  	[sflag:s12] =	ssyncadd.s32 $0xFFFFC000  }
0xb3: {  	[bflag:$0x0] =	sbarrier.arrive $0xFFFF  }
0xb4: {  	s8 =	rddreg [dreg:$0x5]  }
0xb5: {  	s11 =	rddreg [dreg:$0x7]  }
0xb6: {  	s3 =	rddreg [dreg:$0x8]  }
0xb7: {  	[hbm:s3], [sflag:s8] =	dma.local [spmem:s11], $0x2780  }
0xb8: {  	_ =	swait.ge [sflag:s12], $0x2780  }
0xb9: {  	s13 =	rddreg [dreg:$0x3]  }
0xba: {  	s3 =	rddreg [dreg:$0x6];
	s13 =	sadd.s32 $0x1, s13  }
0xbb: {  	p0 =	sne.s32 s13, s3  }
.Ltmp2:
0xbc: {  	_ = 	snop;
	(pc) =	sbr.rel @p0 .LBB2_1-.Ltmp2, $3  }
0xbd: {  	_ =	sdelay $0x1  }
0xbe: {  	[sflag:s12] =	ssyncset.done $0x0  }
0xbf: {  	[sflag:s12] =	ssyncadd.s32 $0xFFFFD880  }
0xc0: {  	_ =	sfence.sel $0x180000  }
0xc1: {  	[bflag:$0x0] =	sbarrier.arrive $0xFFFF  }
0xc2: {  	_ =	strace $0x9000004A  }
0xc3: {  	s0 =	stileid.u32;
	[bflag:$0x2] =	sbarrier.arrive $0xFFFF  }
0xc4: {  	p0 =	sne.s32 s0, $0x0;
	s0 =	rddreg [dreg:$0x2]  }
0xc5: {  	s0 =	sadd.s32 @!p0 $0x100000, s0  }
0xc6: {  	[sflag:s0] =	ssyncadd.tile.s32 @!p0 $0x1;
	_ =	shalt  }
.Lfunc_end2:
_tile_overlayer_lowered:
.L_overlay_start_2:
0xc7: {  	(tag) =	ssettag $0x2  }
0xc8: {  	s0 =	rddreg [dreg:$0x0];
	s2 =	stileid.u32  }
0xc9: {  	s1 =	rddreg [dreg:$0x1];
	p0 =	sne.s32 s2, $0x0  }
0xca: {  	s3 =	rddreg [dreg:$0x2];
	[bflag:$0x3] =	sbarrier.arrive $0xFFFF;
	s2 =	simm.s32 @!p0 $0x1C05  }
0xcb: {  	[timem:s3], [sflag:s2] =	dma.local @!p0 [hbm:s0], s1  }
0xcc: {  	s0 =	simm.s32 @!p0 $0x5  }
0xcd: {  	_ =	swait.ge @!p0 [sflag:s0], s1  }
0xce: {  	s1 =	ssub.s32 @!p0 $0x0, s1;
	[sflag:s0] =	ssyncset.done @!p0 $0x0  }
0xcf: {  	[sflag:s0] =	ssyncadd.s32 @!p0 s1  }
0xd0: {  	[bflag:$0x3] =	sbarrier.arrive $0xFFFF  }
0xd1: {  	_ =	shalt  }

// kernel: kernel.14.cloned.1.call-start
scs
__scs_entry_jumppad:
0x0: {  	(pc) =	sbr.rel $0x88, $3  }
0x1: {  	(tag) =	ssettag $0x0;
	lr =	simm.s32 $0x1  }
0x2: {  	[smem:$0x3F99] =	sst lr;
	_ =	strace $0xD0000000  }
0x3: {  	_ = 	snop  }
0x4: {  	_ = 	snop  }
0x5: {  	_ = 	snop  }
0x6: {  	_ = 	snop  }
0x7: {  	_ = 	snop  }
__scs_overlays_trampoline_lowered:
0x8: {  	[smem:$0x3FA8] =	sst s0  }
0x9: {  	[smem:$0x3FA9] =	sst s1  }
0xa: {  	[smem:$0x3FAA] =	sst s2  }
0xb: {  	[smem:$0x3FAB] =	sst s3  }
0xc: {  	[smem:$0x3FAC] =	sst s4  }
0xd: {  	[smem:$0x3FAD] =	sst s5  }
0xe: {  	[smem:$0x3FAE] =	sst s6  }
0xf: {  	[smem:$0x3FAF] =	sst s7  }
0x10: {  	[smem:$0x3FB0] =	sst s8  }
0x11: {  	[smem:$0x3FB1] =	sst s9;
	s0 =	simm.s32 @!p0 $0x0  }
0x12: {  	s1 =	sld [smem:$0x3F97];
	s0 =	simm.s32 @p0 $0x1  }
0x13: {  	[smem:$0x3FB2] =	sst s0;
	s0 =	simm.s32 @!p1 $0x0  }
0x14: {  	s2 =	sld [smem:$0x3F96];
	s0 =	simm.s32 @p1 $0x1  }
0x15: {  	[smem:$0x3FB3] =	sst s0;
	s0 =	simm.s32 @!p2 $0x0  }
0x16: {  	s3 =	sld [smem:$0x3FDB];
	s0 =	simm.s32 @p2 $0x1  }
0x17: {  	s4 =	simm.s32 $0x1BF5;
	[smem:$0x3FB5] =	sst s0  }
0x18: {  	s0 =	sld [smem:$0x3F98];
	_ =	swait.ge [sflag:s4], $0x0  }
0x19: {  	s7 =	sld [smem:$0x3F99]  }
0x1a: {  	s8 =	sadd.s32 $0xFFFFE003, lr  }
0x1b: {  	s9 =	sadd.s32 $0xFFFFFEF7, lr;
	s5 =	simm.s32 $0xFFFFFFFF;
	p2 =	slt.u32 s8, $0xFFFFF086  }
0x1c: {  	p1 =	slt.u32 s9, $0xF7A;
	s5 =	simm.s32 @!p2 $0x0  }
0x1d: {  	s5 =	simm.s32 @p1 $0x1;
	p0 =	seq.s32 s7, s2  }
0x1e: {  	s7 =	smul.u32 @!p0 $0xF7A, s2;
	p2 =	seq.s32 @!p0 s5, $0x0  }
0x1f: {  	s9 =	smul.u32 $0xF7A, s1;
	s8 =	simm.s32 @!p0 $0x1BF5;
	p2 =	por !p2, p0  }
0x20: {  	[sflag:s8] =	ssyncset.s32 @!p0 $0xFFFFF086;
	s6 =	sadd.s32 @!p0 s3, s7;
	s7 =	simm.s32 @!p0 $0x108  }
0x21: {  	s3 =	sadd.s32 s3, s9;
	s6 =	sadd.s32 @!p0 $0x88, s6;
	s7 =	simm.s32 @p2 $0x1082  }
0x22: {  	[simem:s7], [sflag:s8] =	dma.local @!p0 [hbm:s6], $0xF7A  }
0x23: {  	s9 =	sor.u32 $0xD0000000, s2;
	s6 =	simm.s32 $0x108;
	_ =	swait.ge @!p0 [sflag:s8], $0x0  }
0x24: {  	s3 =	sadd.s32 $0x88, s3;
	s6 =	simm.s32 @!p1 $0x1082;
	[sflag:s4] =	ssyncset.s32 $0xFFFFF086  }
0x25: {  	[simem:s6], [sflag:s4] =	dma.local [hbm:s3], $0xF7A  }
0x26: {  	[smem:$0x3F99] =	sst s1;
	(tag) =	ssettag s2;
	_ =	strace s9  }
0x27: {  	s1 =	sld [smem:$0x3FA9]  }
0x28: {  	s2 =	sld [smem:$0x3FAA]  }
0x29: {  	s4 =	sld [smem:$0x3FAC]  }
0x2a: {  	p0 =	seq.s32 s5, $0x0;
	s5 =	sld [smem:$0x3FAD]  }
0x2b: {  	s6 =	sld [smem:$0x3FAE]  }
0x2c: {  	s7 =	sld [smem:$0x3FAF]  }
0x2d: {  	s3 =	simm.s32 $0x108;
	s8 =	sld [smem:$0x3FB0]  }
0x2e: {  	s3 =	simm.s32 @!p0 $0x1082;
	s9 =	sld [smem:$0x3FB1]  }
0x2f: {  	lr =	sadd.s32 s0, s3;
	s0 =	sld [smem:$0x3FA8]  }
0x30: {  	s3 =	sld [smem:$0x3FAB]  }
0x31: {  	[smem:$0x3FB4] =	sst s10  }
0x32: {  	s10 =	sld [smem:$0x3FB2];
	_ =	sdelay $0x3  }
0x33: {  	p0 =	seq.s32 s10, $0x1;
	s10 =	sld [smem:$0x3FB4];
	_ =	sdelay $0x3  }
0x34: {  	[smem:$0x3FB4] =	sst s10  }
0x35: {  	s10 =	sld [smem:$0x3FB3];
	_ =	sdelay $0x3  }
0x36: {  	p1 =	seq.s32 s10, $0x1;
	s10 =	sld [smem:$0x3FB4];
	_ =	sdelay $0x3  }
0x37: {  	[smem:$0x3FB4] =	sst s10  }
0x38: {  	s10 =	sld [smem:$0x3FB5]  }
0x39: {  	_ = 	snop;
	(pc) =	sbr.ind lr, $3  }
0x3a: {  	_ = 	snop  }
0x3b: {  	_ = 	snop  }
0x3c: {  	p2 =	seq.s32 s10, $0x1;
	s10 =	sld [smem:$0x3FB4]  }
0x3d: {  	_ =	shalt  }
0x3e: {  	_ =	shalt  }
0x3f: {  	_ =	shalt  }
0x40: {  	_ =	shalt  }
0x41: {  	_ =	shalt  }
0x42: {  	_ =	shalt  }
0x43: {  	_ =	shalt  }
0x44: {  	_ =	shalt  }
0x45: {  	_ =	shalt  }
0x46: {  	_ =	shalt  }
0x47: {  	_ =	shalt  }
0x48: {  	_ =	shalt  }
0x49: {  	_ =	shalt  }
0x4a: {  	_ =	shalt  }
0x4b: {  	_ =	shalt  }
0x4c: {  	_ =	shalt  }
0x4d: {  	_ =	shalt  }
0x4e: {  	_ =	shalt  }
0x4f: {  	_ =	shalt  }
0x50: {  	_ =	shalt  }
0x51: {  	_ =	shalt  }
0x52: {  	_ =	shalt  }
0x53: {  	_ =	shalt  }
0x54: {  	_ =	shalt  }
0x55: {  	_ =	shalt  }
0x56: {  	_ =	shalt  }
0x57: {  	_ =	shalt  }
0x58: {  	_ =	shalt  }
0x59: {  	_ =	shalt  }
0x5a: {  	_ =	shalt  }
0x5b: {  	_ =	shalt  }
0x5c: {  	_ =	shalt  }
0x5d: {  	_ =	shalt  }
0x5e: {  	_ =	shalt  }
0x5f: {  	_ =	shalt  }
0x60: {  	_ =	shalt  }
0x61: {  	_ =	shalt  }
0x62: {  	_ =	shalt  }
0x63: {  	_ =	shalt  }
0x64: {  	_ =	shalt  }
0x65: {  	_ =	shalt  }
0x66: {  	_ =	shalt  }
0x67: {  	_ =	shalt  }
0x68: {  	_ =	shalt  }
0x69: {  	_ =	shalt  }
0x6a: {  	_ =	shalt  }
0x6b: {  	_ =	shalt  }
0x6c: {  	_ =	shalt  }
0x6d: {  	_ =	shalt  }
0x6e: {  	_ =	shalt  }
0x6f: {  	_ =	shalt  }
0x70: {  	_ =	shalt  }
0x71: {  	_ =	shalt  }
0x72: {  	_ =	shalt  }
0x73: {  	_ =	shalt  }
0x74: {  	_ =	shalt  }
0x75: {  	_ =	shalt  }
0x76: {  	_ =	shalt  }
0x77: {  	_ =	shalt  }
0x78: {  	_ =	shalt  }
0x79: {  	_ =	shalt  }
0x7a: {  	_ =	shalt  }
0x7b: {  	_ =	shalt  }
0x7c: {  	_ =	shalt  }
0x7d: {  	_ =	shalt  }
0x7e: {  	_ =	shalt  }
0x7f: {  	_ =	shalt  }
0x80: {  	_ =	shalt  }
0x81: {  	_ =	shalt  }
0x82: {  	_ =	shalt  }
0x83: {  	_ =	shalt  }
0x84: {  	_ =	shalt  }
0x85: {  	_ =	shalt  }
0x86: {  	_ =	shalt  }
0x87: {  	_ =	shalt  }
.Lfunc_end0:
.L_simem_size_0:
called_computation.2_lowered:
.L_overlay_start_0:
0x88: {  	s2 =	sld [smem:$0x3FD9]  }
0x89: {  	s3 =	sld [smem:$0x3FFE];
	_ =	sdelay $0x1  }
0x8a: {  	s1 =	srdreg.scid  }
0x8b: {  	s0 =	sand.u32 $0x1, s1  }
0x8c: {  	s16 =	sshll.u32 s0, $0xA;
	s2 =	sadd.s32 s3, s2  }
0x8d: {  	s2 =	sadd.s32 s2, s16  }
0x8e: {  	[smem:$0x3FC0] =	sst s2  }
0x8f: {  	_ = 	snop  }
0x90: {  	(tm) =	ssettm $0x1  }
0x91: {  	s17 =	sld [smem:$0x3FFB];
	_ =	sdelay $0x3  }
0x92: {  	_ =	strace s17  }
0x93: {  	s2 =	sld [smem:$0x3FFC];
	_ =	sdelay $0x3  }
0x94: {  	_ =	strace s2  }
0x95: {  	s2 =	sld [smem:$0x3FFD];
	_ =	sdelay $0x3  }
0x96: {  	_ =	strace s2  }
0x97: {  	_ =	strace $0x8FFFFFFF  }
0x98: {  	s18 =	sld [smem:$0x3FDB];
	_ =	sdelay $0x1  }
0x99: {  	s19 =	simm.s32 $_scs_section_size  }
0x9a: {  	s4 =	simm.s32 $_size__tile_overlayer_lowered;
	s5 =	simm.s32 $_tile_overlayer_lowered  }
0x9b: {  	s22 =	simm.s32 $0x1BFF;
	s21 =	sshll.u32 s5, $0x1;
	s2 =	sadd.s32 s19, s18  }
0x9c: {  	s6 =	simm.s32 $0x0;
	s20 =	sshll.u32 s4, $0x1;
	s4 =	sadd.s32 s21, s2  }
0x9d: {  	[timem:s6], [sflag:s22] =	dma.local [hbm:s4], s20  }
0x9e: {  	_ =	swait.ge [sflag:s22], s20  }
0x9f: {  	s3 =	ssub.s32 $0x0, s20;
	[sflag:s22] =	ssyncset.done $0x0  }
0xa0: {  	[sflag:s22] =	ssyncadd.s32 s3;
	_ =	sdelay $0x1  }
0xa1: {  	s23 =	simm.s32 $0x1B8B  }
0xa2: {  	_ =	swait.ge [sflag:s23], $0x1  }
0xa3: {  	[sflag:s23] =	ssyncset.done $0x0  }
0xa4: {  	s25 =	simm.s32 $0x1B8E;
	s24 =	sld [smem:$0x3FFE];
	[sflag:s23] =	ssyncadd.s32 $0xFFFFFFFF  }
0xa5: {  	s26 =	simm.s32 $execute0_lowered;
	[smem:$0x3FD2] =	sst s25  }
0xa6: {  	s4 =	sshll.u32 s26, $0x1;
	_ =	strace $0x8000004C;
	[dreg:$0x1] =	wrdreg $0xFFFFFFFF  }
0xa7: {  	s28 =	simm.s32 $_size_execute0_lowered;
	s2 =	sadd.s32 s2, s4;
	[dreg:$0x0] =	wrdreg $0x0  }
0xa8: {  	s4 =	sshll.u32 s28, $0x1;
	[dreg:$0x2] =	wrdreg s2  }
0xa9: {  	[dreg:$0x3] =	wrdreg s4  }
0xaa: {  	[dreg:$0x4] =	wrdreg $0xC0  }
0xab: {  	_ =	task [dreg:s6], $0x5FFFF  }
0xac: {  	[dreg:$0x1] =	wrdreg $0xFFFFFFFF  }
0xad: {  	[dreg:$0x0] =	wrdreg $0x60  }
0xae: {  	[dreg:$0x2] =	wrdreg s24  }
0xaf: {  	[dreg:$0x3] =	wrdreg $0x90000  }
0xb0: {  	[dreg:$0x4] =	wrdreg $0x9  }
0xb1: {  	_ =	task.clear_ibuf [dreg:s6], $0x5FFFF;
	_ =	strace $0x9000004C  }
0xb2: {  	s29 =	simm.s32 $0x9;
	_ =	strace $0x8000004E  }
0xb3: {  	_ =	swait.ge [sflag:s29], $0x1  }
0xb4: {  	[sflag:s29] =	ssyncadd.s32 $0xFFFFFFFF  }
0xb5: {  	_ =	strace $0x9000004E  }
0xb6: {  	_ =	sfence  }
0xb7: {  	s30 =	sld [smem:$0x0];
	_ =	sdelay $0x2  }
0xb8: {  	s31 =	sshll.u32 s1, $0xD;
	s1 =	sshrl.u32 s1, $0x2  }
0xb9: {  	s3 =	sand.u32 $0x4000, s31;
	s1 =	sadd.s32 s1, s30  }
0xba: {  	s0 =	sor.u32 s3, s0;
	s1 =	sshll.u32 s1, $0x11  }
0xbb: {  	s0 =	sor.u32 s1, s0  }
0xbc: {  	s0 =	sadd.s32 $0x8F2B, s0  }
0xbd: {  	[sflag:s0] =	ssyncadd.remote.s32 $0x1  }
0xbe: {  	_ =	sfence.sel $0xFFFF  }
0xbf: {  	[dreg:$0x0] =	wrdreg $0xFFFFFFFF;
	(pc) =	sbr.abs _section_cstart, $3  }
0xc0: {  	[dreg:$0x1] =	wrdreg $0xFFFFFFFF  }
0xc1: {  	_ =	task.clear_ibuf [dreg:s6], $0x2FFFF;
	_ =	strace $0x9FFFFFFF  }
0xc2: {  	(tm) =	ssettm $0x7FFFFFFF  }
0xc3: {  	_ =	shalt  }
tec
execute0_lowered:
.L_overlay_start_1:
0x0: {  	(tag) =	ssettag $0x1  }
0x1: {  	s0 =	rddreg [dreg:$0x0]  }
0x2: {  	s1 =	rddreg [dreg:$0x1];
	s13 =	simm.s32 $0x0;
	s2 =	srdreg.scid  }
0x3: {  	s12 =	stileid.u32;
	s14 =	simm.s32 $0x20;
	s15 =	simm.s32 $0x1000  }
0x4: {  	s16 =	simm.s32 $0x2000;
	s17 =	simm.s32 $0x40;
	s18 =	simm.s32 $0x3000  }
0x5: {  	s19 =	simm.s32 $0x60;
	s20 =	simm.s32 $0x4000;
	s21 =	simm.s32 $0x80  }
0x6: {  	s28 =	simm.s32 $0x7000;
	s29 =	simm.s32 $0xE0;
	s30 =	simm.s32 $0x8000  }
0x7: {  	s31 =	simm.s32 $0x1;
	[smem:$0x7FF] =	sst s13;
	s3 =	smul.u32 $0xA0, s12  }
0x8: {  	s2 =	sand.u32 $0x1, s2;
	s4 =	sadd.s32 $0x1BEA00, s0;
	s5 =	sadd.s32 $0x1AAA00, s0  }
0x9: {  	s6 =	sadd.s32 $0x1D2A00, s0;
	s10 =	smul.u32 $0x4F000, s12;
	s11 =	sadd.s32 $0x16200, s0  }
0xa: {  	s25 =	sshll.u32 s12, $0x6;
	s26 =	smul.u32 $0x2780, s12;
	s12 =	simm.s32 $0x5  }
0xb: {  	_ =	strace $0x8000004D;
	s7 =	smul.u32 $0x27800, s2;
	s8 =	sxor.u32 $0x1, s2  }
0xc: {  	s9 =	ssub.s32 $0x2, s2;
	[dreg:$0x4] =	wrdreg s11;
	s8 =	smul.u32 s3, s8  }
0xd: {  	s3 =	sadd.s32 $0xA00, s3;
	s22 =	sshrl.u32 s9, $0x1;
	s24 =	sshrl.u32 s10, $0x2  }
0xe: {  	s10 =	simm.s32 $0xF00;
	s2 =	smul.u32 s2, s3;
	s0 =	sadd.s32 s7, s0  }
0xf: {  	s23 =	ssub.s32 s9, s22;
	s7 =	sadd.s32 s24, s1;
	s22 =	simm.s32 $0x5000  }
0x10: {  	s24 =	simm.s32 $0xF80;
	s0 =	sadd.s32 $0x18A00, s0;
	s3 =	smax.u32 s23, $0x1  }
0x11: {  	s11 =	sshrl.u32 s7, $0x3;
	s23 =	simm.s32 $0xA0;
	s7 =	simm.s32 $0x4  }
0x12: {  	s2 =	sadd.s32 s8, s2;
	s8 =	sor.u32 $0x1C05, s25;
	[dreg:$0x6] =	wrdreg s3  }
0x13: {  	s0 =	sadd.s32 s26, s0;
	s25 =	simm.s32 $0x6000;
	[dreg:$0x7] =	wrdreg s11  }
0x14: {  	s26 =	simm.s32 $0xC0;
	s9 =	sshll.u32 s2, $0x4;
	[dreg:$0x8] =	wrdreg s0  }
0x15: {  	s0 =	simm.s32 $0x3;
	s2 =	simm.s32 $0x2;
	[dreg:$0x5] =	wrdreg s8  }
.LBB2_1:
0x16: {  	[dreg:$0x3] =	wrdreg s13  }
0x17: {  	s3 =	rddreg [dreg:$0x4]  }
0x18: {  	[spmem:s11], [sflag:s8] =	dma.local [hbm:s3], $0x2780  }
0x19: {  	_ =	swait.ge [sflag:s12], $0x2780  }
0x1a: {  	[sflag:s12] =	ssyncset.done $0x0  }
0x1b: {  	[sflag:s12] =	ssyncadd.s32 $0xFFFFD880  }
0x1c: {  	s8 =	simm.s32 $0x0;
	[bflag:$0x0] =	sbarrier.arrive $0xFFFF  }
.LBB2_2:
0x1d: {  	s3 =	sshll.u32 s8, $0x8  }
0x1e: {  	s3 =	sadd.s32 s9, s3  }
0x1f: {  	s13 =	simm.s32 $0x0;
	s11 =	sadd.s32 s4, s3  }
0x20: {  	[tilespmem:s13], [sflag:$0x5] =	stream.linear.gather [hbm4b:s11+s13], $0x800, $0x38;
	[tilespmem:$0x1CC00] =	vst v63  }
0x21: {  	_ =	swait.ge [sflag:s12], $0x800  }
0x22: {  	[sflag:s12] =	ssyncset.done $0x0  }
0x23: {  	s3 =	sadd.s32 s5, s3;
	s11 =	simm.s32 $0x800;
	[sflag:s12] =	ssyncadd.s32 $0xFFFFF800  }
0x24: {  	[tilespmem:s11], [sflag:$0x5] =	stream.linear.gather [hbm4b:s3+s13], $0x800, $0x38;
	[tilespmem:$0x1CC00] =	vst v63  }
0x25: {  	_ =	swait.ge [sflag:s12], $0x800  }
0x26: {  	[sflag:s12] =	ssyncset.done $0x0  }
0x27: {  	[sflag:s12] =	ssyncadd.s32 $0xFFFFF800  }
0x28: {  	[tilespmem:s15], [sflag:$0x1] =	stream.indirect.gather [hbm4b:s6+s14], $0x80, s13, s14, $0xb8;
	[tilespmem:$0x1CC00] =	vst v63  }
0x29: {  	_ = 	snop  }
0x2a: {  	[tilespmem:s16], [sflag:$0x1] =	stream.indirect.gather [hbm4b:s6+s14], $0x80, s14, s14, $0xb8;
	[tilespmem:$0x1CC00] =	vst v63  }
0x2b: {  	_ = 	snop  }
0x2c: {  	[tilespmem:s18], [sflag:$0x1] =	stream.indirect.gather [hbm4b:s6+s14], $0x80, s17, s14, $0xb8;
	[tilespmem:$0x1CC00] =	vst v63  }
0x2d: {  	_ = 	snop  }
0x2e: {  	[tilespmem:s20], [sflag:$0x1] =	stream.indirect.gather [hbm4b:s6+s14], $0x80, s19, s14, $0xb8;
	[tilespmem:$0x1CC00] =	vst v63  }
0x2f: {  	_ = 	snop  }
0x30: {  	[tilespmem:s22], [sflag:$0x2] =	stream.indirect.gather [hbm4b:s6+s14], $0x80, s21, s14, $0xb8;
	[tilespmem:$0x1CC00] =	vst v63  }
0x31: {  	_ = 	snop  }
0x32: {  	[tilespmem:s25], [sflag:$0x2] =	stream.indirect.gather [hbm4b:s6+s14], $0x80, s23, s14, $0xb8;
	[tilespmem:$0x1CC00] =	vst v63  }
0x33: {  	_ = 	snop  }
0x34: {  	[tilespmem:s28], [sflag:$0x2] =	stream.indirect.gather [hbm4b:s6+s14], $0x80, s26, s14, $0xb8;
	[tilespmem:$0x1CC00] =	vst v63  }
0x35: {  	_ = 	snop  }
0x36: {  	[tilespmem:s30], [sflag:$0x2] =	stream.indirect.gather [hbm4b:s6+s14], $0x80, s29, s14, $0xb8;
	[tilespmem:$0x1CC00] =	vst v63  }
0x37: {  	_ =	swait.ge [sflag:s31], $0x1000  }
0x38: {  	[sflag:s31] =	ssyncset.done $0x0  }
0x39: {  	[sflag:s31] =	ssyncadd.s32 $0xFFFFF000  }
0x3a: {  	_ =	swait.ge [sflag:s31], $0x1000  }
0x3b: {  	[sflag:s31] =	ssyncset.done $0x0  }
0x3c: {  	[sflag:s31] =	ssyncadd.s32 $0xFFFFF000  }
0x3d: {  	_ =	swait.ge [sflag:s31], $0x1000  }
0x3e: {  	[sflag:s31] =	ssyncset.done $0x0  }
0x3f: {  	[sflag:s31] =	ssyncadd.s32 $0xFFFFF000  }
0x40: {  	_ =	swait.ge [sflag:s31], $0x1000  }
0x41: {  	[sflag:s31] =	ssyncset.done $0x0  }
0x42: {  	s13 =	simm.s32 $0x800;
	[sflag:s31] =	ssyncadd.s32 $0xFFFFF000  }
0x43: {  	[spmem:s1] =	stream.indirect.scatter.add.f32 [tilespmem:s15], [sflag:$0x3], $0x80, s13, s21, $0xb8;
	[tilespmem:$0x1CC00] =	vst v63  }
0x44: {  	_ =	swait.ge [sflag:s0], $0x4000  }
0x45: {  	[sflag:s0] =	ssyncset.done $0x0  }
0x46: {  	s11 =	simm.s32 $0x100;
	[sflag:s0] =	ssyncadd.s32 $0xFFFFC000  }
0x47: {  	[tilespmem:s15], [sflag:$0x1] =	stream.indirect.gather [hbm4b:s6+s14], $0x80, s11, s14, $0xb8;
	[tilespmem:$0x1CC00] =	vst v63  }
0x48: {  	s13 =	simm.s32 $0x120  }
0x49: {  	[tilespmem:s16], [sflag:$0x1] =	stream.indirect.gather [hbm4b:s6+s14], $0x80, s13, s14, $0xb8;
	[tilespmem:$0x1CC00] =	vst v63  }
0x4a: {  	s11 =	simm.s32 $0x140  }
0x4b: {  	[tilespmem:s18], [sflag:$0x1] =	stream.indirect.gather [hbm4b:s6+s14], $0x80, s11, s14, $0xb8;
	[tilespmem:$0x1CC00] =	vst v63  }
0x4c: {  	s13 =	simm.s32 $0x160  }
0x4d: {  	[tilespmem:s20], [sflag:$0x1] =	stream.indirect.gather [hbm4b:s6+s14], $0x80, s13, s14, $0xb8;
	[tilespmem:$0x1CC00] =	vst v63  }
0x4e: {  	_ =	swait.ge [sflag:s2], $0x1000  }
0x4f: {  	[sflag:s2] =	ssyncset.done $0x0  }
0x50: {  	[sflag:s2] =	ssyncadd.s32 $0xFFFFF000  }
0x51: {  	_ =	swait.ge [sflag:s2], $0x1000  }
0x52: {  	[sflag:s2] =	ssyncset.done $0x0  }
0x53: {  	[sflag:s2] =	ssyncadd.s32 $0xFFFFF000  }
0x54: {  	_ =	swait.ge [sflag:s2], $0x1000  }
0x55: {  	[sflag:s2] =	ssyncset.done $0x0  }
0x56: {  	[sflag:s2] =	ssyncadd.s32 $0xFFFFF000  }
0x57: {  	_ =	swait.ge [sflag:s2], $0x1000  }
0x58: {  	[sflag:s2] =	ssyncset.done $0x0  }
0x59: {  	s11 =	simm.s32 $0x880;
	[sflag:s2] =	ssyncadd.s32 $0xFFFFF000  }
0x5a: {  	[spmem:s1] =	stream.indirect.scatter.add.f32 [tilespmem:s22], [sflag:$0x4], $0x80, s11, s21, $0xb8;
	[tilespmem:$0x1CC00] =	vst v63  }
0x5b: {  	_ =	swait.ge [sflag:s7], $0x4000  }
0x5c: {  	[sflag:s7] =	ssyncset.done $0x0  }
0x5d: {  	s13 =	simm.s32 $0x180;
	[sflag:s7] =	ssyncadd.s32 $0xFFFFC000  }
0x5e: {  	[tilespmem:s22], [sflag:$0x2] =	stream.indirect.gather [hbm4b:s6+s14], $0x80, s13, s14, $0xb8;
	[tilespmem:$0x1CC00] =	vst v63  }
0x5f: {  	s11 =	simm.s32 $0x1A0  }
0x60: {  	[tilespmem:s25], [sflag:$0x2] =	stream.indirect.gather [hbm4b:s6+s14], $0x80, s11, s14, $0xb8;
	[tilespmem:$0x1CC00] =	vst v63  }
0x61: {  	s3 =	simm.s32 $0x1E0;
	s13 =	simm.s32 $0x1C0;
	s11 =	simm.s32 $0x400  }
0x62: {  	[tilespmem:s28], [sflag:$0x2] =	stream.indirect.gather [hbm4b:s6+s14], $0x80, s13, s14, $0xb8;
	[tilespmem:$0x1CC00] =	vst v63  }
.LBB2_3:
0x63: {  	[tilespmem:s30], [sflag:$0x2] =	stream.indirect.gather [hbm4b:s6+s14], $0x80, s3, s14, $0xb8;
	[tilespmem:$0x1CC00] =	vst v63  }
0x64: {  	s3 =	smov.u32 s11  }
0x65: {  	p0 =	sne.s32 s11, $0x1800;
	s11 =	sadd.s32 $0x400, s11;
	_ =	swait.ge [sflag:s31], $0x1000  }
0x66: {  	[sflag:s31] =	ssyncset.done $0x0  }
0x67: {  	[sflag:s31] =	ssyncadd.s32 $0xFFFFF000  }
0x68: {  	_ =	swait.ge [sflag:s31], $0x1000  }
0x69: {  	[sflag:s31] =	ssyncset.done $0x0  }
0x6a: {  	[sflag:s31] =	ssyncadd.s32 $0xFFFFF000  }
0x6b: {  	_ =	swait.ge [sflag:s31], $0x1000  }
0x6c: {  	[sflag:s31] =	ssyncset.done $0x0  }
0x6d: {  	[sflag:s31] =	ssyncadd.s32 $0xFFFFF000  }
0x6e: {  	_ =	swait.ge [sflag:s31], $0x1000  }
0x6f: {  	s3 =	sshra.s32 s3, $0x2;
	[sflag:s31] =	ssyncset.done $0x0  }
0x70: {  	s13 =	sadd.s32 $0x800, s3;
	[sflag:s31] =	ssyncadd.s32 $0xFFFFF000  }
0x71: {  	[spmem:s1] =	stream.indirect.scatter.add.f32 [tilespmem:s15], [sflag:$0x3], $0x80, s13, s21, $0xb8;
	[tilespmem:$0x1CC00] =	vst v63  }
0x72: {  	_ =	swait.ge [sflag:s0], $0x4000  }
0x73: {  	[sflag:s0] =	ssyncset.done $0x0  }
0x74: {  	s13 =	sadd.s32 $0x100, s3;
	[sflag:s0] =	ssyncadd.s32 $0xFFFFC000  }
0x75: {  	[tilespmem:s15], [sflag:$0x1] =	stream.indirect.gather [hbm4b:s6+s14], $0x80, s13, s14, $0xb8;
	[tilespmem:$0x1CC00] =	vst v63  }
0x76: {  	s13 =	sadd.s32 $0x120, s3  }
0x77: {  	[tilespmem:s16], [sflag:$0x1] =	stream.indirect.gather [hbm4b:s6+s14], $0x80, s13, s14, $0xb8;
	[tilespmem:$0x1CC00] =	vst v63  }
0x78: {  	s13 =	sadd.s32 $0x140, s3  }
0x79: {  	[tilespmem:s18], [sflag:$0x1] =	stream.indirect.gather [hbm4b:s6+s14], $0x80, s13, s14, $0xb8;
	[tilespmem:$0x1CC00] =	vst v63  }
0x7a: {  	s13 =	sadd.s32 $0x160, s3  }
0x7b: {  	[tilespmem:s20], [sflag:$0x1] =	stream.indirect.gather [hbm4b:s6+s14], $0x80, s13, s14, $0xb8;
	[tilespmem:$0x1CC00] =	vst v63  }
0x7c: {  	_ =	swait.ge [sflag:s2], $0x1000  }
0x7d: {  	[sflag:s2] =	ssyncset.done $0x0  }
0x7e: {  	[sflag:s2] =	ssyncadd.s32 $0xFFFFF000  }
0x7f: {  	_ =	swait.ge [sflag:s2], $0x1000  }
0x80: {  	[sflag:s2] =	ssyncset.done $0x0  }
0x81: {  	[sflag:s2] =	ssyncadd.s32 $0xFFFFF000  }
0x82: {  	_ =	swait.ge [sflag:s2], $0x1000  }
0x83: {  	[sflag:s2] =	ssyncset.done $0x0  }
0x84: {  	[sflag:s2] =	ssyncadd.s32 $0xFFFFF000  }
0x85: {  	_ =	swait.ge [sflag:s2], $0x1000  }
0x86: {  	[sflag:s2] =	ssyncset.done $0x0  }
0x87: {  	s13 =	sadd.s32 $0x880, s3;
	[sflag:s2] =	ssyncadd.s32 $0xFFFFF000  }
0x88: {  	[spmem:s1] =	stream.indirect.scatter.add.f32 [tilespmem:s22], [sflag:$0x4], $0x80, s13, s21, $0xb8;
	[tilespmem:$0x1CC00] =	vst v63  }
0x89: {  	_ =	swait.ge [sflag:s7], $0x4000  }
0x8a: {  	[sflag:s7] =	ssyncset.done $0x0  }
0x8b: {  	s13 =	sadd.s32 $0x180, s3;
	[sflag:s7] =	ssyncadd.s32 $0xFFFFC000  }
0x8c: {  	[tilespmem:s22], [sflag:$0x2] =	stream.indirect.gather [hbm4b:s6+s14], $0x80, s13, s14, $0xb8;
	[tilespmem:$0x1CC00] =	vst v63  }
.Ltmp0:
0x8d: {  	s13 =	sadd.s32 $0x1A0, s3;
	(pc) =	sbr.rel @p0 .LBB2_3-.Ltmp0, $4  }
0x8e: {  	[tilespmem:s25], [sflag:$0x2] =	stream.indirect.gather [hbm4b:s6+s14], $0x80, s13, s14, $0xb8;
	[tilespmem:$0x1CC00] =	vst v63  }
0x8f: {  	s13 =	sadd.s32 $0x1C0, s3  }
0x90: {  	[tilespmem:s28], [sflag:$0x2] =	stream.indirect.gather [hbm4b:s6+s14], $0x80, s13, s14, $0xb8;
	[tilespmem:$0x1CC00] =	vst v63  }
0x91: {  	s3 =	sadd.s32 $0x1E0, s3  }
0x92: {  	[tilespmem:s30], [sflag:$0x2] =	stream.indirect.gather [hbm4b:s6+s14], $0x80, s3, s14, $0xb8;
	[tilespmem:$0x1CC00] =	vst v63  }
0x93: {  	_ =	swait.ge [sflag:s31], $0x1000  }
0x94: {  	[sflag:s31] =	ssyncset.done $0x0  }
0x95: {  	[sflag:s31] =	ssyncadd.s32 $0xFFFFF000  }
0x96: {  	_ =	swait.ge [sflag:s31], $0x1000  }
0x97: {  	[sflag:s31] =	ssyncset.done $0x0  }
0x98: {  	[sflag:s31] =	ssyncadd.s32 $0xFFFFF000  }
0x99: {  	_ =	swait.ge [sflag:s31], $0x1000  }
0x9a: {  	[sflag:s31] =	ssyncset.done $0x0  }
0x9b: {  	[sflag:s31] =	ssyncadd.s32 $0xFFFFF000  }
0x9c: {  	_ =	swait.ge [sflag:s31], $0x1000  }
0x9d: {  	[sflag:s31] =	ssyncset.done $0x0  }
0x9e: {  	[sflag:s31] =	ssyncadd.s32 $0xFFFFF000  }
0x9f: {  	[spmem:s1] =	stream.indirect.scatter.add.f32 [tilespmem:s15], [sflag:$0x5], $0x80, s10, s21, $0xb8;
	[tilespmem:$0x1CC00] =	vst v63  }
0xa0: {  	_ =	swait.ge [sflag:s12], $0x4000  }
0xa1: {  	[sflag:s12] =	ssyncset.done $0x0  }
0xa2: {  	[sflag:s12] =	ssyncadd.s32 $0xFFFFC000  }
0xa3: {  	_ =	swait.ge [sflag:s2], $0x1000  }
0xa4: {  	[sflag:s2] =	ssyncset.done $0x0  }
0xa5: {  	[sflag:s2] =	ssyncadd.s32 $0xFFFFF000  }
0xa6: {  	_ =	swait.ge [sflag:s2], $0x1000  }
0xa7: {  	[sflag:s2] =	ssyncset.done $0x0  }
0xa8: {  	[sflag:s2] =	ssyncadd.s32 $0xFFFFF000  }
0xa9: {  	_ =	swait.ge [sflag:s2], $0x1000  }
0xaa: {  	[sflag:s2] =	ssyncset.done $0x0  }
0xab: {  	[sflag:s2] =	ssyncadd.s32 $0xFFFFF000  }
0xac: {  	s8 =	sadd.s32 $0x1, s8;
	_ =	swait.ge [sflag:s2], $0x1000  }
0xad: {  	p0 =	sne.s32 s8, $0xA;
	[sflag:s2] =	ssyncset.done $0x0  }
.Ltmp1:
0xae: {  	[sflag:s2] =	ssyncadd.s32 $0xFFFFF000;
	(pc) =	sbr.rel @p0 .LBB2_2-.Ltmp1, $4  }
0xaf: {  	[spmem:s1] =	stream.indirect.scatter.add.f32 [tilespmem:s22], [sflag:$0x5], $0x80, s24, s21, $0xb8;
	[tilespmem:$0x1CC00] =	vst v63  }
0xb0: {  	_ =	swait.ge [sflag:s12], $0x4000  }
0xb1: {  	[sflag:s12] =	ssyncset.done $0x0  }
0xb2: {  	[sflag:s12] =	ssyncadd.s32 $0xFFFFC000  }
0xb3: {  	[bflag:$0x0] =	sbarrier.arrive $0xFFFF  }
0xb4: {  	s8 =	rddreg [dreg:$0x5]  }
0xb5: {  	s11 =	rddreg [dreg:$0x7]  }
0xb6: {  	s3 =	rddreg [dreg:$0x8]  }
0xb7: {  	[hbm:s3], [sflag:s8] =	dma.local [spmem:s11], $0x2780  }
0xb8: {  	_ =	swait.ge [sflag:s12], $0x2780  }
0xb9: {  	s13 =	rddreg [dreg:$0x3]  }
0xba: {  	s3 =	rddreg [dreg:$0x6];
	s13 =	sadd.s32 $0x1, s13  }
0xbb: {  	p0 =	sne.s32 s13, s3  }
.Ltmp2:
0xbc: {  	_ = 	snop;
	(pc) =	sbr.rel @p0 .LBB2_1-.Ltmp2, $3  }
0xbd: {  	_ =	sdelay $0x1  }
0xbe: {  	[sflag:s12] =	ssyncset.done $0x0  }
0xbf: {  	[sflag:s12] =	ssyncadd.s32 $0xFFFFD880  }
0xc0: {  	_ =	sfence.sel $0x180000  }
0xc1: {  	[bflag:$0x0] =	sbarrier.arrive $0xFFFF  }
0xc2: {  	_ =	strace $0x9000004D  }
0xc3: {  	s0 =	stileid.u32;
	[bflag:$0x2] =	sbarrier.arrive $0xFFFF  }
0xc4: {  	p0 =	sne.s32 s0, $0x0;
	s0 =	rddreg [dreg:$0x2]  }
0xc5: {  	s0 =	sadd.s32 @!p0 $0x100000, s0  }
0xc6: {  	[sflag:s0] =	ssyncadd.tile.s32 @!p0 $0x1;
	_ =	shalt  }
.Lfunc_end2:
_tile_overlayer_lowered:
.L_overlay_start_2:
0xc7: {  	(tag) =	ssettag $0x2  }
0xc8: {  	s0 =	rddreg [dreg:$0x0];
	s2 =	stileid.u32  }
0xc9: {  	s1 =	rddreg [dreg:$0x1];
	p0 =	sne.s32 s2, $0x0  }
0xca: {  	s3 =	rddreg [dreg:$0x2];
	[bflag:$0x3] =	sbarrier.arrive $0xFFFF;
	s2 =	simm.s32 @!p0 $0x1C05  }
0xcb: {  	[timem:s3], [sflag:s2] =	dma.local @!p0 [hbm:s0], s1  }
0xcc: {  	s0 =	simm.s32 @!p0 $0x5  }
0xcd: {  	_ =	swait.ge @!p0 [sflag:s0], s1  }
0xce: {  	s1 =	ssub.s32 @!p0 $0x0, s1;
	[sflag:s0] =	ssyncset.done @!p0 $0x0  }
0xcf: {  	[sflag:s0] =	ssyncadd.s32 @!p0 s1  }
0xd0: {  	[bflag:$0x3] =	sbarrier.arrive $0xFFFF  }
0xd1: {  	_ =	shalt  }

// kernel: kernel.8.cloned.1.call-start
scs
__scs_entry_jumppad:
0x0: {  	(pc) =	sbr.rel $0x88, $3  }
0x1: {  	(tag) =	ssettag $0x0;
	lr =	simm.s32 $0x1  }
0x2: {  	[smem:$0x3F99] =	sst lr;
	_ =	strace $0xD0000000  }
0x3: {  	_ = 	snop  }
0x4: {  	_ = 	snop  }
0x5: {  	_ = 	snop  }
0x6: {  	_ = 	snop  }
0x7: {  	_ = 	snop  }
__scs_overlays_trampoline_lowered:
0x8: {  	[smem:$0x3FA8] =	sst s0  }
0x9: {  	[smem:$0x3FA9] =	sst s1  }
0xa: {  	[smem:$0x3FAA] =	sst s2  }
0xb: {  	[smem:$0x3FAB] =	sst s3  }
0xc: {  	[smem:$0x3FAC] =	sst s4  }
0xd: {  	[smem:$0x3FAD] =	sst s5  }
0xe: {  	[smem:$0x3FAE] =	sst s6  }
0xf: {  	[smem:$0x3FAF] =	sst s7  }
0x10: {  	[smem:$0x3FB0] =	sst s8  }
0x11: {  	[smem:$0x3FB1] =	sst s9;
	s0 =	simm.s32 @!p0 $0x0  }
0x12: {  	s1 =	sld [smem:$0x3F97];
	s0 =	simm.s32 @p0 $0x1  }
0x13: {  	[smem:$0x3FB2] =	sst s0;
	s0 =	simm.s32 @!p1 $0x0  }
0x14: {  	s2 =	sld [smem:$0x3F96];
	s0 =	simm.s32 @p1 $0x1  }
0x15: {  	[smem:$0x3FB3] =	sst s0;
	s0 =	simm.s32 @!p2 $0x0  }
0x16: {  	s3 =	sld [smem:$0x3FDB];
	s0 =	simm.s32 @p2 $0x1  }
0x17: {  	s4 =	simm.s32 $0x1BF5;
	[smem:$0x3FB5] =	sst s0  }
0x18: {  	s0 =	sld [smem:$0x3F98];
	_ =	swait.ge [sflag:s4], $0x0  }
0x19: {  	s7 =	sld [smem:$0x3F99]  }
0x1a: {  	s8 =	sadd.s32 $0xFFFFE003, lr  }
0x1b: {  	s9 =	sadd.s32 $0xFFFFFEF7, lr;
	s5 =	simm.s32 $0xFFFFFFFF;
	p2 =	slt.u32 s8, $0xFFFFF086  }
0x1c: {  	p1 =	slt.u32 s9, $0xF7A;
	s5 =	simm.s32 @!p2 $0x0  }
0x1d: {  	s5 =	simm.s32 @p1 $0x1;
	p0 =	seq.s32 s7, s2  }
0x1e: {  	s7 =	smul.u32 @!p0 $0xF7A, s2;
	p2 =	seq.s32 @!p0 s5, $0x0  }
0x1f: {  	s9 =	smul.u32 $0xF7A, s1;
	s8 =	simm.s32 @!p0 $0x1BF5;
	p2 =	por !p2, p0  }
0x20: {  	[sflag:s8] =	ssyncset.s32 @!p0 $0xFFFFF086;
	s6 =	sadd.s32 @!p0 s3, s7;
	s7 =	simm.s32 @!p0 $0x108  }
0x21: {  	s3 =	sadd.s32 s3, s9;
	s6 =	sadd.s32 @!p0 $0x88, s6;
	s7 =	simm.s32 @p2 $0x1082  }
0x22: {  	[simem:s7], [sflag:s8] =	dma.local @!p0 [hbm:s6], $0xF7A  }
0x23: {  	s9 =	sor.u32 $0xD0000000, s2;
	s6 =	simm.s32 $0x108;
	_ =	swait.ge @!p0 [sflag:s8], $0x0  }
0x24: {  	s3 =	sadd.s32 $0x88, s3;
	s6 =	simm.s32 @!p1 $0x1082;
	[sflag:s4] =	ssyncset.s32 $0xFFFFF086  }
0x25: {  	[simem:s6], [sflag:s4] =	dma.local [hbm:s3], $0xF7A  }
0x26: {  	[smem:$0x3F99] =	sst s1;
	(tag) =	ssettag s2;
	_ =	strace s9  }
0x27: {  	s1 =	sld [smem:$0x3FA9]  }
0x28: {  	s2 =	sld [smem:$0x3FAA]  }
0x29: {  	s4 =	sld [smem:$0x3FAC]  }
0x2a: {  	p0 =	seq.s32 s5, $0x0;
	s5 =	sld [smem:$0x3FAD]  }
0x2b: {  	s6 =	sld [smem:$0x3FAE]  }
0x2c: {  	s7 =	sld [smem:$0x3FAF]  }
0x2d: {  	s3 =	simm.s32 $0x108;
	s8 =	sld [smem:$0x3FB0]  }
0x2e: {  	s3 =	simm.s32 @!p0 $0x1082;
	s9 =	sld [smem:$0x3FB1]  }
0x2f: {  	lr =	sadd.s32 s0, s3;
	s0 =	sld [smem:$0x3FA8]  }
0x30: {  	s3 =	sld [smem:$0x3FAB]  }
0x31: {  	[smem:$0x3FB4] =	sst s10  }
0x32: {  	s10 =	sld [smem:$0x3FB2];
	_ =	sdelay $0x3  }
0x33: {  	p0 =	seq.s32 s10, $0x1;
	s10 =	sld [smem:$0x3FB4];
	_ =	sdelay $0x3  }
0x34: {  	[smem:$0x3FB4] =	sst s10  }
0x35: {  	s10 =	sld [smem:$0x3FB3];
	_ =	sdelay $0x3  }
0x36: {  	p1 =	seq.s32 s10, $0x1;
	s10 =	sld [smem:$0x3FB4];
	_ =	sdelay $0x3  }
0x37: {  	[smem:$0x3FB4] =	sst s10  }
0x38: {  	s10 =	sld [smem:$0x3FB5]  }
0x39: {  	_ = 	snop;
	(pc) =	sbr.ind lr, $3  }
0x3a: {  	_ = 	snop  }
0x3b: {  	_ = 	snop  }
0x3c: {  	p2 =	seq.s32 s10, $0x1;
	s10 =	sld [smem:$0x3FB4]  }
0x3d: {  	_ =	shalt  }
0x3e: {  	_ =	shalt  }
0x3f: {  	_ =	shalt  }
0x40: {  	_ =	shalt  }
0x41: {  	_ =	shalt  }
0x42: {  	_ =	shalt  }
0x43: {  	_ =	shalt  }
0x44: {  	_ =	shalt  }
0x45: {  	_ =	shalt  }
0x46: {  	_ =	shalt  }
0x47: {  	_ =	shalt  }
0x48: {  	_ =	shalt  }
0x49: {  	_ =	shalt  }
0x4a: {  	_ =	shalt  }
0x4b: {  	_ =	shalt  }
0x4c: {  	_ =	shalt  }
0x4d: {  	_ =	shalt  }
0x4e: {  	_ =	shalt  }
0x4f: {  	_ =	shalt  }
0x50: {  	_ =	shalt  }
0x51: {  	_ =	shalt  }
0x52: {  	_ =	shalt  }
0x53: {  	_ =	shalt  }
0x54: {  	_ =	shalt  }
0x55: {  	_ =	shalt  }
0x56: {  	_ =	shalt  }
0x57: {  	_ =	shalt  }
0x58: {  	_ =	shalt  }
0x59: {  	_ =	shalt  }
0x5a: {  	_ =	shalt  }
0x5b: {  	_ =	shalt  }
0x5c: {  	_ =	shalt  }
0x5d: {  	_ =	shalt  }
0x5e: {  	_ =	shalt  }
0x5f: {  	_ =	shalt  }
0x60: {  	_ =	shalt  }
0x61: {  	_ =	shalt  }
0x62: {  	_ =	shalt  }
0x63: {  	_ =	shalt  }
0x64: {  	_ =	shalt  }
0x65: {  	_ =	shalt  }
0x66: {  	_ =	shalt  }
0x67: {  	_ =	shalt  }
0x68: {  	_ =	shalt  }
0x69: {  	_ =	shalt  }
0x6a: {  	_ =	shalt  }
0x6b: {  	_ =	shalt  }
0x6c: {  	_ =	shalt  }
0x6d: {  	_ =	shalt  }
0x6e: {  	_ =	shalt  }
0x6f: {  	_ =	shalt  }
0x70: {  	_ =	shalt  }
0x71: {  	_ =	shalt  }
0x72: {  	_ =	shalt  }
0x73: {  	_ =	shalt  }
0x74: {  	_ =	shalt  }
0x75: {  	_ =	shalt  }
0x76: {  	_ =	shalt  }
0x77: {  	_ =	shalt  }
0x78: {  	_ =	shalt  }
0x79: {  	_ =	shalt  }
0x7a: {  	_ =	shalt  }
0x7b: {  	_ =	shalt  }
0x7c: {  	_ =	shalt  }
0x7d: {  	_ =	shalt  }
0x7e: {  	_ =	shalt  }
0x7f: {  	_ =	shalt  }
0x80: {  	_ =	shalt  }
0x81: {  	_ =	shalt  }
0x82: {  	_ =	shalt  }
0x83: {  	_ =	shalt  }
0x84: {  	_ =	shalt  }
0x85: {  	_ =	shalt  }
0x86: {  	_ =	shalt  }
0x87: {  	_ =	shalt  }
.Lfunc_end0:
.L_simem_size_0:
called_computation_lowered:
.L_overlay_start_0:
0x88: {  	s2 =	sld [smem:$0x3FD9]  }
0x89: {  	s3 =	sld [smem:$0x3FFE];
	_ =	sdelay $0x1  }
0x8a: {  	s1 =	srdreg.scid  }
0x8b: {  	s0 =	sand.u32 $0x1, s1  }
0x8c: {  	s16 =	sshll.u32 s0, $0xA;
	s2 =	sadd.s32 s3, s2  }
0x8d: {  	s2 =	sadd.s32 s2, s16  }
0x8e: {  	[smem:$0x3FC0] =	sst s2  }
0x8f: {  	_ = 	snop  }
0x90: {  	(tm) =	ssettm $0x1  }
0x91: {  	s17 =	sld [smem:$0x3FFB];
	_ =	sdelay $0x3  }
0x92: {  	_ =	strace s17  }
0x93: {  	s2 =	sld [smem:$0x3FFC];
	_ =	sdelay $0x3  }
0x94: {  	_ =	strace s2  }
0x95: {  	s2 =	sld [smem:$0x3FFD];
	_ =	sdelay $0x3  }
0x96: {  	_ =	strace s2  }
0x97: {  	_ =	strace $0x8FFFFFFF  }
0x98: {  	s18 =	sld [smem:$0x3FDB];
	_ =	sdelay $0x1  }
0x99: {  	s19 =	simm.s32 $_scs_section_size  }
0x9a: {  	s4 =	simm.s32 $_size__tile_overlayer_lowered;
	s5 =	simm.s32 $_tile_overlayer_lowered  }
0x9b: {  	s22 =	simm.s32 $0x1BFF;
	s21 =	sshll.u32 s5, $0x1;
	s2 =	sadd.s32 s19, s18  }
0x9c: {  	s6 =	simm.s32 $0x0;
	s20 =	sshll.u32 s4, $0x1;
	s4 =	sadd.s32 s21, s2  }
0x9d: {  	[timem:s6], [sflag:s22] =	dma.local [hbm:s4], s20  }
0x9e: {  	_ =	swait.ge [sflag:s22], s20  }
0x9f: {  	s3 =	ssub.s32 $0x0, s20;
	[sflag:s22] =	ssyncset.done $0x0  }
0xa0: {  	[sflag:s22] =	ssyncadd.s32 s3;
	_ =	sdelay $0x1  }
0xa1: {  	s23 =	simm.s32 $0x1B8B  }
0xa2: {  	_ =	swait.ge [sflag:s23], $0x1  }
0xa3: {  	[sflag:s23] =	ssyncset.done $0x0  }
0xa4: {  	s25 =	simm.s32 $0x1B8E;
	s24 =	sld [smem:$0x3FFE];
	[sflag:s23] =	ssyncadd.s32 $0xFFFFFFFF  }
0xa5: {  	s26 =	simm.s32 $execute0_lowered;
	[smem:$0x3FD2] =	sst s25  }
0xa6: {  	s4 =	sshll.u32 s26, $0x1;
	_ =	strace $0x80000046;
	[dreg:$0x1] =	wrdreg $0xFFFFFFFF  }
0xa7: {  	s28 =	simm.s32 $_size_execute0_lowered;
	s2 =	sadd.s32 s2, s4;
	[dreg:$0x0] =	wrdreg $0x0  }
0xa8: {  	s4 =	sshll.u32 s28, $0x1;
	[dreg:$0x2] =	wrdreg s2  }
0xa9: {  	[dreg:$0x3] =	wrdreg s4  }
0xaa: {  	[dreg:$0x4] =	wrdreg $0xC0  }
0xab: {  	_ =	task [dreg:s6], $0x5FFFF  }
0xac: {  	[dreg:$0x1] =	wrdreg $0xFFFFFFFF  }
0xad: {  	[dreg:$0x0] =	wrdreg $0x60  }
0xae: {  	[dreg:$0x2] =	wrdreg s24  }
0xaf: {  	[dreg:$0x3] =	wrdreg $0x68000  }
0xb0: {  	[dreg:$0x4] =	wrdreg $0x9  }
0xb1: {  	_ =	task.clear_ibuf [dreg:s6], $0x5FFFF;
	_ =	strace $0x90000046  }
0xb2: {  	s29 =	simm.s32 $0x9;
	_ =	strace $0x80000048  }
0xb3: {  	_ =	swait.ge [sflag:s29], $0x1  }
0xb4: {  	[sflag:s29] =	ssyncadd.s32 $0xFFFFFFFF  }
0xb5: {  	_ =	strace $0x90000048  }
0xb6: {  	_ =	sfence  }
0xb7: {  	s30 =	sld [smem:$0x0];
	_ =	sdelay $0x2  }
0xb8: {  	s31 =	sshll.u32 s1, $0xD;
	s1 =	sshrl.u32 s1, $0x2  }
0xb9: {  	s3 =	sand.u32 $0x4000, s31;
	s1 =	sadd.s32 s1, s30  }
0xba: {  	s0 =	sor.u32 s3, s0;
	s1 =	sshll.u32 s1, $0x11  }
0xbb: {  	s0 =	sor.u32 s1, s0  }
0xbc: {  	s0 =	sadd.s32 $0x8F2B, s0  }
0xbd: {  	[sflag:s0] =	ssyncadd.remote.s32 $0x1  }
0xbe: {  	_ =	sfence.sel $0xFFFF  }
0xbf: {  	[dreg:$0x0] =	wrdreg $0xFFFFFFFF;
	(pc) =	sbr.abs _section_cstart, $3  }
0xc0: {  	[dreg:$0x1] =	wrdreg $0xFFFFFFFF  }
0xc1: {  	_ =	task.clear_ibuf [dreg:s6], $0x2FFFF;
	_ =	strace $0x9FFFFFFF  }
0xc2: {  	(tm) =	ssettm $0x7FFFFFFF  }
0xc3: {  	_ =	shalt  }
tec
execute0_lowered:
.L_overlay_start_1:
0x0: {  	(tag) =	ssettag $0x1  }
0x1: {  	s7 =	rddreg [dreg:$0x0]  }
0x2: {  	s0 =	srdreg.scid;
	s2 =	rddreg [dreg:$0x1]  }
0x3: {  	s3 =	simm.s32 $0x0;
	s12 =	simm.s32 $0x80;
	s6 =	sand.u32 $0x1, s0  }
0x4: {  	s13 =	simm.s32 $0x1;
	s0 =	stileid.u32;
	s8 =	smul.u32 $0x27800, s6  }
0x5: {  	[smem:$0x7FF] =	sst s3;
	s5 =	sadd.s32 $0x18A00, s7;
	s10 =	smul.u32 $0x4F000, s0  }
0x6: {  	s1 =	sshll.u32 s6, $0x4;
	s6 =	ssub.s32 $0x2, s6;
	s15 =	smul.u32 $0x2780, s0  }
0x7: {  	s31 =	sshll.u32 s0, $0x6;
	s4 =	sor.u32 s0, s1;
	s1 =	rddreg [dreg:$0x2]  }
0x8: {  	_ =	strace $0x80000047;
	s4 =	smul.u32 $0x500, s4;
	s10 =	sshrl.u32 s10, $0x2  }
0x9: {  	s30 =	sshrl.u32 s6, $0x1;
	s11 =	sadd.s32 s10, s2;
	s10 =	sor.u32 $0x1C02, s31  }
0xa: {  	s9 =	sadd.s32 s4, s7;
	s4 =	sadd.s32 $0x16200, s7;
	s7 =	sadd.s32 s8, s7  }
0xb: {  	s8 =	ssub.s32 s6, s30;
	s11 =	sshrl.u32 s11, $0x3;
	s6 =	sadd.s32 $0x2200, s9  }
0xc: {  	s14 =	sadd.s32 $0x19200, s7;
	s7 =	smax.u32 s8, $0x1;
	s8 =	simm.s32 $0x2  }
0xd: {  	s9 =	simm.s32 $0x2800;
	s14 =	sadd.s32 s15, s14;
	s15 =	simm.s32 $0x0  }
.LBB2_1:
0xe: {  	[tilespmem:s3], [sflag:$0x2] =	stream.linear.gather [hbm4b:s6+s3], $0x2800, $0x38;
	[tilespmem:$0x1A400] =	vst v63  }
0xf: {  	_ =	swait.ge [sflag:s8], $0x2800  }
0x10: {  	[sflag:s8] =	ssyncset.done $0x0  }
0x11: {  	[sflag:s8] =	ssyncadd.s32 $0xFFFFD800  }
0x12: {  	[tilespmem:s9], [sflag:$0x2] =	stream.linear.gather [hbm4b:s5+s3], $0x4000, $0x38;
	[tilespmem:$0x1A400] =	vst v63  }
0x13: {  	_ =	swait.ge [sflag:s8], $0x4000  }
0x14: {  	[sflag:s8] =	ssyncset.done $0x0  }
0x15: {  	[sflag:s8] =	ssyncadd.s32 $0xFFFFC000  }
0x16: {  	[spmem:s11], [sflag:s10] =	dma.local [hbm:s4], $0x2780  }
0x17: {  	_ =	swait.ge [sflag:s8], $0x2780  }
0x18: {  	[sflag:s8] =	ssyncset.done $0x0  }
0x19: {  	[sflag:s8] =	ssyncadd.s32 $0xFFFFD880  }
0x1a: {  	s16 =	simm.s32 $0x0;
	[bflag:$0x0] =	sbarrier.arrive $0xFFFF  }
0x1b: {  	[spmem:s2] =	stream.indirect.scatter.add.f32 [tilespmem:s9], [sflag:$0x1], $0x80, s16, s12, $0xb8;
	[tilespmem:$0x1A400] =	vst v63  }
0x1c: {  	s24 =	simm.s32 $0x80  }
0x1d: {  	[spmem:s2] =	stream.indirect.scatter.add.f32 [tilespmem:s9], [sflag:$0x1], $0x80, s24, s12, $0xb8;
	[tilespmem:$0x1A400] =	vst v63  }
0x1e: {  	s25 =	simm.s32 $0x100  }
0x1f: {  	[spmem:s2] =	stream.indirect.scatter.add.f32 [tilespmem:s9], [sflag:$0x1], $0x80, s25, s12, $0xb8;
	[tilespmem:$0x1A400] =	vst v63  }
0x20: {  	s26 =	simm.s32 $0x180  }
0x21: {  	[spmem:s2] =	stream.indirect.scatter.add.f32 [tilespmem:s9], [sflag:$0x1], $0x80, s26, s12, $0xb8;
	[tilespmem:$0x1A400] =	vst v63  }
0x22: {  	s28 =	simm.s32 $0x200  }
0x23: {  	[spmem:s2] =	stream.indirect.scatter.add.f32 [tilespmem:s9], [sflag:$0x1], $0x80, s28, s12, $0xb8;
	[tilespmem:$0x1A400] =	vst v63  }
0x24: {  	s29 =	simm.s32 $0x280  }
0x25: {  	[spmem:s2] =	stream.indirect.scatter.add.f32 [tilespmem:s9], [sflag:$0x1], $0x80, s29, s12, $0xb8;
	[tilespmem:$0x1A400] =	vst v63  }
0x26: {  	s30 =	simm.s32 $0x300  }
0x27: {  	[spmem:s2] =	stream.indirect.scatter.add.f32 [tilespmem:s9], [sflag:$0x1], $0x80, s30, s12, $0xb8;
	[tilespmem:$0x1A400] =	vst v63  }
0x28: {  	s31 =	simm.s32 $0x380  }
0x29: {  	[spmem:s2] =	stream.indirect.scatter.add.f32 [tilespmem:s9], [sflag:$0x1], $0x80, s31, s12, $0xb8;
	[tilespmem:$0x1A400] =	vst v63  }
0x2a: {  	_ =	swait.ge [sflag:s13], $0x4000  }
0x2b: {  	[sflag:s13] =	ssyncset.done $0x0  }
0x2c: {  	[sflag:s13] =	ssyncadd.s32 $0xFFFFC000  }
0x2d: {  	_ =	swait.ge [sflag:s13], $0x4000  }
0x2e: {  	[sflag:s13] =	ssyncset.done $0x0  }
0x2f: {  	[sflag:s13] =	ssyncadd.s32 $0xFFFFC000  }
0x30: {  	_ =	swait.ge [sflag:s13], $0x4000  }
0x31: {  	[sflag:s13] =	ssyncset.done $0x0  }
0x32: {  	[sflag:s13] =	ssyncadd.s32 $0xFFFFC000  }
0x33: {  	_ =	swait.ge [sflag:s13], $0x4000  }
0x34: {  	[sflag:s13] =	ssyncset.done $0x0  }
0x35: {  	[sflag:s13] =	ssyncadd.s32 $0xFFFFC000  }
0x36: {  	_ =	swait.ge [sflag:s13], $0x4000  }
0x37: {  	[sflag:s13] =	ssyncset.done $0x0  }
0x38: {  	[sflag:s13] =	ssyncadd.s32 $0xFFFFC000  }
0x39: {  	_ =	swait.ge [sflag:s13], $0x4000  }
0x3a: {  	[sflag:s13] =	ssyncset.done $0x0  }
0x3b: {  	[sflag:s13] =	ssyncadd.s32 $0xFFFFC000  }
0x3c: {  	_ =	swait.ge [sflag:s13], $0x4000  }
0x3d: {  	[sflag:s13] =	ssyncset.done $0x0  }
0x3e: {  	[sflag:s13] =	ssyncadd.s32 $0xFFFFC000  }
0x3f: {  	_ =	swait.ge [sflag:s13], $0x4000  }
0x40: {  	s18 =	simm.s32 $0x2000;
	s16 =	simm.s32 $0x1000;
	[sflag:s13] =	ssyncset.done $0x0  }
.LBB2_2:
0x41: {  	s19 =	sshra.s32 s16, $0x2  }
0x42: {  	[sflag:s13] =	ssyncadd.s32 $0xFFFFC000;
	s16 =	smov.u32 s18;
	s17 =	sadd.s32 $0x1000, s18  }
0x43: {  	[spmem:s2] =	stream.indirect.scatter.add.f32 [tilespmem:s9], [sflag:$0x1], $0x80, s19, s12, $0xb8;
	[tilespmem:$0x1A400] =	vst v63  }
0x44: {  	p0 =	sne.s32 s18, $0x9000;
	s18 =	sadd.s32 $0x80, s19  }
0x45: {  	[spmem:s2] =	stream.indirect.scatter.add.f32 [tilespmem:s9], [sflag:$0x1], $0x80, s18, s12, $0xb8;
	[tilespmem:$0x1A400] =	vst v63  }
0x46: {  	s18 =	sadd.s32 $0x100, s19  }
0x47: {  	[spmem:s2] =	stream.indirect.scatter.add.f32 [tilespmem:s9], [sflag:$0x1], $0x80, s18, s12, $0xb8;
	[tilespmem:$0x1A400] =	vst v63  }
0x48: {  	s18 =	sadd.s32 $0x180, s19  }
0x49: {  	[spmem:s2] =	stream.indirect.scatter.add.f32 [tilespmem:s9], [sflag:$0x1], $0x80, s18, s12, $0xb8;
	[tilespmem:$0x1A400] =	vst v63  }
0x4a: {  	s18 =	sadd.s32 $0x200, s19  }
0x4b: {  	[spmem:s2] =	stream.indirect.scatter.add.f32 [tilespmem:s9], [sflag:$0x1], $0x80, s18, s12, $0xb8;
	[tilespmem:$0x1A400] =	vst v63  }
0x4c: {  	s18 =	sadd.s32 $0x280, s19  }
0x4d: {  	[spmem:s2] =	stream.indirect.scatter.add.f32 [tilespmem:s9], [sflag:$0x1], $0x80, s18, s12, $0xb8;
	[tilespmem:$0x1A400] =	vst v63  }
0x4e: {  	s18 =	sadd.s32 $0x300, s19  }
0x4f: {  	[spmem:s2] =	stream.indirect.scatter.add.f32 [tilespmem:s9], [sflag:$0x1], $0x80, s18, s12, $0xb8;
	[tilespmem:$0x1A400] =	vst v63  }
0x50: {  	s18 =	sadd.s32 $0x380, s19  }
0x51: {  	[spmem:s2] =	stream.indirect.scatter.add.f32 [tilespmem:s9], [sflag:$0x1], $0x80, s18, s12, $0xb8;
	[tilespmem:$0x1A400] =	vst v63  }
0x52: {  	_ =	swait.ge [sflag:s13], $0x4000  }
0x53: {  	[sflag:s13] =	ssyncset.done $0x0  }
0x54: {  	[sflag:s13] =	ssyncadd.s32 $0xFFFFC000  }
0x55: {  	_ =	swait.ge [sflag:s13], $0x4000  }
0x56: {  	[sflag:s13] =	ssyncset.done $0x0  }
0x57: {  	[sflag:s13] =	ssyncadd.s32 $0xFFFFC000  }
0x58: {  	_ =	swait.ge [sflag:s13], $0x4000  }
0x59: {  	[sflag:s13] =	ssyncset.done $0x0  }
0x5a: {  	[sflag:s13] =	ssyncadd.s32 $0xFFFFC000  }
0x5b: {  	_ =	swait.ge [sflag:s13], $0x4000  }
0x5c: {  	[sflag:s13] =	ssyncset.done $0x0  }
0x5d: {  	[sflag:s13] =	ssyncadd.s32 $0xFFFFC000  }
0x5e: {  	_ =	swait.ge [sflag:s13], $0x4000  }
0x5f: {  	[sflag:s13] =	ssyncset.done $0x0  }
0x60: {  	[sflag:s13] =	ssyncadd.s32 $0xFFFFC000  }
0x61: {  	_ =	swait.ge [sflag:s13], $0x4000  }
0x62: {  	[sflag:s13] =	ssyncset.done $0x0  }
0x63: {  	[sflag:s13] =	ssyncadd.s32 $0xFFFFC000  }
.Ltmp0:
0x64: {  	_ =	swait.ge [sflag:s13], $0x4000;
	(pc) =	sbr.rel @p0 .LBB2_2-.Ltmp0, $4  }
0x65: {  	[sflag:s13] =	ssyncset.done $0x0  }
0x66: {  	[sflag:s13] =	ssyncadd.s32 $0xFFFFC000  }
0x67: {  	_ =	swait.ge [sflag:s13], $0x4000  }
0x68: {  	s18 =	smov.u32 s17;
	[sflag:s13] =	ssyncset.done $0x0  }
0x69: {  	s16 =	sshra.s32 s16, $0x2;
	[sflag:s13] =	ssyncadd.s32 $0xFFFFC000  }
0x6a: {  	[spmem:s2] =	stream.indirect.scatter.add.f32 [tilespmem:s9], [sflag:$0x1], $0x80, s16, s12, $0xb8;
	[tilespmem:$0x1A400] =	vst v63  }
0x6b: {  	s17 =	sadd.s32 $0x80, s16  }
0x6c: {  	[spmem:s2] =	stream.indirect.scatter.add.f32 [tilespmem:s9], [sflag:$0x1], $0x80, s17, s12, $0xb8;
	[tilespmem:$0x1A400] =	vst v63  }
0x6d: {  	s26 =	sadd.s32 $0x100, s16  }
0x6e: {  	[spmem:s2] =	stream.indirect.scatter.add.f32 [tilespmem:s9], [sflag:$0x1], $0x80, s26, s12, $0xb8;
	[tilespmem:$0x1A400] =	vst v63  }
0x6f: {  	s28 =	sadd.s32 $0x180, s16  }
0x70: {  	[spmem:s2] =	stream.indirect.scatter.add.f32 [tilespmem:s9], [sflag:$0x1], $0x80, s28, s12, $0xb8;
	[tilespmem:$0x1A400] =	vst v63  }
0x71: {  	s29 =	sadd.s32 $0x200, s16  }
0x72: {  	[spmem:s2] =	stream.indirect.scatter.add.f32 [tilespmem:s9], [sflag:$0x1], $0x80, s29, s12, $0xb8;
	[tilespmem:$0x1A400] =	vst v63  }
0x73: {  	s30 =	sadd.s32 $0x280, s16  }
0x74: {  	[spmem:s2] =	stream.indirect.scatter.add.f32 [tilespmem:s9], [sflag:$0x1], $0x80, s30, s12, $0xb8;
	[tilespmem:$0x1A400] =	vst v63  }
0x75: {  	s31 =	sadd.s32 $0x300, s16  }
0x76: {  	[spmem:s2] =	stream.indirect.scatter.add.f32 [tilespmem:s9], [sflag:$0x1], $0x80, s31, s12, $0xb8;
	[tilespmem:$0x1A400] =	vst v63  }
0x77: {  	s16 =	sadd.s32 $0x380, s16  }
0x78: {  	[spmem:s2] =	stream.indirect.scatter.add.f32 [tilespmem:s9], [sflag:$0x1], $0x80, s16, s12, $0xb8;
	[tilespmem:$0x1A400] =	vst v63  }
0x79: {  	_ =	swait.ge [sflag:s13], $0x4000  }
0x7a: {  	[sflag:s13] =	ssyncset.done $0x0  }
0x7b: {  	[sflag:s13] =	ssyncadd.s32 $0xFFFFC000  }
0x7c: {  	_ =	swait.ge [sflag:s13], $0x4000  }
0x7d: {  	[sflag:s13] =	ssyncset.done $0x0  }
0x7e: {  	[sflag:s13] =	ssyncadd.s32 $0xFFFFC000  }
0x7f: {  	_ =	swait.ge [sflag:s13], $0x4000  }
0x80: {  	[sflag:s13] =	ssyncset.done $0x0  }
0x81: {  	[sflag:s13] =	ssyncadd.s32 $0xFFFFC000  }
0x82: {  	_ =	swait.ge [sflag:s13], $0x4000  }
0x83: {  	[sflag:s13] =	ssyncset.done $0x0  }
0x84: {  	[sflag:s13] =	ssyncadd.s32 $0xFFFFC000  }
0x85: {  	_ =	swait.ge [sflag:s13], $0x4000  }
0x86: {  	[sflag:s13] =	ssyncset.done $0x0  }
0x87: {  	[sflag:s13] =	ssyncadd.s32 $0xFFFFC000  }
0x88: {  	_ =	swait.ge [sflag:s13], $0x4000  }
0x89: {  	[sflag:s13] =	ssyncset.done $0x0  }
0x8a: {  	[sflag:s13] =	ssyncadd.s32 $0xFFFFC000  }
0x8b: {  	_ =	swait.ge [sflag:s13], $0x4000  }
0x8c: {  	[sflag:s13] =	ssyncset.done $0x0  }
0x8d: {  	[sflag:s13] =	ssyncadd.s32 $0xFFFFC000  }
0x8e: {  	_ =	swait.ge [sflag:s13], $0x4000  }
0x8f: {  	s15 =	sadd.s32 $0x1, s15;
	[sflag:s13] =	ssyncset.done $0x0  }
0x90: {  	p0 =	sne.s32 s15, s7;
	[sflag:s13] =	ssyncadd.s32 $0xFFFFC000  }
.Ltmp1:
0x91: {  	[bflag:$0x0] =	sbarrier.arrive $0xFFFF;
	(pc) =	sbr.rel @p0 .LBB2_1-.Ltmp1, $4  }
0x92: {  	[hbm:s14], [sflag:s10] =	dma.local [spmem:s11], $0x2780  }
0x93: {  	_ =	swait.ge [sflag:s8], $0x2780  }
0x94: {  	[sflag:s8] =	ssyncset.done $0x0  }
0x95: {  	[sflag:s8] =	ssyncadd.s32 $0xFFFFD880  }
0x96: {  	_ =	sfence.sel $0x180000  }
0x97: {  	[bflag:$0x0] =	sbarrier.arrive $0xFFFF  }
0x98: {  	p0 =	sne.s32 s0, $0x0;
	_ =	strace $0x90000047  }
0x99: {  	s0 =	sadd.s32 @!p0 $0x100000, s1;
	[bflag:$0x2] =	sbarrier.arrive $0xFFFF  }
0x9a: {  	[sflag:s0] =	ssyncadd.tile.s32 @!p0 $0x1;
	_ =	shalt  }
.Lfunc_end2:
_tile_overlayer_lowered:
.L_overlay_start_2:
0x9b: {  	(tag) =	ssettag $0x2  }
0x9c: {  	s0 =	rddreg [dreg:$0x0];
	s2 =	stileid.u32  }
0x9d: {  	s1 =	rddreg [dreg:$0x1];
	p0 =	sne.s32 s2, $0x0  }
0x9e: {  	s3 =	rddreg [dreg:$0x2];
	[bflag:$0x3] =	sbarrier.arrive $0xFFFF;
	s2 =	simm.s32 @!p0 $0x1C02  }
0x9f: {  	[timem:s3], [sflag:s2] =	dma.local @!p0 [hbm:s0], s1  }
0xa0: {  	s0 =	simm.s32 @!p0 $0x2  }
0xa1: {  	_ =	swait.ge @!p0 [sflag:s0], s1  }
0xa2: {  	s1 =	ssub.s32 @!p0 $0x0, s1;
	[sflag:s0] =	ssyncset.done @!p0 $0x0  }
0xa3: {  	[sflag:s0] =	ssyncadd.s32 @!p0 s1  }
0xa4: {  	[bflag:$0x3] =	sbarrier.arrive $0xFFFF  }
0xa5: {  	_ =	shalt  }

</sc_bundles>
